<compile_context>
chip_gen: v7x
topology: tpu7x:2x2x1
jax: 0.10.2.dev20260603
libtpu: 0.0.44.dev20260713+nightly
codegen_flags: <defaults>
</compile_context>

<pallas_src>
import math

import jax
import jax.numpy as jnp
from jax.experimental import pallas as pl

_N = 20000
_NPAD = 20480
_NROWS = 160
_K1 = 2000
_KPAD = 2048
_NBLK = 16
_B = 128
_K2 = 1000
_T = 0.7
_CLAMP = math.log(1000.0 / 16.0)
_IMG = 1024.0


def _dot(a, b):
    return jax.lax.dot_general(a, b, (((1,), (0,)), ((), ())),
                               preferred_element_type=jnp.float32)


def _dotx(a, b):
    return jax.lax.dot_general(a, b, (((1,), (0,)), ((), ())),
                               preferred_element_type=jnp.float32,
                               precision=jax.lax.Precision.HIGHEST)


def _decode_body(ax1, ay1, ax2, ay2, dx, dy, dw, dh, sc,
                 ox1, oy1, ox2, oy2, os):
    w = ax2[...] - ax1[...]
    h = ay2[...] - ay1[...]
    cx = ax1[...] + 0.5 * w
    cy = ay1[...] + 0.5 * h
    ddw = jnp.minimum(dw[...], _CLAMP)
    ddh = jnp.minimum(dh[...], _CLAMP)
    px = dx[...] * w + cx
    py = dy[...] * h + cy
    pw = jnp.exp(ddw) * w
    ph = jnp.exp(ddh) * h
    x1 = jnp.clip(px - 0.5 * pw, 0.0, _IMG)
    y1 = jnp.clip(py - 0.5 * ph, 0.0, _IMG)
    x2 = jnp.clip(px + 0.5 * pw, 0.0, _IMG)
    y2 = jnp.clip(py + 0.5 * ph, 0.0, _IMG)
    valid = ((x2 - x1) > 0.0) & ((y2 - y1) > 0.0)
    ox1[...] = x1
    oy1[...] = y1
    ox2[...] = x2
    oy2[...] = y2
    os[...] = jnp.where(valid, sc[...], -jnp.inf)


def _nms_body(x1c, y1c, x2c, y2c, x1r, y1r, x2r, y2r, vr, out40):
    cx1, cy1, cx2, cy2 = x1c[...], y1c[...], x2c[...], y2c[...]
    area_c = (cx2 - cx1) * (cy2 - cy1)
    colg = jax.lax.broadcasted_iota(jnp.int32, (1, _KPAD), 1)
    keep = colg < _K1

    li = jax.lax.broadcasted_iota(jnp.int32, (_B, _B), 0)
    lj = jax.lax.broadcasted_iota(jnp.int32, (_B, _B), 1)
    upper = li < lj

    for r in range(_NBLK):
        rx1 = x1r[:, r:r + 1]
        ry1 = y1r[:, r:r + 1]
        rx2 = x2r[:, r:r + 1]
        ry2 = y2r[:, r:r + 1]
        area_r = (rx2 - rx1) * (ry2 - ry1)
        wx = jnp.maximum(jnp.minimum(rx2, cx2) - jnp.maximum(rx1, cx1), 0.0)
        wy = jnp.maximum(jnp.minimum(ry2, cy2) - jnp.maximum(ry1, cy1), 0.0)
        inter = wx * wy
        union = area_r + area_c - inter
        mf = (inter > _T * jnp.maximum(union, 1e-9)).astype(jnp.float32)
        mbb = jnp.where(upper, mf[:, r * _B:(r + 1) * _B], 0.0)

        active0 = keep[:, r * _B:(r + 1) * _B].astype(jnp.float32)

        def cond(c):
            return jnp.logical_not(c[2])

        def body(c):
            act, _, _ = c
            pse = _dot(act, mbb) > 0.0
            knew = jnp.where(pse, 0.0, act)
            ns = _dot(knew, mbb) > 0.0
            act2 = jnp.where(ns, 0.0, act)
            done = jnp.all(act2 == act)
            return act2, knew, done

        _, kept, _ = jax.lax.while_loop(
            cond, body, (active0, active0, jnp.bool_(False)))

        supp_later = (_dot(kept, mf) > 0.0) & (colg >= (r + 1) * _B)
        su_blk = (active0 > 0.0) & jnp.logical_not(kept > 0.0)
        parts = []
        if r > 0:
            parts.append(jnp.zeros((1, r * _B), jnp.bool_))
        parts.append(su_blk)
        if r < _NBLK - 1:
            parts.append(jnp.zeros((1, (_NBLK - 1 - r) * _B), jnp.bool_))
        su_full = jnp.concatenate(parts, axis=1)
        keep = keep & jnp.logical_not(supp_later | su_full)

    kept16 = jnp.reshape(keep.astype(jnp.float32), (_NBLK, _B))
    lidx = jax.lax.broadcasted_iota(jnp.int32, (_B, _B), 0)
    lcol = jax.lax.broadcasted_iota(jnp.int32, (_B, _B), 1)
    tu = (lidx <= lcol).astype(jnp.float32)
    bi = jax.lax.broadcasted_iota(jnp.int32, (_NBLK, _NBLK), 0)
    bj = jax.lax.broadcasted_iota(jnp.int32, (_NBLK, _NBLK), 1)
    s16 = (bj < bi).astype(jnp.float32)

    def _explusive_prefix(m16):
        inc = _dot(m16, tu)
        rt = inc[:, _B - 1:_B]
        off = _dot(s16, rt)
        return inc - m16 + off

    exk = _explusive_prefix(kept16)
    nk16 = 1.0 - kept16
    exn = _explusive_prefix(nk16)
    ktot = _dot(jnp.ones((1, _NBLK), jnp.float32),
                _dot(kept16, tu)[:, _B - 1:_B])
    pos2f = jnp.where(kept16 > 0.0, exk, ktot + exn)
    pos2 = pos2f.astype(jnp.int32)
    lo16 = pos2 & (_B - 1)
    hi16 = pos2 >> 7
    valid16 = pos2 < 1024
    hi_rows = jnp.transpose(pos2f).astype(jnp.int32) >> 7

    iota_cl = jax.lax.broadcasted_iota(jnp.int32, (_B, _B), 0)
    iota_l = jax.lax.broadcasted_iota(jnp.int32, (_B, _B), 1)
    iota_h8 = jax.lax.broadcasted_iota(jnp.int32, (_B, 8), 1)
    acc = jnp.zeros((_B, 40), jnp.float32)
    for r in range(_NBLK):
        lo_row = lo16[r:r + 1, :]
        v_row = valid16[r:r + 1, :]
        ohlo_t = ((iota_cl == lo_row) & v_row).astype(jnp.float32)
        hi_col = hi_rows[:, r:r + 1]
        ohhi = (hi_col == iota_h8).astype(jnp.float32)
        dall = jnp.concatenate(
            [f[:, r:r + 1] * ohhi for f in (x1r, y1r, x2r, y2r, vr)], axis=1)
        acc = acc + _dotx(ohlo_t, dall)
    out40[...] = acc


def _decode(planes):
    outs = [jax.ShapeDtypeStruct((_NROWS, 128), jnp.float32)] * 5
    return pl.pallas_call(_decode_body, out_shape=outs)(*planes)


def _nms(cols, rows, vr):
    return pl.pallas_call(
        _nms_body,
        out_shape=jax.ShapeDtypeStruct((_B, 40), jnp.float32),
    )(*cols, *rows, vr)


def kernel(anchors, deltas, scores):
    a = jnp.pad(anchors, ((0, _NPAD - _N), (0, 0)))
    d = jnp.pad(deltas, ((0, _NPAD - _N), (0, 0)))
    s = jnp.pad(scores, (0, _NPAD - _N))
    planes = [a[:, i].reshape(_NROWS, 128) for i in range(4)]
    planes += [d[:, i].reshape(_NROWS, 128) for i in range(4)]
    planes.append(s.reshape(_NROWS, 128))
    x1, y1, x2, y2, sm = _decode(planes)

    vals, idx = jax.lax.top_k(sm.reshape(-1), _K1)
    g = [f.reshape(-1)[idx] for f in (x1, y1, x2, y2)]

    pad = _KPAD - _K1
    cols = [jnp.pad(f, (0, pad)).reshape(1, _KPAD) for f in g]
    rows = [jnp.pad(f, (0, pad)).reshape(_NBLK, _B).T for f in g]
    vr = jnp.maximum(jnp.pad(vals, (0, pad), constant_values=-jnp.inf),
                     jnp.float32(-3.4e38)).reshape(_NBLK, _B).T
    out40 = _nms(cols, rows, vr)

    fields = [out40[:, 8 * f:8 * (f + 1)].T.reshape(-1)[:_K2]
              for f in range(5)]
    return jnp.stack(fields, axis=1)

# --- scband reference (transcript-rebuilt; emitter-appended) ---
"""Pipeline reference for scband-rpn-62749472194571 (READ-ONLY COPY).

The authoritative reference and input builder live on the scoring server;
editing this copy changes nothing except your own understanding.
"""

import jax, jax.numpy as jnp
import numpy as np

N_ANCHORS = 20000
PRE_NMS_TOPK = 2000
POST_NMS_TOPK = 1000
NMS_THRESH = 0.7
MIN_BOX_SIZE = 0.0
IMG_H = 1024.0
IMG_W = 1024.0
SCALE_CLAMP = float(np.log(1000.0 / 16.0))


def setup_inputs(seed: int = 0) -> dict:
    key = jax.random.key(seed)
    k1, k2, k3, k4 = jax.random.split(key, 4)
    cxy = jax.random.uniform(k1, (N_ANCHORS, 2), dtype=jnp.float32) * 1024.0
    wh = jax.random.uniform(k2, (N_ANCHORS, 2), dtype=jnp.float32) * 192.0 + 16.0
    anchors = jnp.concatenate([cxy - 0.5 * wh, cxy + 0.5 * wh], axis=1)
    deltas = jax.random.normal(k3, (N_ANCHORS, 4), dtype=jnp.float32) * 0.1
    scores = jax.random.normal(k4, (N_ANCHORS,), dtype=jnp.float32)
    return {"anchors": anchors, "deltas": deltas, "scores": scores}


def _apply_deltas(anchors, deltas):
    # Box2BoxTransform.apply_deltas with weights (1,1,1,1), as used by RPN
    widths = anchors[:, 2] - anchors[:, 0]
    heights = anchors[:, 3] - anchors[:, 1]
    ctr_x = anchors[:, 0] + 0.5 * widths
    ctr_y = anchors[:, 1] + 0.5 * heights
    dx, dy, dw, dh = deltas[:, 0], deltas[:, 1], deltas[:, 2], deltas[:, 3]
    dw = jnp.minimum(dw, SCALE_CLAMP)
    dh = jnp.minimum(dh, SCALE_CLAMP)
    px = dx * widths + ctr_x
    py = dy * heights + ctr_y
    pw = jnp.exp(dw) * widths
    ph = jnp.exp(dh) * heights
    return jnp.stack([px - 0.5 * pw, py - 0.5 * ph, px + 0.5 * pw, py + 0.5 * ph], axis=1)


def _pairwise_iou(b):
    area = (b[:, 2] - b[:, 0]) * (b[:, 3] - b[:, 1])
    lt = jnp.maximum(b[:, None, :2], b[None, :, :2])
    rb = jnp.minimum(b[:, None, 2:], b[None, :, 2:])
    whd = jnp.clip(rb - lt, 0.0)
    inter = whd[..., 0] * whd[..., 1]
    union = area[:, None] + area[None, :] - inter
    return inter / jnp.maximum(union, 1e-9)


def reference(anchors, deltas, scores):
    # RPN.predict_proposals / find_top_rpn_proposals (inference path, one image)
    boxes = _apply_deltas(anchors, deltas)
    x1 = jnp.clip(boxes[:, 0], 0.0, IMG_W)
    y1 = jnp.clip(boxes[:, 1], 0.0, IMG_H)
    x2 = jnp.clip(boxes[:, 2], 0.0, IMG_W)
    y2 = jnp.clip(boxes[:, 3], 0.0, IMG_H)
    boxes = jnp.stack([x1, y1, x2, y2], axis=1)
    valid = ((x2 - x1) > MIN_BOX_SIZE) & ((y2 - y1) > MIN_BOX_SIZE)
    s = jnp.where(valid, scores, -jnp.inf)
    # pre-NMS top-k
    vals, idx = jax.lax.top_k(s, PRE_NMS_TOPK)
    b = boxes[idx]
    # greedy NMS over score-sorted candidates
    iou = jax.lax.stop_gradient(_pairwise_iou(b))
    ar = jnp.arange(PRE_NMS_TOPK)

    def body(i, keep):
        sup = (iou[i] > NMS_THRESH) & (ar > i) & keep[i]
        return keep & (~sup)

    keep = jax.lax.fori_loop(0, PRE_NMS_TOPK, body, jnp.ones((PRE_NMS_TOPK,), dtype=bool))
    masked = jnp.where(keep, jax.lax.stop_gradient(vals), -jnp.inf)
    # post-NMS top-k
    _, idx2 = jax.lax.top_k(masked, POST_NMS_TOPK)
    out = jnp.concatenate([b[idx2], vals[idx2][:, None]], axis=1)
    return out

if __name__ == "__main__":
    import jax
    _d = setup_inputs()
    print(jax.jit(kernel)(*tuple(_d.values())))

</pallas_src>

<mosaic_0001>
module attributes {stable_mosaic.version = 14 : i64} {
  func.func @_decode_body(%arg0: memref<160x128xf32, #tpu.memory_space<vmem>>, %arg1: memref<160x128xf32, #tpu.memory_space<vmem>>, %arg2: memref<160x128xf32, #tpu.memory_space<vmem>>, %arg3: memref<160x128xf32, #tpu.memory_space<vmem>>, %arg4: memref<160x128xf32, #tpu.memory_space<vmem>>, %arg5: memref<160x128xf32, #tpu.memory_space<vmem>>, %arg6: memref<160x128xf32, #tpu.memory_space<vmem>>, %arg7: memref<160x128xf32, #tpu.memory_space<vmem>>, %arg8: memref<160x128xf32, #tpu.memory_space<vmem>>, %arg9: memref<160x128xf32, #tpu.memory_space<vmem>>, %arg10: memref<160x128xf32, #tpu.memory_space<vmem>>, %arg11: memref<160x128xf32, #tpu.memory_space<vmem>>, %arg12: memref<160x128xf32, #tpu.memory_space<vmem>>, %arg13: memref<160x128xf32, #tpu.memory_space<vmem>>) attributes {dimension_semantics = [], scalar_prefetch = 0 : i64, scratch_operands = 0 : i64, tpu.core_type = #tpu.core_type<tc>} {
    %get3A = arith.constant 0 : index
    %get3A_0 = arith.constant 0 : index
    %get3A_1 = vector.load %arg2[%get3A, %get3A_0] : memref<160x128xf32, #tpu.memory_space<vmem>>, vector<160x128xf32>
    %get3A_2 = arith.constant 0 : index
    %get3A_3 = arith.constant 0 : index
    %get3A_4 = vector.load %arg0[%get3A_2, %get3A_3] : memref<160x128xf32, #tpu.memory_space<vmem>>, vector<160x128xf32>
    %sub3A = arith.subf %get3A_1, %get3A_4 : vector<160x128xf32>
    %get3A_5 = arith.constant 0 : index
    %get3A_6 = arith.constant 0 : index
    %get3A_7 = vector.load %arg3[%get3A_5, %get3A_6] : memref<160x128xf32, #tpu.memory_space<vmem>>, vector<160x128xf32>
    %get3A_8 = arith.constant 0 : index
    %get3A_9 = arith.constant 0 : index
    %get3A_10 = vector.load %arg1[%get3A_8, %get3A_9] : memref<160x128xf32, #tpu.memory_space<vmem>>, vector<160x128xf32>
    %sub3A_11 = arith.subf %get3A_7, %get3A_10 : vector<160x128xf32>
    %get3A_12 = arith.constant 0 : index
    %get3A_13 = arith.constant 0 : index
    %get3A_14 = vector.load %arg0[%get3A_12, %get3A_13] : memref<160x128xf32, #tpu.memory_space<vmem>>, vector<160x128xf32>
    %mul3A = arith.constant 5.000000e-01 : f32
    %mul3A_15 = vector.broadcast %mul3A : f32 to vector<160x128xf32>
    %mul3A_16 = arith.mulf %mul3A_15, %sub3A : vector<160x128xf32>
    %add3A = arith.addf %get3A_14, %mul3A_16 : vector<160x128xf32>
    %get3A_17 = arith.constant 0 : index
    %get3A_18 = arith.constant 0 : index
    %get3A_19 = vector.load %arg1[%get3A_17, %get3A_18] : memref<160x128xf32, #tpu.memory_space<vmem>>, vector<160x128xf32>
    %mul3A_20 = arith.constant 5.000000e-01 : f32
    %mul3A_21 = vector.broadcast %mul3A_20 : f32 to vector<160x128xf32>
    %mul3A_22 = arith.mulf %mul3A_21, %sub3A_11 : vector<160x128xf32>
    %add3A_23 = arith.addf %get3A_19, %mul3A_22 : vector<160x128xf32>
    %get3A_24 = arith.constant 0 : index
    %get3A_25 = arith.constant 0 : index
    %get3A_26 = vector.load %arg6[%get3A_24, %get3A_25] : memref<160x128xf32, #tpu.memory_space<vmem>>, vector<160x128xf32>
    %min3A = arith.constant 4.13516665 : f32
    %min3A_27 = vector.broadcast %min3A : f32 to vector<160x128xf32>
    %min3A_28 = arith.minimumf %get3A_26, %min3A_27 : vector<160x128xf32>
    %get3A_29 = arith.constant 0 : index
    %get3A_30 = arith.constant 0 : index
    %get3A_31 = vector.load %arg7[%get3A_29, %get3A_30] : memref<160x128xf32, #tpu.memory_space<vmem>>, vector<160x128xf32>
    %min3A_32 = arith.constant 4.13516665 : f32
    %min3A_33 = vector.broadcast %min3A_32 : f32 to vector<160x128xf32>
    %min3A_34 = arith.minimumf %get3A_31, %min3A_33 : vector<160x128xf32>
    %get3A_35 = arith.constant 0 : index
    %get3A_36 = arith.constant 0 : index
    %get3A_37 = vector.load %arg4[%get3A_35, %get3A_36] : memref<160x128xf32, #tpu.memory_space<vmem>>, vector<160x128xf32>
    %mul3A_38 = arith.mulf %get3A_37, %sub3A : vector<160x128xf32>
    %add3A_39 = arith.addf %mul3A_38, %add3A : vector<160x128xf32>
    %get3A_40 = arith.constant 0 : index
    %get3A_41 = arith.constant 0 : index
    %get3A_42 = vector.load %arg5[%get3A_40, %get3A_41] : memref<160x128xf32, #tpu.memory_space<vmem>>, vector<160x128xf32>
    %mul3A_43 = arith.mulf %get3A_42, %sub3A_11 : vector<160x128xf32>
    %add3A_44 = arith.addf %mul3A_43, %add3A_23 : vector<160x128xf32>
    %exp3A = math.exp %min3A_28 : vector<160x128xf32>
    %mul3A_45 = arith.mulf %exp3A, %sub3A : vector<160x128xf32>
    %exp3A_46 = math.exp %min3A_34 : vector<160x128xf32>
    %mul3A_47 = arith.mulf %exp3A_46, %sub3A_11 : vector<160x128xf32>
    %mul3A_48 = arith.constant 5.000000e-01 : f32
    %mul3A_49 = vector.broadcast %mul3A_48 : f32 to vector<160x128xf32>
    %mul3A_50 = arith.mulf %mul3A_49, %mul3A_45 : vector<160x128xf32>
    %sub3A_51 = arith.subf %add3A_39, %mul3A_50 : vector<160x128xf32>
    %jit3A = arith.constant 0.000000e+00 : f32
    %jit3A_52 = arith.constant 1.024000e+03 : f32
    %max3A = vector.broadcast %jit3A : f32 to vector<160x128xf32>
    %max3A_53 = arith.maximumf %max3A, %sub3A_51 : vector<160x128xf32>
    %min3A_54 = vector.broadcast %jit3A_52 : f32 to vector<160x128xf32>
    %min3A_55 = arith.minimumf %min3A_54, %max3A_53 : vector<160x128xf32>
    %mul3A_56 = arith.constant 5.000000e-01 : f32
    %mul3A_57 = vector.broadcast %mul3A_56 : f32 to vector<160x128xf32>
    %mul3A_58 = arith.mulf %mul3A_57, %mul3A_47 : vector<160x128xf32>
    %sub3A_59 = arith.subf %add3A_44, %mul3A_58 : vector<160x128xf32>
    %jit3A_60 = arith.constant 0.000000e+00 : f32
    %jit3A_61 = arith.constant 1.024000e+03 : f32
    %max3A_62 = vector.broadcast %jit3A_60 : f32 to vector<160x128xf32>
    %max3A_63 = arith.maximumf %max3A_62, %sub3A_59 : vector<160x128xf32>
    %min3A_64 = vector.broadcast %jit3A_61 : f32 to vector<160x128xf32>
    %min3A_65 = arith.minimumf %min3A_64, %max3A_63 : vector<160x128xf32>
    %mul3A_66 = arith.constant 5.000000e-01 : f32
    %mul3A_67 = vector.broadcast %mul3A_66 : f32 to vector<160x128xf32>
    %mul3A_68 = arith.mulf %mul3A_67, %mul3A_45 : vector<160x128xf32>
    %add3A_69 = arith.addf %add3A_39, %mul3A_68 : vector<160x128xf32>
    %jit3A_70 = arith.constant 0.000000e+00 : f32
    %jit3A_71 = arith.constant 1.024000e+03 : f32
    %max3A_72 = vector.broadcast %jit3A_70 : f32 to vector<160x128xf32>
    %max3A_73 = arith.maximumf %max3A_72, %add3A_69 : vector<160x128xf32>
    %min3A_74 = vector.broadcast %jit3A_71 : f32 to vector<160x128xf32>
    %min3A_75 = arith.minimumf %min3A_74, %max3A_73 : vector<160x128xf32>
    %mul3A_76 = arith.constant 5.000000e-01 : f32
    %mul3A_77 = vector.broadcast %mul3A_76 : f32 to vector<160x128xf32>
    %mul3A_78 = arith.mulf %mul3A_77, %mul3A_47 : vector<160x128xf32>
    %add3A_79 = arith.addf %add3A_44, %mul3A_78 : vector<160x128xf32>
    %jit3A_80 = arith.constant 0.000000e+00 : f32
    %jit3A_81 = arith.constant 1.024000e+03 : f32
    %max3A_82 = vector.broadcast %jit3A_80 : f32 to vector<160x128xf32>
    %max3A_83 = arith.maximumf %max3A_82, %add3A_79 : vector<160x128xf32>
    %min3A_84 = vector.broadcast %jit3A_81 : f32 to vector<160x128xf32>
    %min3A_85 = arith.minimumf %min3A_84, %max3A_83 : vector<160x128xf32>
    %sub3A_86 = arith.subf %min3A_75, %min3A_55 : vector<160x128xf32>
    %gt3A = arith.constant 0.000000e+00 : f32
    %gt3A_87 = vector.broadcast %gt3A : f32 to vector<160x128xf32>
    %gt3A_88 = arith.cmpf ogt, %sub3A_86, %gt3A_87 : vector<160x128xf32>
    %sub3A_89 = arith.subf %min3A_85, %min3A_65 : vector<160x128xf32>
    %gt3A_90 = arith.constant 0.000000e+00 : f32
    %gt3A_91 = vector.broadcast %gt3A_90 : f32 to vector<160x128xf32>
    %gt3A_92 = arith.cmpf ogt, %sub3A_89, %gt3A_91 : vector<160x128xf32>
    %and3A = arith.andi %gt3A_88, %gt3A_92 : vector<160x128xi1>
    %swap3A = arith.constant 0 : index
    %swap3A_93 = arith.constant 0 : index
    %swap3A_94 = vector.load %arg9[%swap3A, %swap3A_93] : memref<160x128xf32, #tpu.memory_space<vmem>>, vector<160x128xf32>
    tpu.vector_store %arg9[%swap3A, %swap3A_93], %min3A_55 {strides = array<i32>} : memref<160x128xf32, #tpu.memory_space<vmem>>, vector<160x128xf32>,
    %swap3A_95 = arith.constant 0 : index
    %swap3A_96 = arith.constant 0 : index
    %swap3A_97 = vector.load %arg10[%swap3A_95, %swap3A_96] : memref<160x128xf32, #tpu.memory_space<vmem>>, vector<160x128xf32>
    tpu.vector_store %arg10[%swap3A_95, %swap3A_96], %min3A_65 {strides = array<i32>} : memref<160x128xf32, #tpu.memory_space<vmem>>, vector<160x128xf32>,
    %swap3A_98 = arith.constant 0 : index
    %swap3A_99 = arith.constant 0 : index
    %swap3A_100 = vector.load %arg11[%swap3A_98, %swap3A_99] : memref<160x128xf32, #tpu.memory_space<vmem>>, vector<160x128xf32>
    tpu.vector_store %arg11[%swap3A_98, %swap3A_99], %min3A_75 {strides = array<i32>} : memref<160x128xf32, #tpu.memory_space<vmem>>, vector<160x128xf32>,
    %swap3A_101 = arith.constant 0 : index
    %swap3A_102 = arith.constant 0 : index
    %swap3A_103 = vector.load %arg12[%swap3A_101, %swap3A_102] : memref<160x128xf32, #tpu.memory_space<vmem>>, vector<160x128xf32>
    tpu.vector_store %arg12[%swap3A_101, %swap3A_102], %min3A_85 {strides = array<i32>} : memref<160x128xf32, #tpu.memory_space<vmem>>, vector<160x128xf32>,
    %get3A_104 = arith.constant 0 : index
    %get3A_105 = arith.constant 0 : index
    %get3A_106 = vector.load %arg8[%get3A_104, %get3A_105] : memref<160x128xf32, #tpu.memory_space<vmem>>, vector<160x128xf32>
    %jit3A_107 = arith.constant 0xFF800000 : f32
    %broadcast_in_dim3A = vector.broadcast %jit3A_107 : f32 to vector<160x128xf32>
    %select_n3A = arith.select %and3A, %get3A_106, %broadcast_in_dim3A : vector<160x128xi1>, vector<160x128xf32>
    %swap3A_108 = arith.constant 0 : index
    %swap3A_109 = arith.constant 0 : index
    %swap3A_110 = vector.load %arg13[%swap3A_108, %swap3A_109] : memref<160x128xf32, #tpu.memory_space<vmem>>, vector<160x128xf32>
    tpu.vector_store %arg13[%swap3A_108, %swap3A_109], %select_n3A {strides = array<i32>} : memref<160x128xf32, #tpu.memory_space<vmem>>, vector<160x128xf32>,
    return
  }
}

module attributes {stable_mosaic.version = 14 : i64} {
  func.func @_nms_body(%arg0: memref<1x2048xf32, #tpu.memory_space<vmem>>, %arg1: memref<1x2048xf32, #tpu.memory_space<vmem>>, %arg2: memref<1x2048xf32, #tpu.memory_space<vmem>>, %arg3: memref<1x2048xf32, #tpu.memory_space<vmem>>, %arg4: memref<128x16xf32, #tpu.memory_space<vmem>>, %arg5: memref<128x16xf32, #tpu.memory_space<vmem>>, %arg6: memref<128x16xf32, #tpu.memory_space<vmem>>, %arg7: memref<128x16xf32, #tpu.memory_space<vmem>>, %arg8: memref<128x16xf32, #tpu.memory_space<vmem>>, %arg9: memref<128x40xf32, #tpu.memory_space<vmem>>) attributes {dimension_semantics = [], scalar_prefetch = 0 : i64, scratch_operands = 0 : i64, tpu.core_type = #tpu.core_type<tc>} {
    %get3A = arith.constant 0 : index
    %get3A_0 = arith.constant 0 : index
    %get3A_1 = vector.load %arg0[%get3A, %get3A_0] : memref<1x2048xf32, #tpu.memory_space<vmem>>, vector<1x2048xf32>
    %get3A_2 = arith.constant 0 : index
    %get3A_3 = arith.constant 0 : index
    %get3A_4 = vector.load %arg1[%get3A_2, %get3A_3] : memref<1x2048xf32, #tpu.memory_space<vmem>>, vector<1x2048xf32>
    %get3A_5 = arith.constant 0 : index
    %get3A_6 = arith.constant 0 : index
    %get3A_7 = vector.load %arg2[%get3A_5, %get3A_6] : memref<1x2048xf32, #tpu.memory_space<vmem>>, vector<1x2048xf32>
    %get3A_8 = arith.constant 0 : index
    %get3A_9 = arith.constant 0 : index
    %get3A_10 = vector.load %arg3[%get3A_8, %get3A_9] : memref<1x2048xf32, #tpu.memory_space<vmem>>, vector<1x2048xf32>
    %sub3A = arith.subf %get3A_7, %get3A_1 : vector<1x2048xf32>
    %sub3A_11 = arith.subf %get3A_10, %get3A_4 : vector<1x2048xf32>
    %mul3A = arith.mulf %sub3A, %sub3A_11 : vector<1x2048xf32>
    %iota3A = tpu.iota {dimensions = array<i32: 1>} : vector<1x2048xi32>
    %lt3A = arith.constant 2000 : i32
    %lt3A_12 = vector.broadcast %lt3A : i32 to vector<1x2048xi32>
    %lt3A_13 = arith.cmpi slt, %iota3A, %lt3A_12 : vector<1x2048xi32>
    %iota3A_14 = tpu.iota {dimensions = array<i32: 0>} : vector<128x128xi32>
    %iota3A_15 = tpu.iota {dimensions = array<i32: 1>} : vector<128x128xi32>
    %lt3A_16 = arith.cmpi slt, %iota3A_14, %iota3A_15 : vector<128x128xi32>
    %get3A_17 = arith.constant 0 : index
    %get3A_18 = arith.constant 0 : index
    %get3A_19 = vector.load %arg4[%get3A_17, %get3A_18] : memref<128x16xf32, #tpu.memory_space<vmem>>, vector<128x1xf32>
    %get3A_20 = arith.constant 0 : index
    %get3A_21 = arith.constant 0 : index
    %get3A_22 = vector.load %arg5[%get3A_20, %get3A_21] : memref<128x16xf32, #tpu.memory_space<vmem>>, vector<128x1xf32>
    %get3A_23 = arith.constant 0 : index
    %get3A_24 = arith.constant 0 : index
    %get3A_25 = vector.load %arg6[%get3A_23, %get3A_24] : memref<128x16xf32, #tpu.memory_space<vmem>>, vector<128x1xf32>
    %get3A_26 = arith.constant 0 : index
    %get3A_27 = arith.constant 0 : index
    %get3A_28 = vector.load %arg7[%get3A_26, %get3A_27] : memref<128x16xf32, #tpu.memory_space<vmem>>, vector<128x1xf32>
    %sub3A_29 = arith.subf %get3A_25, %get3A_19 : vector<128x1xf32>
    %sub3A_30 = arith.subf %get3A_28, %get3A_22 : vector<128x1xf32>
    %mul3A_31 = arith.mulf %sub3A_29, %sub3A_30 : vector<128x1xf32>
    %min3A = vector.broadcast %get3A_25 : vector<128x1xf32> to vector<128x2048xf32>
    %min3A_32 = vector.broadcast %get3A_7 : vector<1x2048xf32> to vector<128x2048xf32>
    %min3A_33 = arith.minimumf %min3A, %min3A_32 : vector<128x2048xf32>
    %max3A = vector.broadcast %get3A_19 : vector<128x1xf32> to vector<128x2048xf32>
    %max3A_34 = vector.broadcast %get3A_1 : vector<1x2048xf32> to vector<128x2048xf32>
    %max3A_35 = arith.maximumf %max3A, %max3A_34 : vector<128x2048xf32>
    %sub3A_36 = arith.subf %min3A_33, %max3A_35 : vector<128x2048xf32>
    %max3A_37 = arith.constant 0.000000e+00 : f32
    %max3A_38 = vector.broadcast %max3A_37 : f32 to vector<128x2048xf32>
    %max3A_39 = arith.maximumf %sub3A_36, %max3A_38 : vector<128x2048xf32>
    %min3A_40 = vector.broadcast %get3A_28 : vector<128x1xf32> to vector<128x2048xf32>
    %min3A_41 = vector.broadcast %get3A_10 : vector<1x2048xf32> to vector<128x2048xf32>
    %min3A_42 = arith.minimumf %min3A_40, %min3A_41 : vector<128x2048xf32>
    %max3A_43 = vector.broadcast %get3A_22 : vector<128x1xf32> to vector<128x2048xf32>
    %max3A_44 = vector.broadcast %get3A_4 : vector<1x2048xf32> to vector<128x2048xf32>
    %max3A_45 = arith.maximumf %max3A_43, %max3A_44 : vector<128x2048xf32>
    %sub3A_46 = arith.subf %min3A_42, %max3A_45 : vector<128x2048xf32>
    %max3A_47 = arith.constant 0.000000e+00 : f32
    %max3A_48 = vector.broadcast %max3A_47 : f32 to vector<128x2048xf32>
    %max3A_49 = arith.maximumf %sub3A_46, %max3A_48 : vector<128x2048xf32>
    %mul3A_50 = arith.mulf %max3A_39, %max3A_49 : vector<128x2048xf32>
    %add3A = vector.broadcast %mul3A_31 : vector<128x1xf32> to vector<128x2048xf32>
    %add3A_51 = vector.broadcast %mul3A : vector<1x2048xf32> to vector<128x2048xf32>
    %add3A_52 = arith.addf %add3A, %add3A_51 : vector<128x2048xf32>
    %sub3A_53 = arith.subf %add3A_52, %mul3A_50 : vector<128x2048xf32>
    %max3A_54 = arith.constant 9.99999971E-10 : f32
    %max3A_55 = vector.broadcast %max3A_54 : f32 to vector<128x2048xf32>
    %max3A_56 = arith.maximumf %sub3A_53, %max3A_55 : vector<128x2048xf32>
    %mul3A_57 = arith.constant 0.699999988 : f32
    %mul3A_58 = vector.broadcast %mul3A_57 : f32 to vector<128x2048xf32>
    %mul3A_59 = arith.mulf %mul3A_58, %max3A_56 : vector<128x2048xf32>
    %gt3A = arith.cmpf ogt, %mul3A_50, %mul3A_59 : vector<128x2048xf32>
    %convert_element_type3A = arith.extui %gt3A : vector<128x2048xi1> to vector<128x2048xi32>
    %convert_element_type3A_60 = arith.sitofp %convert_element_type3A : vector<128x2048xi32> to vector<128x2048xf32>
    %slice3A = vector.extract_strided_slice %convert_element_type3A_60 {offsets = [0, 0], sizes = [128, 128], strides = [1, 1]} : vector<128x2048xf32> to vector<128x128xf32>
    %jit3A = arith.constant 0.000000e+00 : f32
    %broadcast_in_dim3A = vector.broadcast %jit3A : f32 to vector<128x128xf32>
    %select_n3A = arith.select %lt3A_16, %slice3A, %broadcast_in_dim3A : vector<128x128xi1>, vector<128x128xf32>
    %slice3A_61 = vector.extract_strided_slice %lt3A_13 {offsets = [0, 0], sizes = [1, 128], strides = [1, 1]} : vector<1x2048xi1> to vector<1x128xi1>
    %convert_element_type3A_62 = arith.extui %slice3A_61 : vector<1x128xi1> to vector<1x128xi32>
    %convert_element_type3A_63 = arith.sitofp %convert_element_type3A_62 : vector<1x128xi32> to vector<1x128xf32>
    %while3A = arith.constant false
    %while3A_64:3 = scf.while (%while3A_2087 = %convert_element_type3A_63, %while3A_2088 = %convert_element_type3A_63, %while3A_2089 = %while3A) : (vector<1x128xf32>, vector<1x128xf32>, i1) -> (vector<1x128xf32>, vector<1x128xf32>, i1) {
      %not3A_2090 = arith.constant true
      %not3A_2091 = arith.xori %while3A_2089, %not3A_2090 : i1
      scf.condition(%not3A_2091) %while3A_2087, %while3A_2088, %while3A_2089 : vector<1x128xf32>, vector<1x128xf32>, i1
    } do {
    ^bb0(%while3A_2087: vector<1x128xf32>, %while3A_2088: vector<1x128xf32>, %while3A_2089: i1):
      %dot_general3A_2090 = arith.constant dense<0.000000e+00> : vector<1x128xf32>
      %dot_general3A_2091 = tpu.matmul %while3A_2087, %select_n3A, %dot_general3A_2090 {dimension_numbers = #tpu.dot_dimension_numbers<[1], [0], [0], [1], [0, 0, 1, 1], [], []>, transpose_lhs_hint = false} : vector<1x128xf32>, vector<128x128xf32>, vector<1x128xf32> -> vector<1x128xf32>
      %gt3A_2092 = arith.constant 0.000000e+00 : f32
      %gt3A_2093 = vector.broadcast %gt3A_2092 : f32 to vector<1x128xf32>
      %gt3A_2094 = arith.cmpf ogt, %dot_general3A_2091, %gt3A_2093 : vector<1x128xf32>
      %jit3A_2095 = arith.constant 0.000000e+00 : f32
      %broadcast_in_dim3A_2096 = vector.broadcast %jit3A_2095 : f32 to vector<1x128xf32>
      %select_n3A_2097 = arith.select %gt3A_2094, %broadcast_in_dim3A_2096, %while3A_2087 : vector<1x128xi1>, vector<1x128xf32>
      %dot_general3A_2098 = arith.constant dense<0.000000e+00> : vector<1x128xf32>
      %dot_general3A_2099 = tpu.matmul %select_n3A_2097, %select_n3A, %dot_general3A_2098 {dimension_numbers = #tpu.dot_dimension_numbers<[1], [0], [0], [1], [0, 0, 1, 1], [], []>, transpose_lhs_hint = false} : vector<1x128xf32>, vector<128x128xf32>, vector<1x128xf32> -> vector<1x128xf32>
      %gt3A_2100 = arith.constant 0.000000e+00 : f32
      %gt3A_2101 = vector.broadcast %gt3A_2100 : f32 to vector<1x128xf32>
      %gt3A_2102 = arith.cmpf ogt, %dot_general3A_2099, %gt3A_2101 : vector<1x128xf32>
      %jit3A_2103 = arith.constant 0.000000e+00 : f32
      %broadcast_in_dim3A_2104 = vector.broadcast %jit3A_2103 : f32 to vector<1x128xf32>
      %select_n3A_2105 = arith.select %gt3A_2102, %broadcast_in_dim3A_2104, %while3A_2087 : vector<1x128xi1>, vector<1x128xf32>
      %eq3A_2106 = arith.cmpf oeq, %select_n3A_2105, %while3A_2087 : vector<1x128xf32>
      %reduce_and3A = arith.constant 1.000000e+00 : f32
      %reduce_and3A_2107 = arith.constant 0.000000e+00 : f32
      %reduce_and3A_2108 = vector.broadcast %reduce_and3A : f32 to vector<1x128xf32>
      %reduce_and3A_2109 = vector.broadcast %reduce_and3A_2107 : f32 to vector<1x128xf32>
      %reduce_and3A_2110 = arith.select %eq3A_2106, %reduce_and3A_2108, %reduce_and3A_2109 : vector<1x128xi1>, vector<1x128xf32>
      %reduce_and3A_2111 = vector.shape_cast %reduce_and3A_2110 : vector<1x128xf32> to vector<1x1x128xf32>
      %reduce_and3A_2112 = arith.constant dense<0x7F800000> : vector<1xf32>
      %reduce_and3A_2113 = vector.multi_reduction <minimumf>, %reduce_and3A_2111, %reduce_and3A_2112 [1, 2] : vector<1x1x128xf32> to vector<1xf32>
      %reduce_and3A_2114 = vector.shape_cast %reduce_and3A_2113 : vector<1xf32> to vector<1x1x1xf32>
      %reduce_and3A_2115 = vector.extract %reduce_and3A_2114[0, 0, 0] : f32 from vector<1x1x1xf32>
      %reduce_and3A_2116 = arith.constant 0.000000e+00 : f32
      %reduce_and3A_2117 = arith.cmpf ogt, %reduce_and3A_2115, %reduce_and3A_2116 : f32
      scf.yield %select_n3A_2105, %select_n3A_2097, %reduce_and3A_2117 : vector<1x128xf32>, vector<1x128xf32>, i1
    }
    %dot_general3A = arith.constant dense<0.000000e+00> : vector<1x2048xf32>
    %dot_general3A_65 = tpu.matmul %while3A_64#1, %convert_element_type3A_60, %dot_general3A {dimension_numbers = #tpu.dot_dimension_numbers<[1], [0], [0], [1], [0, 0, 1, 1], [], []>, transpose_lhs_hint = false} : vector<1x128xf32>, vector<128x2048xf32>, vector<1x2048xf32> -> vector<1x2048xf32>
    %gt3A_66 = arith.constant 0.000000e+00 : f32
    %gt3A_67 = vector.broadcast %gt3A_66 : f32 to vector<1x2048xf32>
    %gt3A_68 = arith.cmpf ogt, %dot_general3A_65, %gt3A_67 : vector<1x2048xf32>
    %ge3A = arith.constant 128 : i32
    %ge3A_69 = vector.broadcast %ge3A : i32 to vector<1x2048xi32>
    %ge3A_70 = arith.cmpi sge, %iota3A, %ge3A_69 : vector<1x2048xi32>
    %and3A = arith.andi %gt3A_68, %ge3A_70 : vector<1x2048xi1>
    %gt3A_71 = arith.constant 0.000000e+00 : f32
    %gt3A_72 = vector.broadcast %gt3A_71 : f32 to vector<1x128xf32>
    %gt3A_73 = arith.cmpf ogt, %convert_element_type3A_63, %gt3A_72 : vector<1x128xf32>
    %gt3A_74 = arith.constant 0.000000e+00 : f32
    %gt3A_75 = vector.broadcast %gt3A_74 : f32 to vector<1x128xf32>
    %gt3A_76 = arith.cmpf ogt, %while3A_64#1, %gt3A_75 : vector<1x128xf32>
    %not3A = arith.constant dense<true> : vector<1x128xi1>
    %not3A_77 = arith.xori %gt3A_76, %not3A : vector<1x128xi1>
    %and3A_78 = arith.andi %gt3A_73, %not3A_77 : vector<1x128xi1>
    %broadcast_in_dim3A_79 = arith.constant false
    %broadcast_in_dim3A_80 = vector.broadcast %broadcast_in_dim3A_79 : i1 to vector<1x1920xi1>
    %concatenate3A = tpu.concatenate %and3A_78, %broadcast_in_dim3A_80 in 1 : vector<1x128xi1>, vector<1x1920xi1> -> vector<1x2048xi1>
    %or3A = arith.ori %and3A, %concatenate3A : vector<1x2048xi1>
    %not3A_81 = arith.constant dense<true> : vector<1x2048xi1>
    %not3A_82 = arith.xori %or3A, %not3A_81 : vector<1x2048xi1>
    %and3A_83 = arith.andi %lt3A_13, %not3A_82 : vector<1x2048xi1>
    %get3A_84 = arith.constant 0 : index
    %get3A_85 = arith.constant 1 : index
    %get3A_86 = vector.load %arg4[%get3A_84, %get3A_85] : memref<128x16xf32, #tpu.memory_space<vmem>>, vector<128x1xf32>
    %get3A_87 = arith.constant 0 : index
    %get3A_88 = arith.constant 1 : index
    %get3A_89 = vector.load %arg5[%get3A_87, %get3A_88] : memref<128x16xf32, #tpu.memory_space<vmem>>, vector<128x1xf32>
    %get3A_90 = arith.constant 0 : index
    %get3A_91 = arith.constant 1 : index
    %get3A_92 = vector.load %arg6[%get3A_90, %get3A_91] : memref<128x16xf32, #tpu.memory_space<vmem>>, vector<128x1xf32>
    %get3A_93 = arith.constant 0 : index
    %get3A_94 = arith.constant 1 : index
    %get3A_95 = vector.load %arg7[%get3A_93, %get3A_94] : memref<128x16xf32, #tpu.memory_space<vmem>>, vector<128x1xf32>
    %sub3A_96 = arith.subf %get3A_92, %get3A_86 : vector<128x1xf32>
    %sub3A_97 = arith.subf %get3A_95, %get3A_89 : vector<128x1xf32>
    %mul3A_98 = arith.mulf %sub3A_96, %sub3A_97 : vector<128x1xf32>
    %min3A_99 = vector.broadcast %get3A_92 : vector<128x1xf32> to vector<128x2048xf32>
    %min3A_100 = vector.broadcast %get3A_7 : vector<1x2048xf32> to vector<128x2048xf32>
    %min3A_101 = arith.minimumf %min3A_99, %min3A_100 : vector<128x2048xf32>
    %max3A_102 = vector.broadcast %get3A_86 : vector<128x1xf32> to vector<128x2048xf32>
    %max3A_103 = vector.broadcast %get3A_1 : vector<1x2048xf32> to vector<128x2048xf32>
    %max3A_104 = arith.maximumf %max3A_102, %max3A_103 : vector<128x2048xf32>
    %sub3A_105 = arith.subf %min3A_101, %max3A_104 : vector<128x2048xf32>
    %max3A_106 = arith.constant 0.000000e+00 : f32
    %max3A_107 = vector.broadcast %max3A_106 : f32 to vector<128x2048xf32>
    %max3A_108 = arith.maximumf %sub3A_105, %max3A_107 : vector<128x2048xf32>
    %min3A_109 = vector.broadcast %get3A_95 : vector<128x1xf32> to vector<128x2048xf32>
    %min3A_110 = vector.broadcast %get3A_10 : vector<1x2048xf32> to vector<128x2048xf32>
    %min3A_111 = arith.minimumf %min3A_109, %min3A_110 : vector<128x2048xf32>
    %max3A_112 = vector.broadcast %get3A_89 : vector<128x1xf32> to vector<128x2048xf32>
    %max3A_113 = vector.broadcast %get3A_4 : vector<1x2048xf32> to vector<128x2048xf32>
    %max3A_114 = arith.maximumf %max3A_112, %max3A_113 : vector<128x2048xf32>
    %sub3A_115 = arith.subf %min3A_111, %max3A_114 : vector<128x2048xf32>
    %max3A_116 = arith.constant 0.000000e+00 : f32
    %max3A_117 = vector.broadcast %max3A_116 : f32 to vector<128x2048xf32>
    %max3A_118 = arith.maximumf %sub3A_115, %max3A_117 : vector<128x2048xf32>
    %mul3A_119 = arith.mulf %max3A_108, %max3A_118 : vector<128x2048xf32>
    %add3A_120 = vector.broadcast %mul3A_98 : vector<128x1xf32> to vector<128x2048xf32>
    %add3A_121 = vector.broadcast %mul3A : vector<1x2048xf32> to vector<128x2048xf32>
    %add3A_122 = arith.addf %add3A_120, %add3A_121 : vector<128x2048xf32>
    %sub3A_123 = arith.subf %add3A_122, %mul3A_119 : vector<128x2048xf32>
    %max3A_124 = arith.constant 9.99999971E-10 : f32
    %max3A_125 = vector.broadcast %max3A_124 : f32 to vector<128x2048xf32>
    %max3A_126 = arith.maximumf %sub3A_123, %max3A_125 : vector<128x2048xf32>
    %mul3A_127 = arith.constant 0.699999988 : f32
    %mul3A_128 = vector.broadcast %mul3A_127 : f32 to vector<128x2048xf32>
    %mul3A_129 = arith.mulf %mul3A_128, %max3A_126 : vector<128x2048xf32>
    %gt3A_130 = arith.cmpf ogt, %mul3A_119, %mul3A_129 : vector<128x2048xf32>
    %convert_element_type3A_131 = arith.extui %gt3A_130 : vector<128x2048xi1> to vector<128x2048xi32>
    %convert_element_type3A_132 = arith.sitofp %convert_element_type3A_131 : vector<128x2048xi32> to vector<128x2048xf32>
    %slice3A_133 = vector.extract_strided_slice %convert_element_type3A_132 {offsets = [0, 128], sizes = [128, 128], strides = [1, 1]} : vector<128x2048xf32> to vector<128x128xf32>
    %jit3A_134 = arith.constant 0.000000e+00 : f32
    %broadcast_in_dim3A_135 = vector.broadcast %jit3A_134 : f32 to vector<128x128xf32>
    %select_n3A_136 = arith.select %lt3A_16, %slice3A_133, %broadcast_in_dim3A_135 : vector<128x128xi1>, vector<128x128xf32>
    %slice3A_137 = vector.extract_strided_slice %and3A_83 {offsets = [0, 128], sizes = [1, 128], strides = [1, 1]} : vector<1x2048xi1> to vector<1x128xi1>
    %convert_element_type3A_138 = arith.extui %slice3A_137 : vector<1x128xi1> to vector<1x128xi32>
    %convert_element_type3A_139 = arith.sitofp %convert_element_type3A_138 : vector<1x128xi32> to vector<1x128xf32>
    %while3A_140 = arith.constant false
    %while3A_141:3 = scf.while (%while3A_2087 = %convert_element_type3A_139, %while3A_2088 = %convert_element_type3A_139, %while3A_2089 = %while3A_140) : (vector<1x128xf32>, vector<1x128xf32>, i1) -> (vector<1x128xf32>, vector<1x128xf32>, i1) {
      %not3A_2090 = arith.constant true
      %not3A_2091 = arith.xori %while3A_2089, %not3A_2090 : i1
      scf.condition(%not3A_2091) %while3A_2087, %while3A_2088, %while3A_2089 : vector<1x128xf32>, vector<1x128xf32>, i1
    } do {
    ^bb0(%while3A_2087: vector<1x128xf32>, %while3A_2088: vector<1x128xf32>, %while3A_2089: i1):
      %dot_general3A_2090 = arith.constant dense<0.000000e+00> : vector<1x128xf32>
      %dot_general3A_2091 = tpu.matmul %while3A_2087, %select_n3A_136, %dot_general3A_2090 {dimension_numbers = #tpu.dot_dimension_numbers<[1], [0], [0], [1], [0, 0, 1, 1], [], []>, transpose_lhs_hint = false} : vector<1x128xf32>, vector<128x128xf32>, vector<1x128xf32> -> vector<1x128xf32>
      %gt3A_2092 = arith.constant 0.000000e+00 : f32
      %gt3A_2093 = vector.broadcast %gt3A_2092 : f32 to vector<1x128xf32>
      %gt3A_2094 = arith.cmpf ogt, %dot_general3A_2091, %gt3A_2093 : vector<1x128xf32>
      %jit3A_2095 = arith.constant 0.000000e+00 : f32
      %broadcast_in_dim3A_2096 = vector.broadcast %jit3A_2095 : f32 to vector<1x128xf32>
      %select_n3A_2097 = arith.select %gt3A_2094, %broadcast_in_dim3A_2096, %while3A_2087 : vector<1x128xi1>, vector<1x128xf32>
      %dot_general3A_2098 = arith.constant dense<0.000000e+00> : vector<1x128xf32>
      %dot_general3A_2099 = tpu.matmul %select_n3A_2097, %select_n3A_136, %dot_general3A_2098 {dimension_numbers = #tpu.dot_dimension_numbers<[1], [0], [0], [1], [0, 0, 1, 1], [], []>, transpose_lhs_hint = false} : vector<1x128xf32>, vector<128x128xf32>, vector<1x128xf32> -> vector<1x128xf32>
      %gt3A_2100 = arith.constant 0.000000e+00 : f32
      %gt3A_2101 = vector.broadcast %gt3A_2100 : f32 to vector<1x128xf32>
      %gt3A_2102 = arith.cmpf ogt, %dot_general3A_2099, %gt3A_2101 : vector<1x128xf32>
      %jit3A_2103 = arith.constant 0.000000e+00 : f32
      %broadcast_in_dim3A_2104 = vector.broadcast %jit3A_2103 : f32 to vector<1x128xf32>
      %select_n3A_2105 = arith.select %gt3A_2102, %broadcast_in_dim3A_2104, %while3A_2087 : vector<1x128xi1>, vector<1x128xf32>
      %eq3A_2106 = arith.cmpf oeq, %select_n3A_2105, %while3A_2087 : vector<1x128xf32>
      %reduce_and3A = arith.constant 1.000000e+00 : f32
      %reduce_and3A_2107 = arith.constant 0.000000e+00 : f32
      %reduce_and3A_2108 = vector.broadcast %reduce_and3A : f32 to vector<1x128xf32>
      %reduce_and3A_2109 = vector.broadcast %reduce_and3A_2107 : f32 to vector<1x128xf32>
      %reduce_and3A_2110 = arith.select %eq3A_2106, %reduce_and3A_2108, %reduce_and3A_2109 : vector<1x128xi1>, vector<1x128xf32>
      %reduce_and3A_2111 = vector.shape_cast %reduce_and3A_2110 : vector<1x128xf32> to vector<1x1x128xf32>
      %reduce_and3A_2112 = arith.constant dense<0x7F800000> : vector<1xf32>
      %reduce_and3A_2113 = vector.multi_reduction <minimumf>, %reduce_and3A_2111, %reduce_and3A_2112 [1, 2] : vector<1x1x128xf32> to vector<1xf32>
      %reduce_and3A_2114 = vector.shape_cast %reduce_and3A_2113 : vector<1xf32> to vector<1x1x1xf32>
      %reduce_and3A_2115 = vector.extract %reduce_and3A_2114[0, 0, 0] : f32 from vector<1x1x1xf32>
      %reduce_and3A_2116 = arith.constant 0.000000e+00 : f32
      %reduce_and3A_2117 = arith.cmpf ogt, %reduce_and3A_2115, %reduce_and3A_2116 : f32
      scf.yield %select_n3A_2105, %select_n3A_2097, %reduce_and3A_2117 : vector<1x128xf32>, vector<1x128xf32>, i1
    }
    %dot_general3A_142 = arith.constant dense<0.000000e+00> : vector<1x2048xf32>
    %dot_general3A_143 = tpu.matmul %while3A_141#1, %convert_element_type3A_132, %dot_general3A_142 {dimension_numbers = #tpu.dot_dimension_numbers<[1], [0], [0], [1], [0, 0, 1, 1], [], []>, transpose_lhs_hint = false} : vector<1x128xf32>, vector<128x2048xf32>, vector<1x2048xf32> -> vector<1x2048xf32>
    %gt3A_144 = arith.constant 0.000000e+00 : f32
    %gt3A_145 = vector.broadcast %gt3A_144 : f32 to vector<1x2048xf32>
    %gt3A_146 = arith.cmpf ogt, %dot_general3A_143, %gt3A_145 : vector<1x2048xf32>
    %ge3A_147 = arith.constant 256 : i32
    %ge3A_148 = vector.broadcast %ge3A_147 : i32 to vector<1x2048xi32>
    %ge3A_149 = arith.cmpi sge, %iota3A, %ge3A_148 : vector<1x2048xi32>
    %and3A_150 = arith.andi %gt3A_146, %ge3A_149 : vector<1x2048xi1>
    %gt3A_151 = arith.constant 0.000000e+00 : f32
    %gt3A_152 = vector.broadcast %gt3A_151 : f32 to vector<1x128xf32>
    %gt3A_153 = arith.cmpf ogt, %convert_element_type3A_139, %gt3A_152 : vector<1x128xf32>
    %gt3A_154 = arith.constant 0.000000e+00 : f32
    %gt3A_155 = vector.broadcast %gt3A_154 : f32 to vector<1x128xf32>
    %gt3A_156 = arith.cmpf ogt, %while3A_141#1, %gt3A_155 : vector<1x128xf32>
    %not3A_157 = arith.constant dense<true> : vector<1x128xi1>
    %not3A_158 = arith.xori %gt3A_156, %not3A_157 : vector<1x128xi1>
    %and3A_159 = arith.andi %gt3A_153, %not3A_158 : vector<1x128xi1>
    %broadcast_in_dim3A_160 = arith.constant false
    %broadcast_in_dim3A_161 = vector.broadcast %broadcast_in_dim3A_160 : i1 to vector<1x128xi1>
    %broadcast_in_dim3A_162 = arith.constant false
    %broadcast_in_dim3A_163 = vector.broadcast %broadcast_in_dim3A_162 : i1 to vector<1x1792xi1>
    %concatenate3A_164 = tpu.concatenate %broadcast_in_dim3A_161, %and3A_159, %broadcast_in_dim3A_163 in 1 : vector<1x128xi1>, vector<1x128xi1>, vector<1x1792xi1> -> vector<1x2048xi1>
    %or3A_165 = arith.ori %and3A_150, %concatenate3A_164 : vector<1x2048xi1>
    %not3A_166 = arith.constant dense<true> : vector<1x2048xi1>
    %not3A_167 = arith.xori %or3A_165, %not3A_166 : vector<1x2048xi1>
    %and3A_168 = arith.andi %and3A_83, %not3A_167 : vector<1x2048xi1>
    %get3A_169 = arith.constant 0 : index
    %get3A_170 = arith.constant 2 : index
    %get3A_171 = vector.load %arg4[%get3A_169, %get3A_170] : memref<128x16xf32, #tpu.memory_space<vmem>>, vector<128x1xf32>
    %get3A_172 = arith.constant 0 : index
    %get3A_173 = arith.constant 2 : index
    %get3A_174 = vector.load %arg5[%get3A_172, %get3A_173] : memref<128x16xf32, #tpu.memory_space<vmem>>, vector<128x1xf32>
    %get3A_175 = arith.constant 0 : index
    %get3A_176 = arith.constant 2 : index
    %get3A_177 = vector.load %arg6[%get3A_175, %get3A_176] : memref<128x16xf32, #tpu.memory_space<vmem>>, vector<128x1xf32>
    %get3A_178 = arith.constant 0 : index
    %get3A_179 = arith.constant 2 : index
    %get3A_180 = vector.load %arg7[%get3A_178, %get3A_179] : memref<128x16xf32, #tpu.memory_space<vmem>>, vector<128x1xf32>
    %sub3A_181 = arith.subf %get3A_177, %get3A_171 : vector<128x1xf32>
    %sub3A_182 = arith.subf %get3A_180, %get3A_174 : vector<128x1xf32>
    %mul3A_183 = arith.mulf %sub3A_181, %sub3A_182 : vector<128x1xf32>
    %min3A_184 = vector.broadcast %get3A_177 : vector<128x1xf32> to vector<128x2048xf32>
    %min3A_185 = vector.broadcast %get3A_7 : vector<1x2048xf32> to vector<128x2048xf32>
    %min3A_186 = arith.minimumf %min3A_184, %min3A_185 : vector<128x2048xf32>
    %max3A_187 = vector.broadcast %get3A_171 : vector<128x1xf32> to vector<128x2048xf32>
    %max3A_188 = vector.broadcast %get3A_1 : vector<1x2048xf32> to vector<128x2048xf32>
    %max3A_189 = arith.maximumf %max3A_187, %max3A_188 : vector<128x2048xf32>
    %sub3A_190 = arith.subf %min3A_186, %max3A_189 : vector<128x2048xf32>
    %max3A_191 = arith.constant 0.000000e+00 : f32
    %max3A_192 = vector.broadcast %max3A_191 : f32 to vector<128x2048xf32>
    %max3A_193 = arith.maximumf %sub3A_190, %max3A_192 : vector<128x2048xf32>
    %min3A_194 = vector.broadcast %get3A_180 : vector<128x1xf32> to vector<128x2048xf32>
    %min3A_195 = vector.broadcast %get3A_10 : vector<1x2048xf32> to vector<128x2048xf32>
    %min3A_196 = arith.minimumf %min3A_194, %min3A_195 : vector<128x2048xf32>
    %max3A_197 = vector.broadcast %get3A_174 : vector<128x1xf32> to vector<128x2048xf32>
    %max3A_198 = vector.broadcast %get3A_4 : vector<1x2048xf32> to vector<128x2048xf32>
    %max3A_199 = arith.maximumf %max3A_197, %max3A_198 : vector<128x2048xf32>
    %sub3A_200 = arith.subf %min3A_196, %max3A_199 : vector<128x2048xf32>
    %max3A_201 = arith.constant 0.000000e+00 : f32
    %max3A_202 = vector.broadcast %max3A_201 : f32 to vector<128x2048xf32>
    %max3A_203 = arith.maximumf %sub3A_200, %max3A_202 : vector<128x2048xf32>
    %mul3A_204 = arith.mulf %max3A_193, %max3A_203 : vector<128x2048xf32>
    %add3A_205 = vector.broadcast %mul3A_183 : vector<128x1xf32> to vector<128x2048xf32>
    %add3A_206 = vector.broadcast %mul3A : vector<1x2048xf32> to vector<128x2048xf32>
    %add3A_207 = arith.addf %add3A_205, %add3A_206 : vector<128x2048xf32>
    %sub3A_208 = arith.subf %add3A_207, %mul3A_204 : vector<128x2048xf32>
    %max3A_209 = arith.constant 9.99999971E-10 : f32
    %max3A_210 = vector.broadcast %max3A_209 : f32 to vector<128x2048xf32>
    %max3A_211 = arith.maximumf %sub3A_208, %max3A_210 : vector<128x2048xf32>
    %mul3A_212 = arith.constant 0.699999988 : f32
    %mul3A_213 = vector.broadcast %mul3A_212 : f32 to vector<128x2048xf32>
    %mul3A_214 = arith.mulf %mul3A_213, %max3A_211 : vector<128x2048xf32>
    %gt3A_215 = arith.cmpf ogt, %mul3A_204, %mul3A_214 : vector<128x2048xf32>
    %convert_element_type3A_216 = arith.extui %gt3A_215 : vector<128x2048xi1> to vector<128x2048xi32>
    %convert_element_type3A_217 = arith.sitofp %convert_element_type3A_216 : vector<128x2048xi32> to vector<128x2048xf32>
    %slice3A_218 = vector.extract_strided_slice %convert_element_type3A_217 {offsets = [0, 256], sizes = [128, 128], strides = [1, 1]} : vector<128x2048xf32> to vector<128x128xf32>
    %jit3A_219 = arith.constant 0.000000e+00 : f32
    %broadcast_in_dim3A_220 = vector.broadcast %jit3A_219 : f32 to vector<128x128xf32>
    %select_n3A_221 = arith.select %lt3A_16, %slice3A_218, %broadcast_in_dim3A_220 : vector<128x128xi1>, vector<128x128xf32>
    %slice3A_222 = vector.extract_strided_slice %and3A_168 {offsets = [0, 256], sizes = [1, 128], strides = [1, 1]} : vector<1x2048xi1> to vector<1x128xi1>
    %convert_element_type3A_223 = arith.extui %slice3A_222 : vector<1x128xi1> to vector<1x128xi32>
    %convert_element_type3A_224 = arith.sitofp %convert_element_type3A_223 : vector<1x128xi32> to vector<1x128xf32>
    %while3A_225 = arith.constant false
    %while3A_226:3 = scf.while (%while3A_2087 = %convert_element_type3A_224, %while3A_2088 = %convert_element_type3A_224, %while3A_2089 = %while3A_225) : (vector<1x128xf32>, vector<1x128xf32>, i1) -> (vector<1x128xf32>, vector<1x128xf32>, i1) {
      %not3A_2090 = arith.constant true
      %not3A_2091 = arith.xori %while3A_2089, %not3A_2090 : i1
      scf.condition(%not3A_2091) %while3A_2087, %while3A_2088, %while3A_2089 : vector<1x128xf32>, vector<1x128xf32>, i1
    } do {
    ^bb0(%while3A_2087: vector<1x128xf32>, %while3A_2088: vector<1x128xf32>, %while3A_2089: i1):
      %dot_general3A_2090 = arith.constant dense<0.000000e+00> : vector<1x128xf32>
      %dot_general3A_2091 = tpu.matmul %while3A_2087, %select_n3A_221, %dot_general3A_2090 {dimension_numbers = #tpu.dot_dimension_numbers<[1], [0], [0], [1], [0, 0, 1, 1], [], []>, transpose_lhs_hint = false} : vector<1x128xf32>, vector<128x128xf32>, vector<1x128xf32> -> vector<1x128xf32>
      %gt3A_2092 = arith.constant 0.000000e+00 : f32
      %gt3A_2093 = vector.broadcast %gt3A_2092 : f32 to vector<1x128xf32>
      %gt3A_2094 = arith.cmpf ogt, %dot_general3A_2091, %gt3A_2093 : vector<1x128xf32>
      %jit3A_2095 = arith.constant 0.000000e+00 : f32
      %broadcast_in_dim3A_2096 = vector.broadcast %jit3A_2095 : f32 to vector<1x128xf32>
      %select_n3A_2097 = arith.select %gt3A_2094, %broadcast_in_dim3A_2096, %while3A_2087 : vector<1x128xi1>, vector<1x128xf32>
      %dot_general3A_2098 = arith.constant dense<0.000000e+00> : vector<1x128xf32>
      %dot_general3A_2099 = tpu.matmul %select_n3A_2097, %select_n3A_221, %dot_general3A_2098 {dimension_numbers = #tpu.dot_dimension_numbers<[1], [0], [0], [1], [0, 0, 1, 1], [], []>, transpose_lhs_hint = false} : vector<1x128xf32>, vector<128x128xf32>, vector<1x128xf32> -> vector<1x128xf32>
      %gt3A_2100 = arith.constant 0.000000e+00 : f32
      %gt3A_2101 = vector.broadcast %gt3A_2100 : f32 to vector<1x128xf32>
      %gt3A_2102 = arith.cmpf ogt, %dot_general3A_2099, %gt3A_2101 : vector<1x128xf32>
      %jit3A_2103 = arith.constant 0.000000e+00 : f32
      %broadcast_in_dim3A_2104 = vector.broadcast %jit3A_2103 : f32 to vector<1x128xf32>
      %select_n3A_2105 = arith.select %gt3A_2102, %broadcast_in_dim3A_2104, %while3A_2087 : vector<1x128xi1>, vector<1x128xf32>
      %eq3A_2106 = arith.cmpf oeq, %select_n3A_2105, %while3A_2087 : vector<1x128xf32>
      %reduce_and3A = arith.constant 1.000000e+00 : f32
      %reduce_and3A_2107 = arith.constant 0.000000e+00 : f32
      %reduce_and3A_2108 = vector.broadcast %reduce_and3A : f32 to vector<1x128xf32>
      %reduce_and3A_2109 = vector.broadcast %reduce_and3A_2107 : f32 to vector<1x128xf32>
      %reduce_and3A_2110 = arith.select %eq3A_2106, %reduce_and3A_2108, %reduce_and3A_2109 : vector<1x128xi1>, vector<1x128xf32>
      %reduce_and3A_2111 = vector.shape_cast %reduce_and3A_2110 : vector<1x128xf32> to vector<1x1x128xf32>
      %reduce_and3A_2112 = arith.constant dense<0x7F800000> : vector<1xf32>
      %reduce_and3A_2113 = vector.multi_reduction <minimumf>, %reduce_and3A_2111, %reduce_and3A_2112 [1, 2] : vector<1x1x128xf32> to vector<1xf32>
      %reduce_and3A_2114 = vector.shape_cast %reduce_and3A_2113 : vector<1xf32> to vector<1x1x1xf32>
      %reduce_and3A_2115 = vector.extract %reduce_and3A_2114[0, 0, 0] : f32 from vector<1x1x1xf32>
      %reduce_and3A_2116 = arith.constant 0.000000e+00 : f32
      %reduce_and3A_2117 = arith.cmpf ogt, %reduce_and3A_2115, %reduce_and3A_2116 : f32
      scf.yield %select_n3A_2105, %select_n3A_2097, %reduce_and3A_2117 : vector<1x128xf32>, vector<1x128xf32>, i1
    }
    %dot_general3A_227 = arith.constant dense<0.000000e+00> : vector<1x2048xf32>
    %dot_general3A_228 = tpu.matmul %while3A_226#1, %convert_element_type3A_217, %dot_general3A_227 {dimension_numbers = #tpu.dot_dimension_numbers<[1], [0], [0], [1], [0, 0, 1, 1], [], []>, transpose_lhs_hint = false} : vector<1x128xf32>, vector<128x2048xf32>, vector<1x2048xf32> -> vector<1x2048xf32>
    %gt3A_229 = arith.constant 0.000000e+00 : f32
    %gt3A_230 = vector.broadcast %gt3A_229 : f32 to vector<1x2048xf32>
    %gt3A_231 = arith.cmpf ogt, %dot_general3A_228, %gt3A_230 : vector<1x2048xf32>
    %ge3A_232 = arith.constant 384 : i32
    %ge3A_233 = vector.broadcast %ge3A_232 : i32 to vector<1x2048xi32>
    %ge3A_234 = arith.cmpi sge, %iota3A, %ge3A_233 : vector<1x2048xi32>
    %and3A_235 = arith.andi %gt3A_231, %ge3A_234 : vector<1x2048xi1>
    %gt3A_236 = arith.constant 0.000000e+00 : f32
    %gt3A_237 = vector.broadcast %gt3A_236 : f32 to vector<1x128xf32>
    %gt3A_238 = arith.cmpf ogt, %convert_element_type3A_224, %gt3A_237 : vector<1x128xf32>
    %gt3A_239 = arith.constant 0.000000e+00 : f32
    %gt3A_240 = vector.broadcast %gt3A_239 : f32 to vector<1x128xf32>
    %gt3A_241 = arith.cmpf ogt, %while3A_226#1, %gt3A_240 : vector<1x128xf32>
    %not3A_242 = arith.constant dense<true> : vector<1x128xi1>
    %not3A_243 = arith.xori %gt3A_241, %not3A_242 : vector<1x128xi1>
    %and3A_244 = arith.andi %gt3A_238, %not3A_243 : vector<1x128xi1>
    %broadcast_in_dim3A_245 = arith.constant false
    %broadcast_in_dim3A_246 = vector.broadcast %broadcast_in_dim3A_245 : i1 to vector<1x256xi1>
    %broadcast_in_dim3A_247 = arith.constant false
    %broadcast_in_dim3A_248 = vector.broadcast %broadcast_in_dim3A_247 : i1 to vector<1x1664xi1>
    %concatenate3A_249 = tpu.concatenate %broadcast_in_dim3A_246, %and3A_244, %broadcast_in_dim3A_248 in 1 : vector<1x256xi1>, vector<1x128xi1>, vector<1x1664xi1> -> vector<1x2048xi1>
    %or3A_250 = arith.ori %and3A_235, %concatenate3A_249 : vector<1x2048xi1>
    %not3A_251 = arith.constant dense<true> : vector<1x2048xi1>
    %not3A_252 = arith.xori %or3A_250, %not3A_251 : vector<1x2048xi1>
    %and3A_253 = arith.andi %and3A_168, %not3A_252 : vector<1x2048xi1>
    %get3A_254 = arith.constant 0 : index
    %get3A_255 = arith.constant 3 : index
    %get3A_256 = vector.load %arg4[%get3A_254, %get3A_255] : memref<128x16xf32, #tpu.memory_space<vmem>>, vector<128x1xf32>
    %get3A_257 = arith.constant 0 : index
    %get3A_258 = arith.constant 3 : index
    %get3A_259 = vector.load %arg5[%get3A_257, %get3A_258] : memref<128x16xf32, #tpu.memory_space<vmem>>, vector<128x1xf32>
    %get3A_260 = arith.constant 0 : index
    %get3A_261 = arith.constant 3 : index
    %get3A_262 = vector.load %arg6[%get3A_260, %get3A_261] : memref<128x16xf32, #tpu.memory_space<vmem>>, vector<128x1xf32>
    %get3A_263 = arith.constant 0 : index
    %get3A_264 = arith.constant 3 : index
    %get3A_265 = vector.load %arg7[%get3A_263, %get3A_264] : memref<128x16xf32, #tpu.memory_space<vmem>>, vector<128x1xf32>
    %sub3A_266 = arith.subf %get3A_262, %get3A_256 : vector<128x1xf32>
    %sub3A_267 = arith.subf %get3A_265, %get3A_259 : vector<128x1xf32>
    %mul3A_268 = arith.mulf %sub3A_266, %sub3A_267 : vector<128x1xf32>
    %min3A_269 = vector.broadcast %get3A_262 : vector<128x1xf32> to vector<128x2048xf32>
    %min3A_270 = vector.broadcast %get3A_7 : vector<1x2048xf32> to vector<128x2048xf32>
    %min3A_271 = arith.minimumf %min3A_269, %min3A_270 : vector<128x2048xf32>
    %max3A_272 = vector.broadcast %get3A_256 : vector<128x1xf32> to vector<128x2048xf32>
    %max3A_273 = vector.broadcast %get3A_1 : vector<1x2048xf32> to vector<128x2048xf32>
    %max3A_274 = arith.maximumf %max3A_272, %max3A_273 : vector<128x2048xf32>
    %sub3A_275 = arith.subf %min3A_271, %max3A_274 : vector<128x2048xf32>
    %max3A_276 = arith.constant 0.000000e+00 : f32
    %max3A_277 = vector.broadcast %max3A_276 : f32 to vector<128x2048xf32>
    %max3A_278 = arith.maximumf %sub3A_275, %max3A_277 : vector<128x2048xf32>
    %min3A_279 = vector.broadcast %get3A_265 : vector<128x1xf32> to vector<128x2048xf32>
    %min3A_280 = vector.broadcast %get3A_10 : vector<1x2048xf32> to vector<128x2048xf32>
    %min3A_281 = arith.minimumf %min3A_279, %min3A_280 : vector<128x2048xf32>
    %max3A_282 = vector.broadcast %get3A_259 : vector<128x1xf32> to vector<128x2048xf32>
    %max3A_283 = vector.broadcast %get3A_4 : vector<1x2048xf32> to vector<128x2048xf32>
    %max3A_284 = arith.maximumf %max3A_282, %max3A_283 : vector<128x2048xf32>
    %sub3A_285 = arith.subf %min3A_281, %max3A_284 : vector<128x2048xf32>
    %max3A_286 = arith.constant 0.000000e+00 : f32
    %max3A_287 = vector.broadcast %max3A_286 : f32 to vector<128x2048xf32>
    %max3A_288 = arith.maximumf %sub3A_285, %max3A_287 : vector<128x2048xf32>
    %mul3A_289 = arith.mulf %max3A_278, %max3A_288 : vector<128x2048xf32>
    %add3A_290 = vector.broadcast %mul3A_268 : vector<128x1xf32> to vector<128x2048xf32>
    %add3A_291 = vector.broadcast %mul3A : vector<1x2048xf32> to vector<128x2048xf32>
    %add3A_292 = arith.addf %add3A_290, %add3A_291 : vector<128x2048xf32>
    %sub3A_293 = arith.subf %add3A_292, %mul3A_289 : vector<128x2048xf32>
    %max3A_294 = arith.constant 9.99999971E-10 : f32
    %max3A_295 = vector.broadcast %max3A_294 : f32 to vector<128x2048xf32>
    %max3A_296 = arith.maximumf %sub3A_293, %max3A_295 : vector<128x2048xf32>
    %mul3A_297 = arith.constant 0.699999988 : f32
    %mul3A_298 = vector.broadcast %mul3A_297 : f32 to vector<128x2048xf32>
    %mul3A_299 = arith.mulf %mul3A_298, %max3A_296 : vector<128x2048xf32>
    %gt3A_300 = arith.cmpf ogt, %mul3A_289, %mul3A_299 : vector<128x2048xf32>
    %convert_element_type3A_301 = arith.extui %gt3A_300 : vector<128x2048xi1> to vector<128x2048xi32>
    %convert_element_type3A_302 = arith.sitofp %convert_element_type3A_301 : vector<128x2048xi32> to vector<128x2048xf32>
    %slice3A_303 = vector.extract_strided_slice %convert_element_type3A_302 {offsets = [0, 384], sizes = [128, 128], strides = [1, 1]} : vector<128x2048xf32> to vector<128x128xf32>
    %jit3A_304 = arith.constant 0.000000e+00 : f32
    %broadcast_in_dim3A_305 = vector.broadcast %jit3A_304 : f32 to vector<128x128xf32>
    %select_n3A_306 = arith.select %lt3A_16, %slice3A_303, %broadcast_in_dim3A_305 : vector<128x128xi1>, vector<128x128xf32>
    %slice3A_307 = vector.extract_strided_slice %and3A_253 {offsets = [0, 384], sizes = [1, 128], strides = [1, 1]} : vector<1x2048xi1> to vector<1x128xi1>
    %convert_element_type3A_308 = arith.extui %slice3A_307 : vector<1x128xi1> to vector<1x128xi32>
    %convert_element_type3A_309 = arith.sitofp %convert_element_type3A_308 : vector<1x128xi32> to vector<1x128xf32>
    %while3A_310 = arith.constant false
    %while3A_311:3 = scf.while (%while3A_2087 = %convert_element_type3A_309, %while3A_2088 = %convert_element_type3A_309, %while3A_2089 = %while3A_310) : (vector<1x128xf32>, vector<1x128xf32>, i1) -> (vector<1x128xf32>, vector<1x128xf32>, i1) {
      %not3A_2090 = arith.constant true
      %not3A_2091 = arith.xori %while3A_2089, %not3A_2090 : i1
      scf.condition(%not3A_2091) %while3A_2087, %while3A_2088, %while3A_2089 : vector<1x128xf32>, vector<1x128xf32>, i1
    } do {
    ^bb0(%while3A_2087: vector<1x128xf32>, %while3A_2088: vector<1x128xf32>, %while3A_2089: i1):
      %dot_general3A_2090 = arith.constant dense<0.000000e+00> : vector<1x128xf32>
      %dot_general3A_2091 = tpu.matmul %while3A_2087, %select_n3A_306, %dot_general3A_2090 {dimension_numbers = #tpu.dot_dimension_numbers<[1], [0], [0], [1], [0, 0, 1, 1], [], []>, transpose_lhs_hint = false} : vector<1x128xf32>, vector<128x128xf32>, vector<1x128xf32> -> vector<1x128xf32>
      %gt3A_2092 = arith.constant 0.000000e+00 : f32
      %gt3A_2093 = vector.broadcast %gt3A_2092 : f32 to vector<1x128xf32>
      %gt3A_2094 = arith.cmpf ogt, %dot_general3A_2091, %gt3A_2093 : vector<1x128xf32>
      %jit3A_2095 = arith.constant 0.000000e+00 : f32
      %broadcast_in_dim3A_2096 = vector.broadcast %jit3A_2095 : f32 to vector<1x128xf32>
      %select_n3A_2097 = arith.select %gt3A_2094, %broadcast_in_dim3A_2096, %while3A_2087 : vector<1x128xi1>, vector<1x128xf32>
      %dot_general3A_2098 = arith.constant dense<0.000000e+00> : vector<1x128xf32>
      %dot_general3A_2099 = tpu.matmul %select_n3A_2097, %select_n3A_306, %dot_general3A_2098 {dimension_numbers = #tpu.dot_dimension_numbers<[1], [0], [0], [1], [0, 0, 1, 1], [], []>, transpose_lhs_hint = false} : vector<1x128xf32>, vector<128x128xf32>, vector<1x128xf32> -> vector<1x128xf32>
      %gt3A_2100 = arith.constant 0.000000e+00 : f32
      %gt3A_2101 = vector.broadcast %gt3A_2100 : f32 to vector<1x128xf32>
      %gt3A_2102 = arith.cmpf ogt, %dot_general3A_2099, %gt3A_2101 : vector<1x128xf32>
      %jit3A_2103 = arith.constant 0.000000e+00 : f32
      %broadcast_in_dim3A_2104 = vector.broadcast %jit3A_2103 : f32 to vector<1x128xf32>
      %select_n3A_2105 = arith.select %gt3A_2102, %broadcast_in_dim3A_2104, %while3A_2087 : vector<1x128xi1>, vector<1x128xf32>
      %eq3A_2106 = arith.cmpf oeq, %select_n3A_2105, %while3A_2087 : vector<1x128xf32>
      %reduce_and3A = arith.constant 1.000000e+00 : f32
      %reduce_and3A_2107 = arith.constant 0.000000e+00 : f32
      %reduce_and3A_2108 = vector.broadcast %reduce_and3A : f32 to vector<1x128xf32>
      %reduce_and3A_2109 = vector.broadcast %reduce_and3A_2107 : f32 to vector<1x128xf32>
      %reduce_and3A_2110 = arith.select %eq3A_2106, %reduce_and3A_2108, %reduce_and3A_2109 : vector<1x128xi1>, vector<1x128xf32>
      %reduce_and3A_2111 = vector.shape_cast %reduce_and3A_2110 : vector<1x128xf32> to vector<1x1x128xf32>
      %reduce_and3A_2112 = arith.constant dense<0x7F800000> : vector<1xf32>
      %reduce_and3A_2113 = vector.multi_reduction <minimumf>, %reduce_and3A_2111, %reduce_and3A_2112 [1, 2] : vector<1x1x128xf32> to vector<1xf32>
      %reduce_and3A_2114 = vector.shape_cast %reduce_and3A_2113 : vector<1xf32> to vector<1x1x1xf32>
      %reduce_and3A_2115 = vector.extract %reduce_and3A_2114[0, 0, 0] : f32 from vector<1x1x1xf32>
      %reduce_and3A_2116 = arith.constant 0.000000e+00 : f32
      %reduce_and3A_2117 = arith.cmpf ogt, %reduce_and3A_2115, %reduce_and3A_2116 : f32
      scf.yield %select_n3A_2105, %select_n3A_2097, %reduce_and3A_2117 : vector<1x128xf32>, vector<1x128xf32>, i1
    }
    %dot_general3A_312 = arith.constant dense<0.000000e+00> : vector<1x2048xf32>
    %dot_general3A_313 = tpu.matmul %while3A_311#1, %convert_element_type3A_302, %dot_general3A_312 {dimension_numbers = #tpu.dot_dimension_numbers<[1], [0], [0], [1], [0, 0, 1, 1], [], []>, transpose_lhs_hint = false} : vector<1x128xf32>, vector<128x2048xf32>, vector<1x2048xf32> -> vector<1x2048xf32>
    %gt3A_314 = arith.constant 0.000000e+00 : f32
    %gt3A_315 = vector.broadcast %gt3A_314 : f32 to vector<1x2048xf32>
    %gt3A_316 = arith.cmpf ogt, %dot_general3A_313, %gt3A_315 : vector<1x2048xf32>
    %ge3A_317 = arith.constant 512 : i32
    %ge3A_318 = vector.broadcast %ge3A_317 : i32 to vector<1x2048xi32>
    %ge3A_319 = arith.cmpi sge, %iota3A, %ge3A_318 : vector<1x2048xi32>
    %and3A_320 = arith.andi %gt3A_316, %ge3A_319 : vector<1x2048xi1>
    %gt3A_321 = arith.constant 0.000000e+00 : f32
    %gt3A_322 = vector.broadcast %gt3A_321 : f32 to vector<1x128xf32>
    %gt3A_323 = arith.cmpf ogt, %convert_element_type3A_309, %gt3A_322 : vector<1x128xf32>
    %gt3A_324 = arith.constant 0.000000e+00 : f32
    %gt3A_325 = vector.broadcast %gt3A_324 : f32 to vector<1x128xf32>
    %gt3A_326 = arith.cmpf ogt, %while3A_311#1, %gt3A_325 : vector<1x128xf32>
    %not3A_327 = arith.constant dense<true> : vector<1x128xi1>
    %not3A_328 = arith.xori %gt3A_326, %not3A_327 : vector<1x128xi1>
    %and3A_329 = arith.andi %gt3A_323, %not3A_328 : vector<1x128xi1>
    %broadcast_in_dim3A_330 = arith.constant false
    %broadcast_in_dim3A_331 = vector.broadcast %broadcast_in_dim3A_330 : i1 to vector<1x384xi1>
    %broadcast_in_dim3A_332 = arith.constant false
    %broadcast_in_dim3A_333 = vector.broadcast %broadcast_in_dim3A_332 : i1 to vector<1x1536xi1>
    %concatenate3A_334 = tpu.concatenate %broadcast_in_dim3A_331, %and3A_329, %broadcast_in_dim3A_333 in 1 : vector<1x384xi1>, vector<1x128xi1>, vector<1x1536xi1> -> vector<1x2048xi1>
    %or3A_335 = arith.ori %and3A_320, %concatenate3A_334 : vector<1x2048xi1>
    %not3A_336 = arith.constant dense<true> : vector<1x2048xi1>
    %not3A_337 = arith.xori %or3A_335, %not3A_336 : vector<1x2048xi1>
    %and3A_338 = arith.andi %and3A_253, %not3A_337 : vector<1x2048xi1>
    %get3A_339 = arith.constant 0 : index
    %get3A_340 = arith.constant 4 : index
    %get3A_341 = vector.load %arg4[%get3A_339, %get3A_340] : memref<128x16xf32, #tpu.memory_space<vmem>>, vector<128x1xf32>
    %get3A_342 = arith.constant 0 : index
    %get3A_343 = arith.constant 4 : index
    %get3A_344 = vector.load %arg5[%get3A_342, %get3A_343] : memref<128x16xf32, #tpu.memory_space<vmem>>, vector<128x1xf32>
    %get3A_345 = arith.constant 0 : index
    %get3A_346 = arith.constant 4 : index
    %get3A_347 = vector.load %arg6[%get3A_345, %get3A_346] : memref<128x16xf32, #tpu.memory_space<vmem>>, vector<128x1xf32>
    %get3A_348 = arith.constant 0 : index
    %get3A_349 = arith.constant 4 : index
    %get3A_350 = vector.load %arg7[%get3A_348, %get3A_349] : memref<128x16xf32, #tpu.memory_space<vmem>>, vector<128x1xf32>
    %sub3A_351 = arith.subf %get3A_347, %get3A_341 : vector<128x1xf32>
    %sub3A_352 = arith.subf %get3A_350, %get3A_344 : vector<128x1xf32>
    %mul3A_353 = arith.mulf %sub3A_351, %sub3A_352 : vector<128x1xf32>
    %min3A_354 = vector.broadcast %get3A_347 : vector<128x1xf32> to vector<128x2048xf32>
    %min3A_355 = vector.broadcast %get3A_7 : vector<1x2048xf32> to vector<128x2048xf32>
    %min3A_356 = arith.minimumf %min3A_354, %min3A_355 : vector<128x2048xf32>
    %max3A_357 = vector.broadcast %get3A_341 : vector<128x1xf32> to vector<128x2048xf32>
    %max3A_358 = vector.broadcast %get3A_1 : vector<1x2048xf32> to vector<128x2048xf32>
    %max3A_359 = arith.maximumf %max3A_357, %max3A_358 : vector<128x2048xf32>
    %sub3A_360 = arith.subf %min3A_356, %max3A_359 : vector<128x2048xf32>
    %max3A_361 = arith.constant 0.000000e+00 : f32
    %max3A_362 = vector.broadcast %max3A_361 : f32 to vector<128x2048xf32>
    %max3A_363 = arith.maximumf %sub3A_360, %max3A_362 : vector<128x2048xf32>
    %min3A_364 = vector.broadcast %get3A_350 : vector<128x1xf32> to vector<128x2048xf32>
    %min3A_365 = vector.broadcast %get3A_10 : vector<1x2048xf32> to vector<128x2048xf32>
    %min3A_366 = arith.minimumf %min3A_364, %min3A_365 : vector<128x2048xf32>
    %max3A_367 = vector.broadcast %get3A_344 : vector<128x1xf32> to vector<128x2048xf32>
    %max3A_368 = vector.broadcast %get3A_4 : vector<1x2048xf32> to vector<128x2048xf32>
    %max3A_369 = arith.maximumf %max3A_367, %max3A_368 : vector<128x2048xf32>
    %sub3A_370 = arith.subf %min3A_366, %max3A_369 : vector<128x2048xf32>
    %max3A_371 = arith.constant 0.000000e+00 : f32
    %max3A_372 = vector.broadcast %max3A_371 : f32 to vector<128x2048xf32>
    %max3A_373 = arith.maximumf %sub3A_370, %max3A_372 : vector<128x2048xf32>
    %mul3A_374 = arith.mulf %max3A_363, %max3A_373 : vector<128x2048xf32>
    %add3A_375 = vector.broadcast %mul3A_353 : vector<128x1xf32> to vector<128x2048xf32>
    %add3A_376 = vector.broadcast %mul3A : vector<1x2048xf32> to vector<128x2048xf32>
    %add3A_377 = arith.addf %add3A_375, %add3A_376 : vector<128x2048xf32>
    %sub3A_378 = arith.subf %add3A_377, %mul3A_374 : vector<128x2048xf32>
    %max3A_379 = arith.constant 9.99999971E-10 : f32
    %max3A_380 = vector.broadcast %max3A_379 : f32 to vector<128x2048xf32>
    %max3A_381 = arith.maximumf %sub3A_378, %max3A_380 : vector<128x2048xf32>
    %mul3A_382 = arith.constant 0.699999988 : f32
    %mul3A_383 = vector.broadcast %mul3A_382 : f32 to vector<128x2048xf32>
    %mul3A_384 = arith.mulf %mul3A_383, %max3A_381 : vector<128x2048xf32>
    %gt3A_385 = arith.cmpf ogt, %mul3A_374, %mul3A_384 : vector<128x2048xf32>
    %convert_element_type3A_386 = arith.extui %gt3A_385 : vector<128x2048xi1> to vector<128x2048xi32>
    %convert_element_type3A_387 = arith.sitofp %convert_element_type3A_386 : vector<128x2048xi32> to vector<128x2048xf32>
    %slice3A_388 = vector.extract_strided_slice %convert_element_type3A_387 {offsets = [0, 512], sizes = [128, 128], strides = [1, 1]} : vector<128x2048xf32> to vector<128x128xf32>
    %jit3A_389 = arith.constant 0.000000e+00 : f32
    %broadcast_in_dim3A_390 = vector.broadcast %jit3A_389 : f32 to vector<128x128xf32>
    %select_n3A_391 = arith.select %lt3A_16, %slice3A_388, %broadcast_in_dim3A_390 : vector<128x128xi1>, vector<128x128xf32>
    %slice3A_392 = vector.extract_strided_slice %and3A_338 {offsets = [0, 512], sizes = [1, 128], strides = [1, 1]} : vector<1x2048xi1> to vector<1x128xi1>
    %convert_element_type3A_393 = arith.extui %slice3A_392 : vector<1x128xi1> to vector<1x128xi32>
    %convert_element_type3A_394 = arith.sitofp %convert_element_type3A_393 : vector<1x128xi32> to vector<1x128xf32>
    %while3A_395 = arith.constant false
    %while3A_396:3 = scf.while (%while3A_2087 = %convert_element_type3A_394, %while3A_2088 = %convert_element_type3A_394, %while3A_2089 = %while3A_395) : (vector<1x128xf32>, vector<1x128xf32>, i1) -> (vector<1x128xf32>, vector<1x128xf32>, i1) {
      %not3A_2090 = arith.constant true
      %not3A_2091 = arith.xori %while3A_2089, %not3A_2090 : i1
      scf.condition(%not3A_2091) %while3A_2087, %while3A_2088, %while3A_2089 : vector<1x128xf32>, vector<1x128xf32>, i1
    } do {
    ^bb0(%while3A_2087: vector<1x128xf32>, %while3A_2088: vector<1x128xf32>, %while3A_2089: i1):
      %dot_general3A_2090 = arith.constant dense<0.000000e+00> : vector<1x128xf32>
      %dot_general3A_2091 = tpu.matmul %while3A_2087, %select_n3A_391, %dot_general3A_2090 {dimension_numbers = #tpu.dot_dimension_numbers<[1], [0], [0], [1], [0, 0, 1, 1], [], []>, transpose_lhs_hint = false} : vector<1x128xf32>, vector<128x128xf32>, vector<1x128xf32> -> vector<1x128xf32>
      %gt3A_2092 = arith.constant 0.000000e+00 : f32
      %gt3A_2093 = vector.broadcast %gt3A_2092 : f32 to vector<1x128xf32>
      %gt3A_2094 = arith.cmpf ogt, %dot_general3A_2091, %gt3A_2093 : vector<1x128xf32>
      %jit3A_2095 = arith.constant 0.000000e+00 : f32
      %broadcast_in_dim3A_2096 = vector.broadcast %jit3A_2095 : f32 to vector<1x128xf32>
      %select_n3A_2097 = arith.select %gt3A_2094, %broadcast_in_dim3A_2096, %while3A_2087 : vector<1x128xi1>, vector<1x128xf32>
      %dot_general3A_2098 = arith.constant dense<0.000000e+00> : vector<1x128xf32>
      %dot_general3A_2099 = tpu.matmul %select_n3A_2097, %select_n3A_391, %dot_general3A_2098 {dimension_numbers = #tpu.dot_dimension_numbers<[1], [0], [0], [1], [0, 0, 1, 1], [], []>, transpose_lhs_hint = false} : vector<1x128xf32>, vector<128x128xf32>, vector<1x128xf32> -> vector<1x128xf32>
      %gt3A_2100 = arith.constant 0.000000e+00 : f32
      %gt3A_2101 = vector.broadcast %gt3A_2100 : f32 to vector<1x128xf32>
      %gt3A_2102 = arith.cmpf ogt, %dot_general3A_2099, %gt3A_2101 : vector<1x128xf32>
      %jit3A_2103 = arith.constant 0.000000e+00 : f32
      %broadcast_in_dim3A_2104 = vector.broadcast %jit3A_2103 : f32 to vector<1x128xf32>
      %select_n3A_2105 = arith.select %gt3A_2102, %broadcast_in_dim3A_2104, %while3A_2087 : vector<1x128xi1>, vector<1x128xf32>
      %eq3A_2106 = arith.cmpf oeq, %select_n3A_2105, %while3A_2087 : vector<1x128xf32>
      %reduce_and3A = arith.constant 1.000000e+00 : f32
      %reduce_and3A_2107 = arith.constant 0.000000e+00 : f32
      %reduce_and3A_2108 = vector.broadcast %reduce_and3A : f32 to vector<1x128xf32>
      %reduce_and3A_2109 = vector.broadcast %reduce_and3A_2107 : f32 to vector<1x128xf32>
      %reduce_and3A_2110 = arith.select %eq3A_2106, %reduce_and3A_2108, %reduce_and3A_2109 : vector<1x128xi1>, vector<1x128xf32>
      %reduce_and3A_2111 = vector.shape_cast %reduce_and3A_2110 : vector<1x128xf32> to vector<1x1x128xf32>
      %reduce_and3A_2112 = arith.constant dense<0x7F800000> : vector<1xf32>
      %reduce_and3A_2113 = vector.multi_reduction <minimumf>, %reduce_and3A_2111, %reduce_and3A_2112 [1, 2] : vector<1x1x128xf32> to vector<1xf32>
      %reduce_and3A_2114 = vector.shape_cast %reduce_and3A_2113 : vector<1xf32> to vector<1x1x1xf32>
      %reduce_and3A_2115 = vector.extract %reduce_and3A_2114[0, 0, 0] : f32 from vector<1x1x1xf32>
      %reduce_and3A_2116 = arith.constant 0.000000e+00 : f32
      %reduce_and3A_2117 = arith.cmpf ogt, %reduce_and3A_2115, %reduce_and3A_2116 : f32
      scf.yield %select_n3A_2105, %select_n3A_2097, %reduce_and3A_2117 : vector<1x128xf32>, vector<1x128xf32>, i1
    }
    %dot_general3A_397 = arith.constant dense<0.000000e+00> : vector<1x2048xf32>
    %dot_general3A_398 = tpu.matmul %while3A_396#1, %convert_element_type3A_387, %dot_general3A_397 {dimension_numbers = #tpu.dot_dimension_numbers<[1], [0], [0], [1], [0, 0, 1, 1], [], []>, transpose_lhs_hint = false} : vector<1x128xf32>, vector<128x2048xf32>, vector<1x2048xf32> -> vector<1x2048xf32>
    %gt3A_399 = arith.constant 0.000000e+00 : f32
    %gt3A_400 = vector.broadcast %gt3A_399 : f32 to vector<1x2048xf32>
    %gt3A_401 = arith.cmpf ogt, %dot_general3A_398, %gt3A_400 : vector<1x2048xf32>
    %ge3A_402 = arith.constant 640 : i32
    %ge3A_403 = vector.broadcast %ge3A_402 : i32 to vector<1x2048xi32>
    %ge3A_404 = arith.cmpi sge, %iota3A, %ge3A_403 : vector<1x2048xi32>
    %and3A_405 = arith.andi %gt3A_401, %ge3A_404 : vector<1x2048xi1>
    %gt3A_406 = arith.constant 0.000000e+00 : f32
    %gt3A_407 = vector.broadcast %gt3A_406 : f32 to vector<1x128xf32>
    %gt3A_408 = arith.cmpf ogt, %convert_element_type3A_394, %gt3A_407 : vector<1x128xf32>
    %gt3A_409 = arith.constant 0.000000e+00 : f32
    %gt3A_410 = vector.broadcast %gt3A_409 : f32 to vector<1x128xf32>
    %gt3A_411 = arith.cmpf ogt, %while3A_396#1, %gt3A_410 : vector<1x128xf32>
    %not3A_412 = arith.constant dense<true> : vector<1x128xi1>
    %not3A_413 = arith.xori %gt3A_411, %not3A_412 : vector<1x128xi1>
    %and3A_414 = arith.andi %gt3A_408, %not3A_413 : vector<1x128xi1>
    %broadcast_in_dim3A_415 = arith.constant false
    %broadcast_in_dim3A_416 = vector.broadcast %broadcast_in_dim3A_415 : i1 to vector<1x512xi1>
    %broadcast_in_dim3A_417 = arith.constant false
    %broadcast_in_dim3A_418 = vector.broadcast %broadcast_in_dim3A_417 : i1 to vector<1x1408xi1>
    %concatenate3A_419 = tpu.concatenate %broadcast_in_dim3A_416, %and3A_414, %broadcast_in_dim3A_418 in 1 : vector<1x512xi1>, vector<1x128xi1>, vector<1x1408xi1> -> vector<1x2048xi1>
    %or3A_420 = arith.ori %and3A_405, %concatenate3A_419 : vector<1x2048xi1>
    %not3A_421 = arith.constant dense<true> : vector<1x2048xi1>
    %not3A_422 = arith.xori %or3A_420, %not3A_421 : vector<1x2048xi1>
    %and3A_423 = arith.andi %and3A_338, %not3A_422 : vector<1x2048xi1>
    %get3A_424 = arith.constant 0 : index
    %get3A_425 = arith.constant 5 : index
    %get3A_426 = vector.load %arg4[%get3A_424, %get3A_425] : memref<128x16xf32, #tpu.memory_space<vmem>>, vector<128x1xf32>
    %get3A_427 = arith.constant 0 : index
    %get3A_428 = arith.constant 5 : index
    %get3A_429 = vector.load %arg5[%get3A_427, %get3A_428] : memref<128x16xf32, #tpu.memory_space<vmem>>, vector<128x1xf32>
    %get3A_430 = arith.constant 0 : index
    %get3A_431 = arith.constant 5 : index
    %get3A_432 = vector.load %arg6[%get3A_430, %get3A_431] : memref<128x16xf32, #tpu.memory_space<vmem>>, vector<128x1xf32>
    %get3A_433 = arith.constant 0 : index
    %get3A_434 = arith.constant 5 : index
    %get3A_435 = vector.load %arg7[%get3A_433, %get3A_434] : memref<128x16xf32, #tpu.memory_space<vmem>>, vector<128x1xf32>
    %sub3A_436 = arith.subf %get3A_432, %get3A_426 : vector<128x1xf32>
    %sub3A_437 = arith.subf %get3A_435, %get3A_429 : vector<128x1xf32>
    %mul3A_438 = arith.mulf %sub3A_436, %sub3A_437 : vector<128x1xf32>
    %min3A_439 = vector.broadcast %get3A_432 : vector<128x1xf32> to vector<128x2048xf32>
    %min3A_440 = vector.broadcast %get3A_7 : vector<1x2048xf32> to vector<128x2048xf32>
    %min3A_441 = arith.minimumf %min3A_439, %min3A_440 : vector<128x2048xf32>
    %max3A_442 = vector.broadcast %get3A_426 : vector<128x1xf32> to vector<128x2048xf32>
    %max3A_443 = vector.broadcast %get3A_1 : vector<1x2048xf32> to vector<128x2048xf32>
    %max3A_444 = arith.maximumf %max3A_442, %max3A_443 : vector<128x2048xf32>
    %sub3A_445 = arith.subf %min3A_441, %max3A_444 : vector<128x2048xf32>
    %max3A_446 = arith.constant 0.000000e+00 : f32
    %max3A_447 = vector.broadcast %max3A_446 : f32 to vector<128x2048xf32>
    %max3A_448 = arith.maximumf %sub3A_445, %max3A_447 : vector<128x2048xf32>
    %min3A_449 = vector.broadcast %get3A_435 : vector<128x1xf32> to vector<128x2048xf32>
    %min3A_450 = vector.broadcast %get3A_10 : vector<1x2048xf32> to vector<128x2048xf32>
    %min3A_451 = arith.minimumf %min3A_449, %min3A_450 : vector<128x2048xf32>
    %max3A_452 = vector.broadcast %get3A_429 : vector<128x1xf32> to vector<128x2048xf32>
    %max3A_453 = vector.broadcast %get3A_4 : vector<1x2048xf32> to vector<128x2048xf32>
    %max3A_454 = arith.maximumf %max3A_452, %max3A_453 : vector<128x2048xf32>
    %sub3A_455 = arith.subf %min3A_451, %max3A_454 : vector<128x2048xf32>
    %max3A_456 = arith.constant 0.000000e+00 : f32
    %max3A_457 = vector.broadcast %max3A_456 : f32 to vector<128x2048xf32>
    %max3A_458 = arith.maximumf %sub3A_455, %max3A_457 : vector<128x2048xf32>
    %mul3A_459 = arith.mulf %max3A_448, %max3A_458 : vector<128x2048xf32>
    %add3A_460 = vector.broadcast %mul3A_438 : vector<128x1xf32> to vector<128x2048xf32>
    %add3A_461 = vector.broadcast %mul3A : vector<1x2048xf32> to vector<128x2048xf32>
    %add3A_462 = arith.addf %add3A_460, %add3A_461 : vector<128x2048xf32>
    %sub3A_463 = arith.subf %add3A_462, %mul3A_459 : vector<128x2048xf32>
    %max3A_464 = arith.constant 9.99999971E-10 : f32
    %max3A_465 = vector.broadcast %max3A_464 : f32 to vector<128x2048xf32>
    %max3A_466 = arith.maximumf %sub3A_463, %max3A_465 : vector<128x2048xf32>
    %mul3A_467 = arith.constant 0.699999988 : f32
    %mul3A_468 = vector.broadcast %mul3A_467 : f32 to vector<128x2048xf32>
    %mul3A_469 = arith.mulf %mul3A_468, %max3A_466 : vector<128x2048xf32>
    %gt3A_470 = arith.cmpf ogt, %mul3A_459, %mul3A_469 : vector<128x2048xf32>
    %convert_element_type3A_471 = arith.extui %gt3A_470 : vector<128x2048xi1> to vector<128x2048xi32>
    %convert_element_type3A_472 = arith.sitofp %convert_element_type3A_471 : vector<128x2048xi32> to vector<128x2048xf32>
    %slice3A_473 = vector.extract_strided_slice %convert_element_type3A_472 {offsets = [0, 640], sizes = [128, 128], strides = [1, 1]} : vector<128x2048xf32> to vector<128x128xf32>
    %jit3A_474 = arith.constant 0.000000e+00 : f32
    %broadcast_in_dim3A_475 = vector.broadcast %jit3A_474 : f32 to vector<128x128xf32>
    %select_n3A_476 = arith.select %lt3A_16, %slice3A_473, %broadcast_in_dim3A_475 : vector<128x128xi1>, vector<128x128xf32>
    %slice3A_477 = vector.extract_strided_slice %and3A_423 {offsets = [0, 640], sizes = [1, 128], strides = [1, 1]} : vector<1x2048xi1> to vector<1x128xi1>
    %convert_element_type3A_478 = arith.extui %slice3A_477 : vector<1x128xi1> to vector<1x128xi32>
    %convert_element_type3A_479 = arith.sitofp %convert_element_type3A_478 : vector<1x128xi32> to vector<1x128xf32>
    %while3A_480 = arith.constant false
    %while3A_481:3 = scf.while (%while3A_2087 = %convert_element_type3A_479, %while3A_2088 = %convert_element_type3A_479, %while3A_2089 = %while3A_480) : (vector<1x128xf32>, vector<1x128xf32>, i1) -> (vector<1x128xf32>, vector<1x128xf32>, i1) {
      %not3A_2090 = arith.constant true
      %not3A_2091 = arith.xori %while3A_2089, %not3A_2090 : i1
      scf.condition(%not3A_2091) %while3A_2087, %while3A_2088, %while3A_2089 : vector<1x128xf32>, vector<1x128xf32>, i1
    } do {
    ^bb0(%while3A_2087: vector<1x128xf32>, %while3A_2088: vector<1x128xf32>, %while3A_2089: i1):
      %dot_general3A_2090 = arith.constant dense<0.000000e+00> : vector<1x128xf32>
      %dot_general3A_2091 = tpu.matmul %while3A_2087, %select_n3A_476, %dot_general3A_2090 {dimension_numbers = #tpu.dot_dimension_numbers<[1], [0], [0], [1], [0, 0, 1, 1], [], []>, transpose_lhs_hint = false} : vector<1x128xf32>, vector<128x128xf32>, vector<1x128xf32> -> vector<1x128xf32>
      %gt3A_2092 = arith.constant 0.000000e+00 : f32
      %gt3A_2093 = vector.broadcast %gt3A_2092 : f32 to vector<1x128xf32>
      %gt3A_2094 = arith.cmpf ogt, %dot_general3A_2091, %gt3A_2093 : vector<1x128xf32>
      %jit3A_2095 = arith.constant 0.000000e+00 : f32
      %broadcast_in_dim3A_2096 = vector.broadcast %jit3A_2095 : f32 to vector<1x128xf32>
      %select_n3A_2097 = arith.select %gt3A_2094, %broadcast_in_dim3A_2096, %while3A_2087 : vector<1x128xi1>, vector<1x128xf32>
      %dot_general3A_2098 = arith.constant dense<0.000000e+00> : vector<1x128xf32>
      %dot_general3A_2099 = tpu.matmul %select_n3A_2097, %select_n3A_476, %dot_general3A_2098 {dimension_numbers = #tpu.dot_dimension_numbers<[1], [0], [0], [1], [0, 0, 1, 1], [], []>, transpose_lhs_hint = false} : vector<1x128xf32>, vector<128x128xf32>, vector<1x128xf32> -> vector<1x128xf32>
      %gt3A_2100 = arith.constant 0.000000e+00 : f32
      %gt3A_2101 = vector.broadcast %gt3A_2100 : f32 to vector<1x128xf32>
      %gt3A_2102 = arith.cmpf ogt, %dot_general3A_2099, %gt3A_2101 : vector<1x128xf32>
      %jit3A_2103 = arith.constant 0.000000e+00 : f32
      %broadcast_in_dim3A_2104 = vector.broadcast %jit3A_2103 : f32 to vector<1x128xf32>
      %select_n3A_2105 = arith.select %gt3A_2102, %broadcast_in_dim3A_2104, %while3A_2087 : vector<1x128xi1>, vector<1x128xf32>
      %eq3A_2106 = arith.cmpf oeq, %select_n3A_2105, %while3A_2087 : vector<1x128xf32>
      %reduce_and3A = arith.constant 1.000000e+00 : f32
      %reduce_and3A_2107 = arith.constant 0.000000e+00 : f32
      %reduce_and3A_2108 = vector.broadcast %reduce_and3A : f32 to vector<1x128xf32>
      %reduce_and3A_2109 = vector.broadcast %reduce_and3A_2107 : f32 to vector<1x128xf32>
      %reduce_and3A_2110 = arith.select %eq3A_2106, %reduce_and3A_2108, %reduce_and3A_2109 : vector<1x128xi1>, vector<1x128xf32>
      %reduce_and3A_2111 = vector.shape_cast %reduce_and3A_2110 : vector<1x128xf32> to vector<1x1x128xf32>
      %reduce_and3A_2112 = arith.constant dense<0x7F800000> : vector<1xf32>
      %reduce_and3A_2113 = vector.multi_reduction <minimumf>, %reduce_and3A_2111, %reduce_and3A_2112 [1, 2] : vector<1x1x128xf32> to vector<1xf32>
      %reduce_and3A_2114 = vector.shape_cast %reduce_and3A_2113 : vector<1xf32> to vector<1x1x1xf32>
      %reduce_and3A_2115 = vector.extract %reduce_and3A_2114[0, 0, 0] : f32 from vector<1x1x1xf32>
      %reduce_and3A_2116 = arith.constant 0.000000e+00 : f32
      %reduce_and3A_2117 = arith.cmpf ogt, %reduce_and3A_2115, %reduce_and3A_2116 : f32
      scf.yield %select_n3A_2105, %select_n3A_2097, %reduce_and3A_2117 : vector<1x128xf32>, vector<1x128xf32>, i1
    }
    %dot_general3A_482 = arith.constant dense<0.000000e+00> : vector<1x2048xf32>
    %dot_general3A_483 = tpu.matmul %while3A_481#1, %convert_element_type3A_472, %dot_general3A_482 {dimension_numbers = #tpu.dot_dimension_numbers<[1], [0], [0], [1], [0, 0, 1, 1], [], []>, transpose_lhs_hint = false} : vector<1x128xf32>, vector<128x2048xf32>, vector<1x2048xf32> -> vector<1x2048xf32>
    %gt3A_484 = arith.constant 0.000000e+00 : f32
    %gt3A_485 = vector.broadcast %gt3A_484 : f32 to vector<1x2048xf32>
    %gt3A_486 = arith.cmpf ogt, %dot_general3A_483, %gt3A_485 : vector<1x2048xf32>
    %ge3A_487 = arith.constant 768 : i32
    %ge3A_488 = vector.broadcast %ge3A_487 : i32 to vector<1x2048xi32>
    %ge3A_489 = arith.cmpi sge, %iota3A, %ge3A_488 : vector<1x2048xi32>
    %and3A_490 = arith.andi %gt3A_486, %ge3A_489 : vector<1x2048xi1>
    %gt3A_491 = arith.constant 0.000000e+00 : f32
    %gt3A_492 = vector.broadcast %gt3A_491 : f32 to vector<1x128xf32>
    %gt3A_493 = arith.cmpf ogt, %convert_element_type3A_479, %gt3A_492 : vector<1x128xf32>
    %gt3A_494 = arith.constant 0.000000e+00 : f32
    %gt3A_495 = vector.broadcast %gt3A_494 : f32 to vector<1x128xf32>
    %gt3A_496 = arith.cmpf ogt, %while3A_481#1, %gt3A_495 : vector<1x128xf32>
    %not3A_497 = arith.constant dense<true> : vector<1x128xi1>
    %not3A_498 = arith.xori %gt3A_496, %not3A_497 : vector<1x128xi1>
    %and3A_499 = arith.andi %gt3A_493, %not3A_498 : vector<1x128xi1>
    %broadcast_in_dim3A_500 = arith.constant false
    %broadcast_in_dim3A_501 = vector.broadcast %broadcast_in_dim3A_500 : i1 to vector<1x640xi1>
    %broadcast_in_dim3A_502 = arith.constant false
    %broadcast_in_dim3A_503 = vector.broadcast %broadcast_in_dim3A_502 : i1 to vector<1x1280xi1>
    %concatenate3A_504 = tpu.concatenate %broadcast_in_dim3A_501, %and3A_499, %broadcast_in_dim3A_503 in 1 : vector<1x640xi1>, vector<1x128xi1>, vector<1x1280xi1> -> vector<1x2048xi1>
    %or3A_505 = arith.ori %and3A_490, %concatenate3A_504 : vector<1x2048xi1>
    %not3A_506 = arith.constant dense<true> : vector<1x2048xi1>
    %not3A_507 = arith.xori %or3A_505, %not3A_506 : vector<1x2048xi1>
    %and3A_508 = arith.andi %and3A_423, %not3A_507 : vector<1x2048xi1>
    %get3A_509 = arith.constant 0 : index
    %get3A_510 = arith.constant 6 : index
    %get3A_511 = vector.load %arg4[%get3A_509, %get3A_510] : memref<128x16xf32, #tpu.memory_space<vmem>>, vector<128x1xf32>
    %get3A_512 = arith.constant 0 : index
    %get3A_513 = arith.constant 6 : index
    %get3A_514 = vector.load %arg5[%get3A_512, %get3A_513] : memref<128x16xf32, #tpu.memory_space<vmem>>, vector<128x1xf32>
    %get3A_515 = arith.constant 0 : index
    %get3A_516 = arith.constant 6 : index
    %get3A_517 = vector.load %arg6[%get3A_515, %get3A_516] : memref<128x16xf32, #tpu.memory_space<vmem>>, vector<128x1xf32>
    %get3A_518 = arith.constant 0 : index
    %get3A_519 = arith.constant 6 : index
    %get3A_520 = vector.load %arg7[%get3A_518, %get3A_519] : memref<128x16xf32, #tpu.memory_space<vmem>>, vector<128x1xf32>
    %sub3A_521 = arith.subf %get3A_517, %get3A_511 : vector<128x1xf32>
    %sub3A_522 = arith.subf %get3A_520, %get3A_514 : vector<128x1xf32>
    %mul3A_523 = arith.mulf %sub3A_521, %sub3A_522 : vector<128x1xf32>
    %min3A_524 = vector.broadcast %get3A_517 : vector<128x1xf32> to vector<128x2048xf32>
    %min3A_525 = vector.broadcast %get3A_7 : vector<1x2048xf32> to vector<128x2048xf32>
    %min3A_526 = arith.minimumf %min3A_524, %min3A_525 : vector<128x2048xf32>
    %max3A_527 = vector.broadcast %get3A_511 : vector<128x1xf32> to vector<128x2048xf32>
    %max3A_528 = vector.broadcast %get3A_1 : vector<1x2048xf32> to vector<128x2048xf32>
    %max3A_529 = arith.maximumf %max3A_527, %max3A_528 : vector<128x2048xf32>
    %sub3A_530 = arith.subf %min3A_526, %max3A_529 : vector<128x2048xf32>
    %max3A_531 = arith.constant 0.000000e+00 : f32
    %max3A_532 = vector.broadcast %max3A_531 : f32 to vector<128x2048xf32>
    %max3A_533 = arith.maximumf %sub3A_530, %max3A_532 : vector<128x2048xf32>
    %min3A_534 = vector.broadcast %get3A_520 : vector<128x1xf32> to vector<128x2048xf32>
    %min3A_535 = vector.broadcast %get3A_10 : vector<1x2048xf32> to vector<128x2048xf32>
    %min3A_536 = arith.minimumf %min3A_534, %min3A_535 : vector<128x2048xf32>
    %max3A_537 = vector.broadcast %get3A_514 : vector<128x1xf32> to vector<128x2048xf32>
    %max3A_538 = vector.broadcast %get3A_4 : vector<1x2048xf32> to vector<128x2048xf32>
    %max3A_539 = arith.maximumf %max3A_537, %max3A_538 : vector<128x2048xf32>
    %sub3A_540 = arith.subf %min3A_536, %max3A_539 : vector<128x2048xf32>
    %max3A_541 = arith.constant 0.000000e+00 : f32
    %max3A_542 = vector.broadcast %max3A_541 : f32 to vector<128x2048xf32>
    %max3A_543 = arith.maximumf %sub3A_540, %max3A_542 : vector<128x2048xf32>
    %mul3A_544 = arith.mulf %max3A_533, %max3A_543 : vector<128x2048xf32>
    %add3A_545 = vector.broadcast %mul3A_523 : vector<128x1xf32> to vector<128x2048xf32>
    %add3A_546 = vector.broadcast %mul3A : vector<1x2048xf32> to vector<128x2048xf32>
    %add3A_547 = arith.addf %add3A_545, %add3A_546 : vector<128x2048xf32>
    %sub3A_548 = arith.subf %add3A_547, %mul3A_544 : vector<128x2048xf32>
    %max3A_549 = arith.constant 9.99999971E-10 : f32
    %max3A_550 = vector.broadcast %max3A_549 : f32 to vector<128x2048xf32>
    %max3A_551 = arith.maximumf %sub3A_548, %max3A_550 : vector<128x2048xf32>
    %mul3A_552 = arith.constant 0.699999988 : f32
    %mul3A_553 = vector.broadcast %mul3A_552 : f32 to vector<128x2048xf32>
    %mul3A_554 = arith.mulf %mul3A_553, %max3A_551 : vector<128x2048xf32>
    %gt3A_555 = arith.cmpf ogt, %mul3A_544, %mul3A_554 : vector<128x2048xf32>
    %convert_element_type3A_556 = arith.extui %gt3A_555 : vector<128x2048xi1> to vector<128x2048xi32>
    %convert_element_type3A_557 = arith.sitofp %convert_element_type3A_556 : vector<128x2048xi32> to vector<128x2048xf32>
    %slice3A_558 = vector.extract_strided_slice %convert_element_type3A_557 {offsets = [0, 768], sizes = [128, 128], strides = [1, 1]} : vector<128x2048xf32> to vector<128x128xf32>
    %jit3A_559 = arith.constant 0.000000e+00 : f32
    %broadcast_in_dim3A_560 = vector.broadcast %jit3A_559 : f32 to vector<128x128xf32>
    %select_n3A_561 = arith.select %lt3A_16, %slice3A_558, %broadcast_in_dim3A_560 : vector<128x128xi1>, vector<128x128xf32>
    %slice3A_562 = vector.extract_strided_slice %and3A_508 {offsets = [0, 768], sizes = [1, 128], strides = [1, 1]} : vector<1x2048xi1> to vector<1x128xi1>
    %convert_element_type3A_563 = arith.extui %slice3A_562 : vector<1x128xi1> to vector<1x128xi32>
    %convert_element_type3A_564 = arith.sitofp %convert_element_type3A_563 : vector<1x128xi32> to vector<1x128xf32>
    %while3A_565 = arith.constant false
    %while3A_566:3 = scf.while (%while3A_2087 = %convert_element_type3A_564, %while3A_2088 = %convert_element_type3A_564, %while3A_2089 = %while3A_565) : (vector<1x128xf32>, vector<1x128xf32>, i1) -> (vector<1x128xf32>, vector<1x128xf32>, i1) {
      %not3A_2090 = arith.constant true
      %not3A_2091 = arith.xori %while3A_2089, %not3A_2090 : i1
      scf.condition(%not3A_2091) %while3A_2087, %while3A_2088, %while3A_2089 : vector<1x128xf32>, vector<1x128xf32>, i1
    } do {
    ^bb0(%while3A_2087: vector<1x128xf32>, %while3A_2088: vector<1x128xf32>, %while3A_2089: i1):
      %dot_general3A_2090 = arith.constant dense<0.000000e+00> : vector<1x128xf32>
      %dot_general3A_2091 = tpu.matmul %while3A_2087, %select_n3A_561, %dot_general3A_2090 {dimension_numbers = #tpu.dot_dimension_numbers<[1], [0], [0], [1], [0, 0, 1, 1], [], []>, transpose_lhs_hint = false} : vector<1x128xf32>, vector<128x128xf32>, vector<1x128xf32> -> vector<1x128xf32>
      %gt3A_2092 = arith.constant 0.000000e+00 : f32
      %gt3A_2093 = vector.broadcast %gt3A_2092 : f32 to vector<1x128xf32>
      %gt3A_2094 = arith.cmpf ogt, %dot_general3A_2091, %gt3A_2093 : vector<1x128xf32>
      %jit3A_2095 = arith.constant 0.000000e+00 : f32
      %broadcast_in_dim3A_2096 = vector.broadcast %jit3A_2095 : f32 to vector<1x128xf32>
      %select_n3A_2097 = arith.select %gt3A_2094, %broadcast_in_dim3A_2096, %while3A_2087 : vector<1x128xi1>, vector<1x128xf32>
      %dot_general3A_2098 = arith.constant dense<0.000000e+00> : vector<1x128xf32>
      %dot_general3A_2099 = tpu.matmul %select_n3A_2097, %select_n3A_561, %dot_general3A_2098 {dimension_numbers = #tpu.dot_dimension_numbers<[1], [0], [0], [1], [0, 0, 1, 1], [], []>, transpose_lhs_hint = false} : vector<1x128xf32>, vector<128x128xf32>, vector<1x128xf32> -> vector<1x128xf32>
      %gt3A_2100 = arith.constant 0.000000e+00 : f32
      %gt3A_2101 = vector.broadcast %gt3A_2100 : f32 to vector<1x128xf32>
      %gt3A_2102 = arith.cmpf ogt, %dot_general3A_2099, %gt3A_2101 : vector<1x128xf32>
      %jit3A_2103 = arith.constant 0.000000e+00 : f32
      %broadcast_in_dim3A_2104 = vector.broadcast %jit3A_2103 : f32 to vector<1x128xf32>
      %select_n3A_2105 = arith.select %gt3A_2102, %broadcast_in_dim3A_2104, %while3A_2087 : vector<1x128xi1>, vector<1x128xf32>
      %eq3A_2106 = arith.cmpf oeq, %select_n3A_2105, %while3A_2087 : vector<1x128xf32>
      %reduce_and3A = arith.constant 1.000000e+00 : f32
      %reduce_and3A_2107 = arith.constant 0.000000e+00 : f32
      %reduce_and3A_2108 = vector.broadcast %reduce_and3A : f32 to vector<1x128xf32>
      %reduce_and3A_2109 = vector.broadcast %reduce_and3A_2107 : f32 to vector<1x128xf32>
      %reduce_and3A_2110 = arith.select %eq3A_2106, %reduce_and3A_2108, %reduce_and3A_2109 : vector<1x128xi1>, vector<1x128xf32>
      %reduce_and3A_2111 = vector.shape_cast %reduce_and3A_2110 : vector<1x128xf32> to vector<1x1x128xf32>
      %reduce_and3A_2112 = arith.constant dense<0x7F800000> : vector<1xf32>
      %reduce_and3A_2113 = vector.multi_reduction <minimumf>, %reduce_and3A_2111, %reduce_and3A_2112 [1, 2] : vector<1x1x128xf32> to vector<1xf32>
      %reduce_and3A_2114 = vector.shape_cast %reduce_and3A_2113 : vector<1xf32> to vector<1x1x1xf32>
      %reduce_and3A_2115 = vector.extract %reduce_and3A_2114[0, 0, 0] : f32 from vector<1x1x1xf32>
      %reduce_and3A_2116 = arith.constant 0.000000e+00 : f32
      %reduce_and3A_2117 = arith.cmpf ogt, %reduce_and3A_2115, %reduce_and3A_2116 : f32
      scf.yield %select_n3A_2105, %select_n3A_2097, %reduce_and3A_2117 : vector<1x128xf32>, vector<1x128xf32>, i1
    }
    %dot_general3A_567 = arith.constant dense<0.000000e+00> : vector<1x2048xf32>
    %dot_general3A_568 = tpu.matmul %while3A_566#1, %convert_element_type3A_557, %dot_general3A_567 {dimension_numbers = #tpu.dot_dimension_numbers<[1], [0], [0], [1], [0, 0, 1, 1], [], []>, transpose_lhs_hint = false} : vector<1x128xf32>, vector<128x2048xf32>, vector<1x2048xf32> -> vector<1x2048xf32>
    %gt3A_569 = arith.constant 0.000000e+00 : f32
    %gt3A_570 = vector.broadcast %gt3A_569 : f32 to vector<1x2048xf32>
    %gt3A_571 = arith.cmpf ogt, %dot_general3A_568, %gt3A_570 : vector<1x2048xf32>
    %ge3A_572 = arith.constant 896 : i32
    %ge3A_573 = vector.broadcast %ge3A_572 : i32 to vector<1x2048xi32>
    %ge3A_574 = arith.cmpi sge, %iota3A, %ge3A_573 : vector<1x2048xi32>
    %and3A_575 = arith.andi %gt3A_571, %ge3A_574 : vector<1x2048xi1>
    %gt3A_576 = arith.constant 0.000000e+00 : f32
    %gt3A_577 = vector.broadcast %gt3A_576 : f32 to vector<1x128xf32>
    %gt3A_578 = arith.cmpf ogt, %convert_element_type3A_564, %gt3A_577 : vector<1x128xf32>
    %gt3A_579 = arith.constant 0.000000e+00 : f32
    %gt3A_580 = vector.broadcast %gt3A_579 : f32 to vector<1x128xf32>
    %gt3A_581 = arith.cmpf ogt, %while3A_566#1, %gt3A_580 : vector<1x128xf32>
    %not3A_582 = arith.constant dense<true> : vector<1x128xi1>
    %not3A_583 = arith.xori %gt3A_581, %not3A_582 : vector<1x128xi1>
    %and3A_584 = arith.andi %gt3A_578, %not3A_583 : vector<1x128xi1>
    %broadcast_in_dim3A_585 = arith.constant false
    %broadcast_in_dim3A_586 = vector.broadcast %broadcast_in_dim3A_585 : i1 to vector<1x768xi1>
    %broadcast_in_dim3A_587 = arith.constant false
    %broadcast_in_dim3A_588 = vector.broadcast %broadcast_in_dim3A_587 : i1 to vector<1x1152xi1>
    %concatenate3A_589 = tpu.concatenate %broadcast_in_dim3A_586, %and3A_584, %broadcast_in_dim3A_588 in 1 : vector<1x768xi1>, vector<1x128xi1>, vector<1x1152xi1> -> vector<1x2048xi1>
    %or3A_590 = arith.ori %and3A_575, %concatenate3A_589 : vector<1x2048xi1>
    %not3A_591 = arith.constant dense<true> : vector<1x2048xi1>
    %not3A_592 = arith.xori %or3A_590, %not3A_591 : vector<1x2048xi1>
    %and3A_593 = arith.andi %and3A_508, %not3A_592 : vector<1x2048xi1>
    %get3A_594 = arith.constant 0 : index
    %get3A_595 = arith.constant 7 : index
    %get3A_596 = vector.load %arg4[%get3A_594, %get3A_595] : memref<128x16xf32, #tpu.memory_space<vmem>>, vector<128x1xf32>
    %get3A_597 = arith.constant 0 : index
    %get3A_598 = arith.constant 7 : index
    %get3A_599 = vector.load %arg5[%get3A_597, %get3A_598] : memref<128x16xf32, #tpu.memory_space<vmem>>, vector<128x1xf32>
    %get3A_600 = arith.constant 0 : index
    %get3A_601 = arith.constant 7 : index
    %get3A_602 = vector.load %arg6[%get3A_600, %get3A_601] : memref<128x16xf32, #tpu.memory_space<vmem>>, vector<128x1xf32>
    %get3A_603 = arith.constant 0 : index
    %get3A_604 = arith.constant 7 : index
    %get3A_605 = vector.load %arg7[%get3A_603, %get3A_604] : memref<128x16xf32, #tpu.memory_space<vmem>>, vector<128x1xf32>
    %sub3A_606 = arith.subf %get3A_602, %get3A_596 : vector<128x1xf32>
    %sub3A_607 = arith.subf %get3A_605, %get3A_599 : vector<128x1xf32>
    %mul3A_608 = arith.mulf %sub3A_606, %sub3A_607 : vector<128x1xf32>
    %min3A_609 = vector.broadcast %get3A_602 : vector<128x1xf32> to vector<128x2048xf32>
    %min3A_610 = vector.broadcast %get3A_7 : vector<1x2048xf32> to vector<128x2048xf32>
    %min3A_611 = arith.minimumf %min3A_609, %min3A_610 : vector<128x2048xf32>
    %max3A_612 = vector.broadcast %get3A_596 : vector<128x1xf32> to vector<128x2048xf32>
    %max3A_613 = vector.broadcast %get3A_1 : vector<1x2048xf32> to vector<128x2048xf32>
    %max3A_614 = arith.maximumf %max3A_612, %max3A_613 : vector<128x2048xf32>
    %sub3A_615 = arith.subf %min3A_611, %max3A_614 : vector<128x2048xf32>
    %max3A_616 = arith.constant 0.000000e+00 : f32
    %max3A_617 = vector.broadcast %max3A_616 : f32 to vector<128x2048xf32>
    %max3A_618 = arith.maximumf %sub3A_615, %max3A_617 : vector<128x2048xf32>
    %min3A_619 = vector.broadcast %get3A_605 : vector<128x1xf32> to vector<128x2048xf32>
    %min3A_620 = vector.broadcast %get3A_10 : vector<1x2048xf32> to vector<128x2048xf32>
    %min3A_621 = arith.minimumf %min3A_619, %min3A_620 : vector<128x2048xf32>
    %max3A_622 = vector.broadcast %get3A_599 : vector<128x1xf32> to vector<128x2048xf32>
    %max3A_623 = vector.broadcast %get3A_4 : vector<1x2048xf32> to vector<128x2048xf32>
    %max3A_624 = arith.maximumf %max3A_622, %max3A_623 : vector<128x2048xf32>
    %sub3A_625 = arith.subf %min3A_621, %max3A_624 : vector<128x2048xf32>
    %max3A_626 = arith.constant 0.000000e+00 : f32
    %max3A_627 = vector.broadcast %max3A_626 : f32 to vector<128x2048xf32>
    %max3A_628 = arith.maximumf %sub3A_625, %max3A_627 : vector<128x2048xf32>
    %mul3A_629 = arith.mulf %max3A_618, %max3A_628 : vector<128x2048xf32>
    %add3A_630 = vector.broadcast %mul3A_608 : vector<128x1xf32> to vector<128x2048xf32>
    %add3A_631 = vector.broadcast %mul3A : vector<1x2048xf32> to vector<128x2048xf32>
    %add3A_632 = arith.addf %add3A_630, %add3A_631 : vector<128x2048xf32>
    %sub3A_633 = arith.subf %add3A_632, %mul3A_629 : vector<128x2048xf32>
    %max3A_634 = arith.constant 9.99999971E-10 : f32
    %max3A_635 = vector.broadcast %max3A_634 : f32 to vector<128x2048xf32>
    %max3A_636 = arith.maximumf %sub3A_633, %max3A_635 : vector<128x2048xf32>
    %mul3A_637 = arith.constant 0.699999988 : f32
    %mul3A_638 = vector.broadcast %mul3A_637 : f32 to vector<128x2048xf32>
    %mul3A_639 = arith.mulf %mul3A_638, %max3A_636 : vector<128x2048xf32>
    %gt3A_640 = arith.cmpf ogt, %mul3A_629, %mul3A_639 : vector<128x2048xf32>
    %convert_element_type3A_641 = arith.extui %gt3A_640 : vector<128x2048xi1> to vector<128x2048xi32>
    %convert_element_type3A_642 = arith.sitofp %convert_element_type3A_641 : vector<128x2048xi32> to vector<128x2048xf32>
    %slice3A_643 = vector.extract_strided_slice %convert_element_type3A_642 {offsets = [0, 896], sizes = [128, 128], strides = [1, 1]} : vector<128x2048xf32> to vector<128x128xf32>
    %jit3A_644 = arith.constant 0.000000e+00 : f32
    %broadcast_in_dim3A_645 = vector.broadcast %jit3A_644 : f32 to vector<128x128xf32>
    %select_n3A_646 = arith.select %lt3A_16, %slice3A_643, %broadcast_in_dim3A_645 : vector<128x128xi1>, vector<128x128xf32>
    %slice3A_647 = vector.extract_strided_slice %and3A_593 {offsets = [0, 896], sizes = [1, 128], strides = [1, 1]} : vector<1x2048xi1> to vector<1x128xi1>
    %convert_element_type3A_648 = arith.extui %slice3A_647 : vector<1x128xi1> to vector<1x128xi32>
    %convert_element_type3A_649 = arith.sitofp %convert_element_type3A_648 : vector<1x128xi32> to vector<1x128xf32>
    %while3A_650 = arith.constant false
    %while3A_651:3 = scf.while (%while3A_2087 = %convert_element_type3A_649, %while3A_2088 = %convert_element_type3A_649, %while3A_2089 = %while3A_650) : (vector<1x128xf32>, vector<1x128xf32>, i1) -> (vector<1x128xf32>, vector<1x128xf32>, i1) {
      %not3A_2090 = arith.constant true
      %not3A_2091 = arith.xori %while3A_2089, %not3A_2090 : i1
      scf.condition(%not3A_2091) %while3A_2087, %while3A_2088, %while3A_2089 : vector<1x128xf32>, vector<1x128xf32>, i1
    } do {
    ^bb0(%while3A_2087: vector<1x128xf32>, %while3A_2088: vector<1x128xf32>, %while3A_2089: i1):
      %dot_general3A_2090 = arith.constant dense<0.000000e+00> : vector<1x128xf32>
      %dot_general3A_2091 = tpu.matmul %while3A_2087, %select_n3A_646, %dot_general3A_2090 {dimension_numbers = #tpu.dot_dimension_numbers<[1], [0], [0], [1], [0, 0, 1, 1], [], []>, transpose_lhs_hint = false} : vector<1x128xf32>, vector<128x128xf32>, vector<1x128xf32> -> vector<1x128xf32>
      %gt3A_2092 = arith.constant 0.000000e+00 : f32
      %gt3A_2093 = vector.broadcast %gt3A_2092 : f32 to vector<1x128xf32>
      %gt3A_2094 = arith.cmpf ogt, %dot_general3A_2091, %gt3A_2093 : vector<1x128xf32>
      %jit3A_2095 = arith.constant 0.000000e+00 : f32
      %broadcast_in_dim3A_2096 = vector.broadcast %jit3A_2095 : f32 to vector<1x128xf32>
      %select_n3A_2097 = arith.select %gt3A_2094, %broadcast_in_dim3A_2096, %while3A_2087 : vector<1x128xi1>, vector<1x128xf32>
      %dot_general3A_2098 = arith.constant dense<0.000000e+00> : vector<1x128xf32>
      %dot_general3A_2099 = tpu.matmul %select_n3A_2097, %select_n3A_646, %dot_general3A_2098 {dimension_numbers = #tpu.dot_dimension_numbers<[1], [0], [0], [1], [0, 0, 1, 1], [], []>, transpose_lhs_hint = false} : vector<1x128xf32>, vector<128x128xf32>, vector<1x128xf32> -> vector<1x128xf32>
      %gt3A_2100 = arith.constant 0.000000e+00 : f32
      %gt3A_2101 = vector.broadcast %gt3A_2100 : f32 to vector<1x128xf32>
      %gt3A_2102 = arith.cmpf ogt, %dot_general3A_2099, %gt3A_2101 : vector<1x128xf32>
      %jit3A_2103 = arith.constant 0.000000e+00 : f32
      %broadcast_in_dim3A_2104 = vector.broadcast %jit3A_2103 : f32 to vector<1x128xf32>
      %select_n3A_2105 = arith.select %gt3A_2102, %broadcast_in_dim3A_2104, %while3A_2087 : vector<1x128xi1>, vector<1x128xf32>
      %eq3A_2106 = arith.cmpf oeq, %select_n3A_2105, %while3A_2087 : vector<1x128xf32>
      %reduce_and3A = arith.constant 1.000000e+00 : f32
      %reduce_and3A_2107 = arith.constant 0.000000e+00 : f32
      %reduce_and3A_2108 = vector.broadcast %reduce_and3A : f32 to vector<1x128xf32>
      %reduce_and3A_2109 = vector.broadcast %reduce_and3A_2107 : f32 to vector<1x128xf32>
      %reduce_and3A_2110 = arith.select %eq3A_2106, %reduce_and3A_2108, %reduce_and3A_2109 : vector<1x128xi1>, vector<1x128xf32>
      %reduce_and3A_2111 = vector.shape_cast %reduce_and3A_2110 : vector<1x128xf32> to vector<1x1x128xf32>
      %reduce_and3A_2112 = arith.constant dense<0x7F800000> : vector<1xf32>
      %reduce_and3A_2113 = vector.multi_reduction <minimumf>, %reduce_and3A_2111, %reduce_and3A_2112 [1, 2] : vector<1x1x128xf32> to vector<1xf32>
      %reduce_and3A_2114 = vector.shape_cast %reduce_and3A_2113 : vector<1xf32> to vector<1x1x1xf32>
      %reduce_and3A_2115 = vector.extract %reduce_and3A_2114[0, 0, 0] : f32 from vector<1x1x1xf32>
      %reduce_and3A_2116 = arith.constant 0.000000e+00 : f32
      %reduce_and3A_2117 = arith.cmpf ogt, %reduce_and3A_2115, %reduce_and3A_2116 : f32
      scf.yield %select_n3A_2105, %select_n3A_2097, %reduce_and3A_2117 : vector<1x128xf32>, vector<1x128xf32>, i1
    }
    %dot_general3A_652 = arith.constant dense<0.000000e+00> : vector<1x2048xf32>
    %dot_general3A_653 = tpu.matmul %while3A_651#1, %convert_element_type3A_642, %dot_general3A_652 {dimension_numbers = #tpu.dot_dimension_numbers<[1], [0], [0], [1], [0, 0, 1, 1], [], []>, transpose_lhs_hint = false} : vector<1x128xf32>, vector<128x2048xf32>, vector<1x2048xf32> -> vector<1x2048xf32>
    %gt3A_654 = arith.constant 0.000000e+00 : f32
    %gt3A_655 = vector.broadcast %gt3A_654 : f32 to vector<1x2048xf32>
    %gt3A_656 = arith.cmpf ogt, %dot_general3A_653, %gt3A_655 : vector<1x2048xf32>
    %ge3A_657 = arith.constant 1024 : i32
    %ge3A_658 = vector.broadcast %ge3A_657 : i32 to vector<1x2048xi32>
    %ge3A_659 = arith.cmpi sge, %iota3A, %ge3A_658 : vector<1x2048xi32>
    %and3A_660 = arith.andi %gt3A_656, %ge3A_659 : vector<1x2048xi1>
    %gt3A_661 = arith.constant 0.000000e+00 : f32
    %gt3A_662 = vector.broadcast %gt3A_661 : f32 to vector<1x128xf32>
    %gt3A_663 = arith.cmpf ogt, %convert_element_type3A_649, %gt3A_662 : vector<1x128xf32>
    %gt3A_664 = arith.constant 0.000000e+00 : f32
    %gt3A_665 = vector.broadcast %gt3A_664 : f32 to vector<1x128xf32>
    %gt3A_666 = arith.cmpf ogt, %while3A_651#1, %gt3A_665 : vector<1x128xf32>
    %not3A_667 = arith.constant dense<true> : vector<1x128xi1>
    %not3A_668 = arith.xori %gt3A_666, %not3A_667 : vector<1x128xi1>
    %and3A_669 = arith.andi %gt3A_663, %not3A_668 : vector<1x128xi1>
    %broadcast_in_dim3A_670 = arith.constant false
    %broadcast_in_dim3A_671 = vector.broadcast %broadcast_in_dim3A_670 : i1 to vector<1x896xi1>
    %broadcast_in_dim3A_672 = arith.constant false
    %broadcast_in_dim3A_673 = vector.broadcast %broadcast_in_dim3A_672 : i1 to vector<1x1024xi1>
    %concatenate3A_674 = tpu.concatenate %broadcast_in_dim3A_671, %and3A_669, %broadcast_in_dim3A_673 in 1 : vector<1x896xi1>, vector<1x128xi1>, vector<1x1024xi1> -> vector<1x2048xi1>
    %or3A_675 = arith.ori %and3A_660, %concatenate3A_674 : vector<1x2048xi1>
    %not3A_676 = arith.constant dense<true> : vector<1x2048xi1>
    %not3A_677 = arith.xori %or3A_675, %not3A_676 : vector<1x2048xi1>
    %and3A_678 = arith.andi %and3A_593, %not3A_677 : vector<1x2048xi1>
    %get3A_679 = arith.constant 0 : index
    %get3A_680 = arith.constant 8 : index
    %get3A_681 = vector.load %arg4[%get3A_679, %get3A_680] : memref<128x16xf32, #tpu.memory_space<vmem>>, vector<128x1xf32>
    %get3A_682 = arith.constant 0 : index
    %get3A_683 = arith.constant 8 : index
    %get3A_684 = vector.load %arg5[%get3A_682, %get3A_683] : memref<128x16xf32, #tpu.memory_space<vmem>>, vector<128x1xf32>
    %get3A_685 = arith.constant 0 : index
    %get3A_686 = arith.constant 8 : index
    %get3A_687 = vector.load %arg6[%get3A_685, %get3A_686] : memref<128x16xf32, #tpu.memory_space<vmem>>, vector<128x1xf32>
    %get3A_688 = arith.constant 0 : index
    %get3A_689 = arith.constant 8 : index
    %get3A_690 = vector.load %arg7[%get3A_688, %get3A_689] : memref<128x16xf32, #tpu.memory_space<vmem>>, vector<128x1xf32>
    %sub3A_691 = arith.subf %get3A_687, %get3A_681 : vector<128x1xf32>
    %sub3A_692 = arith.subf %get3A_690, %get3A_684 : vector<128x1xf32>
    %mul3A_693 = arith.mulf %sub3A_691, %sub3A_692 : vector<128x1xf32>
    %min3A_694 = vector.broadcast %get3A_687 : vector<128x1xf32> to vector<128x2048xf32>
    %min3A_695 = vector.broadcast %get3A_7 : vector<1x2048xf32> to vector<128x2048xf32>
    %min3A_696 = arith.minimumf %min3A_694, %min3A_695 : vector<128x2048xf32>
    %max3A_697 = vector.broadcast %get3A_681 : vector<128x1xf32> to vector<128x2048xf32>
    %max3A_698 = vector.broadcast %get3A_1 : vector<1x2048xf32> to vector<128x2048xf32>
    %max3A_699 = arith.maximumf %max3A_697, %max3A_698 : vector<128x2048xf32>
    %sub3A_700 = arith.subf %min3A_696, %max3A_699 : vector<128x2048xf32>
    %max3A_701 = arith.constant 0.000000e+00 : f32
    %max3A_702 = vector.broadcast %max3A_701 : f32 to vector<128x2048xf32>
    %max3A_703 = arith.maximumf %sub3A_700, %max3A_702 : vector<128x2048xf32>
    %min3A_704 = vector.broadcast %get3A_690 : vector<128x1xf32> to vector<128x2048xf32>
    %min3A_705 = vector.broadcast %get3A_10 : vector<1x2048xf32> to vector<128x2048xf32>
    %min3A_706 = arith.minimumf %min3A_704, %min3A_705 : vector<128x2048xf32>
    %max3A_707 = vector.broadcast %get3A_684 : vector<128x1xf32> to vector<128x2048xf32>
    %max3A_708 = vector.broadcast %get3A_4 : vector<1x2048xf32> to vector<128x2048xf32>
    %max3A_709 = arith.maximumf %max3A_707, %max3A_708 : vector<128x2048xf32>
    %sub3A_710 = arith.subf %min3A_706, %max3A_709 : vector<128x2048xf32>
    %max3A_711 = arith.constant 0.000000e+00 : f32
    %max3A_712 = vector.broadcast %max3A_711 : f32 to vector<128x2048xf32>
    %max3A_713 = arith.maximumf %sub3A_710, %max3A_712 : vector<128x2048xf32>
    %mul3A_714 = arith.mulf %max3A_703, %max3A_713 : vector<128x2048xf32>
    %add3A_715 = vector.broadcast %mul3A_693 : vector<128x1xf32> to vector<128x2048xf32>
    %add3A_716 = vector.broadcast %mul3A : vector<1x2048xf32> to vector<128x2048xf32>
    %add3A_717 = arith.addf %add3A_715, %add3A_716 : vector<128x2048xf32>
    %sub3A_718 = arith.subf %add3A_717, %mul3A_714 : vector<128x2048xf32>
    %max3A_719 = arith.constant 9.99999971E-10 : f32
    %max3A_720 = vector.broadcast %max3A_719 : f32 to vector<128x2048xf32>
    %max3A_721 = arith.maximumf %sub3A_718, %max3A_720 : vector<128x2048xf32>
    %mul3A_722 = arith.constant 0.699999988 : f32
    %mul3A_723 = vector.broadcast %mul3A_722 : f32 to vector<128x2048xf32>
    %mul3A_724 = arith.mulf %mul3A_723, %max3A_721 : vector<128x2048xf32>
    %gt3A_725 = arith.cmpf ogt, %mul3A_714, %mul3A_724 : vector<128x2048xf32>
    %convert_element_type3A_726 = arith.extui %gt3A_725 : vector<128x2048xi1> to vector<128x2048xi32>
    %convert_element_type3A_727 = arith.sitofp %convert_element_type3A_726 : vector<128x2048xi32> to vector<128x2048xf32>
    %slice3A_728 = vector.extract_strided_slice %convert_element_type3A_727 {offsets = [0, 1024], sizes = [128, 128], strides = [1, 1]} : vector<128x2048xf32> to vector<128x128xf32>
    %jit3A_729 = arith.constant 0.000000e+00 : f32
    %broadcast_in_dim3A_730 = vector.broadcast %jit3A_729 : f32 to vector<128x128xf32>
    %select_n3A_731 = arith.select %lt3A_16, %slice3A_728, %broadcast_in_dim3A_730 : vector<128x128xi1>, vector<128x128xf32>
    %slice3A_732 = vector.extract_strided_slice %and3A_678 {offsets = [0, 1024], sizes = [1, 128], strides = [1, 1]} : vector<1x2048xi1> to vector<1x128xi1>
    %convert_element_type3A_733 = arith.extui %slice3A_732 : vector<1x128xi1> to vector<1x128xi32>
    %convert_element_type3A_734 = arith.sitofp %convert_element_type3A_733 : vector<1x128xi32> to vector<1x128xf32>
    %while3A_735 = arith.constant false
    %while3A_736:3 = scf.while (%while3A_2087 = %convert_element_type3A_734, %while3A_2088 = %convert_element_type3A_734, %while3A_2089 = %while3A_735) : (vector<1x128xf32>, vector<1x128xf32>, i1) -> (vector<1x128xf32>, vector<1x128xf32>, i1) {
      %not3A_2090 = arith.constant true
      %not3A_2091 = arith.xori %while3A_2089, %not3A_2090 : i1
      scf.condition(%not3A_2091) %while3A_2087, %while3A_2088, %while3A_2089 : vector<1x128xf32>, vector<1x128xf32>, i1
    } do {
    ^bb0(%while3A_2087: vector<1x128xf32>, %while3A_2088: vector<1x128xf32>, %while3A_2089: i1):
      %dot_general3A_2090 = arith.constant dense<0.000000e+00> : vector<1x128xf32>
      %dot_general3A_2091 = tpu.matmul %while3A_2087, %select_n3A_731, %dot_general3A_2090 {dimension_numbers = #tpu.dot_dimension_numbers<[1], [0], [0], [1], [0, 0, 1, 1], [], []>, transpose_lhs_hint = false} : vector<1x128xf32>, vector<128x128xf32>, vector<1x128xf32> -> vector<1x128xf32>
      %gt3A_2092 = arith.constant 0.000000e+00 : f32
      %gt3A_2093 = vector.broadcast %gt3A_2092 : f32 to vector<1x128xf32>
      %gt3A_2094 = arith.cmpf ogt, %dot_general3A_2091, %gt3A_2093 : vector<1x128xf32>
      %jit3A_2095 = arith.constant 0.000000e+00 : f32
      %broadcast_in_dim3A_2096 = vector.broadcast %jit3A_2095 : f32 to vector<1x128xf32>
      %select_n3A_2097 = arith.select %gt3A_2094, %broadcast_in_dim3A_2096, %while3A_2087 : vector<1x128xi1>, vector<1x128xf32>
      %dot_general3A_2098 = arith.constant dense<0.000000e+00> : vector<1x128xf32>
      %dot_general3A_2099 = tpu.matmul %select_n3A_2097, %select_n3A_731, %dot_general3A_2098 {dimension_numbers = #tpu.dot_dimension_numbers<[1], [0], [0], [1], [0, 0, 1, 1], [], []>, transpose_lhs_hint = false} : vector<1x128xf32>, vector<128x128xf32>, vector<1x128xf32> -> vector<1x128xf32>
      %gt3A_2100 = arith.constant 0.000000e+00 : f32
      %gt3A_2101 = vector.broadcast %gt3A_2100 : f32 to vector<1x128xf32>
      %gt3A_2102 = arith.cmpf ogt, %dot_general3A_2099, %gt3A_2101 : vector<1x128xf32>
      %jit3A_2103 = arith.constant 0.000000e+00 : f32
      %broadcast_in_dim3A_2104 = vector.broadcast %jit3A_2103 : f32 to vector<1x128xf32>
      %select_n3A_2105 = arith.select %gt3A_2102, %broadcast_in_dim3A_2104, %while3A_2087 : vector<1x128xi1>, vector<1x128xf32>
      %eq3A_2106 = arith.cmpf oeq, %select_n3A_2105, %while3A_2087 : vector<1x128xf32>
      %reduce_and3A = arith.constant 1.000000e+00 : f32
      %reduce_and3A_2107 = arith.constant 0.000000e+00 : f32
      %reduce_and3A_2108 = vector.broadcast %reduce_and3A : f32 to vector<1x128xf32>
      %reduce_and3A_2109 = vector.broadcast %reduce_and3A_2107 : f32 to vector<1x128xf32>
      %reduce_and3A_2110 = arith.select %eq3A_2106, %reduce_and3A_2108, %reduce_and3A_2109 : vector<1x128xi1>, vector<1x128xf32>
      %reduce_and3A_2111 = vector.shape_cast %reduce_and3A_2110 : vector<1x128xf32> to vector<1x1x128xf32>
      %reduce_and3A_2112 = arith.constant dense<0x7F800000> : vector<1xf32>
      %reduce_and3A_2113 = vector.multi_reduction <minimumf>, %reduce_and3A_2111, %reduce_and3A_2112 [1, 2] : vector<1x1x128xf32> to vector<1xf32>
      %reduce_and3A_2114 = vector.shape_cast %reduce_and3A_2113 : vector<1xf32> to vector<1x1x1xf32>
      %reduce_and3A_2115 = vector.extract %reduce_and3A_2114[0, 0, 0] : f32 from vector<1x1x1xf32>
      %reduce_and3A_2116 = arith.constant 0.000000e+00 : f32
      %reduce_and3A_2117 = arith.cmpf ogt, %reduce_and3A_2115, %reduce_and3A_2116 : f32
      scf.yield %select_n3A_2105, %select_n3A_2097, %reduce_and3A_2117 : vector<1x128xf32>, vector<1x128xf32>, i1
    }
    %dot_general3A_737 = arith.constant dense<0.000000e+00> : vector<1x2048xf32>
    %dot_general3A_738 = tpu.matmul %while3A_736#1, %convert_element_type3A_727, %dot_general3A_737 {dimension_numbers = #tpu.dot_dimension_numbers<[1], [0], [0], [1], [0, 0, 1, 1], [], []>, transpose_lhs_hint = false} : vector<1x128xf32>, vector<128x2048xf32>, vector<1x2048xf32> -> vector<1x2048xf32>
    %gt3A_739 = arith.constant 0.000000e+00 : f32
    %gt3A_740 = vector.broadcast %gt3A_739 : f32 to vector<1x2048xf32>
    %gt3A_741 = arith.cmpf ogt, %dot_general3A_738, %gt3A_740 : vector<1x2048xf32>
    %ge3A_742 = arith.constant 1152 : i32
    %ge3A_743 = vector.broadcast %ge3A_742 : i32 to vector<1x2048xi32>
    %ge3A_744 = arith.cmpi sge, %iota3A, %ge3A_743 : vector<1x2048xi32>
    %and3A_745 = arith.andi %gt3A_741, %ge3A_744 : vector<1x2048xi1>
    %gt3A_746 = arith.constant 0.000000e+00 : f32
    %gt3A_747 = vector.broadcast %gt3A_746 : f32 to vector<1x128xf32>
    %gt3A_748 = arith.cmpf ogt, %convert_element_type3A_734, %gt3A_747 : vector<1x128xf32>
    %gt3A_749 = arith.constant 0.000000e+00 : f32
    %gt3A_750 = vector.broadcast %gt3A_749 : f32 to vector<1x128xf32>
    %gt3A_751 = arith.cmpf ogt, %while3A_736#1, %gt3A_750 : vector<1x128xf32>
    %not3A_752 = arith.constant dense<true> : vector<1x128xi1>
    %not3A_753 = arith.xori %gt3A_751, %not3A_752 : vector<1x128xi1>
    %and3A_754 = arith.andi %gt3A_748, %not3A_753 : vector<1x128xi1>
    %broadcast_in_dim3A_755 = arith.constant false
    %broadcast_in_dim3A_756 = vector.broadcast %broadcast_in_dim3A_755 : i1 to vector<1x1024xi1>
    %broadcast_in_dim3A_757 = arith.constant false
    %broadcast_in_dim3A_758 = vector.broadcast %broadcast_in_dim3A_757 : i1 to vector<1x896xi1>
    %concatenate3A_759 = tpu.concatenate %broadcast_in_dim3A_756, %and3A_754, %broadcast_in_dim3A_758 in 1 : vector<1x1024xi1>, vector<1x128xi1>, vector<1x896xi1> -> vector<1x2048xi1>
    %or3A_760 = arith.ori %and3A_745, %concatenate3A_759 : vector<1x2048xi1>
    %not3A_761 = arith.constant dense<true> : vector<1x2048xi1>
    %not3A_762 = arith.xori %or3A_760, %not3A_761 : vector<1x2048xi1>
    %and3A_763 = arith.andi %and3A_678, %not3A_762 : vector<1x2048xi1>
    %get3A_764 = arith.constant 0 : index
    %get3A_765 = arith.constant 9 : index
    %get3A_766 = vector.load %arg4[%get3A_764, %get3A_765] : memref<128x16xf32, #tpu.memory_space<vmem>>, vector<128x1xf32>
    %get3A_767 = arith.constant 0 : index
    %get3A_768 = arith.constant 9 : index
    %get3A_769 = vector.load %arg5[%get3A_767, %get3A_768] : memref<128x16xf32, #tpu.memory_space<vmem>>, vector<128x1xf32>
    %get3A_770 = arith.constant 0 : index
    %get3A_771 = arith.constant 9 : index
    %get3A_772 = vector.load %arg6[%get3A_770, %get3A_771] : memref<128x16xf32, #tpu.memory_space<vmem>>, vector<128x1xf32>
    %get3A_773 = arith.constant 0 : index
    %get3A_774 = arith.constant 9 : index
    %get3A_775 = vector.load %arg7[%get3A_773, %get3A_774] : memref<128x16xf32, #tpu.memory_space<vmem>>, vector<128x1xf32>
    %sub3A_776 = arith.subf %get3A_772, %get3A_766 : vector<128x1xf32>
    %sub3A_777 = arith.subf %get3A_775, %get3A_769 : vector<128x1xf32>
    %mul3A_778 = arith.mulf %sub3A_776, %sub3A_777 : vector<128x1xf32>
    %min3A_779 = vector.broadcast %get3A_772 : vector<128x1xf32> to vector<128x2048xf32>
    %min3A_780 = vector.broadcast %get3A_7 : vector<1x2048xf32> to vector<128x2048xf32>
    %min3A_781 = arith.minimumf %min3A_779, %min3A_780 : vector<128x2048xf32>
    %max3A_782 = vector.broadcast %get3A_766 : vector<128x1xf32> to vector<128x2048xf32>
    %max3A_783 = vector.broadcast %get3A_1 : vector<1x2048xf32> to vector<128x2048xf32>
    %max3A_784 = arith.maximumf %max3A_782, %max3A_783 : vector<128x2048xf32>
    %sub3A_785 = arith.subf %min3A_781, %max3A_784 : vector<128x2048xf32>
    %max3A_786 = arith.constant 0.000000e+00 : f32
    %max3A_787 = vector.broadcast %max3A_786 : f32 to vector<128x2048xf32>
    %max3A_788 = arith.maximumf %sub3A_785, %max3A_787 : vector<128x2048xf32>
    %min3A_789 = vector.broadcast %get3A_775 : vector<128x1xf32> to vector<128x2048xf32>
    %min3A_790 = vector.broadcast %get3A_10 : vector<1x2048xf32> to vector<128x2048xf32>
    %min3A_791 = arith.minimumf %min3A_789, %min3A_790 : vector<128x2048xf32>
    %max3A_792 = vector.broadcast %get3A_769 : vector<128x1xf32> to vector<128x2048xf32>
    %max3A_793 = vector.broadcast %get3A_4 : vector<1x2048xf32> to vector<128x2048xf32>
    %max3A_794 = arith.maximumf %max3A_792, %max3A_793 : vector<128x2048xf32>
    %sub3A_795 = arith.subf %min3A_791, %max3A_794 : vector<128x2048xf32>
    %max3A_796 = arith.constant 0.000000e+00 : f32
    %max3A_797 = vector.broadcast %max3A_796 : f32 to vector<128x2048xf32>
    %max3A_798 = arith.maximumf %sub3A_795, %max3A_797 : vector<128x2048xf32>
    %mul3A_799 = arith.mulf %max3A_788, %max3A_798 : vector<128x2048xf32>
    %add3A_800 = vector.broadcast %mul3A_778 : vector<128x1xf32> to vector<128x2048xf32>
    %add3A_801 = vector.broadcast %mul3A : vector<1x2048xf32> to vector<128x2048xf32>
    %add3A_802 = arith.addf %add3A_800, %add3A_801 : vector<128x2048xf32>
    %sub3A_803 = arith.subf %add3A_802, %mul3A_799 : vector<128x2048xf32>
    %max3A_804 = arith.constant 9.99999971E-10 : f32
    %max3A_805 = vector.broadcast %max3A_804 : f32 to vector<128x2048xf32>
    %max3A_806 = arith.maximumf %sub3A_803, %max3A_805 : vector<128x2048xf32>
    %mul3A_807 = arith.constant 0.699999988 : f32
    %mul3A_808 = vector.broadcast %mul3A_807 : f32 to vector<128x2048xf32>
    %mul3A_809 = arith.mulf %mul3A_808, %max3A_806 : vector<128x2048xf32>
    %gt3A_810 = arith.cmpf ogt, %mul3A_799, %mul3A_809 : vector<128x2048xf32>
    %convert_element_type3A_811 = arith.extui %gt3A_810 : vector<128x2048xi1> to vector<128x2048xi32>
    %convert_element_type3A_812 = arith.sitofp %convert_element_type3A_811 : vector<128x2048xi32> to vector<128x2048xf32>
    %slice3A_813 = vector.extract_strided_slice %convert_element_type3A_812 {offsets = [0, 1152], sizes = [128, 128], strides = [1, 1]} : vector<128x2048xf32> to vector<128x128xf32>
    %jit3A_814 = arith.constant 0.000000e+00 : f32
    %broadcast_in_dim3A_815 = vector.broadcast %jit3A_814 : f32 to vector<128x128xf32>
    %select_n3A_816 = arith.select %lt3A_16, %slice3A_813, %broadcast_in_dim3A_815 : vector<128x128xi1>, vector<128x128xf32>
    %slice3A_817 = vector.extract_strided_slice %and3A_763 {offsets = [0, 1152], sizes = [1, 128], strides = [1, 1]} : vector<1x2048xi1> to vector<1x128xi1>
    %convert_element_type3A_818 = arith.extui %slice3A_817 : vector<1x128xi1> to vector<1x128xi32>
    %convert_element_type3A_819 = arith.sitofp %convert_element_type3A_818 : vector<1x128xi32> to vector<1x128xf32>
    %while3A_820 = arith.constant false
    %while3A_821:3 = scf.while (%while3A_2087 = %convert_element_type3A_819, %while3A_2088 = %convert_element_type3A_819, %while3A_2089 = %while3A_820) : (vector<1x128xf32>, vector<1x128xf32>, i1) -> (vector<1x128xf32>, vector<1x128xf32>, i1) {
      %not3A_2090 = arith.constant true
      %not3A_2091 = arith.xori %while3A_2089, %not3A_2090 : i1
      scf.condition(%not3A_2091) %while3A_2087, %while3A_2088, %while3A_2089 : vector<1x128xf32>, vector<1x128xf32>, i1
    } do {
    ^bb0(%while3A_2087: vector<1x128xf32>, %while3A_2088: vector<1x128xf32>, %while3A_2089: i1):
      %dot_general3A_2090 = arith.constant dense<0.000000e+00> : vector<1x128xf32>
      %dot_general3A_2091 = tpu.matmul %while3A_2087, %select_n3A_816, %dot_general3A_2090 {dimension_numbers = #tpu.dot_dimension_numbers<[1], [0], [0], [1], [0, 0, 1, 1], [], []>, transpose_lhs_hint = false} : vector<1x128xf32>, vector<128x128xf32>, vector<1x128xf32> -> vector<1x128xf32>
      %gt3A_2092 = arith.constant 0.000000e+00 : f32
      %gt3A_2093 = vector.broadcast %gt3A_2092 : f32 to vector<1x128xf32>
      %gt3A_2094 = arith.cmpf ogt, %dot_general3A_2091, %gt3A_2093 : vector<1x128xf32>
      %jit3A_2095 = arith.constant 0.000000e+00 : f32
      %broadcast_in_dim3A_2096 = vector.broadcast %jit3A_2095 : f32 to vector<1x128xf32>
      %select_n3A_2097 = arith.select %gt3A_2094, %broadcast_in_dim3A_2096, %while3A_2087 : vector<1x128xi1>, vector<1x128xf32>
      %dot_general3A_2098 = arith.constant dense<0.000000e+00> : vector<1x128xf32>
      %dot_general3A_2099 = tpu.matmul %select_n3A_2097, %select_n3A_816, %dot_general3A_2098 {dimension_numbers = #tpu.dot_dimension_numbers<[1], [0], [0], [1], [0, 0, 1, 1], [], []>, transpose_lhs_hint = false} : vector<1x128xf32>, vector<128x128xf32>, vector<1x128xf32> -> vector<1x128xf32>
      %gt3A_2100 = arith.constant 0.000000e+00 : f32
      %gt3A_2101 = vector.broadcast %gt3A_2100 : f32 to vector<1x128xf32>
      %gt3A_2102 = arith.cmpf ogt, %dot_general3A_2099, %gt3A_2101 : vector<1x128xf32>
      %jit3A_2103 = arith.constant 0.000000e+00 : f32
      %broadcast_in_dim3A_2104 = vector.broadcast %jit3A_2103 : f32 to vector<1x128xf32>
      %select_n3A_2105 = arith.select %gt3A_2102, %broadcast_in_dim3A_2104, %while3A_2087 : vector<1x128xi1>, vector<1x128xf32>
      %eq3A_2106 = arith.cmpf oeq, %select_n3A_2105, %while3A_2087 : vector<1x128xf32>
      %reduce_and3A = arith.constant 1.000000e+00 : f32
      %reduce_and3A_2107 = arith.constant 0.000000e+00 : f32
      %reduce_and3A_2108 = vector.broadcast %reduce_and3A : f32 to vector<1x128xf32>
      %reduce_and3A_2109 = vector.broadcast %reduce_and3A_2107 : f32 to vector<1x128xf32>
      %reduce_and3A_2110 = arith.select %eq3A_2106, %reduce_and3A_2108, %reduce_and3A_2109 : vector<1x128xi1>, vector<1x128xf32>
      %reduce_and3A_2111 = vector.shape_cast %reduce_and3A_2110 : vector<1x128xf32> to vector<1x1x128xf32>
      %reduce_and3A_2112 = arith.constant dense<0x7F800000> : vector<1xf32>
      %reduce_and3A_2113 = vector.multi_reduction <minimumf>, %reduce_and3A_2111, %reduce_and3A_2112 [1, 2] : vector<1x1x128xf32> to vector<1xf32>
      %reduce_and3A_2114 = vector.shape_cast %reduce_and3A_2113 : vector<1xf32> to vector<1x1x1xf32>
      %reduce_and3A_2115 = vector.extract %reduce_and3A_2114[0, 0, 0] : f32 from vector<1x1x1xf32>
      %reduce_and3A_2116 = arith.constant 0.000000e+00 : f32
      %reduce_and3A_2117 = arith.cmpf ogt, %reduce_and3A_2115, %reduce_and3A_2116 : f32
      scf.yield %select_n3A_2105, %select_n3A_2097, %reduce_and3A_2117 : vector<1x128xf32>, vector<1x128xf32>, i1
    }
    %dot_general3A_822 = arith.constant dense<0.000000e+00> : vector<1x2048xf32>
    %dot_general3A_823 = tpu.matmul %while3A_821#1, %convert_element_type3A_812, %dot_general3A_822 {dimension_numbers = #tpu.dot_dimension_numbers<[1], [0], [0], [1], [0, 0, 1, 1], [], []>, transpose_lhs_hint = false} : vector<1x128xf32>, vector<128x2048xf32>, vector<1x2048xf32> -> vector<1x2048xf32>
    %gt3A_824 = arith.constant 0.000000e+00 : f32
    %gt3A_825 = vector.broadcast %gt3A_824 : f32 to vector<1x2048xf32>
    %gt3A_826 = arith.cmpf ogt, %dot_general3A_823, %gt3A_825 : vector<1x2048xf32>
    %ge3A_827 = arith.constant 1280 : i32
    %ge3A_828 = vector.broadcast %ge3A_827 : i32 to vector<1x2048xi32>
    %ge3A_829 = arith.cmpi sge, %iota3A, %ge3A_828 : vector<1x2048xi32>
    %and3A_830 = arith.andi %gt3A_826, %ge3A_829 : vector<1x2048xi1>
    %gt3A_831 = arith.constant 0.000000e+00 : f32
    %gt3A_832 = vector.broadcast %gt3A_831 : f32 to vector<1x128xf32>
    %gt3A_833 = arith.cmpf ogt, %convert_element_type3A_819, %gt3A_832 : vector<1x128xf32>
    %gt3A_834 = arith.constant 0.000000e+00 : f32
    %gt3A_835 = vector.broadcast %gt3A_834 : f32 to vector<1x128xf32>
    %gt3A_836 = arith.cmpf ogt, %while3A_821#1, %gt3A_835 : vector<1x128xf32>
    %not3A_837 = arith.constant dense<true> : vector<1x128xi1>
    %not3A_838 = arith.xori %gt3A_836, %not3A_837 : vector<1x128xi1>
    %and3A_839 = arith.andi %gt3A_833, %not3A_838 : vector<1x128xi1>
    %broadcast_in_dim3A_840 = arith.constant false
    %broadcast_in_dim3A_841 = vector.broadcast %broadcast_in_dim3A_840 : i1 to vector<1x1152xi1>
    %broadcast_in_dim3A_842 = arith.constant false
    %broadcast_in_dim3A_843 = vector.broadcast %broadcast_in_dim3A_842 : i1 to vector<1x768xi1>
    %concatenate3A_844 = tpu.concatenate %broadcast_in_dim3A_841, %and3A_839, %broadcast_in_dim3A_843 in 1 : vector<1x1152xi1>, vector<1x128xi1>, vector<1x768xi1> -> vector<1x2048xi1>
    %or3A_845 = arith.ori %and3A_830, %concatenate3A_844 : vector<1x2048xi1>
    %not3A_846 = arith.constant dense<true> : vector<1x2048xi1>
    %not3A_847 = arith.xori %or3A_845, %not3A_846 : vector<1x2048xi1>
    %and3A_848 = arith.andi %and3A_763, %not3A_847 : vector<1x2048xi1>
    %get3A_849 = arith.constant 0 : index
    %get3A_850 = arith.constant 10 : index
    %get3A_851 = vector.load %arg4[%get3A_849, %get3A_850] : memref<128x16xf32, #tpu.memory_space<vmem>>, vector<128x1xf32>
    %get3A_852 = arith.constant 0 : index
    %get3A_853 = arith.constant 10 : index
    %get3A_854 = vector.load %arg5[%get3A_852, %get3A_853] : memref<128x16xf32, #tpu.memory_space<vmem>>, vector<128x1xf32>
    %get3A_855 = arith.constant 0 : index
    %get3A_856 = arith.constant 10 : index
    %get3A_857 = vector.load %arg6[%get3A_855, %get3A_856] : memref<128x16xf32, #tpu.memory_space<vmem>>, vector<128x1xf32>
    %get3A_858 = arith.constant 0 : index
    %get3A_859 = arith.constant 10 : index
    %get3A_860 = vector.load %arg7[%get3A_858, %get3A_859] : memref<128x16xf32, #tpu.memory_space<vmem>>, vector<128x1xf32>
    %sub3A_861 = arith.subf %get3A_857, %get3A_851 : vector<128x1xf32>
    %sub3A_862 = arith.subf %get3A_860, %get3A_854 : vector<128x1xf32>
    %mul3A_863 = arith.mulf %sub3A_861, %sub3A_862 : vector<128x1xf32>
    %min3A_864 = vector.broadcast %get3A_857 : vector<128x1xf32> to vector<128x2048xf32>
    %min3A_865 = vector.broadcast %get3A_7 : vector<1x2048xf32> to vector<128x2048xf32>
    %min3A_866 = arith.minimumf %min3A_864, %min3A_865 : vector<128x2048xf32>
    %max3A_867 = vector.broadcast %get3A_851 : vector<128x1xf32> to vector<128x2048xf32>
    %max3A_868 = vector.broadcast %get3A_1 : vector<1x2048xf32> to vector<128x2048xf32>
    %max3A_869 = arith.maximumf %max3A_867, %max3A_868 : vector<128x2048xf32>
    %sub3A_870 = arith.subf %min3A_866, %max3A_869 : vector<128x2048xf32>
    %max3A_871 = arith.constant 0.000000e+00 : f32
    %max3A_872 = vector.broadcast %max3A_871 : f32 to vector<128x2048xf32>
    %max3A_873 = arith.maximumf %sub3A_870, %max3A_872 : vector<128x2048xf32>
    %min3A_874 = vector.broadcast %get3A_860 : vector<128x1xf32> to vector<128x2048xf32>
    %min3A_875 = vector.broadcast %get3A_10 : vector<1x2048xf32> to vector<128x2048xf32>
    %min3A_876 = arith.minimumf %min3A_874, %min3A_875 : vector<128x2048xf32>
    %max3A_877 = vector.broadcast %get3A_854 : vector<128x1xf32> to vector<128x2048xf32>
    %max3A_878 = vector.broadcast %get3A_4 : vector<1x2048xf32> to vector<128x2048xf32>
    %max3A_879 = arith.maximumf %max3A_877, %max3A_878 : vector<128x2048xf32>
    %sub3A_880 = arith.subf %min3A_876, %max3A_879 : vector<128x2048xf32>
    %max3A_881 = arith.constant 0.000000e+00 : f32
    %max3A_882 = vector.broadcast %max3A_881 : f32 to vector<128x2048xf32>
    %max3A_883 = arith.maximumf %sub3A_880, %max3A_882 : vector<128x2048xf32>
    %mul3A_884 = arith.mulf %max3A_873, %max3A_883 : vector<128x2048xf32>
    %add3A_885 = vector.broadcast %mul3A_863 : vector<128x1xf32> to vector<128x2048xf32>
    %add3A_886 = vector.broadcast %mul3A : vector<1x2048xf32> to vector<128x2048xf32>
    %add3A_887 = arith.addf %add3A_885, %add3A_886 : vector<128x2048xf32>
    %sub3A_888 = arith.subf %add3A_887, %mul3A_884 : vector<128x2048xf32>
    %max3A_889 = arith.constant 9.99999971E-10 : f32
    %max3A_890 = vector.broadcast %max3A_889 : f32 to vector<128x2048xf32>
    %max3A_891 = arith.maximumf %sub3A_888, %max3A_890 : vector<128x2048xf32>
    %mul3A_892 = arith.constant 0.699999988 : f32
    %mul3A_893 = vector.broadcast %mul3A_892 : f32 to vector<128x2048xf32>
    %mul3A_894 = arith.mulf %mul3A_893, %max3A_891 : vector<128x2048xf32>
    %gt3A_895 = arith.cmpf ogt, %mul3A_884, %mul3A_894 : vector<128x2048xf32>
    %convert_element_type3A_896 = arith.extui %gt3A_895 : vector<128x2048xi1> to vector<128x2048xi32>
    %convert_element_type3A_897 = arith.sitofp %convert_element_type3A_896 : vector<128x2048xi32> to vector<128x2048xf32>
    %slice3A_898 = vector.extract_strided_slice %convert_element_type3A_897 {offsets = [0, 1280], sizes = [128, 128], strides = [1, 1]} : vector<128x2048xf32> to vector<128x128xf32>
    %jit3A_899 = arith.constant 0.000000e+00 : f32
    %broadcast_in_dim3A_900 = vector.broadcast %jit3A_899 : f32 to vector<128x128xf32>
    %select_n3A_901 = arith.select %lt3A_16, %slice3A_898, %broadcast_in_dim3A_900 : vector<128x128xi1>, vector<128x128xf32>
    %slice3A_902 = vector.extract_strided_slice %and3A_848 {offsets = [0, 1280], sizes = [1, 128], strides = [1, 1]} : vector<1x2048xi1> to vector<1x128xi1>
    %convert_element_type3A_903 = arith.extui %slice3A_902 : vector<1x128xi1> to vector<1x128xi32>
    %convert_element_type3A_904 = arith.sitofp %convert_element_type3A_903 : vector<1x128xi32> to vector<1x128xf32>
    %while3A_905 = arith.constant false
    %while3A_906:3 = scf.while (%while3A_2087 = %convert_element_type3A_904, %while3A_2088 = %convert_element_type3A_904, %while3A_2089 = %while3A_905) : (vector<1x128xf32>, vector<1x128xf32>, i1) -> (vector<1x128xf32>, vector<1x128xf32>, i1) {
      %not3A_2090 = arith.constant true
      %not3A_2091 = arith.xori %while3A_2089, %not3A_2090 : i1
      scf.condition(%not3A_2091) %while3A_2087, %while3A_2088, %while3A_2089 : vector<1x128xf32>, vector<1x128xf32>, i1
    } do {
    ^bb0(%while3A_2087: vector<1x128xf32>, %while3A_2088: vector<1x128xf32>, %while3A_2089: i1):
      %dot_general3A_2090 = arith.constant dense<0.000000e+00> : vector<1x128xf32>
      %dot_general3A_2091 = tpu.matmul %while3A_2087, %select_n3A_901, %dot_general3A_2090 {dimension_numbers = #tpu.dot_dimension_numbers<[1], [0], [0], [1], [0, 0, 1, 1], [], []>, transpose_lhs_hint = false} : vector<1x128xf32>, vector<128x128xf32>, vector<1x128xf32> -> vector<1x128xf32>
      %gt3A_2092 = arith.constant 0.000000e+00 : f32
      %gt3A_2093 = vector.broadcast %gt3A_2092 : f32 to vector<1x128xf32>
      %gt3A_2094 = arith.cmpf ogt, %dot_general3A_2091, %gt3A_2093 : vector<1x128xf32>
      %jit3A_2095 = arith.constant 0.000000e+00 : f32
      %broadcast_in_dim3A_2096 = vector.broadcast %jit3A_2095 : f32 to vector<1x128xf32>
      %select_n3A_2097 = arith.select %gt3A_2094, %broadcast_in_dim3A_2096, %while3A_2087 : vector<1x128xi1>, vector<1x128xf32>
      %dot_general3A_2098 = arith.constant dense<0.000000e+00> : vector<1x128xf32>
      %dot_general3A_2099 = tpu.matmul %select_n3A_2097, %select_n3A_901, %dot_general3A_2098 {dimension_numbers = #tpu.dot_dimension_numbers<[1], [0], [0], [1], [0, 0, 1, 1], [], []>, transpose_lhs_hint = false} : vector<1x128xf32>, vector<128x128xf32>, vector<1x128xf32> -> vector<1x128xf32>
      %gt3A_2100 = arith.constant 0.000000e+00 : f32
      %gt3A_2101 = vector.broadcast %gt3A_2100 : f32 to vector<1x128xf32>
      %gt3A_2102 = arith.cmpf ogt, %dot_general3A_2099, %gt3A_2101 : vector<1x128xf32>
      %jit3A_2103 = arith.constant 0.000000e+00 : f32
      %broadcast_in_dim3A_2104 = vector.broadcast %jit3A_2103 : f32 to vector<1x128xf32>
      %select_n3A_2105 = arith.select %gt3A_2102, %broadcast_in_dim3A_2104, %while3A_2087 : vector<1x128xi1>, vector<1x128xf32>
      %eq3A_2106 = arith.cmpf oeq, %select_n3A_2105, %while3A_2087 : vector<1x128xf32>
      %reduce_and3A = arith.constant 1.000000e+00 : f32
      %reduce_and3A_2107 = arith.constant 0.000000e+00 : f32
      %reduce_and3A_2108 = vector.broadcast %reduce_and3A : f32 to vector<1x128xf32>
      %reduce_and3A_2109 = vector.broadcast %reduce_and3A_2107 : f32 to vector<1x128xf32>
      %reduce_and3A_2110 = arith.select %eq3A_2106, %reduce_and3A_2108, %reduce_and3A_2109 : vector<1x128xi1>, vector<1x128xf32>
      %reduce_and3A_2111 = vector.shape_cast %reduce_and3A_2110 : vector<1x128xf32> to vector<1x1x128xf32>
      %reduce_and3A_2112 = arith.constant dense<0x7F800000> : vector<1xf32>
      %reduce_and3A_2113 = vector.multi_reduction <minimumf>, %reduce_and3A_2111, %reduce_and3A_2112 [1, 2] : vector<1x1x128xf32> to vector<1xf32>
      %reduce_and3A_2114 = vector.shape_cast %reduce_and3A_2113 : vector<1xf32> to vector<1x1x1xf32>
      %reduce_and3A_2115 = vector.extract %reduce_and3A_2114[0, 0, 0] : f32 from vector<1x1x1xf32>
      %reduce_and3A_2116 = arith.constant 0.000000e+00 : f32
      %reduce_and3A_2117 = arith.cmpf ogt, %reduce_and3A_2115, %reduce_and3A_2116 : f32
      scf.yield %select_n3A_2105, %select_n3A_2097, %reduce_and3A_2117 : vector<1x128xf32>, vector<1x128xf32>, i1
    }
    %dot_general3A_907 = arith.constant dense<0.000000e+00> : vector<1x2048xf32>
    %dot_general3A_908 = tpu.matmul %while3A_906#1, %convert_element_type3A_897, %dot_general3A_907 {dimension_numbers = #tpu.dot_dimension_numbers<[1], [0], [0], [1], [0, 0, 1, 1], [], []>, transpose_lhs_hint = false} : vector<1x128xf32>, vector<128x2048xf32>, vector<1x2048xf32> -> vector<1x2048xf32>
    %gt3A_909 = arith.constant 0.000000e+00 : f32
    %gt3A_910 = vector.broadcast %gt3A_909 : f32 to vector<1x2048xf32>
    %gt3A_911 = arith.cmpf ogt, %dot_general3A_908, %gt3A_910 : vector<1x2048xf32>
    %ge3A_912 = arith.constant 1408 : i32
    %ge3A_913 = vector.broadcast %ge3A_912 : i32 to vector<1x2048xi32>
    %ge3A_914 = arith.cmpi sge, %iota3A, %ge3A_913 : vector<1x2048xi32>
    %and3A_915 = arith.andi %gt3A_911, %ge3A_914 : vector<1x2048xi1>
    %gt3A_916 = arith.constant 0.000000e+00 : f32
    %gt3A_917 = vector.broadcast %gt3A_916 : f32 to vector<1x128xf32>
    %gt3A_918 = arith.cmpf ogt, %convert_element_type3A_904, %gt3A_917 : vector<1x128xf32>
    %gt3A_919 = arith.constant 0.000000e+00 : f32
    %gt3A_920 = vector.broadcast %gt3A_919 : f32 to vector<1x128xf32>
    %gt3A_921 = arith.cmpf ogt, %while3A_906#1, %gt3A_920 : vector<1x128xf32>
    %not3A_922 = arith.constant dense<true> : vector<1x128xi1>
    %not3A_923 = arith.xori %gt3A_921, %not3A_922 : vector<1x128xi1>
    %and3A_924 = arith.andi %gt3A_918, %not3A_923 : vector<1x128xi1>
    %broadcast_in_dim3A_925 = arith.constant false
    %broadcast_in_dim3A_926 = vector.broadcast %broadcast_in_dim3A_925 : i1 to vector<1x1280xi1>
    %broadcast_in_dim3A_927 = arith.constant false
    %broadcast_in_dim3A_928 = vector.broadcast %broadcast_in_dim3A_927 : i1 to vector<1x640xi1>
    %concatenate3A_929 = tpu.concatenate %broadcast_in_dim3A_926, %and3A_924, %broadcast_in_dim3A_928 in 1 : vector<1x1280xi1>, vector<1x128xi1>, vector<1x640xi1> -> vector<1x2048xi1>
    %or3A_930 = arith.ori %and3A_915, %concatenate3A_929 : vector<1x2048xi1>
    %not3A_931 = arith.constant dense<true> : vector<1x2048xi1>
    %not3A_932 = arith.xori %or3A_930, %not3A_931 : vector<1x2048xi1>
    %and3A_933 = arith.andi %and3A_848, %not3A_932 : vector<1x2048xi1>
    %get3A_934 = arith.constant 0 : index
    %get3A_935 = arith.constant 11 : index
    %get3A_936 = vector.load %arg4[%get3A_934, %get3A_935] : memref<128x16xf32, #tpu.memory_space<vmem>>, vector<128x1xf32>
    %get3A_937 = arith.constant 0 : index
    %get3A_938 = arith.constant 11 : index
    %get3A_939 = vector.load %arg5[%get3A_937, %get3A_938] : memref<128x16xf32, #tpu.memory_space<vmem>>, vector<128x1xf32>
    %get3A_940 = arith.constant 0 : index
    %get3A_941 = arith.constant 11 : index
    %get3A_942 = vector.load %arg6[%get3A_940, %get3A_941] : memref<128x16xf32, #tpu.memory_space<vmem>>, vector<128x1xf32>
    %get3A_943 = arith.constant 0 : index
    %get3A_944 = arith.constant 11 : index
    %get3A_945 = vector.load %arg7[%get3A_943, %get3A_944] : memref<128x16xf32, #tpu.memory_space<vmem>>, vector<128x1xf32>
    %sub3A_946 = arith.subf %get3A_942, %get3A_936 : vector<128x1xf32>
    %sub3A_947 = arith.subf %get3A_945, %get3A_939 : vector<128x1xf32>
    %mul3A_948 = arith.mulf %sub3A_946, %sub3A_947 : vector<128x1xf32>
    %min3A_949 = vector.broadcast %get3A_942 : vector<128x1xf32> to vector<128x2048xf32>
    %min3A_950 = vector.broadcast %get3A_7 : vector<1x2048xf32> to vector<128x2048xf32>
    %min3A_951 = arith.minimumf %min3A_949, %min3A_950 : vector<128x2048xf32>
    %max3A_952 = vector.broadcast %get3A_936 : vector<128x1xf32> to vector<128x2048xf32>
    %max3A_953 = vector.broadcast %get3A_1 : vector<1x2048xf32> to vector<128x2048xf32>
    %max3A_954 = arith.maximumf %max3A_952, %max3A_953 : vector<128x2048xf32>
    %sub3A_955 = arith.subf %min3A_951, %max3A_954 : vector<128x2048xf32>
    %max3A_956 = arith.constant 0.000000e+00 : f32
    %max3A_957 = vector.broadcast %max3A_956 : f32 to vector<128x2048xf32>
    %max3A_958 = arith.maximumf %sub3A_955, %max3A_957 : vector<128x2048xf32>
    %min3A_959 = vector.broadcast %get3A_945 : vector<128x1xf32> to vector<128x2048xf32>
    %min3A_960 = vector.broadcast %get3A_10 : vector<1x2048xf32> to vector<128x2048xf32>
    %min3A_961 = arith.minimumf %min3A_959, %min3A_960 : vector<128x2048xf32>
    %max3A_962 = vector.broadcast %get3A_939 : vector<128x1xf32> to vector<128x2048xf32>
    %max3A_963 = vector.broadcast %get3A_4 : vector<1x2048xf32> to vector<128x2048xf32>
    %max3A_964 = arith.maximumf %max3A_962, %max3A_963 : vector<128x2048xf32>
    %sub3A_965 = arith.subf %min3A_961, %max3A_964 : vector<128x2048xf32>
    %max3A_966 = arith.constant 0.000000e+00 : f32
    %max3A_967 = vector.broadcast %max3A_966 : f32 to vector<128x2048xf32>
    %max3A_968 = arith.maximumf %sub3A_965, %max3A_967 : vector<128x2048xf32>
    %mul3A_969 = arith.mulf %max3A_958, %max3A_968 : vector<128x2048xf32>
    %add3A_970 = vector.broadcast %mul3A_948 : vector<128x1xf32> to vector<128x2048xf32>
    %add3A_971 = vector.broadcast %mul3A : vector<1x2048xf32> to vector<128x2048xf32>
    %add3A_972 = arith.addf %add3A_970, %add3A_971 : vector<128x2048xf32>
    %sub3A_973 = arith.subf %add3A_972, %mul3A_969 : vector<128x2048xf32>
    %max3A_974 = arith.constant 9.99999971E-10 : f32
    %max3A_975 = vector.broadcast %max3A_974 : f32 to vector<128x2048xf32>
    %max3A_976 = arith.maximumf %sub3A_973, %max3A_975 : vector<128x2048xf32>
    %mul3A_977 = arith.constant 0.699999988 : f32
    %mul3A_978 = vector.broadcast %mul3A_977 : f32 to vector<128x2048xf32>
    %mul3A_979 = arith.mulf %mul3A_978, %max3A_976 : vector<128x2048xf32>
    %gt3A_980 = arith.cmpf ogt, %mul3A_969, %mul3A_979 : vector<128x2048xf32>
    %convert_element_type3A_981 = arith.extui %gt3A_980 : vector<128x2048xi1> to vector<128x2048xi32>
    %convert_element_type3A_982 = arith.sitofp %convert_element_type3A_981 : vector<128x2048xi32> to vector<128x2048xf32>
    %slice3A_983 = vector.extract_strided_slice %convert_element_type3A_982 {offsets = [0, 1408], sizes = [128, 128], strides = [1, 1]} : vector<128x2048xf32> to vector<128x128xf32>
    %jit3A_984 = arith.constant 0.000000e+00 : f32
    %broadcast_in_dim3A_985 = vector.broadcast %jit3A_984 : f32 to vector<128x128xf32>
    %select_n3A_986 = arith.select %lt3A_16, %slice3A_983, %broadcast_in_dim3A_985 : vector<128x128xi1>, vector<128x128xf32>
    %slice3A_987 = vector.extract_strided_slice %and3A_933 {offsets = [0, 1408], sizes = [1, 128], strides = [1, 1]} : vector<1x2048xi1> to vector<1x128xi1>
    %convert_element_type3A_988 = arith.extui %slice3A_987 : vector<1x128xi1> to vector<1x128xi32>
    %convert_element_type3A_989 = arith.sitofp %convert_element_type3A_988 : vector<1x128xi32> to vector<1x128xf32>
    %while3A_990 = arith.constant false
    %while3A_991:3 = scf.while (%while3A_2087 = %convert_element_type3A_989, %while3A_2088 = %convert_element_type3A_989, %while3A_2089 = %while3A_990) : (vector<1x128xf32>, vector<1x128xf32>, i1) -> (vector<1x128xf32>, vector<1x128xf32>, i1) {
      %not3A_2090 = arith.constant true
      %not3A_2091 = arith.xori %while3A_2089, %not3A_2090 : i1
      scf.condition(%not3A_2091) %while3A_2087, %while3A_2088, %while3A_2089 : vector<1x128xf32>, vector<1x128xf32>, i1
    } do {
    ^bb0(%while3A_2087: vector<1x128xf32>, %while3A_2088: vector<1x128xf32>, %while3A_2089: i1):
      %dot_general3A_2090 = arith.constant dense<0.000000e+00> : vector<1x128xf32>
      %dot_general3A_2091 = tpu.matmul %while3A_2087, %select_n3A_986, %dot_general3A_2090 {dimension_numbers = #tpu.dot_dimension_numbers<[1], [0], [0], [1], [0, 0, 1, 1], [], []>, transpose_lhs_hint = false} : vector<1x128xf32>, vector<128x128xf32>, vector<1x128xf32> -> vector<1x128xf32>
      %gt3A_2092 = arith.constant 0.000000e+00 : f32
      %gt3A_2093 = vector.broadcast %gt3A_2092 : f32 to vector<1x128xf32>
      %gt3A_2094 = arith.cmpf ogt, %dot_general3A_2091, %gt3A_2093 : vector<1x128xf32>
      %jit3A_2095 = arith.constant 0.000000e+00 : f32
      %broadcast_in_dim3A_2096 = vector.broadcast %jit3A_2095 : f32 to vector<1x128xf32>
      %select_n3A_2097 = arith.select %gt3A_2094, %broadcast_in_dim3A_2096, %while3A_2087 : vector<1x128xi1>, vector<1x128xf32>
      %dot_general3A_2098 = arith.constant dense<0.000000e+00> : vector<1x128xf32>
      %dot_general3A_2099 = tpu.matmul %select_n3A_2097, %select_n3A_986, %dot_general3A_2098 {dimension_numbers = #tpu.dot_dimension_numbers<[1], [0], [0], [1], [0, 0, 1, 1], [], []>, transpose_lhs_hint = false} : vector<1x128xf32>, vector<128x128xf32>, vector<1x128xf32> -> vector<1x128xf32>
      %gt3A_2100 = arith.constant 0.000000e+00 : f32
      %gt3A_2101 = vector.broadcast %gt3A_2100 : f32 to vector<1x128xf32>
      %gt3A_2102 = arith.cmpf ogt, %dot_general3A_2099, %gt3A_2101 : vector<1x128xf32>
      %jit3A_2103 = arith.constant 0.000000e+00 : f32
      %broadcast_in_dim3A_2104 = vector.broadcast %jit3A_2103 : f32 to vector<1x128xf32>
      %select_n3A_2105 = arith.select %gt3A_2102, %broadcast_in_dim3A_2104, %while3A_2087 : vector<1x128xi1>, vector<1x128xf32>
      %eq3A_2106 = arith.cmpf oeq, %select_n3A_2105, %while3A_2087 : vector<1x128xf32>
      %reduce_and3A = arith.constant 1.000000e+00 : f32
      %reduce_and3A_2107 = arith.constant 0.000000e+00 : f32
      %reduce_and3A_2108 = vector.broadcast %reduce_and3A : f32 to vector<1x128xf32>
      %reduce_and3A_2109 = vector.broadcast %reduce_and3A_2107 : f32 to vector<1x128xf32>
      %reduce_and3A_2110 = arith.select %eq3A_2106, %reduce_and3A_2108, %reduce_and3A_2109 : vector<1x128xi1>, vector<1x128xf32>
      %reduce_and3A_2111 = vector.shape_cast %reduce_and3A_2110 : vector<1x128xf32> to vector<1x1x128xf32>
      %reduce_and3A_2112 = arith.constant dense<0x7F800000> : vector<1xf32>
      %reduce_and3A_2113 = vector.multi_reduction <minimumf>, %reduce_and3A_2111, %reduce_and3A_2112 [1, 2] : vector<1x1x128xf32> to vector<1xf32>
      %reduce_and3A_2114 = vector.shape_cast %reduce_and3A_2113 : vector<1xf32> to vector<1x1x1xf32>
      %reduce_and3A_2115 = vector.extract %reduce_and3A_2114[0, 0, 0] : f32 from vector<1x1x1xf32>
      %reduce_and3A_2116 = arith.constant 0.000000e+00 : f32
      %reduce_and3A_2117 = arith.cmpf ogt, %reduce_and3A_2115, %reduce_and3A_2116 : f32
      scf.yield %select_n3A_2105, %select_n3A_2097, %reduce_and3A_2117 : vector<1x128xf32>, vector<1x128xf32>, i1
    }
    %dot_general3A_992 = arith.constant dense<0.000000e+00> : vector<1x2048xf32>
    %dot_general3A_993 = tpu.matmul %while3A_991#1, %convert_element_type3A_982, %dot_general3A_992 {dimension_numbers = #tpu.dot_dimension_numbers<[1], [0], [0], [1], [0, 0, 1, 1], [], []>, transpose_lhs_hint = false} : vector<1x128xf32>, vector<128x2048xf32>, vector<1x2048xf32> -> vector<1x2048xf32>
    %gt3A_994 = arith.constant 0.000000e+00 : f32
    %gt3A_995 = vector.broadcast %gt3A_994 : f32 to vector<1x2048xf32>
    %gt3A_996 = arith.cmpf ogt, %dot_general3A_993, %gt3A_995 : vector<1x2048xf32>
    %ge3A_997 = arith.constant 1536 : i32
    %ge3A_998 = vector.broadcast %ge3A_997 : i32 to vector<1x2048xi32>
    %ge3A_999 = arith.cmpi sge, %iota3A, %ge3A_998 : vector<1x2048xi32>
    %and3A_1000 = arith.andi %gt3A_996, %ge3A_999 : vector<1x2048xi1>
    %gt3A_1001 = arith.constant 0.000000e+00 : f32
    %gt3A_1002 = vector.broadcast %gt3A_1001 : f32 to vector<1x128xf32>
    %gt3A_1003 = arith.cmpf ogt, %convert_element_type3A_989, %gt3A_1002 : vector<1x128xf32>
    %gt3A_1004 = arith.constant 0.000000e+00 : f32
    %gt3A_1005 = vector.broadcast %gt3A_1004 : f32 to vector<1x128xf32>
    %gt3A_1006 = arith.cmpf ogt, %while3A_991#1, %gt3A_1005 : vector<1x128xf32>
    %not3A_1007 = arith.constant dense<true> : vector<1x128xi1>
    %not3A_1008 = arith.xori %gt3A_1006, %not3A_1007 : vector<1x128xi1>
    %and3A_1009 = arith.andi %gt3A_1003, %not3A_1008 : vector<1x128xi1>
    %broadcast_in_dim3A_1010 = arith.constant false
    %broadcast_in_dim3A_1011 = vector.broadcast %broadcast_in_dim3A_1010 : i1 to vector<1x1408xi1>
    %broadcast_in_dim3A_1012 = arith.constant false
    %broadcast_in_dim3A_1013 = vector.broadcast %broadcast_in_dim3A_1012 : i1 to vector<1x512xi1>
    %concatenate3A_1014 = tpu.concatenate %broadcast_in_dim3A_1011, %and3A_1009, %broadcast_in_dim3A_1013 in 1 : vector<1x1408xi1>, vector<1x128xi1>, vector<1x512xi1> -> vector<1x2048xi1>
    %or3A_1015 = arith.ori %and3A_1000, %concatenate3A_1014 : vector<1x2048xi1>
    %not3A_1016 = arith.constant dense<true> : vector<1x2048xi1>
    %not3A_1017 = arith.xori %or3A_1015, %not3A_1016 : vector<1x2048xi1>
    %and3A_1018 = arith.andi %and3A_933, %not3A_1017 : vector<1x2048xi1>
    %get3A_1019 = arith.constant 0 : index
    %get3A_1020 = arith.constant 12 : index
    %get3A_1021 = vector.load %arg4[%get3A_1019, %get3A_1020] : memref<128x16xf32, #tpu.memory_space<vmem>>, vector<128x1xf32>
    %get3A_1022 = arith.constant 0 : index
    %get3A_1023 = arith.constant 12 : index
    %get3A_1024 = vector.load %arg5[%get3A_1022, %get3A_1023] : memref<128x16xf32, #tpu.memory_space<vmem>>, vector<128x1xf32>
    %get3A_1025 = arith.constant 0 : index
    %get3A_1026 = arith.constant 12 : index
    %get3A_1027 = vector.load %arg6[%get3A_1025, %get3A_1026] : memref<128x16xf32, #tpu.memory_space<vmem>>, vector<128x1xf32>
    %get3A_1028 = arith.constant 0 : index
    %get3A_1029 = arith.constant 12 : index
    %get3A_1030 = vector.load %arg7[%get3A_1028, %get3A_1029] : memref<128x16xf32, #tpu.memory_space<vmem>>, vector<128x1xf32>
    %sub3A_1031 = arith.subf %get3A_1027, %get3A_1021 : vector<128x1xf32>
    %sub3A_1032 = arith.subf %get3A_1030, %get3A_1024 : vector<128x1xf32>
    %mul3A_1033 = arith.mulf %sub3A_1031, %sub3A_1032 : vector<128x1xf32>
    %min3A_1034 = vector.broadcast %get3A_1027 : vector<128x1xf32> to vector<128x2048xf32>
    %min3A_1035 = vector.broadcast %get3A_7 : vector<1x2048xf32> to vector<128x2048xf32>
    %min3A_1036 = arith.minimumf %min3A_1034, %min3A_1035 : vector<128x2048xf32>
    %max3A_1037 = vector.broadcast %get3A_1021 : vector<128x1xf32> to vector<128x2048xf32>
    %max3A_1038 = vector.broadcast %get3A_1 : vector<1x2048xf32> to vector<128x2048xf32>
    %max3A_1039 = arith.maximumf %max3A_1037, %max3A_1038 : vector<128x2048xf32>
    %sub3A_1040 = arith.subf %min3A_1036, %max3A_1039 : vector<128x2048xf32>
    %max3A_1041 = arith.constant 0.000000e+00 : f32
    %max3A_1042 = vector.broadcast %max3A_1041 : f32 to vector<128x2048xf32>
    %max3A_1043 = arith.maximumf %sub3A_1040, %max3A_1042 : vector<128x2048xf32>
    %min3A_1044 = vector.broadcast %get3A_1030 : vector<128x1xf32> to vector<128x2048xf32>
    %min3A_1045 = vector.broadcast %get3A_10 : vector<1x2048xf32> to vector<128x2048xf32>
    %min3A_1046 = arith.minimumf %min3A_1044, %min3A_1045 : vector<128x2048xf32>
    %max3A_1047 = vector.broadcast %get3A_1024 : vector<128x1xf32> to vector<128x2048xf32>
    %max3A_1048 = vector.broadcast %get3A_4 : vector<1x2048xf32> to vector<128x2048xf32>
    %max3A_1049 = arith.maximumf %max3A_1047, %max3A_1048 : vector<128x2048xf32>
    %sub3A_1050 = arith.subf %min3A_1046, %max3A_1049 : vector<128x2048xf32>
    %max3A_1051 = arith.constant 0.000000e+00 : f32
    %max3A_1052 = vector.broadcast %max3A_1051 : f32 to vector<128x2048xf32>
    %max3A_1053 = arith.maximumf %sub3A_1050, %max3A_1052 : vector<128x2048xf32>
    %mul3A_1054 = arith.mulf %max3A_1043, %max3A_1053 : vector<128x2048xf32>
    %add3A_1055 = vector.broadcast %mul3A_1033 : vector<128x1xf32> to vector<128x2048xf32>
    %add3A_1056 = vector.broadcast %mul3A : vector<1x2048xf32> to vector<128x2048xf32>
    %add3A_1057 = arith.addf %add3A_1055, %add3A_1056 : vector<128x2048xf32>
    %sub3A_1058 = arith.subf %add3A_1057, %mul3A_1054 : vector<128x2048xf32>
    %max3A_1059 = arith.constant 9.99999971E-10 : f32
    %max3A_1060 = vector.broadcast %max3A_1059 : f32 to vector<128x2048xf32>
    %max3A_1061 = arith.maximumf %sub3A_1058, %max3A_1060 : vector<128x2048xf32>
    %mul3A_1062 = arith.constant 0.699999988 : f32
    %mul3A_1063 = vector.broadcast %mul3A_1062 : f32 to vector<128x2048xf32>
    %mul3A_1064 = arith.mulf %mul3A_1063, %max3A_1061 : vector<128x2048xf32>
    %gt3A_1065 = arith.cmpf ogt, %mul3A_1054, %mul3A_1064 : vector<128x2048xf32>
    %convert_element_type3A_1066 = arith.extui %gt3A_1065 : vector<128x2048xi1> to vector<128x2048xi32>
    %convert_element_type3A_1067 = arith.sitofp %convert_element_type3A_1066 : vector<128x2048xi32> to vector<128x2048xf32>
    %slice3A_1068 = vector.extract_strided_slice %convert_element_type3A_1067 {offsets = [0, 1536], sizes = [128, 128], strides = [1, 1]} : vector<128x2048xf32> to vector<128x128xf32>
    %jit3A_1069 = arith.constant 0.000000e+00 : f32
    %broadcast_in_dim3A_1070 = vector.broadcast %jit3A_1069 : f32 to vector<128x128xf32>
    %select_n3A_1071 = arith.select %lt3A_16, %slice3A_1068, %broadcast_in_dim3A_1070 : vector<128x128xi1>, vector<128x128xf32>
    %slice3A_1072 = vector.extract_strided_slice %and3A_1018 {offsets = [0, 1536], sizes = [1, 128], strides = [1, 1]} : vector<1x2048xi1> to vector<1x128xi1>
    %convert_element_type3A_1073 = arith.extui %slice3A_1072 : vector<1x128xi1> to vector<1x128xi32>
    %convert_element_type3A_1074 = arith.sitofp %convert_element_type3A_1073 : vector<1x128xi32> to vector<1x128xf32>
    %while3A_1075 = arith.constant false
    %while3A_1076:3 = scf.while (%while3A_2087 = %convert_element_type3A_1074, %while3A_2088 = %convert_element_type3A_1074, %while3A_2089 = %while3A_1075) : (vector<1x128xf32>, vector<1x128xf32>, i1) -> (vector<1x128xf32>, vector<1x128xf32>, i1) {
      %not3A_2090 = arith.constant true
      %not3A_2091 = arith.xori %while3A_2089, %not3A_2090 : i1
      scf.condition(%not3A_2091) %while3A_2087, %while3A_2088, %while3A_2089 : vector<1x128xf32>, vector<1x128xf32>, i1
    } do {
    ^bb0(%while3A_2087: vector<1x128xf32>, %while3A_2088: vector<1x128xf32>, %while3A_2089: i1):
      %dot_general3A_2090 = arith.constant dense<0.000000e+00> : vector<1x128xf32>
      %dot_general3A_2091 = tpu.matmul %while3A_2087, %select_n3A_1071, %dot_general3A_2090 {dimension_numbers = #tpu.dot_dimension_numbers<[1], [0], [0], [1], [0, 0, 1, 1], [], []>, transpose_lhs_hint = false} : vector<1x128xf32>, vector<128x128xf32>, vector<1x128xf32> -> vector<1x128xf32>
      %gt3A_2092 = arith.constant 0.000000e+00 : f32
      %gt3A_2093 = vector.broadcast %gt3A_2092 : f32 to vector<1x128xf32>
      %gt3A_2094 = arith.cmpf ogt, %dot_general3A_2091, %gt3A_2093 : vector<1x128xf32>
      %jit3A_2095 = arith.constant 0.000000e+00 : f32
      %broadcast_in_dim3A_2096 = vector.broadcast %jit3A_2095 : f32 to vector<1x128xf32>
      %select_n3A_2097 = arith.select %gt3A_2094, %broadcast_in_dim3A_2096, %while3A_2087 : vector<1x128xi1>, vector<1x128xf32>
      %dot_general3A_2098 = arith.constant dense<0.000000e+00> : vector<1x128xf32>
      %dot_general3A_2099 = tpu.matmul %select_n3A_2097, %select_n3A_1071, %dot_general3A_2098 {dimension_numbers = #tpu.dot_dimension_numbers<[1], [0], [0], [1], [0, 0, 1, 1], [], []>, transpose_lhs_hint = false} : vector<1x128xf32>, vector<128x128xf32>, vector<1x128xf32> -> vector<1x128xf32>
      %gt3A_2100 = arith.constant 0.000000e+00 : f32
      %gt3A_2101 = vector.broadcast %gt3A_2100 : f32 to vector<1x128xf32>
      %gt3A_2102 = arith.cmpf ogt, %dot_general3A_2099, %gt3A_2101 : vector<1x128xf32>
      %jit3A_2103 = arith.constant 0.000000e+00 : f32
      %broadcast_in_dim3A_2104 = vector.broadcast %jit3A_2103 : f32 to vector<1x128xf32>
      %select_n3A_2105 = arith.select %gt3A_2102, %broadcast_in_dim3A_2104, %while3A_2087 : vector<1x128xi1>, vector<1x128xf32>
      %eq3A_2106 = arith.cmpf oeq, %select_n3A_2105, %while3A_2087 : vector<1x128xf32>
      %reduce_and3A = arith.constant 1.000000e+00 : f32
      %reduce_and3A_2107 = arith.constant 0.000000e+00 : f32
      %reduce_and3A_2108 = vector.broadcast %reduce_and3A : f32 to vector<1x128xf32>
      %reduce_and3A_2109 = vector.broadcast %reduce_and3A_2107 : f32 to vector<1x128xf32>
      %reduce_and3A_2110 = arith.select %eq3A_2106, %reduce_and3A_2108, %reduce_and3A_2109 : vector<1x128xi1>, vector<1x128xf32>
      %reduce_and3A_2111 = vector.shape_cast %reduce_and3A_2110 : vector<1x128xf32> to vector<1x1x128xf32>
      %reduce_and3A_2112 = arith.constant dense<0x7F800000> : vector<1xf32>
      %reduce_and3A_2113 = vector.multi_reduction <minimumf>, %reduce_and3A_2111, %reduce_and3A_2112 [1, 2] : vector<1x1x128xf32> to vector<1xf32>
      %reduce_and3A_2114 = vector.shape_cast %reduce_and3A_2113 : vector<1xf32> to vector<1x1x1xf32>
      %reduce_and3A_2115 = vector.extract %reduce_and3A_2114[0, 0, 0] : f32 from vector<1x1x1xf32>
      %reduce_and3A_2116 = arith.constant 0.000000e+00 : f32
      %reduce_and3A_2117 = arith.cmpf ogt, %reduce_and3A_2115, %reduce_and3A_2116 : f32
      scf.yield %select_n3A_2105, %select_n3A_2097, %reduce_and3A_2117 : vector<1x128xf32>, vector<1x128xf32>, i1
    }
    %dot_general3A_1077 = arith.constant dense<0.000000e+00> : vector<1x2048xf32>
    %dot_general3A_1078 = tpu.matmul %while3A_1076#1, %convert_element_type3A_1067, %dot_general3A_1077 {dimension_numbers = #tpu.dot_dimension_numbers<[1], [0], [0], [1], [0, 0, 1, 1], [], []>, transpose_lhs_hint = false} : vector<1x128xf32>, vector<128x2048xf32>, vector<1x2048xf32> -> vector<1x2048xf32>
    %gt3A_1079 = arith.constant 0.000000e+00 : f32
    %gt3A_1080 = vector.broadcast %gt3A_1079 : f32 to vector<1x2048xf32>
    %gt3A_1081 = arith.cmpf ogt, %dot_general3A_1078, %gt3A_1080 : vector<1x2048xf32>
    %ge3A_1082 = arith.constant 1664 : i32
    %ge3A_1083 = vector.broadcast %ge3A_1082 : i32 to vector<1x2048xi32>
    %ge3A_1084 = arith.cmpi sge, %iota3A, %ge3A_1083 : vector<1x2048xi32>
    %and3A_1085 = arith.andi %gt3A_1081, %ge3A_1084 : vector<1x2048xi1>
    %gt3A_1086 = arith.constant 0.000000e+00 : f32
    %gt3A_1087 = vector.broadcast %gt3A_1086 : f32 to vector<1x128xf32>
    %gt3A_1088 = arith.cmpf ogt, %convert_element_type3A_1074, %gt3A_1087 : vector<1x128xf32>
    %gt3A_1089 = arith.constant 0.000000e+00 : f32
    %gt3A_1090 = vector.broadcast %gt3A_1089 : f32 to vector<1x128xf32>
    %gt3A_1091 = arith.cmpf ogt, %while3A_1076#1, %gt3A_1090 : vector<1x128xf32>
    %not3A_1092 = arith.constant dense<true> : vector<1x128xi1>
    %not3A_1093 = arith.xori %gt3A_1091, %not3A_1092 : vector<1x128xi1>
    %and3A_1094 = arith.andi %gt3A_1088, %not3A_1093 : vector<1x128xi1>
    %broadcast_in_dim3A_1095 = arith.constant false
    %broadcast_in_dim3A_1096 = vector.broadcast %broadcast_in_dim3A_1095 : i1 to vector<1x1536xi1>
    %broadcast_in_dim3A_1097 = arith.constant false
    %broadcast_in_dim3A_1098 = vector.broadcast %broadcast_in_dim3A_1097 : i1 to vector<1x384xi1>
    %concatenate3A_1099 = tpu.concatenate %broadcast_in_dim3A_1096, %and3A_1094, %broadcast_in_dim3A_1098 in 1 : vector<1x1536xi1>, vector<1x128xi1>, vector<1x384xi1> -> vector<1x2048xi1>
    %or3A_1100 = arith.ori %and3A_1085, %concatenate3A_1099 : vector<1x2048xi1>
    %not3A_1101 = arith.constant dense<true> : vector<1x2048xi1>
    %not3A_1102 = arith.xori %or3A_1100, %not3A_1101 : vector<1x2048xi1>
    %and3A_1103 = arith.andi %and3A_1018, %not3A_1102 : vector<1x2048xi1>
    %get3A_1104 = arith.constant 0 : index
    %get3A_1105 = arith.constant 13 : index
    %get3A_1106 = vector.load %arg4[%get3A_1104, %get3A_1105] : memref<128x16xf32, #tpu.memory_space<vmem>>, vector<128x1xf32>
    %get3A_1107 = arith.constant 0 : index
    %get3A_1108 = arith.constant 13 : index
    %get3A_1109 = vector.load %arg5[%get3A_1107, %get3A_1108] : memref<128x16xf32, #tpu.memory_space<vmem>>, vector<128x1xf32>
    %get3A_1110 = arith.constant 0 : index
    %get3A_1111 = arith.constant 13 : index
    %get3A_1112 = vector.load %arg6[%get3A_1110, %get3A_1111] : memref<128x16xf32, #tpu.memory_space<vmem>>, vector<128x1xf32>
    %get3A_1113 = arith.constant 0 : index
    %get3A_1114 = arith.constant 13 : index
    %get3A_1115 = vector.load %arg7[%get3A_1113, %get3A_1114] : memref<128x16xf32, #tpu.memory_space<vmem>>, vector<128x1xf32>
    %sub3A_1116 = arith.subf %get3A_1112, %get3A_1106 : vector<128x1xf32>
    %sub3A_1117 = arith.subf %get3A_1115, %get3A_1109 : vector<128x1xf32>
    %mul3A_1118 = arith.mulf %sub3A_1116, %sub3A_1117 : vector<128x1xf32>
    %min3A_1119 = vector.broadcast %get3A_1112 : vector<128x1xf32> to vector<128x2048xf32>
    %min3A_1120 = vector.broadcast %get3A_7 : vector<1x2048xf32> to vector<128x2048xf32>
    %min3A_1121 = arith.minimumf %min3A_1119, %min3A_1120 : vector<128x2048xf32>
    %max3A_1122 = vector.broadcast %get3A_1106 : vector<128x1xf32> to vector<128x2048xf32>
    %max3A_1123 = vector.broadcast %get3A_1 : vector<1x2048xf32> to vector<128x2048xf32>
    %max3A_1124 = arith.maximumf %max3A_1122, %max3A_1123 : vector<128x2048xf32>
    %sub3A_1125 = arith.subf %min3A_1121, %max3A_1124 : vector<128x2048xf32>
    %max3A_1126 = arith.constant 0.000000e+00 : f32
    %max3A_1127 = vector.broadcast %max3A_1126 : f32 to vector<128x2048xf32>
    %max3A_1128 = arith.maximumf %sub3A_1125, %max3A_1127 : vector<128x2048xf32>
    %min3A_1129 = vector.broadcast %get3A_1115 : vector<128x1xf32> to vector<128x2048xf32>
    %min3A_1130 = vector.broadcast %get3A_10 : vector<1x2048xf32> to vector<128x2048xf32>
    %min3A_1131 = arith.minimumf %min3A_1129, %min3A_1130 : vector<128x2048xf32>
    %max3A_1132 = vector.broadcast %get3A_1109 : vector<128x1xf32> to vector<128x2048xf32>
    %max3A_1133 = vector.broadcast %get3A_4 : vector<1x2048xf32> to vector<128x2048xf32>
    %max3A_1134 = arith.maximumf %max3A_1132, %max3A_1133 : vector<128x2048xf32>
    %sub3A_1135 = arith.subf %min3A_1131, %max3A_1134 : vector<128x2048xf32>
    %max3A_1136 = arith.constant 0.000000e+00 : f32
    %max3A_1137 = vector.broadcast %max3A_1136 : f32 to vector<128x2048xf32>
    %max3A_1138 = arith.maximumf %sub3A_1135, %max3A_1137 : vector<128x2048xf32>
    %mul3A_1139 = arith.mulf %max3A_1128, %max3A_1138 : vector<128x2048xf32>
    %add3A_1140 = vector.broadcast %mul3A_1118 : vector<128x1xf32> to vector<128x2048xf32>
    %add3A_1141 = vector.broadcast %mul3A : vector<1x2048xf32> to vector<128x2048xf32>
    %add3A_1142 = arith.addf %add3A_1140, %add3A_1141 : vector<128x2048xf32>
    %sub3A_1143 = arith.subf %add3A_1142, %mul3A_1139 : vector<128x2048xf32>
    %max3A_1144 = arith.constant 9.99999971E-10 : f32
    %max3A_1145 = vector.broadcast %max3A_1144 : f32 to vector<128x2048xf32>
    %max3A_1146 = arith.maximumf %sub3A_1143, %max3A_1145 : vector<128x2048xf32>
    %mul3A_1147 = arith.constant 0.699999988 : f32
    %mul3A_1148 = vector.broadcast %mul3A_1147 : f32 to vector<128x2048xf32>
    %mul3A_1149 = arith.mulf %mul3A_1148, %max3A_1146 : vector<128x2048xf32>
    %gt3A_1150 = arith.cmpf ogt, %mul3A_1139, %mul3A_1149 : vector<128x2048xf32>
    %convert_element_type3A_1151 = arith.extui %gt3A_1150 : vector<128x2048xi1> to vector<128x2048xi32>
    %convert_element_type3A_1152 = arith.sitofp %convert_element_type3A_1151 : vector<128x2048xi32> to vector<128x2048xf32>
    %slice3A_1153 = vector.extract_strided_slice %convert_element_type3A_1152 {offsets = [0, 1664], sizes = [128, 128], strides = [1, 1]} : vector<128x2048xf32> to vector<128x128xf32>
    %jit3A_1154 = arith.constant 0.000000e+00 : f32
    %broadcast_in_dim3A_1155 = vector.broadcast %jit3A_1154 : f32 to vector<128x128xf32>
    %select_n3A_1156 = arith.select %lt3A_16, %slice3A_1153, %broadcast_in_dim3A_1155 : vector<128x128xi1>, vector<128x128xf32>
    %slice3A_1157 = vector.extract_strided_slice %and3A_1103 {offsets = [0, 1664], sizes = [1, 128], strides = [1, 1]} : vector<1x2048xi1> to vector<1x128xi1>
    %convert_element_type3A_1158 = arith.extui %slice3A_1157 : vector<1x128xi1> to vector<1x128xi32>
    %convert_element_type3A_1159 = arith.sitofp %convert_element_type3A_1158 : vector<1x128xi32> to vector<1x128xf32>
    %while3A_1160 = arith.constant false
    %while3A_1161:3 = scf.while (%while3A_2087 = %convert_element_type3A_1159, %while3A_2088 = %convert_element_type3A_1159, %while3A_2089 = %while3A_1160) : (vector<1x128xf32>, vector<1x128xf32>, i1) -> (vector<1x128xf32>, vector<1x128xf32>, i1) {
      %not3A_2090 = arith.constant true
      %not3A_2091 = arith.xori %while3A_2089, %not3A_2090 : i1
      scf.condition(%not3A_2091) %while3A_2087, %while3A_2088, %while3A_2089 : vector<1x128xf32>, vector<1x128xf32>, i1
    } do {
    ^bb0(%while3A_2087: vector<1x128xf32>, %while3A_2088: vector<1x128xf32>, %while3A_2089: i1):
      %dot_general3A_2090 = arith.constant dense<0.000000e+00> : vector<1x128xf32>
      %dot_general3A_2091 = tpu.matmul %while3A_2087, %select_n3A_1156, %dot_general3A_2090 {dimension_numbers = #tpu.dot_dimension_numbers<[1], [0], [0], [1], [0, 0, 1, 1], [], []>, transpose_lhs_hint = false} : vector<1x128xf32>, vector<128x128xf32>, vector<1x128xf32> -> vector<1x128xf32>
      %gt3A_2092 = arith.constant 0.000000e+00 : f32
      %gt3A_2093 = vector.broadcast %gt3A_2092 : f32 to vector<1x128xf32>
      %gt3A_2094 = arith.cmpf ogt, %dot_general3A_2091, %gt3A_2093 : vector<1x128xf32>
      %jit3A_2095 = arith.constant 0.000000e+00 : f32
      %broadcast_in_dim3A_2096 = vector.broadcast %jit3A_2095 : f32 to vector<1x128xf32>
      %select_n3A_2097 = arith.select %gt3A_2094, %broadcast_in_dim3A_2096, %while3A_2087 : vector<1x128xi1>, vector<1x128xf32>
      %dot_general3A_2098 = arith.constant dense<0.000000e+00> : vector<1x128xf32>
      %dot_general3A_2099 = tpu.matmul %select_n3A_2097, %select_n3A_1156, %dot_general3A_2098 {dimension_numbers = #tpu.dot_dimension_numbers<[1], [0], [0], [1], [0, 0, 1, 1], [], []>, transpose_lhs_hint = false} : vector<1x128xf32>, vector<128x128xf32>, vector<1x128xf32> -> vector<1x128xf32>
      %gt3A_2100 = arith.constant 0.000000e+00 : f32
      %gt3A_2101 = vector.broadcast %gt3A_2100 : f32 to vector<1x128xf32>
      %gt3A_2102 = arith.cmpf ogt, %dot_general3A_2099, %gt3A_2101 : vector<1x128xf32>
      %jit3A_2103 = arith.constant 0.000000e+00 : f32
      %broadcast_in_dim3A_2104 = vector.broadcast %jit3A_2103 : f32 to vector<1x128xf32>
      %select_n3A_2105 = arith.select %gt3A_2102, %broadcast_in_dim3A_2104, %while3A_2087 : vector<1x128xi1>, vector<1x128xf32>
      %eq3A_2106 = arith.cmpf oeq, %select_n3A_2105, %while3A_2087 : vector<1x128xf32>
      %reduce_and3A = arith.constant 1.000000e+00 : f32
      %reduce_and3A_2107 = arith.constant 0.000000e+00 : f32
      %reduce_and3A_2108 = vector.broadcast %reduce_and3A : f32 to vector<1x128xf32>
      %reduce_and3A_2109 = vector.broadcast %reduce_and3A_2107 : f32 to vector<1x128xf32>
      %reduce_and3A_2110 = arith.select %eq3A_2106, %reduce_and3A_2108, %reduce_and3A_2109 : vector<1x128xi1>, vector<1x128xf32>
      %reduce_and3A_2111 = vector.shape_cast %reduce_and3A_2110 : vector<1x128xf32> to vector<1x1x128xf32>
      %reduce_and3A_2112 = arith.constant dense<0x7F800000> : vector<1xf32>
      %reduce_and3A_2113 = vector.multi_reduction <minimumf>, %reduce_and3A_2111, %reduce_and3A_2112 [1, 2] : vector<1x1x128xf32> to vector<1xf32>
      %reduce_and3A_2114 = vector.shape_cast %reduce_and3A_2113 : vector<1xf32> to vector<1x1x1xf32>
      %reduce_and3A_2115 = vector.extract %reduce_and3A_2114[0, 0, 0] : f32 from vector<1x1x1xf32>
      %reduce_and3A_2116 = arith.constant 0.000000e+00 : f32
      %reduce_and3A_2117 = arith.cmpf ogt, %reduce_and3A_2115, %reduce_and3A_2116 : f32
      scf.yield %select_n3A_2105, %select_n3A_2097, %reduce_and3A_2117 : vector<1x128xf32>, vector<1x128xf32>, i1
    }
    %dot_general3A_1162 = arith.constant dense<0.000000e+00> : vector<1x2048xf32>
    %dot_general3A_1163 = tpu.matmul %while3A_1161#1, %convert_element_type3A_1152, %dot_general3A_1162 {dimension_numbers = #tpu.dot_dimension_numbers<[1], [0], [0], [1], [0, 0, 1, 1], [], []>, transpose_lhs_hint = false} : vector<1x128xf32>, vector<128x2048xf32>, vector<1x2048xf32> -> vector<1x2048xf32>
    %gt3A_1164 = arith.constant 0.000000e+00 : f32
    %gt3A_1165 = vector.broadcast %gt3A_1164 : f32 to vector<1x2048xf32>
    %gt3A_1166 = arith.cmpf ogt, %dot_general3A_1163, %gt3A_1165 : vector<1x2048xf32>
    %ge3A_1167 = arith.constant 1792 : i32
    %ge3A_1168 = vector.broadcast %ge3A_1167 : i32 to vector<1x2048xi32>
    %ge3A_1169 = arith.cmpi sge, %iota3A, %ge3A_1168 : vector<1x2048xi32>
    %and3A_1170 = arith.andi %gt3A_1166, %ge3A_1169 : vector<1x2048xi1>
    %gt3A_1171 = arith.constant 0.000000e+00 : f32
    %gt3A_1172 = vector.broadcast %gt3A_1171 : f32 to vector<1x128xf32>
    %gt3A_1173 = arith.cmpf ogt, %convert_element_type3A_1159, %gt3A_1172 : vector<1x128xf32>
    %gt3A_1174 = arith.constant 0.000000e+00 : f32
    %gt3A_1175 = vector.broadcast %gt3A_1174 : f32 to vector<1x128xf32>
    %gt3A_1176 = arith.cmpf ogt, %while3A_1161#1, %gt3A_1175 : vector<1x128xf32>
    %not3A_1177 = arith.constant dense<true> : vector<1x128xi1>
    %not3A_1178 = arith.xori %gt3A_1176, %not3A_1177 : vector<1x128xi1>
    %and3A_1179 = arith.andi %gt3A_1173, %not3A_1178 : vector<1x128xi1>
    %broadcast_in_dim3A_1180 = arith.constant false
    %broadcast_in_dim3A_1181 = vector.broadcast %broadcast_in_dim3A_1180 : i1 to vector<1x1664xi1>
    %broadcast_in_dim3A_1182 = arith.constant false
    %broadcast_in_dim3A_1183 = vector.broadcast %broadcast_in_dim3A_1182 : i1 to vector<1x256xi1>
    %concatenate3A_1184 = tpu.concatenate %broadcast_in_dim3A_1181, %and3A_1179, %broadcast_in_dim3A_1183 in 1 : vector<1x1664xi1>, vector<1x128xi1>, vector<1x256xi1> -> vector<1x2048xi1>
    %or3A_1185 = arith.ori %and3A_1170, %concatenate3A_1184 : vector<1x2048xi1>
    %not3A_1186 = arith.constant dense<true> : vector<1x2048xi1>
    %not3A_1187 = arith.xori %or3A_1185, %not3A_1186 : vector<1x2048xi1>
    %and3A_1188 = arith.andi %and3A_1103, %not3A_1187 : vector<1x2048xi1>
    %get3A_1189 = arith.constant 0 : index
    %get3A_1190 = arith.constant 14 : index
    %get3A_1191 = vector.load %arg4[%get3A_1189, %get3A_1190] : memref<128x16xf32, #tpu.memory_space<vmem>>, vector<128x1xf32>
    %get3A_1192 = arith.constant 0 : index
    %get3A_1193 = arith.constant 14 : index
    %get3A_1194 = vector.load %arg5[%get3A_1192, %get3A_1193] : memref<128x16xf32, #tpu.memory_space<vmem>>, vector<128x1xf32>
    %get3A_1195 = arith.constant 0 : index
    %get3A_1196 = arith.constant 14 : index
    %get3A_1197 = vector.load %arg6[%get3A_1195, %get3A_1196] : memref<128x16xf32, #tpu.memory_space<vmem>>, vector<128x1xf32>
    %get3A_1198 = arith.constant 0 : index
    %get3A_1199 = arith.constant 14 : index
    %get3A_1200 = vector.load %arg7[%get3A_1198, %get3A_1199] : memref<128x16xf32, #tpu.memory_space<vmem>>, vector<128x1xf32>
    %sub3A_1201 = arith.subf %get3A_1197, %get3A_1191 : vector<128x1xf32>
    %sub3A_1202 = arith.subf %get3A_1200, %get3A_1194 : vector<128x1xf32>
    %mul3A_1203 = arith.mulf %sub3A_1201, %sub3A_1202 : vector<128x1xf32>
    %min3A_1204 = vector.broadcast %get3A_1197 : vector<128x1xf32> to vector<128x2048xf32>
    %min3A_1205 = vector.broadcast %get3A_7 : vector<1x2048xf32> to vector<128x2048xf32>
    %min3A_1206 = arith.minimumf %min3A_1204, %min3A_1205 : vector<128x2048xf32>
    %max3A_1207 = vector.broadcast %get3A_1191 : vector<128x1xf32> to vector<128x2048xf32>
    %max3A_1208 = vector.broadcast %get3A_1 : vector<1x2048xf32> to vector<128x2048xf32>
    %max3A_1209 = arith.maximumf %max3A_1207, %max3A_1208 : vector<128x2048xf32>
    %sub3A_1210 = arith.subf %min3A_1206, %max3A_1209 : vector<128x2048xf32>
    %max3A_1211 = arith.constant 0.000000e+00 : f32
    %max3A_1212 = vector.broadcast %max3A_1211 : f32 to vector<128x2048xf32>
    %max3A_1213 = arith.maximumf %sub3A_1210, %max3A_1212 : vector<128x2048xf32>
    %min3A_1214 = vector.broadcast %get3A_1200 : vector<128x1xf32> to vector<128x2048xf32>
    %min3A_1215 = vector.broadcast %get3A_10 : vector<1x2048xf32> to vector<128x2048xf32>
    %min3A_1216 = arith.minimumf %min3A_1214, %min3A_1215 : vector<128x2048xf32>
    %max3A_1217 = vector.broadcast %get3A_1194 : vector<128x1xf32> to vector<128x2048xf32>
    %max3A_1218 = vector.broadcast %get3A_4 : vector<1x2048xf32> to vector<128x2048xf32>
    %max3A_1219 = arith.maximumf %max3A_1217, %max3A_1218 : vector<128x2048xf32>
    %sub3A_1220 = arith.subf %min3A_1216, %max3A_1219 : vector<128x2048xf32>
    %max3A_1221 = arith.constant 0.000000e+00 : f32
    %max3A_1222 = vector.broadcast %max3A_1221 : f32 to vector<128x2048xf32>
    %max3A_1223 = arith.maximumf %sub3A_1220, %max3A_1222 : vector<128x2048xf32>
    %mul3A_1224 = arith.mulf %max3A_1213, %max3A_1223 : vector<128x2048xf32>
    %add3A_1225 = vector.broadcast %mul3A_1203 : vector<128x1xf32> to vector<128x2048xf32>
    %add3A_1226 = vector.broadcast %mul3A : vector<1x2048xf32> to vector<128x2048xf32>
    %add3A_1227 = arith.addf %add3A_1225, %add3A_1226 : vector<128x2048xf32>
    %sub3A_1228 = arith.subf %add3A_1227, %mul3A_1224 : vector<128x2048xf32>
    %max3A_1229 = arith.constant 9.99999971E-10 : f32
    %max3A_1230 = vector.broadcast %max3A_1229 : f32 to vector<128x2048xf32>
    %max3A_1231 = arith.maximumf %sub3A_1228, %max3A_1230 : vector<128x2048xf32>
    %mul3A_1232 = arith.constant 0.699999988 : f32
    %mul3A_1233 = vector.broadcast %mul3A_1232 : f32 to vector<128x2048xf32>
    %mul3A_1234 = arith.mulf %mul3A_1233, %max3A_1231 : vector<128x2048xf32>
    %gt3A_1235 = arith.cmpf ogt, %mul3A_1224, %mul3A_1234 : vector<128x2048xf32>
    %convert_element_type3A_1236 = arith.extui %gt3A_1235 : vector<128x2048xi1> to vector<128x2048xi32>
    %convert_element_type3A_1237 = arith.sitofp %convert_element_type3A_1236 : vector<128x2048xi32> to vector<128x2048xf32>
    %slice3A_1238 = vector.extract_strided_slice %convert_element_type3A_1237 {offsets = [0, 1792], sizes = [128, 128], strides = [1, 1]} : vector<128x2048xf32> to vector<128x128xf32>
    %jit3A_1239 = arith.constant 0.000000e+00 : f32
    %broadcast_in_dim3A_1240 = vector.broadcast %jit3A_1239 : f32 to vector<128x128xf32>
    %select_n3A_1241 = arith.select %lt3A_16, %slice3A_1238, %broadcast_in_dim3A_1240 : vector<128x128xi1>, vector<128x128xf32>
    %slice3A_1242 = vector.extract_strided_slice %and3A_1188 {offsets = [0, 1792], sizes = [1, 128], strides = [1, 1]} : vector<1x2048xi1> to vector<1x128xi1>
    %convert_element_type3A_1243 = arith.extui %slice3A_1242 : vector<1x128xi1> to vector<1x128xi32>
    %convert_element_type3A_1244 = arith.sitofp %convert_element_type3A_1243 : vector<1x128xi32> to vector<1x128xf32>
    %while3A_1245 = arith.constant false
    %while3A_1246:3 = scf.while (%while3A_2087 = %convert_element_type3A_1244, %while3A_2088 = %convert_element_type3A_1244, %while3A_2089 = %while3A_1245) : (vector<1x128xf32>, vector<1x128xf32>, i1) -> (vector<1x128xf32>, vector<1x128xf32>, i1) {
      %not3A_2090 = arith.constant true
      %not3A_2091 = arith.xori %while3A_2089, %not3A_2090 : i1
      scf.condition(%not3A_2091) %while3A_2087, %while3A_2088, %while3A_2089 : vector<1x128xf32>, vector<1x128xf32>, i1
    } do {
    ^bb0(%while3A_2087: vector<1x128xf32>, %while3A_2088: vector<1x128xf32>, %while3A_2089: i1):
      %dot_general3A_2090 = arith.constant dense<0.000000e+00> : vector<1x128xf32>
      %dot_general3A_2091 = tpu.matmul %while3A_2087, %select_n3A_1241, %dot_general3A_2090 {dimension_numbers = #tpu.dot_dimension_numbers<[1], [0], [0], [1], [0, 0, 1, 1], [], []>, transpose_lhs_hint = false} : vector<1x128xf32>, vector<128x128xf32>, vector<1x128xf32> -> vector<1x128xf32>
      %gt3A_2092 = arith.constant 0.000000e+00 : f32
      %gt3A_2093 = vector.broadcast %gt3A_2092 : f32 to vector<1x128xf32>
      %gt3A_2094 = arith.cmpf ogt, %dot_general3A_2091, %gt3A_2093 : vector<1x128xf32>
      %jit3A_2095 = arith.constant 0.000000e+00 : f32
      %broadcast_in_dim3A_2096 = vector.broadcast %jit3A_2095 : f32 to vector<1x128xf32>
      %select_n3A_2097 = arith.select %gt3A_2094, %broadcast_in_dim3A_2096, %while3A_2087 : vector<1x128xi1>, vector<1x128xf32>
      %dot_general3A_2098 = arith.constant dense<0.000000e+00> : vector<1x128xf32>
      %dot_general3A_2099 = tpu.matmul %select_n3A_2097, %select_n3A_1241, %dot_general3A_2098 {dimension_numbers = #tpu.dot_dimension_numbers<[1], [0], [0], [1], [0, 0, 1, 1], [], []>, transpose_lhs_hint = false} : vector<1x128xf32>, vector<128x128xf32>, vector<1x128xf32> -> vector<1x128xf32>
      %gt3A_2100 = arith.constant 0.000000e+00 : f32
      %gt3A_2101 = vector.broadcast %gt3A_2100 : f32 to vector<1x128xf32>
      %gt3A_2102 = arith.cmpf ogt, %dot_general3A_2099, %gt3A_2101 : vector<1x128xf32>
      %jit3A_2103 = arith.constant 0.000000e+00 : f32
      %broadcast_in_dim3A_2104 = vector.broadcast %jit3A_2103 : f32 to vector<1x128xf32>
      %select_n3A_2105 = arith.select %gt3A_2102, %broadcast_in_dim3A_2104, %while3A_2087 : vector<1x128xi1>, vector<1x128xf32>
      %eq3A_2106 = arith.cmpf oeq, %select_n3A_2105, %while3A_2087 : vector<1x128xf32>
      %reduce_and3A = arith.constant 1.000000e+00 : f32
      %reduce_and3A_2107 = arith.constant 0.000000e+00 : f32
      %reduce_and3A_2108 = vector.broadcast %reduce_and3A : f32 to vector<1x128xf32>
      %reduce_and3A_2109 = vector.broadcast %reduce_and3A_2107 : f32 to vector<1x128xf32>
      %reduce_and3A_2110 = arith.select %eq3A_2106, %reduce_and3A_2108, %reduce_and3A_2109 : vector<1x128xi1>, vector<1x128xf32>
      %reduce_and3A_2111 = vector.shape_cast %reduce_and3A_2110 : vector<1x128xf32> to vector<1x1x128xf32>
      %reduce_and3A_2112 = arith.constant dense<0x7F800000> : vector<1xf32>
      %reduce_and3A_2113 = vector.multi_reduction <minimumf>, %reduce_and3A_2111, %reduce_and3A_2112 [1, 2] : vector<1x1x128xf32> to vector<1xf32>
      %reduce_and3A_2114 = vector.shape_cast %reduce_and3A_2113 : vector<1xf32> to vector<1x1x1xf32>
      %reduce_and3A_2115 = vector.extract %reduce_and3A_2114[0, 0, 0] : f32 from vector<1x1x1xf32>
      %reduce_and3A_2116 = arith.constant 0.000000e+00 : f32
      %reduce_and3A_2117 = arith.cmpf ogt, %reduce_and3A_2115, %reduce_and3A_2116 : f32
      scf.yield %select_n3A_2105, %select_n3A_2097, %reduce_and3A_2117 : vector<1x128xf32>, vector<1x128xf32>, i1
    }
    %dot_general3A_1247 = arith.constant dense<0.000000e+00> : vector<1x2048xf32>
    %dot_general3A_1248 = tpu.matmul %while3A_1246#1, %convert_element_type3A_1237, %dot_general3A_1247 {dimension_numbers = #tpu.dot_dimension_numbers<[1], [0], [0], [1], [0, 0, 1, 1], [], []>, transpose_lhs_hint = false} : vector<1x128xf32>, vector<128x2048xf32>, vector<1x2048xf32> -> vector<1x2048xf32>
    %gt3A_1249 = arith.constant 0.000000e+00 : f32
    %gt3A_1250 = vector.broadcast %gt3A_1249 : f32 to vector<1x2048xf32>
    %gt3A_1251 = arith.cmpf ogt, %dot_general3A_1248, %gt3A_1250 : vector<1x2048xf32>
    %ge3A_1252 = arith.constant 1920 : i32
    %ge3A_1253 = vector.broadcast %ge3A_1252 : i32 to vector<1x2048xi32>
    %ge3A_1254 = arith.cmpi sge, %iota3A, %ge3A_1253 : vector<1x2048xi32>
    %and3A_1255 = arith.andi %gt3A_1251, %ge3A_1254 : vector<1x2048xi1>
    %gt3A_1256 = arith.constant 0.000000e+00 : f32
    %gt3A_1257 = vector.broadcast %gt3A_1256 : f32 to vector<1x128xf32>
    %gt3A_1258 = arith.cmpf ogt, %convert_element_type3A_1244, %gt3A_1257 : vector<1x128xf32>
    %gt3A_1259 = arith.constant 0.000000e+00 : f32
    %gt3A_1260 = vector.broadcast %gt3A_1259 : f32 to vector<1x128xf32>
    %gt3A_1261 = arith.cmpf ogt, %while3A_1246#1, %gt3A_1260 : vector<1x128xf32>
    %not3A_1262 = arith.constant dense<true> : vector<1x128xi1>
    %not3A_1263 = arith.xori %gt3A_1261, %not3A_1262 : vector<1x128xi1>
    %and3A_1264 = arith.andi %gt3A_1258, %not3A_1263 : vector<1x128xi1>
    %broadcast_in_dim3A_1265 = arith.constant false
    %broadcast_in_dim3A_1266 = vector.broadcast %broadcast_in_dim3A_1265 : i1 to vector<1x1792xi1>
    %broadcast_in_dim3A_1267 = arith.constant false
    %broadcast_in_dim3A_1268 = vector.broadcast %broadcast_in_dim3A_1267 : i1 to vector<1x128xi1>
    %concatenate3A_1269 = tpu.concatenate %broadcast_in_dim3A_1266, %and3A_1264, %broadcast_in_dim3A_1268 in 1 : vector<1x1792xi1>, vector<1x128xi1>, vector<1x128xi1> -> vector<1x2048xi1>
    %or3A_1270 = arith.ori %and3A_1255, %concatenate3A_1269 : vector<1x2048xi1>
    %not3A_1271 = arith.constant dense<true> : vector<1x2048xi1>
    %not3A_1272 = arith.xori %or3A_1270, %not3A_1271 : vector<1x2048xi1>
    %and3A_1273 = arith.andi %and3A_1188, %not3A_1272 : vector<1x2048xi1>
    %get3A_1274 = arith.constant 0 : index
    %get3A_1275 = arith.constant 15 : index
    %get3A_1276 = vector.load %arg4[%get3A_1274, %get3A_1275] : memref<128x16xf32, #tpu.memory_space<vmem>>, vector<128x1xf32>
    %get3A_1277 = arith.constant 0 : index
    %get3A_1278 = arith.constant 15 : index
    %get3A_1279 = vector.load %arg5[%get3A_1277, %get3A_1278] : memref<128x16xf32, #tpu.memory_space<vmem>>, vector<128x1xf32>
    %get3A_1280 = arith.constant 0 : index
    %get3A_1281 = arith.constant 15 : index
    %get3A_1282 = vector.load %arg6[%get3A_1280, %get3A_1281] : memref<128x16xf32, #tpu.memory_space<vmem>>, vector<128x1xf32>
    %get3A_1283 = arith.constant 0 : index
    %get3A_1284 = arith.constant 15 : index
    %get3A_1285 = vector.load %arg7[%get3A_1283, %get3A_1284] : memref<128x16xf32, #tpu.memory_space<vmem>>, vector<128x1xf32>
    %sub3A_1286 = arith.subf %get3A_1282, %get3A_1276 : vector<128x1xf32>
    %sub3A_1287 = arith.subf %get3A_1285, %get3A_1279 : vector<128x1xf32>
    %mul3A_1288 = arith.mulf %sub3A_1286, %sub3A_1287 : vector<128x1xf32>
    %min3A_1289 = vector.broadcast %get3A_1282 : vector<128x1xf32> to vector<128x2048xf32>
    %min3A_1290 = vector.broadcast %get3A_7 : vector<1x2048xf32> to vector<128x2048xf32>
    %min3A_1291 = arith.minimumf %min3A_1289, %min3A_1290 : vector<128x2048xf32>
    %max3A_1292 = vector.broadcast %get3A_1276 : vector<128x1xf32> to vector<128x2048xf32>
    %max3A_1293 = vector.broadcast %get3A_1 : vector<1x2048xf32> to vector<128x2048xf32>
    %max3A_1294 = arith.maximumf %max3A_1292, %max3A_1293 : vector<128x2048xf32>
    %sub3A_1295 = arith.subf %min3A_1291, %max3A_1294 : vector<128x2048xf32>
    %max3A_1296 = arith.constant 0.000000e+00 : f32
    %max3A_1297 = vector.broadcast %max3A_1296 : f32 to vector<128x2048xf32>
    %max3A_1298 = arith.maximumf %sub3A_1295, %max3A_1297 : vector<128x2048xf32>
    %min3A_1299 = vector.broadcast %get3A_1285 : vector<128x1xf32> to vector<128x2048xf32>
    %min3A_1300 = vector.broadcast %get3A_10 : vector<1x2048xf32> to vector<128x2048xf32>
    %min3A_1301 = arith.minimumf %min3A_1299, %min3A_1300 : vector<128x2048xf32>
    %max3A_1302 = vector.broadcast %get3A_1279 : vector<128x1xf32> to vector<128x2048xf32>
    %max3A_1303 = vector.broadcast %get3A_4 : vector<1x2048xf32> to vector<128x2048xf32>
    %max3A_1304 = arith.maximumf %max3A_1302, %max3A_1303 : vector<128x2048xf32>
    %sub3A_1305 = arith.subf %min3A_1301, %max3A_1304 : vector<128x2048xf32>
    %max3A_1306 = arith.constant 0.000000e+00 : f32
    %max3A_1307 = vector.broadcast %max3A_1306 : f32 to vector<128x2048xf32>
    %max3A_1308 = arith.maximumf %sub3A_1305, %max3A_1307 : vector<128x2048xf32>
    %mul3A_1309 = arith.mulf %max3A_1298, %max3A_1308 : vector<128x2048xf32>
    %add3A_1310 = vector.broadcast %mul3A_1288 : vector<128x1xf32> to vector<128x2048xf32>
    %add3A_1311 = vector.broadcast %mul3A : vector<1x2048xf32> to vector<128x2048xf32>
    %add3A_1312 = arith.addf %add3A_1310, %add3A_1311 : vector<128x2048xf32>
    %sub3A_1313 = arith.subf %add3A_1312, %mul3A_1309 : vector<128x2048xf32>
    %max3A_1314 = arith.constant 9.99999971E-10 : f32
    %max3A_1315 = vector.broadcast %max3A_1314 : f32 to vector<128x2048xf32>
    %max3A_1316 = arith.maximumf %sub3A_1313, %max3A_1315 : vector<128x2048xf32>
    %mul3A_1317 = arith.constant 0.699999988 : f32
    %mul3A_1318 = vector.broadcast %mul3A_1317 : f32 to vector<128x2048xf32>
    %mul3A_1319 = arith.mulf %mul3A_1318, %max3A_1316 : vector<128x2048xf32>
    %gt3A_1320 = arith.cmpf ogt, %mul3A_1309, %mul3A_1319 : vector<128x2048xf32>
    %convert_element_type3A_1321 = arith.extui %gt3A_1320 : vector<128x2048xi1> to vector<128x2048xi32>
    %convert_element_type3A_1322 = arith.sitofp %convert_element_type3A_1321 : vector<128x2048xi32> to vector<128x2048xf32>
    %slice3A_1323 = vector.extract_strided_slice %convert_element_type3A_1322 {offsets = [0, 1920], sizes = [128, 128], strides = [1, 1]} : vector<128x2048xf32> to vector<128x128xf32>
    %jit3A_1324 = arith.constant 0.000000e+00 : f32
    %broadcast_in_dim3A_1325 = vector.broadcast %jit3A_1324 : f32 to vector<128x128xf32>
    %select_n3A_1326 = arith.select %lt3A_16, %slice3A_1323, %broadcast_in_dim3A_1325 : vector<128x128xi1>, vector<128x128xf32>
    %slice3A_1327 = vector.extract_strided_slice %and3A_1273 {offsets = [0, 1920], sizes = [1, 128], strides = [1, 1]} : vector<1x2048xi1> to vector<1x128xi1>
    %convert_element_type3A_1328 = arith.extui %slice3A_1327 : vector<1x128xi1> to vector<1x128xi32>
    %convert_element_type3A_1329 = arith.sitofp %convert_element_type3A_1328 : vector<1x128xi32> to vector<1x128xf32>
    %while3A_1330 = arith.constant false
    %while3A_1331:3 = scf.while (%while3A_2087 = %convert_element_type3A_1329, %while3A_2088 = %convert_element_type3A_1329, %while3A_2089 = %while3A_1330) : (vector<1x128xf32>, vector<1x128xf32>, i1) -> (vector<1x128xf32>, vector<1x128xf32>, i1) {
      %not3A_2090 = arith.constant true
      %not3A_2091 = arith.xori %while3A_2089, %not3A_2090 : i1
      scf.condition(%not3A_2091) %while3A_2087, %while3A_2088, %while3A_2089 : vector<1x128xf32>, vector<1x128xf32>, i1
    } do {
    ^bb0(%while3A_2087: vector<1x128xf32>, %while3A_2088: vector<1x128xf32>, %while3A_2089: i1):
      %dot_general3A_2090 = arith.constant dense<0.000000e+00> : vector<1x128xf32>
      %dot_general3A_2091 = tpu.matmul %while3A_2087, %select_n3A_1326, %dot_general3A_2090 {dimension_numbers = #tpu.dot_dimension_numbers<[1], [0], [0], [1], [0, 0, 1, 1], [], []>, transpose_lhs_hint = false} : vector<1x128xf32>, vector<128x128xf32>, vector<1x128xf32> -> vector<1x128xf32>
      %gt3A_2092 = arith.constant 0.000000e+00 : f32
      %gt3A_2093 = vector.broadcast %gt3A_2092 : f32 to vector<1x128xf32>
      %gt3A_2094 = arith.cmpf ogt, %dot_general3A_2091, %gt3A_2093 : vector<1x128xf32>
      %jit3A_2095 = arith.constant 0.000000e+00 : f32
      %broadcast_in_dim3A_2096 = vector.broadcast %jit3A_2095 : f32 to vector<1x128xf32>
      %select_n3A_2097 = arith.select %gt3A_2094, %broadcast_in_dim3A_2096, %while3A_2087 : vector<1x128xi1>, vector<1x128xf32>
      %dot_general3A_2098 = arith.constant dense<0.000000e+00> : vector<1x128xf32>
      %dot_general3A_2099 = tpu.matmul %select_n3A_2097, %select_n3A_1326, %dot_general3A_2098 {dimension_numbers = #tpu.dot_dimension_numbers<[1], [0], [0], [1], [0, 0, 1, 1], [], []>, transpose_lhs_hint = false} : vector<1x128xf32>, vector<128x128xf32>, vector<1x128xf32> -> vector<1x128xf32>
      %gt3A_2100 = arith.constant 0.000000e+00 : f32
      %gt3A_2101 = vector.broadcast %gt3A_2100 : f32 to vector<1x128xf32>
      %gt3A_2102 = arith.cmpf ogt, %dot_general3A_2099, %gt3A_2101 : vector<1x128xf32>
      %jit3A_2103 = arith.constant 0.000000e+00 : f32
      %broadcast_in_dim3A_2104 = vector.broadcast %jit3A_2103 : f32 to vector<1x128xf32>
      %select_n3A_2105 = arith.select %gt3A_2102, %broadcast_in_dim3A_2104, %while3A_2087 : vector<1x128xi1>, vector<1x128xf32>
      %eq3A_2106 = arith.cmpf oeq, %select_n3A_2105, %while3A_2087 : vector<1x128xf32>
      %reduce_and3A = arith.constant 1.000000e+00 : f32
      %reduce_and3A_2107 = arith.constant 0.000000e+00 : f32
      %reduce_and3A_2108 = vector.broadcast %reduce_and3A : f32 to vector<1x128xf32>
      %reduce_and3A_2109 = vector.broadcast %reduce_and3A_2107 : f32 to vector<1x128xf32>
      %reduce_and3A_2110 = arith.select %eq3A_2106, %reduce_and3A_2108, %reduce_and3A_2109 : vector<1x128xi1>, vector<1x128xf32>
      %reduce_and3A_2111 = vector.shape_cast %reduce_and3A_2110 : vector<1x128xf32> to vector<1x1x128xf32>
      %reduce_and3A_2112 = arith.constant dense<0x7F800000> : vector<1xf32>
      %reduce_and3A_2113 = vector.multi_reduction <minimumf>, %reduce_and3A_2111, %reduce_and3A_2112 [1, 2] : vector<1x1x128xf32> to vector<1xf32>
      %reduce_and3A_2114 = vector.shape_cast %reduce_and3A_2113 : vector<1xf32> to vector<1x1x1xf32>
      %reduce_and3A_2115 = vector.extract %reduce_and3A_2114[0, 0, 0] : f32 from vector<1x1x1xf32>
      %reduce_and3A_2116 = arith.constant 0.000000e+00 : f32
      %reduce_and3A_2117 = arith.cmpf ogt, %reduce_and3A_2115, %reduce_and3A_2116 : f32
      scf.yield %select_n3A_2105, %select_n3A_2097, %reduce_and3A_2117 : vector<1x128xf32>, vector<1x128xf32>, i1
    }
    %dot_general3A_1332 = arith.constant dense<0.000000e+00> : vector<1x2048xf32>
    %dot_general3A_1333 = tpu.matmul %while3A_1331#1, %convert_element_type3A_1322, %dot_general3A_1332 {dimension_numbers = #tpu.dot_dimension_numbers<[1], [0], [0], [1], [0, 0, 1, 1], [], []>, transpose_lhs_hint = false} : vector<1x128xf32>, vector<128x2048xf32>, vector<1x2048xf32> -> vector<1x2048xf32>
    %gt3A_1334 = arith.constant 0.000000e+00 : f32
    %gt3A_1335 = vector.broadcast %gt3A_1334 : f32 to vector<1x2048xf32>
    %gt3A_1336 = arith.cmpf ogt, %dot_general3A_1333, %gt3A_1335 : vector<1x2048xf32>
    %ge3A_1337 = arith.constant 2048 : i32
    %ge3A_1338 = vector.broadcast %ge3A_1337 : i32 to vector<1x2048xi32>
    %ge3A_1339 = arith.cmpi sge, %iota3A, %ge3A_1338 : vector<1x2048xi32>
    %and3A_1340 = arith.andi %gt3A_1336, %ge3A_1339 : vector<1x2048xi1>
    %gt3A_1341 = arith.constant 0.000000e+00 : f32
    %gt3A_1342 = vector.broadcast %gt3A_1341 : f32 to vector<1x128xf32>
    %gt3A_1343 = arith.cmpf ogt, %convert_element_type3A_1329, %gt3A_1342 : vector<1x128xf32>
    %gt3A_1344 = arith.constant 0.000000e+00 : f32
    %gt3A_1345 = vector.broadcast %gt3A_1344 : f32 to vector<1x128xf32>
    %gt3A_1346 = arith.cmpf ogt, %while3A_1331#1, %gt3A_1345 : vector<1x128xf32>
    %not3A_1347 = arith.constant dense<true> : vector<1x128xi1>
    %not3A_1348 = arith.xori %gt3A_1346, %not3A_1347 : vector<1x128xi1>
    %and3A_1349 = arith.andi %gt3A_1343, %not3A_1348 : vector<1x128xi1>
    %broadcast_in_dim3A_1350 = arith.constant false
    %broadcast_in_dim3A_1351 = vector.broadcast %broadcast_in_dim3A_1350 : i1 to vector<1x1920xi1>
    %concatenate3A_1352 = tpu.concatenate %broadcast_in_dim3A_1351, %and3A_1349 in 1 : vector<1x1920xi1>, vector<1x128xi1> -> vector<1x2048xi1>
    %or3A_1353 = arith.ori %and3A_1340, %concatenate3A_1352 : vector<1x2048xi1>
    %not3A_1354 = arith.constant dense<true> : vector<1x2048xi1>
    %not3A_1355 = arith.xori %or3A_1353, %not3A_1354 : vector<1x2048xi1>
    %and3A_1356 = arith.andi %and3A_1273, %not3A_1355 : vector<1x2048xi1>
    %convert_element_type3A_1357 = arith.extui %and3A_1356 : vector<1x2048xi1> to vector<1x2048xi32>
    %convert_element_type3A_1358 = arith.sitofp %convert_element_type3A_1357 : vector<1x2048xi32> to vector<1x2048xf32>
    %reshape3A = vector.shape_cast %convert_element_type3A_1358 : vector<1x2048xf32> to vector<16x128xf32>
    %iota3A_1359 = tpu.iota {dimensions = array<i32: 0>} : vector<128x128xi32>
    %iota3A_1360 = tpu.iota {dimensions = array<i32: 1>} : vector<128x128xi32>
    %le3A = arith.cmpi sle, %iota3A_1359, %iota3A_1360 : vector<128x128xi32>
    %convert_element_type3A_1361 = arith.extui %le3A : vector<128x128xi1> to vector<128x128xi32>
    %convert_element_type3A_1362 = arith.sitofp %convert_element_type3A_1361 : vector<128x128xi32> to vector<128x128xf32>
    %iota3A_1363 = tpu.iota {dimensions = array<i32: 0>} : vector<16x16xi32>
    %iota3A_1364 = tpu.iota {dimensions = array<i32: 1>} : vector<16x16xi32>
    %lt3A_1365 = arith.cmpi slt, %iota3A_1364, %iota3A_1363 : vector<16x16xi32>
    %convert_element_type3A_1366 = arith.extui %lt3A_1365 : vector<16x16xi1> to vector<16x16xi32>
    %convert_element_type3A_1367 = arith.sitofp %convert_element_type3A_1366 : vector<16x16xi32> to vector<16x16xf32>
    %dot_general3A_1368 = arith.constant dense<0.000000e+00> : vector<16x128xf32>
    %dot_general3A_1369 = tpu.matmul %reshape3A, %convert_element_type3A_1362, %dot_general3A_1368 {dimension_numbers = #tpu.dot_dimension_numbers<[1], [0], [0], [1], [0, 0, 1, 1], [], []>, transpose_lhs_hint = false} : vector<16x128xf32>, vector<128x128xf32>, vector<16x128xf32> -> vector<16x128xf32>
    %slice3A_1370 = vector.extract_strided_slice %dot_general3A_1369 {offsets = [0, 127], sizes = [16, 1], strides = [1, 1]} : vector<16x128xf32> to vector<16x1xf32>
    %dot_general3A_1371 = arith.constant dense<0.000000e+00> : vector<16x1xf32>
    %dot_general3A_1372 = tpu.matmul %convert_element_type3A_1367, %slice3A_1370, %dot_general3A_1371 {dimension_numbers = #tpu.dot_dimension_numbers<[1], [0], [0], [1], [0, 0, 1, 1], [], []>, transpose_lhs_hint = false} : vector<16x16xf32>, vector<16x1xf32>, vector<16x1xf32> -> vector<16x1xf32>
    %sub3A_1373 = arith.subf %dot_general3A_1369, %reshape3A : vector<16x128xf32>
    %add3A_1374 = vector.broadcast %dot_general3A_1372 : vector<16x1xf32> to vector<16x128xf32>
    %add3A_1375 = arith.addf %sub3A_1373, %add3A_1374 : vector<16x128xf32>
    %sub3A_1376 = arith.constant 1.000000e+00 : f32
    %sub3A_1377 = vector.broadcast %sub3A_1376 : f32 to vector<16x128xf32>
    %sub3A_1378 = arith.subf %sub3A_1377, %reshape3A : vector<16x128xf32>
    %dot_general3A_1379 = arith.constant dense<0.000000e+00> : vector<16x128xf32>
    %dot_general3A_1380 = tpu.matmul %sub3A_1378, %convert_element_type3A_1362, %dot_general3A_1379 {dimension_numbers = #tpu.dot_dimension_numbers<[1], [0], [0], [1], [0, 0, 1, 1], [], []>, transpose_lhs_hint = false} : vector<16x128xf32>, vector<128x128xf32>, vector<16x128xf32> -> vector<16x128xf32>
    %slice3A_1381 = vector.extract_strided_slice %dot_general3A_1380 {offsets = [0, 127], sizes = [16, 1], strides = [1, 1]} : vector<16x128xf32> to vector<16x1xf32>
    %dot_general3A_1382 = arith.constant dense<0.000000e+00> : vector<16x1xf32>
    %dot_general3A_1383 = tpu.matmul %convert_element_type3A_1367, %slice3A_1381, %dot_general3A_1382 {dimension_numbers = #tpu.dot_dimension_numbers<[1], [0], [0], [1], [0, 0, 1, 1], [], []>, transpose_lhs_hint = false} : vector<16x16xf32>, vector<16x1xf32>, vector<16x1xf32> -> vector<16x1xf32>
    %sub3A_1384 = arith.subf %dot_general3A_1380, %sub3A_1378 : vector<16x128xf32>
    %add3A_1385 = vector.broadcast %dot_general3A_1383 : vector<16x1xf32> to vector<16x128xf32>
    %add3A_1386 = arith.addf %sub3A_1384, %add3A_1385 : vector<16x128xf32>
    %broadcast_in_dim3A_1387 = arith.constant 1.000000e+00 : f32
    %broadcast_in_dim3A_1388 = vector.broadcast %broadcast_in_dim3A_1387 : f32 to vector<1x16xf32>
    %dot_general3A_1389 = arith.constant dense<0.000000e+00> : vector<16x128xf32>
    %dot_general3A_1390 = tpu.matmul %reshape3A, %convert_element_type3A_1362, %dot_general3A_1389 {dimension_numbers = #tpu.dot_dimension_numbers<[1], [0], [0], [1], [0, 0, 1, 1], [], []>, transpose_lhs_hint = false} : vector<16x128xf32>, vector<128x128xf32>, vector<16x128xf32> -> vector<16x128xf32>
    %slice3A_1391 = vector.extract_strided_slice %dot_general3A_1390 {offsets = [0, 127], sizes = [16, 1], strides = [1, 1]} : vector<16x128xf32> to vector<16x1xf32>
    %dot_general3A_1392 = arith.constant dense<0.000000e+00> : vector<1x1xf32>
    %dot_general3A_1393 = tpu.matmul %broadcast_in_dim3A_1388, %slice3A_1391, %dot_general3A_1392 {dimension_numbers = #tpu.dot_dimension_numbers<[1], [0], [0], [1], [0, 0, 1, 1], [], []>, transpose_lhs_hint = false} : vector<1x16xf32>, vector<16x1xf32>, vector<1x1xf32> -> vector<1x1xf32>
    %gt3A_1394 = arith.constant 0.000000e+00 : f32
    %gt3A_1395 = vector.broadcast %gt3A_1394 : f32 to vector<16x128xf32>
    %gt3A_1396 = arith.cmpf ogt, %reshape3A, %gt3A_1395 : vector<16x128xf32>
    %add3A_1397 = vector.broadcast %dot_general3A_1393 : vector<1x1xf32> to vector<16x128xf32>
    %add3A_1398 = arith.addf %add3A_1397, %add3A_1386 : vector<16x128xf32>
    %select_n3A_1399 = arith.select %gt3A_1396, %add3A_1375, %add3A_1398 : vector<16x128xi1>, vector<16x128xf32>
    %convert_element_type3A_1400 = arith.fptosi %select_n3A_1399 : vector<16x128xf32> to vector<16x128xi32>
    %and3A_1401 = arith.constant 127 : i32
    %and3A_1402 = vector.broadcast %and3A_1401 : i32 to vector<16x128xi32>
    %and3A_1403 = arith.andi %convert_element_type3A_1400, %and3A_1402 : vector<16x128xi32>
    %lt3A_1404 = arith.constant 1024 : i32
    %lt3A_1405 = vector.broadcast %lt3A_1404 : i32 to vector<16x128xi32>
    %lt3A_1406 = arith.cmpi slt, %convert_element_type3A_1400, %lt3A_1405 : vector<16x128xi32>
    %transpose3A = tpu.transpose %select_n3A_1399, [1, 0] : vector<16x128xf32> -> vector<128x16xf32>
    %convert_element_type3A_1407 = arith.fptosi %transpose3A : vector<128x16xf32> to vector<128x16xi32>
    %shift_right_arithmetic3A = arith.constant 7 : i32
    %shift_right_arithmetic3A_1408 = vector.broadcast %shift_right_arithmetic3A : i32 to vector<128x16xi32>
    %shift_right_arithmetic3A_1409 = arith.shrsi %convert_element_type3A_1407, %shift_right_arithmetic3A_1408 : vector<128x16xi32>
    %iota3A_1410 = tpu.iota {dimensions = array<i32: 0>} : vector<128x128xi32>
    %iota3A_1411 = tpu.iota {dimensions = array<i32: 1>} : vector<128x8xi32>
    %broadcast_in_dim3A_1412 = arith.constant 0.000000e+00 : f32
    %broadcast_in_dim3A_1413 = vector.broadcast %broadcast_in_dim3A_1412 : f32 to vector<128x40xf32>
    %slice3A_1414 = vector.extract_strided_slice %and3A_1403 {offsets = [0, 0], sizes = [1, 128], strides = [1, 1]} : vector<16x128xi32> to vector<1x128xi32>
    %slice3A_1415 = vector.extract_strided_slice %lt3A_1406 {offsets = [0, 0], sizes = [1, 128], strides = [1, 1]} : vector<16x128xi1> to vector<1x128xi1>
    %eq3A = vector.broadcast %slice3A_1414 : vector<1x128xi32> to vector<128x128xi32>
    %eq3A_1416 = arith.cmpi eq, %iota3A_1410, %eq3A : vector<128x128xi32>
    %and3A_1417 = vector.broadcast %slice3A_1415 : vector<1x128xi1> to vector<128x128xi1>
    %and3A_1418 = arith.andi %eq3A_1416, %and3A_1417 : vector<128x128xi1>
    %convert_element_type3A_1419 = arith.extui %and3A_1418 : vector<128x128xi1> to vector<128x128xi32>
    %convert_element_type3A_1420 = arith.sitofp %convert_element_type3A_1419 : vector<128x128xi32> to vector<128x128xf32>
    %slice3A_1421 = vector.extract_strided_slice %shift_right_arithmetic3A_1409 {offsets = [0, 0], sizes = [128, 1], strides = [1, 1]} : vector<128x16xi32> to vector<128x1xi32>
    %eq3A_1422 = vector.broadcast %slice3A_1421 : vector<128x1xi32> to vector<128x8xi32>
    %eq3A_1423 = arith.cmpi eq, %eq3A_1422, %iota3A_1411 : vector<128x8xi32>
    %convert_element_type3A_1424 = arith.extui %eq3A_1423 : vector<128x8xi1> to vector<128x8xi32>
    %convert_element_type3A_1425 = arith.sitofp %convert_element_type3A_1424 : vector<128x8xi32> to vector<128x8xf32>
    %get3A_1426 = arith.constant 0 : index
    %get3A_1427 = arith.constant 0 : index
    %get3A_1428 = vector.load %arg4[%get3A_1426, %get3A_1427] : memref<128x16xf32, #tpu.memory_space<vmem>>, vector<128x1xf32>
    %mul3A_1429 = vector.broadcast %get3A_1428 : vector<128x1xf32> to vector<128x8xf32>
    %mul3A_1430 = arith.mulf %mul3A_1429, %convert_element_type3A_1425 : vector<128x8xf32>
    %get3A_1431 = arith.constant 0 : index
    %get3A_1432 = arith.constant 0 : index
    %get3A_1433 = vector.load %arg5[%get3A_1431, %get3A_1432] : memref<128x16xf32, #tpu.memory_space<vmem>>, vector<128x1xf32>
    %mul3A_1434 = vector.broadcast %get3A_1433 : vector<128x1xf32> to vector<128x8xf32>
    %mul3A_1435 = arith.mulf %mul3A_1434, %convert_element_type3A_1425 : vector<128x8xf32>
    %get3A_1436 = arith.constant 0 : index
    %get3A_1437 = arith.constant 0 : index
    %get3A_1438 = vector.load %arg6[%get3A_1436, %get3A_1437] : memref<128x16xf32, #tpu.memory_space<vmem>>, vector<128x1xf32>
    %mul3A_1439 = vector.broadcast %get3A_1438 : vector<128x1xf32> to vector<128x8xf32>
    %mul3A_1440 = arith.mulf %mul3A_1439, %convert_element_type3A_1425 : vector<128x8xf32>
    %get3A_1441 = arith.constant 0 : index
    %get3A_1442 = arith.constant 0 : index
    %get3A_1443 = vector.load %arg7[%get3A_1441, %get3A_1442] : memref<128x16xf32, #tpu.memory_space<vmem>>, vector<128x1xf32>
    %mul3A_1444 = vector.broadcast %get3A_1443 : vector<128x1xf32> to vector<128x8xf32>
    %mul3A_1445 = arith.mulf %mul3A_1444, %convert_element_type3A_1425 : vector<128x8xf32>
    %get3A_1446 = arith.constant 0 : index
    %get3A_1447 = arith.constant 0 : index
    %get3A_1448 = vector.load %arg8[%get3A_1446, %get3A_1447] : memref<128x16xf32, #tpu.memory_space<vmem>>, vector<128x1xf32>
    %mul3A_1449 = vector.broadcast %get3A_1448 : vector<128x1xf32> to vector<128x8xf32>
    %mul3A_1450 = arith.mulf %mul3A_1449, %convert_element_type3A_1425 : vector<128x8xf32>
    %concatenate3A_1451 = tpu.concatenate %mul3A_1430, %mul3A_1435, %mul3A_1440, %mul3A_1445, %mul3A_1450 in 1 : vector<128x8xf32>, vector<128x8xf32>, vector<128x8xf32>, vector<128x8xf32>, vector<128x8xf32> -> vector<128x40xf32>
    %dot_general3A_1452 = arith.constant dense<0.000000e+00> : vector<128x40xf32>
    %dot_general3A_1453 = tpu.matmul %convert_element_type3A_1420, %concatenate3A_1451, %dot_general3A_1452 {dimension_numbers = #tpu.dot_dimension_numbers<[1], [0], [0], [1], [0, 0, 1, 1], [], []>, precision = #tpu.contract_precision<fp32>, transpose_lhs_hint = false} : vector<128x128xf32>, vector<128x40xf32>, vector<128x40xf32> -> vector<128x40xf32>
    %add3A_1454 = arith.addf %broadcast_in_dim3A_1413, %dot_general3A_1453 : vector<128x40xf32>
    %slice3A_1455 = vector.extract_strided_slice %and3A_1403 {offsets = [1, 0], sizes = [1, 128], strides = [1, 1]} : vector<16x128xi32> to vector<1x128xi32>
    %slice3A_1456 = vector.extract_strided_slice %lt3A_1406 {offsets = [1, 0], sizes = [1, 128], strides = [1, 1]} : vector<16x128xi1> to vector<1x128xi1>
    %eq3A_1457 = vector.broadcast %slice3A_1455 : vector<1x128xi32> to vector<128x128xi32>
    %eq3A_1458 = arith.cmpi eq, %iota3A_1410, %eq3A_1457 : vector<128x128xi32>
    %and3A_1459 = vector.broadcast %slice3A_1456 : vector<1x128xi1> to vector<128x128xi1>
    %and3A_1460 = arith.andi %eq3A_1458, %and3A_1459 : vector<128x128xi1>
    %convert_element_type3A_1461 = arith.extui %and3A_1460 : vector<128x128xi1> to vector<128x128xi32>
    %convert_element_type3A_1462 = arith.sitofp %convert_element_type3A_1461 : vector<128x128xi32> to vector<128x128xf32>
    %slice3A_1463 = vector.extract_strided_slice %shift_right_arithmetic3A_1409 {offsets = [0, 1], sizes = [128, 1], strides = [1, 1]} : vector<128x16xi32> to vector<128x1xi32>
    %eq3A_1464 = vector.broadcast %slice3A_1463 : vector<128x1xi32> to vector<128x8xi32>
    %eq3A_1465 = arith.cmpi eq, %eq3A_1464, %iota3A_1411 : vector<128x8xi32>
    %convert_element_type3A_1466 = arith.extui %eq3A_1465 : vector<128x8xi1> to vector<128x8xi32>
    %convert_element_type3A_1467 = arith.sitofp %convert_element_type3A_1466 : vector<128x8xi32> to vector<128x8xf32>
    %get3A_1468 = arith.constant 0 : index
    %get3A_1469 = arith.constant 1 : index
    %get3A_1470 = vector.load %arg4[%get3A_1468, %get3A_1469] : memref<128x16xf32, #tpu.memory_space<vmem>>, vector<128x1xf32>
    %mul3A_1471 = vector.broadcast %get3A_1470 : vector<128x1xf32> to vector<128x8xf32>
    %mul3A_1472 = arith.mulf %mul3A_1471, %convert_element_type3A_1467 : vector<128x8xf32>
    %get3A_1473 = arith.constant 0 : index
    %get3A_1474 = arith.constant 1 : index
    %get3A_1475 = vector.load %arg5[%get3A_1473, %get3A_1474] : memref<128x16xf32, #tpu.memory_space<vmem>>, vector<128x1xf32>
    %mul3A_1476 = vector.broadcast %get3A_1475 : vector<128x1xf32> to vector<128x8xf32>
    %mul3A_1477 = arith.mulf %mul3A_1476, %convert_element_type3A_1467 : vector<128x8xf32>
    %get3A_1478 = arith.constant 0 : index
    %get3A_1479 = arith.constant 1 : index
    %get3A_1480 = vector.load %arg6[%get3A_1478, %get3A_1479] : memref<128x16xf32, #tpu.memory_space<vmem>>, vector<128x1xf32>
    %mul3A_1481 = vector.broadcast %get3A_1480 : vector<128x1xf32> to vector<128x8xf32>
    %mul3A_1482 = arith.mulf %mul3A_1481, %convert_element_type3A_1467 : vector<128x8xf32>
    %get3A_1483 = arith.constant 0 : index
    %get3A_1484 = arith.constant 1 : index
    %get3A_1485 = vector.load %arg7[%get3A_1483, %get3A_1484] : memref<128x16xf32, #tpu.memory_space<vmem>>, vector<128x1xf32>
    %mul3A_1486 = vector.broadcast %get3A_1485 : vector<128x1xf32> to vector<128x8xf32>
    %mul3A_1487 = arith.mulf %mul3A_1486, %convert_element_type3A_1467 : vector<128x8xf32>
    %get3A_1488 = arith.constant 0 : index
    %get3A_1489 = arith.constant 1 : index
    %get3A_1490 = vector.load %arg8[%get3A_1488, %get3A_1489] : memref<128x16xf32, #tpu.memory_space<vmem>>, vector<128x1xf32>
    %mul3A_1491 = vector.broadcast %get3A_1490 : vector<128x1xf32> to vector<128x8xf32>
    %mul3A_1492 = arith.mulf %mul3A_1491, %convert_element_type3A_1467 : vector<128x8xf32>
    %concatenate3A_1493 = tpu.concatenate %mul3A_1472, %mul3A_1477, %mul3A_1482, %mul3A_1487, %mul3A_1492 in 1 : vector<128x8xf32>, vector<128x8xf32>, vector<128x8xf32>, vector<128x8xf32>, vector<128x8xf32> -> vector<128x40xf32>
    %dot_general3A_1494 = arith.constant dense<0.000000e+00> : vector<128x40xf32>
    %dot_general3A_1495 = tpu.matmul %convert_element_type3A_1462, %concatenate3A_1493, %dot_general3A_1494 {dimension_numbers = #tpu.dot_dimension_numbers<[1], [0], [0], [1], [0, 0, 1, 1], [], []>, precision = #tpu.contract_precision<fp32>, transpose_lhs_hint = false} : vector<128x128xf32>, vector<128x40xf32>, vector<128x40xf32> -> vector<128x40xf32>
    %add3A_1496 = arith.addf %add3A_1454, %dot_general3A_1495 : vector<128x40xf32>
    %slice3A_1497 = vector.extract_strided_slice %and3A_1403 {offsets = [2, 0], sizes = [1, 128], strides = [1, 1]} : vector<16x128xi32> to vector<1x128xi32>
    %slice3A_1498 = vector.extract_strided_slice %lt3A_1406 {offsets = [2, 0], sizes = [1, 128], strides = [1, 1]} : vector<16x128xi1> to vector<1x128xi1>
    %eq3A_1499 = vector.broadcast %slice3A_1497 : vector<1x128xi32> to vector<128x128xi32>
    %eq3A_1500 = arith.cmpi eq, %iota3A_1410, %eq3A_1499 : vector<128x128xi32>
    %and3A_1501 = vector.broadcast %slice3A_1498 : vector<1x128xi1> to vector<128x128xi1>
    %and3A_1502 = arith.andi %eq3A_1500, %and3A_1501 : vector<128x128xi1>
    %convert_element_type3A_1503 = arith.extui %and3A_1502 : vector<128x128xi1> to vector<128x128xi32>
    %convert_element_type3A_1504 = arith.sitofp %convert_element_type3A_1503 : vector<128x128xi32> to vector<128x128xf32>
    %slice3A_1505 = vector.extract_strided_slice %shift_right_arithmetic3A_1409 {offsets = [0, 2], sizes = [128, 1], strides = [1, 1]} : vector<128x16xi32> to vector<128x1xi32>
    %eq3A_1506 = vector.broadcast %slice3A_1505 : vector<128x1xi32> to vector<128x8xi32>
    %eq3A_1507 = arith.cmpi eq, %eq3A_1506, %iota3A_1411 : vector<128x8xi32>
    %convert_element_type3A_1508 = arith.extui %eq3A_1507 : vector<128x8xi1> to vector<128x8xi32>
    %convert_element_type3A_1509 = arith.sitofp %convert_element_type3A_1508 : vector<128x8xi32> to vector<128x8xf32>
    %get3A_1510 = arith.constant 0 : index
    %get3A_1511 = arith.constant 2 : index
    %get3A_1512 = vector.load %arg4[%get3A_1510, %get3A_1511] : memref<128x16xf32, #tpu.memory_space<vmem>>, vector<128x1xf32>
    %mul3A_1513 = vector.broadcast %get3A_1512 : vector<128x1xf32> to vector<128x8xf32>
    %mul3A_1514 = arith.mulf %mul3A_1513, %convert_element_type3A_1509 : vector<128x8xf32>
    %get3A_1515 = arith.constant 0 : index
    %get3A_1516 = arith.constant 2 : index
    %get3A_1517 = vector.load %arg5[%get3A_1515, %get3A_1516] : memref<128x16xf32, #tpu.memory_space<vmem>>, vector<128x1xf32>
    %mul3A_1518 = vector.broadcast %get3A_1517 : vector<128x1xf32> to vector<128x8xf32>
    %mul3A_1519 = arith.mulf %mul3A_1518, %convert_element_type3A_1509 : vector<128x8xf32>
    %get3A_1520 = arith.constant 0 : index
    %get3A_1521 = arith.constant 2 : index
    %get3A_1522 = vector.load %arg6[%get3A_1520, %get3A_1521] : memref<128x16xf32, #tpu.memory_space<vmem>>, vector<128x1xf32>
    %mul3A_1523 = vector.broadcast %get3A_1522 : vector<128x1xf32> to vector<128x8xf32>
    %mul3A_1524 = arith.mulf %mul3A_1523, %convert_element_type3A_1509 : vector<128x8xf32>
    %get3A_1525 = arith.constant 0 : index
    %get3A_1526 = arith.constant 2 : index
    %get3A_1527 = vector.load %arg7[%get3A_1525, %get3A_1526] : memref<128x16xf32, #tpu.memory_space<vmem>>, vector<128x1xf32>
    %mul3A_1528 = vector.broadcast %get3A_1527 : vector<128x1xf32> to vector<128x8xf32>
    %mul3A_1529 = arith.mulf %mul3A_1528, %convert_element_type3A_1509 : vector<128x8xf32>
    %get3A_1530 = arith.constant 0 : index
    %get3A_1531 = arith.constant 2 : index
    %get3A_1532 = vector.load %arg8[%get3A_1530, %get3A_1531] : memref<128x16xf32, #tpu.memory_space<vmem>>, vector<128x1xf32>
    %mul3A_1533 = vector.broadcast %get3A_1532 : vector<128x1xf32> to vector<128x8xf32>
    %mul3A_1534 = arith.mulf %mul3A_1533, %convert_element_type3A_1509 : vector<128x8xf32>
    %concatenate3A_1535 = tpu.concatenate %mul3A_1514, %mul3A_1519, %mul3A_1524, %mul3A_1529, %mul3A_1534 in 1 : vector<128x8xf32>, vector<128x8xf32>, vector<128x8xf32>, vector<128x8xf32>, vector<128x8xf32> -> vector<128x40xf32>
    %dot_general3A_1536 = arith.constant dense<0.000000e+00> : vector<128x40xf32>
    %dot_general3A_1537 = tpu.matmul %convert_element_type3A_1504, %concatenate3A_1535, %dot_general3A_1536 {dimension_numbers = #tpu.dot_dimension_numbers<[1], [0], [0], [1], [0, 0, 1, 1], [], []>, precision = #tpu.contract_precision<fp32>, transpose_lhs_hint = false} : vector<128x128xf32>, vector<128x40xf32>, vector<128x40xf32> -> vector<128x40xf32>
    %add3A_1538 = arith.addf %add3A_1496, %dot_general3A_1537 : vector<128x40xf32>
    %slice3A_1539 = vector.extract_strided_slice %and3A_1403 {offsets = [3, 0], sizes = [1, 128], strides = [1, 1]} : vector<16x128xi32> to vector<1x128xi32>
    %slice3A_1540 = vector.extract_strided_slice %lt3A_1406 {offsets = [3, 0], sizes = [1, 128], strides = [1, 1]} : vector<16x128xi1> to vector<1x128xi1>
    %eq3A_1541 = vector.broadcast %slice3A_1539 : vector<1x128xi32> to vector<128x128xi32>
    %eq3A_1542 = arith.cmpi eq, %iota3A_1410, %eq3A_1541 : vector<128x128xi32>
    %and3A_1543 = vector.broadcast %slice3A_1540 : vector<1x128xi1> to vector<128x128xi1>
    %and3A_1544 = arith.andi %eq3A_1542, %and3A_1543 : vector<128x128xi1>
    %convert_element_type3A_1545 = arith.extui %and3A_1544 : vector<128x128xi1> to vector<128x128xi32>
    %convert_element_type3A_1546 = arith.sitofp %convert_element_type3A_1545 : vector<128x128xi32> to vector<128x128xf32>
    %slice3A_1547 = vector.extract_strided_slice %shift_right_arithmetic3A_1409 {offsets = [0, 3], sizes = [128, 1], strides = [1, 1]} : vector<128x16xi32> to vector<128x1xi32>
    %eq3A_1548 = vector.broadcast %slice3A_1547 : vector<128x1xi32> to vector<128x8xi32>
    %eq3A_1549 = arith.cmpi eq, %eq3A_1548, %iota3A_1411 : vector<128x8xi32>
    %convert_element_type3A_1550 = arith.extui %eq3A_1549 : vector<128x8xi1> to vector<128x8xi32>
    %convert_element_type3A_1551 = arith.sitofp %convert_element_type3A_1550 : vector<128x8xi32> to vector<128x8xf32>
    %get3A_1552 = arith.constant 0 : index
    %get3A_1553 = arith.constant 3 : index
    %get3A_1554 = vector.load %arg4[%get3A_1552, %get3A_1553] : memref<128x16xf32, #tpu.memory_space<vmem>>, vector<128x1xf32>
    %mul3A_1555 = vector.broadcast %get3A_1554 : vector<128x1xf32> to vector<128x8xf32>
    %mul3A_1556 = arith.mulf %mul3A_1555, %convert_element_type3A_1551 : vector<128x8xf32>
    %get3A_1557 = arith.constant 0 : index
    %get3A_1558 = arith.constant 3 : index
    %get3A_1559 = vector.load %arg5[%get3A_1557, %get3A_1558] : memref<128x16xf32, #tpu.memory_space<vmem>>, vector<128x1xf32>
    %mul3A_1560 = vector.broadcast %get3A_1559 : vector<128x1xf32> to vector<128x8xf32>
    %mul3A_1561 = arith.mulf %mul3A_1560, %convert_element_type3A_1551 : vector<128x8xf32>
    %get3A_1562 = arith.constant 0 : index
    %get3A_1563 = arith.constant 3 : index
    %get3A_1564 = vector.load %arg6[%get3A_1562, %get3A_1563] : memref<128x16xf32, #tpu.memory_space<vmem>>, vector<128x1xf32>
    %mul3A_1565 = vector.broadcast %get3A_1564 : vector<128x1xf32> to vector<128x8xf32>
    %mul3A_1566 = arith.mulf %mul3A_1565, %convert_element_type3A_1551 : vector<128x8xf32>
    %get3A_1567 = arith.constant 0 : index
    %get3A_1568 = arith.constant 3 : index
    %get3A_1569 = vector.load %arg7[%get3A_1567, %get3A_1568] : memref<128x16xf32, #tpu.memory_space<vmem>>, vector<128x1xf32>
    %mul3A_1570 = vector.broadcast %get3A_1569 : vector<128x1xf32> to vector<128x8xf32>
    %mul3A_1571 = arith.mulf %mul3A_1570, %convert_element_type3A_1551 : vector<128x8xf32>
    %get3A_1572 = arith.constant 0 : index
    %get3A_1573 = arith.constant 3 : index
    %get3A_1574 = vector.load %arg8[%get3A_1572, %get3A_1573] : memref<128x16xf32, #tpu.memory_space<vmem>>, vector<128x1xf32>
    %mul3A_1575 = vector.broadcast %get3A_1574 : vector<128x1xf32> to vector<128x8xf32>
    %mul3A_1576 = arith.mulf %mul3A_1575, %convert_element_type3A_1551 : vector<128x8xf32>
    %concatenate3A_1577 = tpu.concatenate %mul3A_1556, %mul3A_1561, %mul3A_1566, %mul3A_1571, %mul3A_1576 in 1 : vector<128x8xf32>, vector<128x8xf32>, vector<128x8xf32>, vector<128x8xf32>, vector<128x8xf32> -> vector<128x40xf32>
    %dot_general3A_1578 = arith.constant dense<0.000000e+00> : vector<128x40xf32>
    %dot_general3A_1579 = tpu.matmul %convert_element_type3A_1546, %concatenate3A_1577, %dot_general3A_1578 {dimension_numbers = #tpu.dot_dimension_numbers<[1], [0], [0], [1], [0, 0, 1, 1], [], []>, precision = #tpu.contract_precision<fp32>, transpose_lhs_hint = false} : vector<128x128xf32>, vector<128x40xf32>, vector<128x40xf32> -> vector<128x40xf32>
    %add3A_1580 = arith.addf %add3A_1538, %dot_general3A_1579 : vector<128x40xf32>
    %slice3A_1581 = vector.extract_strided_slice %and3A_1403 {offsets = [4, 0], sizes = [1, 128], strides = [1, 1]} : vector<16x128xi32> to vector<1x128xi32>
    %slice3A_1582 = vector.extract_strided_slice %lt3A_1406 {offsets = [4, 0], sizes = [1, 128], strides = [1, 1]} : vector<16x128xi1> to vector<1x128xi1>
    %eq3A_1583 = vector.broadcast %slice3A_1581 : vector<1x128xi32> to vector<128x128xi32>
    %eq3A_1584 = arith.cmpi eq, %iota3A_1410, %eq3A_1583 : vector<128x128xi32>
    %and3A_1585 = vector.broadcast %slice3A_1582 : vector<1x128xi1> to vector<128x128xi1>
    %and3A_1586 = arith.andi %eq3A_1584, %and3A_1585 : vector<128x128xi1>
    %convert_element_type3A_1587 = arith.extui %and3A_1586 : vector<128x128xi1> to vector<128x128xi32>
    %convert_element_type3A_1588 = arith.sitofp %convert_element_type3A_1587 : vector<128x128xi32> to vector<128x128xf32>
    %slice3A_1589 = vector.extract_strided_slice %shift_right_arithmetic3A_1409 {offsets = [0, 4], sizes = [128, 1], strides = [1, 1]} : vector<128x16xi32> to vector<128x1xi32>
    %eq3A_1590 = vector.broadcast %slice3A_1589 : vector<128x1xi32> to vector<128x8xi32>
    %eq3A_1591 = arith.cmpi eq, %eq3A_1590, %iota3A_1411 : vector<128x8xi32>
    %convert_element_type3A_1592 = arith.extui %eq3A_1591 : vector<128x8xi1> to vector<128x8xi32>
    %convert_element_type3A_1593 = arith.sitofp %convert_element_type3A_1592 : vector<128x8xi32> to vector<128x8xf32>
    %get3A_1594 = arith.constant 0 : index
    %get3A_1595 = arith.constant 4 : index
    %get3A_1596 = vector.load %arg4[%get3A_1594, %get3A_1595] : memref<128x16xf32, #tpu.memory_space<vmem>>, vector<128x1xf32>
    %mul3A_1597 = vector.broadcast %get3A_1596 : vector<128x1xf32> to vector<128x8xf32>
    %mul3A_1598 = arith.mulf %mul3A_1597, %convert_element_type3A_1593 : vector<128x8xf32>
    %get3A_1599 = arith.constant 0 : index
    %get3A_1600 = arith.constant 4 : index
    %get3A_1601 = vector.load %arg5[%get3A_1599, %get3A_1600] : memref<128x16xf32, #tpu.memory_space<vmem>>, vector<128x1xf32>
    %mul3A_1602 = vector.broadcast %get3A_1601 : vector<128x1xf32> to vector<128x8xf32>
    %mul3A_1603 = arith.mulf %mul3A_1602, %convert_element_type3A_1593 : vector<128x8xf32>
    %get3A_1604 = arith.constant 0 : index
    %get3A_1605 = arith.constant 4 : index
    %get3A_1606 = vector.load %arg6[%get3A_1604, %get3A_1605] : memref<128x16xf32, #tpu.memory_space<vmem>>, vector<128x1xf32>
    %mul3A_1607 = vector.broadcast %get3A_1606 : vector<128x1xf32> to vector<128x8xf32>
    %mul3A_1608 = arith.mulf %mul3A_1607, %convert_element_type3A_1593 : vector<128x8xf32>
    %get3A_1609 = arith.constant 0 : index
    %get3A_1610 = arith.constant 4 : index
    %get3A_1611 = vector.load %arg7[%get3A_1609, %get3A_1610] : memref<128x16xf32, #tpu.memory_space<vmem>>, vector<128x1xf32>
    %mul3A_1612 = vector.broadcast %get3A_1611 : vector<128x1xf32> to vector<128x8xf32>
    %mul3A_1613 = arith.mulf %mul3A_1612, %convert_element_type3A_1593 : vector<128x8xf32>
    %get3A_1614 = arith.constant 0 : index
    %get3A_1615 = arith.constant 4 : index
    %get3A_1616 = vector.load %arg8[%get3A_1614, %get3A_1615] : memref<128x16xf32, #tpu.memory_space<vmem>>, vector<128x1xf32>
    %mul3A_1617 = vector.broadcast %get3A_1616 : vector<128x1xf32> to vector<128x8xf32>
    %mul3A_1618 = arith.mulf %mul3A_1617, %convert_element_type3A_1593 : vector<128x8xf32>
    %concatenate3A_1619 = tpu.concatenate %mul3A_1598, %mul3A_1603, %mul3A_1608, %mul3A_1613, %mul3A_1618 in 1 : vector<128x8xf32>, vector<128x8xf32>, vector<128x8xf32>, vector<128x8xf32>, vector<128x8xf32> -> vector<128x40xf32>
    %dot_general3A_1620 = arith.constant dense<0.000000e+00> : vector<128x40xf32>
    %dot_general3A_1621 = tpu.matmul %convert_element_type3A_1588, %concatenate3A_1619, %dot_general3A_1620 {dimension_numbers = #tpu.dot_dimension_numbers<[1], [0], [0], [1], [0, 0, 1, 1], [], []>, precision = #tpu.contract_precision<fp32>, transpose_lhs_hint = false} : vector<128x128xf32>, vector<128x40xf32>, vector<128x40xf32> -> vector<128x40xf32>
    %add3A_1622 = arith.addf %add3A_1580, %dot_general3A_1621 : vector<128x40xf32>
    %slice3A_1623 = vector.extract_strided_slice %and3A_1403 {offsets = [5, 0], sizes = [1, 128], strides = [1, 1]} : vector<16x128xi32> to vector<1x128xi32>
    %slice3A_1624 = vector.extract_strided_slice %lt3A_1406 {offsets = [5, 0], sizes = [1, 128], strides = [1, 1]} : vector<16x128xi1> to vector<1x128xi1>
    %eq3A_1625 = vector.broadcast %slice3A_1623 : vector<1x128xi32> to vector<128x128xi32>
    %eq3A_1626 = arith.cmpi eq, %iota3A_1410, %eq3A_1625 : vector<128x128xi32>
    %and3A_1627 = vector.broadcast %slice3A_1624 : vector<1x128xi1> to vector<128x128xi1>
    %and3A_1628 = arith.andi %eq3A_1626, %and3A_1627 : vector<128x128xi1>
    %convert_element_type3A_1629 = arith.extui %and3A_1628 : vector<128x128xi1> to vector<128x128xi32>
    %convert_element_type3A_1630 = arith.sitofp %convert_element_type3A_1629 : vector<128x128xi32> to vector<128x128xf32>
    %slice3A_1631 = vector.extract_strided_slice %shift_right_arithmetic3A_1409 {offsets = [0, 5], sizes = [128, 1], strides = [1, 1]} : vector<128x16xi32> to vector<128x1xi32>
    %eq3A_1632 = vector.broadcast %slice3A_1631 : vector<128x1xi32> to vector<128x8xi32>
    %eq3A_1633 = arith.cmpi eq, %eq3A_1632, %iota3A_1411 : vector<128x8xi32>
    %convert_element_type3A_1634 = arith.extui %eq3A_1633 : vector<128x8xi1> to vector<128x8xi32>
    %convert_element_type3A_1635 = arith.sitofp %convert_element_type3A_1634 : vector<128x8xi32> to vector<128x8xf32>
    %get3A_1636 = arith.constant 0 : index
    %get3A_1637 = arith.constant 5 : index
    %get3A_1638 = vector.load %arg4[%get3A_1636, %get3A_1637] : memref<128x16xf32, #tpu.memory_space<vmem>>, vector<128x1xf32>
    %mul3A_1639 = vector.broadcast %get3A_1638 : vector<128x1xf32> to vector<128x8xf32>
    %mul3A_1640 = arith.mulf %mul3A_1639, %convert_element_type3A_1635 : vector<128x8xf32>
    %get3A_1641 = arith.constant 0 : index
    %get3A_1642 = arith.constant 5 : index
    %get3A_1643 = vector.load %arg5[%get3A_1641, %get3A_1642] : memref<128x16xf32, #tpu.memory_space<vmem>>, vector<128x1xf32>
    %mul3A_1644 = vector.broadcast %get3A_1643 : vector<128x1xf32> to vector<128x8xf32>
    %mul3A_1645 = arith.mulf %mul3A_1644, %convert_element_type3A_1635 : vector<128x8xf32>
    %get3A_1646 = arith.constant 0 : index
    %get3A_1647 = arith.constant 5 : index
    %get3A_1648 = vector.load %arg6[%get3A_1646, %get3A_1647] : memref<128x16xf32, #tpu.memory_space<vmem>>, vector<128x1xf32>
    %mul3A_1649 = vector.broadcast %get3A_1648 : vector<128x1xf32> to vector<128x8xf32>
    %mul3A_1650 = arith.mulf %mul3A_1649, %convert_element_type3A_1635 : vector<128x8xf32>
    %get3A_1651 = arith.constant 0 : index
    %get3A_1652 = arith.constant 5 : index
    %get3A_1653 = vector.load %arg7[%get3A_1651, %get3A_1652] : memref<128x16xf32, #tpu.memory_space<vmem>>, vector<128x1xf32>
    %mul3A_1654 = vector.broadcast %get3A_1653 : vector<128x1xf32> to vector<128x8xf32>
    %mul3A_1655 = arith.mulf %mul3A_1654, %convert_element_type3A_1635 : vector<128x8xf32>
    %get3A_1656 = arith.constant 0 : index
    %get3A_1657 = arith.constant 5 : index
    %get3A_1658 = vector.load %arg8[%get3A_1656, %get3A_1657] : memref<128x16xf32, #tpu.memory_space<vmem>>, vector<128x1xf32>
    %mul3A_1659 = vector.broadcast %get3A_1658 : vector<128x1xf32> to vector<128x8xf32>
    %mul3A_1660 = arith.mulf %mul3A_1659, %convert_element_type3A_1635 : vector<128x8xf32>
    %concatenate3A_1661 = tpu.concatenate %mul3A_1640, %mul3A_1645, %mul3A_1650, %mul3A_1655, %mul3A_1660 in 1 : vector<128x8xf32>, vector<128x8xf32>, vector<128x8xf32>, vector<128x8xf32>, vector<128x8xf32> -> vector<128x40xf32>
    %dot_general3A_1662 = arith.constant dense<0.000000e+00> : vector<128x40xf32>
    %dot_general3A_1663 = tpu.matmul %convert_element_type3A_1630, %concatenate3A_1661, %dot_general3A_1662 {dimension_numbers = #tpu.dot_dimension_numbers<[1], [0], [0], [1], [0, 0, 1, 1], [], []>, precision = #tpu.contract_precision<fp32>, transpose_lhs_hint = false} : vector<128x128xf32>, vector<128x40xf32>, vector<128x40xf32> -> vector<128x40xf32>
    %add3A_1664 = arith.addf %add3A_1622, %dot_general3A_1663 : vector<128x40xf32>
    %slice3A_1665 = vector.extract_strided_slice %and3A_1403 {offsets = [6, 0], sizes = [1, 128], strides = [1, 1]} : vector<16x128xi32> to vector<1x128xi32>
    %slice3A_1666 = vector.extract_strided_slice %lt3A_1406 {offsets = [6, 0], sizes = [1, 128], strides = [1, 1]} : vector<16x128xi1> to vector<1x128xi1>
    %eq3A_1667 = vector.broadcast %slice3A_1665 : vector<1x128xi32> to vector<128x128xi32>
    %eq3A_1668 = arith.cmpi eq, %iota3A_1410, %eq3A_1667 : vector<128x128xi32>
    %and3A_1669 = vector.broadcast %slice3A_1666 : vector<1x128xi1> to vector<128x128xi1>
    %and3A_1670 = arith.andi %eq3A_1668, %and3A_1669 : vector<128x128xi1>
    %convert_element_type3A_1671 = arith.extui %and3A_1670 : vector<128x128xi1> to vector<128x128xi32>
    %convert_element_type3A_1672 = arith.sitofp %convert_element_type3A_1671 : vector<128x128xi32> to vector<128x128xf32>
    %slice3A_1673 = vector.extract_strided_slice %shift_right_arithmetic3A_1409 {offsets = [0, 6], sizes = [128, 1], strides = [1, 1]} : vector<128x16xi32> to vector<128x1xi32>
    %eq3A_1674 = vector.broadcast %slice3A_1673 : vector<128x1xi32> to vector<128x8xi32>
    %eq3A_1675 = arith.cmpi eq, %eq3A_1674, %iota3A_1411 : vector<128x8xi32>
    %convert_element_type3A_1676 = arith.extui %eq3A_1675 : vector<128x8xi1> to vector<128x8xi32>
    %convert_element_type3A_1677 = arith.sitofp %convert_element_type3A_1676 : vector<128x8xi32> to vector<128x8xf32>
    %get3A_1678 = arith.constant 0 : index
    %get3A_1679 = arith.constant 6 : index
    %get3A_1680 = vector.load %arg4[%get3A_1678, %get3A_1679] : memref<128x16xf32, #tpu.memory_space<vmem>>, vector<128x1xf32>
    %mul3A_1681 = vector.broadcast %get3A_1680 : vector<128x1xf32> to vector<128x8xf32>
    %mul3A_1682 = arith.mulf %mul3A_1681, %convert_element_type3A_1677 : vector<128x8xf32>
    %get3A_1683 = arith.constant 0 : index
    %get3A_1684 = arith.constant 6 : index
    %get3A_1685 = vector.load %arg5[%get3A_1683, %get3A_1684] : memref<128x16xf32, #tpu.memory_space<vmem>>, vector<128x1xf32>
    %mul3A_1686 = vector.broadcast %get3A_1685 : vector<128x1xf32> to vector<128x8xf32>
    %mul3A_1687 = arith.mulf %mul3A_1686, %convert_element_type3A_1677 : vector<128x8xf32>
    %get3A_1688 = arith.constant 0 : index
    %get3A_1689 = arith.constant 6 : index
    %get3A_1690 = vector.load %arg6[%get3A_1688, %get3A_1689] : memref<128x16xf32, #tpu.memory_space<vmem>>, vector<128x1xf32>
    %mul3A_1691 = vector.broadcast %get3A_1690 : vector<128x1xf32> to vector<128x8xf32>
    %mul3A_1692 = arith.mulf %mul3A_1691, %convert_element_type3A_1677 : vector<128x8xf32>
    %get3A_1693 = arith.constant 0 : index
    %get3A_1694 = arith.constant 6 : index
    %get3A_1695 = vector.load %arg7[%get3A_1693, %get3A_1694] : memref<128x16xf32, #tpu.memory_space<vmem>>, vector<128x1xf32>
    %mul3A_1696 = vector.broadcast %get3A_1695 : vector<128x1xf32> to vector<128x8xf32>
    %mul3A_1697 = arith.mulf %mul3A_1696, %convert_element_type3A_1677 : vector<128x8xf32>
    %get3A_1698 = arith.constant 0 : index
    %get3A_1699 = arith.constant 6 : index
    %get3A_1700 = vector.load %arg8[%get3A_1698, %get3A_1699] : memref<128x16xf32, #tpu.memory_space<vmem>>, vector<128x1xf32>
    %mul3A_1701 = vector.broadcast %get3A_1700 : vector<128x1xf32> to vector<128x8xf32>
    %mul3A_1702 = arith.mulf %mul3A_1701, %convert_element_type3A_1677 : vector<128x8xf32>
    %concatenate3A_1703 = tpu.concatenate %mul3A_1682, %mul3A_1687, %mul3A_1692, %mul3A_1697, %mul3A_1702 in 1 : vector<128x8xf32>, vector<128x8xf32>, vector<128x8xf32>, vector<128x8xf32>, vector<128x8xf32> -> vector<128x40xf32>
    %dot_general3A_1704 = arith.constant dense<0.000000e+00> : vector<128x40xf32>
    %dot_general3A_1705 = tpu.matmul %convert_element_type3A_1672, %concatenate3A_1703, %dot_general3A_1704 {dimension_numbers = #tpu.dot_dimension_numbers<[1], [0], [0], [1], [0, 0, 1, 1], [], []>, precision = #tpu.contract_precision<fp32>, transpose_lhs_hint = false} : vector<128x128xf32>, vector<128x40xf32>, vector<128x40xf32> -> vector<128x40xf32>
    %add3A_1706 = arith.addf %add3A_1664, %dot_general3A_1705 : vector<128x40xf32>
    %slice3A_1707 = vector.extract_strided_slice %and3A_1403 {offsets = [7, 0], sizes = [1, 128], strides = [1, 1]} : vector<16x128xi32> to vector<1x128xi32>
    %slice3A_1708 = vector.extract_strided_slice %lt3A_1406 {offsets = [7, 0], sizes = [1, 128], strides = [1, 1]} : vector<16x128xi1> to vector<1x128xi1>
    %eq3A_1709 = vector.broadcast %slice3A_1707 : vector<1x128xi32> to vector<128x128xi32>
    %eq3A_1710 = arith.cmpi eq, %iota3A_1410, %eq3A_1709 : vector<128x128xi32>
    %and3A_1711 = vector.broadcast %slice3A_1708 : vector<1x128xi1> to vector<128x128xi1>
    %and3A_1712 = arith.andi %eq3A_1710, %and3A_1711 : vector<128x128xi1>
    %convert_element_type3A_1713 = arith.extui %and3A_1712 : vector<128x128xi1> to vector<128x128xi32>
    %convert_element_type3A_1714 = arith.sitofp %convert_element_type3A_1713 : vector<128x128xi32> to vector<128x128xf32>
    %slice3A_1715 = vector.extract_strided_slice %shift_right_arithmetic3A_1409 {offsets = [0, 7], sizes = [128, 1], strides = [1, 1]} : vector<128x16xi32> to vector<128x1xi32>
    %eq3A_1716 = vector.broadcast %slice3A_1715 : vector<128x1xi32> to vector<128x8xi32>
    %eq3A_1717 = arith.cmpi eq, %eq3A_1716, %iota3A_1411 : vector<128x8xi32>
    %convert_element_type3A_1718 = arith.extui %eq3A_1717 : vector<128x8xi1> to vector<128x8xi32>
    %convert_element_type3A_1719 = arith.sitofp %convert_element_type3A_1718 : vector<128x8xi32> to vector<128x8xf32>
    %get3A_1720 = arith.constant 0 : index
    %get3A_1721 = arith.constant 7 : index
    %get3A_1722 = vector.load %arg4[%get3A_1720, %get3A_1721] : memref<128x16xf32, #tpu.memory_space<vmem>>, vector<128x1xf32>
    %mul3A_1723 = vector.broadcast %get3A_1722 : vector<128x1xf32> to vector<128x8xf32>
    %mul3A_1724 = arith.mulf %mul3A_1723, %convert_element_type3A_1719 : vector<128x8xf32>
    %get3A_1725 = arith.constant 0 : index
    %get3A_1726 = arith.constant 7 : index
    %get3A_1727 = vector.load %arg5[%get3A_1725, %get3A_1726] : memref<128x16xf32, #tpu.memory_space<vmem>>, vector<128x1xf32>
    %mul3A_1728 = vector.broadcast %get3A_1727 : vector<128x1xf32> to vector<128x8xf32>
    %mul3A_1729 = arith.mulf %mul3A_1728, %convert_element_type3A_1719 : vector<128x8xf32>
    %get3A_1730 = arith.constant 0 : index
    %get3A_1731 = arith.constant 7 : index
    %get3A_1732 = vector.load %arg6[%get3A_1730, %get3A_1731] : memref<128x16xf32, #tpu.memory_space<vmem>>, vector<128x1xf32>
    %mul3A_1733 = vector.broadcast %get3A_1732 : vector<128x1xf32> to vector<128x8xf32>
    %mul3A_1734 = arith.mulf %mul3A_1733, %convert_element_type3A_1719 : vector<128x8xf32>
    %get3A_1735 = arith.constant 0 : index
    %get3A_1736 = arith.constant 7 : index
    %get3A_1737 = vector.load %arg7[%get3A_1735, %get3A_1736] : memref<128x16xf32, #tpu.memory_space<vmem>>, vector<128x1xf32>
    %mul3A_1738 = vector.broadcast %get3A_1737 : vector<128x1xf32> to vector<128x8xf32>
    %mul3A_1739 = arith.mulf %mul3A_1738, %convert_element_type3A_1719 : vector<128x8xf32>
    %get3A_1740 = arith.constant 0 : index
    %get3A_1741 = arith.constant 7 : index
    %get3A_1742 = vector.load %arg8[%get3A_1740, %get3A_1741] : memref<128x16xf32, #tpu.memory_space<vmem>>, vector<128x1xf32>
    %mul3A_1743 = vector.broadcast %get3A_1742 : vector<128x1xf32> to vector<128x8xf32>
    %mul3A_1744 = arith.mulf %mul3A_1743, %convert_element_type3A_1719 : vector<128x8xf32>
    %concatenate3A_1745 = tpu.concatenate %mul3A_1724, %mul3A_1729, %mul3A_1734, %mul3A_1739, %mul3A_1744 in 1 : vector<128x8xf32>, vector<128x8xf32>, vector<128x8xf32>, vector<128x8xf32>, vector<128x8xf32> -> vector<128x40xf32>
    %dot_general3A_1746 = arith.constant dense<0.000000e+00> : vector<128x40xf32>
    %dot_general3A_1747 = tpu.matmul %convert_element_type3A_1714, %concatenate3A_1745, %dot_general3A_1746 {dimension_numbers = #tpu.dot_dimension_numbers<[1], [0], [0], [1], [0, 0, 1, 1], [], []>, precision = #tpu.contract_precision<fp32>, transpose_lhs_hint = false} : vector<128x128xf32>, vector<128x40xf32>, vector<128x40xf32> -> vector<128x40xf32>
    %add3A_1748 = arith.addf %add3A_1706, %dot_general3A_1747 : vector<128x40xf32>
    %slice3A_1749 = vector.extract_strided_slice %and3A_1403 {offsets = [8, 0], sizes = [1, 128], strides = [1, 1]} : vector<16x128xi32> to vector<1x128xi32>
    %slice3A_1750 = vector.extract_strided_slice %lt3A_1406 {offsets = [8, 0], sizes = [1, 128], strides = [1, 1]} : vector<16x128xi1> to vector<1x128xi1>
    %eq3A_1751 = vector.broadcast %slice3A_1749 : vector<1x128xi32> to vector<128x128xi32>
    %eq3A_1752 = arith.cmpi eq, %iota3A_1410, %eq3A_1751 : vector<128x128xi32>
    %and3A_1753 = vector.broadcast %slice3A_1750 : vector<1x128xi1> to vector<128x128xi1>
    %and3A_1754 = arith.andi %eq3A_1752, %and3A_1753 : vector<128x128xi1>
    %convert_element_type3A_1755 = arith.extui %and3A_1754 : vector<128x128xi1> to vector<128x128xi32>
    %convert_element_type3A_1756 = arith.sitofp %convert_element_type3A_1755 : vector<128x128xi32> to vector<128x128xf32>
    %slice3A_1757 = vector.extract_strided_slice %shift_right_arithmetic3A_1409 {offsets = [0, 8], sizes = [128, 1], strides = [1, 1]} : vector<128x16xi32> to vector<128x1xi32>
    %eq3A_1758 = vector.broadcast %slice3A_1757 : vector<128x1xi32> to vector<128x8xi32>
    %eq3A_1759 = arith.cmpi eq, %eq3A_1758, %iota3A_1411 : vector<128x8xi32>
    %convert_element_type3A_1760 = arith.extui %eq3A_1759 : vector<128x8xi1> to vector<128x8xi32>
    %convert_element_type3A_1761 = arith.sitofp %convert_element_type3A_1760 : vector<128x8xi32> to vector<128x8xf32>
    %get3A_1762 = arith.constant 0 : index
    %get3A_1763 = arith.constant 8 : index
    %get3A_1764 = vector.load %arg4[%get3A_1762, %get3A_1763] : memref<128x16xf32, #tpu.memory_space<vmem>>, vector<128x1xf32>
    %mul3A_1765 = vector.broadcast %get3A_1764 : vector<128x1xf32> to vector<128x8xf32>
    %mul3A_1766 = arith.mulf %mul3A_1765, %convert_element_type3A_1761 : vector<128x8xf32>
    %get3A_1767 = arith.constant 0 : index
    %get3A_1768 = arith.constant 8 : index
    %get3A_1769 = vector.load %arg5[%get3A_1767, %get3A_1768] : memref<128x16xf32, #tpu.memory_space<vmem>>, vector<128x1xf32>
    %mul3A_1770 = vector.broadcast %get3A_1769 : vector<128x1xf32> to vector<128x8xf32>
    %mul3A_1771 = arith.mulf %mul3A_1770, %convert_element_type3A_1761 : vector<128x8xf32>
    %get3A_1772 = arith.constant 0 : index
    %get3A_1773 = arith.constant 8 : index
    %get3A_1774 = vector.load %arg6[%get3A_1772, %get3A_1773] : memref<128x16xf32, #tpu.memory_space<vmem>>, vector<128x1xf32>
    %mul3A_1775 = vector.broadcast %get3A_1774 : vector<128x1xf32> to vector<128x8xf32>
    %mul3A_1776 = arith.mulf %mul3A_1775, %convert_element_type3A_1761 : vector<128x8xf32>
    %get3A_1777 = arith.constant 0 : index
    %get3A_1778 = arith.constant 8 : index
    %get3A_1779 = vector.load %arg7[%get3A_1777, %get3A_1778] : memref<128x16xf32, #tpu.memory_space<vmem>>, vector<128x1xf32>
    %mul3A_1780 = vector.broadcast %get3A_1779 : vector<128x1xf32> to vector<128x8xf32>
    %mul3A_1781 = arith.mulf %mul3A_1780, %convert_element_type3A_1761 : vector<128x8xf32>
    %get3A_1782 = arith.constant 0 : index
    %get3A_1783 = arith.constant 8 : index
    %get3A_1784 = vector.load %arg8[%get3A_1782, %get3A_1783] : memref<128x16xf32, #tpu.memory_space<vmem>>, vector<128x1xf32>
    %mul3A_1785 = vector.broadcast %get3A_1784 : vector<128x1xf32> to vector<128x8xf32>
    %mul3A_1786 = arith.mulf %mul3A_1785, %convert_element_type3A_1761 : vector<128x8xf32>
    %concatenate3A_1787 = tpu.concatenate %mul3A_1766, %mul3A_1771, %mul3A_1776, %mul3A_1781, %mul3A_1786 in 1 : vector<128x8xf32>, vector<128x8xf32>, vector<128x8xf32>, vector<128x8xf32>, vector<128x8xf32> -> vector<128x40xf32>
    %dot_general3A_1788 = arith.constant dense<0.000000e+00> : vector<128x40xf32>
    %dot_general3A_1789 = tpu.matmul %convert_element_type3A_1756, %concatenate3A_1787, %dot_general3A_1788 {dimension_numbers = #tpu.dot_dimension_numbers<[1], [0], [0], [1], [0, 0, 1, 1], [], []>, precision = #tpu.contract_precision<fp32>, transpose_lhs_hint = false} : vector<128x128xf32>, vector<128x40xf32>, vector<128x40xf32> -> vector<128x40xf32>
    %add3A_1790 = arith.addf %add3A_1748, %dot_general3A_1789 : vector<128x40xf32>
    %slice3A_1791 = vector.extract_strided_slice %and3A_1403 {offsets = [9, 0], sizes = [1, 128], strides = [1, 1]} : vector<16x128xi32> to vector<1x128xi32>
    %slice3A_1792 = vector.extract_strided_slice %lt3A_1406 {offsets = [9, 0], sizes = [1, 128], strides = [1, 1]} : vector<16x128xi1> to vector<1x128xi1>
    %eq3A_1793 = vector.broadcast %slice3A_1791 : vector<1x128xi32> to vector<128x128xi32>
    %eq3A_1794 = arith.cmpi eq, %iota3A_1410, %eq3A_1793 : vector<128x128xi32>
    %and3A_1795 = vector.broadcast %slice3A_1792 : vector<1x128xi1> to vector<128x128xi1>
    %and3A_1796 = arith.andi %eq3A_1794, %and3A_1795 : vector<128x128xi1>
    %convert_element_type3A_1797 = arith.extui %and3A_1796 : vector<128x128xi1> to vector<128x128xi32>
    %convert_element_type3A_1798 = arith.sitofp %convert_element_type3A_1797 : vector<128x128xi32> to vector<128x128xf32>
    %slice3A_1799 = vector.extract_strided_slice %shift_right_arithmetic3A_1409 {offsets = [0, 9], sizes = [128, 1], strides = [1, 1]} : vector<128x16xi32> to vector<128x1xi32>
    %eq3A_1800 = vector.broadcast %slice3A_1799 : vector<128x1xi32> to vector<128x8xi32>
    %eq3A_1801 = arith.cmpi eq, %eq3A_1800, %iota3A_1411 : vector<128x8xi32>
    %convert_element_type3A_1802 = arith.extui %eq3A_1801 : vector<128x8xi1> to vector<128x8xi32>
    %convert_element_type3A_1803 = arith.sitofp %convert_element_type3A_1802 : vector<128x8xi32> to vector<128x8xf32>
    %get3A_1804 = arith.constant 0 : index
    %get3A_1805 = arith.constant 9 : index
    %get3A_1806 = vector.load %arg4[%get3A_1804, %get3A_1805] : memref<128x16xf32, #tpu.memory_space<vmem>>, vector<128x1xf32>
    %mul3A_1807 = vector.broadcast %get3A_1806 : vector<128x1xf32> to vector<128x8xf32>
    %mul3A_1808 = arith.mulf %mul3A_1807, %convert_element_type3A_1803 : vector<128x8xf32>
    %get3A_1809 = arith.constant 0 : index
    %get3A_1810 = arith.constant 9 : index
    %get3A_1811 = vector.load %arg5[%get3A_1809, %get3A_1810] : memref<128x16xf32, #tpu.memory_space<vmem>>, vector<128x1xf32>
    %mul3A_1812 = vector.broadcast %get3A_1811 : vector<128x1xf32> to vector<128x8xf32>
    %mul3A_1813 = arith.mulf %mul3A_1812, %convert_element_type3A_1803 : vector<128x8xf32>
    %get3A_1814 = arith.constant 0 : index
    %get3A_1815 = arith.constant 9 : index
    %get3A_1816 = vector.load %arg6[%get3A_1814, %get3A_1815] : memref<128x16xf32, #tpu.memory_space<vmem>>, vector<128x1xf32>
    %mul3A_1817 = vector.broadcast %get3A_1816 : vector<128x1xf32> to vector<128x8xf32>
    %mul3A_1818 = arith.mulf %mul3A_1817, %convert_element_type3A_1803 : vector<128x8xf32>
    %get3A_1819 = arith.constant 0 : index
    %get3A_1820 = arith.constant 9 : index
    %get3A_1821 = vector.load %arg7[%get3A_1819, %get3A_1820] : memref<128x16xf32, #tpu.memory_space<vmem>>, vector<128x1xf32>
    %mul3A_1822 = vector.broadcast %get3A_1821 : vector<128x1xf32> to vector<128x8xf32>
    %mul3A_1823 = arith.mulf %mul3A_1822, %convert_element_type3A_1803 : vector<128x8xf32>
    %get3A_1824 = arith.constant 0 : index
    %get3A_1825 = arith.constant 9 : index
    %get3A_1826 = vector.load %arg8[%get3A_1824, %get3A_1825] : memref<128x16xf32, #tpu.memory_space<vmem>>, vector<128x1xf32>
    %mul3A_1827 = vector.broadcast %get3A_1826 : vector<128x1xf32> to vector<128x8xf32>
    %mul3A_1828 = arith.mulf %mul3A_1827, %convert_element_type3A_1803 : vector<128x8xf32>
    %concatenate3A_1829 = tpu.concatenate %mul3A_1808, %mul3A_1813, %mul3A_1818, %mul3A_1823, %mul3A_1828 in 1 : vector<128x8xf32>, vector<128x8xf32>, vector<128x8xf32>, vector<128x8xf32>, vector<128x8xf32> -> vector<128x40xf32>
    %dot_general3A_1830 = arith.constant dense<0.000000e+00> : vector<128x40xf32>
    %dot_general3A_1831 = tpu.matmul %convert_element_type3A_1798, %concatenate3A_1829, %dot_general3A_1830 {dimension_numbers = #tpu.dot_dimension_numbers<[1], [0], [0], [1], [0, 0, 1, 1], [], []>, precision = #tpu.contract_precision<fp32>, transpose_lhs_hint = false} : vector<128x128xf32>, vector<128x40xf32>, vector<128x40xf32> -> vector<128x40xf32>
    %add3A_1832 = arith.addf %add3A_1790, %dot_general3A_1831 : vector<128x40xf32>
    %slice3A_1833 = vector.extract_strided_slice %and3A_1403 {offsets = [10, 0], sizes = [1, 128], strides = [1, 1]} : vector<16x128xi32> to vector<1x128xi32>
    %slice3A_1834 = vector.extract_strided_slice %lt3A_1406 {offsets = [10, 0], sizes = [1, 128], strides = [1, 1]} : vector<16x128xi1> to vector<1x128xi1>
    %eq3A_1835 = vector.broadcast %slice3A_1833 : vector<1x128xi32> to vector<128x128xi32>
    %eq3A_1836 = arith.cmpi eq, %iota3A_1410, %eq3A_1835 : vector<128x128xi32>
    %and3A_1837 = vector.broadcast %slice3A_1834 : vector<1x128xi1> to vector<128x128xi1>
    %and3A_1838 = arith.andi %eq3A_1836, %and3A_1837 : vector<128x128xi1>
    %convert_element_type3A_1839 = arith.extui %and3A_1838 : vector<128x128xi1> to vector<128x128xi32>
    %convert_element_type3A_1840 = arith.sitofp %convert_element_type3A_1839 : vector<128x128xi32> to vector<128x128xf32>
    %slice3A_1841 = vector.extract_strided_slice %shift_right_arithmetic3A_1409 {offsets = [0, 10], sizes = [128, 1], strides = [1, 1]} : vector<128x16xi32> to vector<128x1xi32>
    %eq3A_1842 = vector.broadcast %slice3A_1841 : vector<128x1xi32> to vector<128x8xi32>
    %eq3A_1843 = arith.cmpi eq, %eq3A_1842, %iota3A_1411 : vector<128x8xi32>
    %convert_element_type3A_1844 = arith.extui %eq3A_1843 : vector<128x8xi1> to vector<128x8xi32>
    %convert_element_type3A_1845 = arith.sitofp %convert_element_type3A_1844 : vector<128x8xi32> to vector<128x8xf32>
    %get3A_1846 = arith.constant 0 : index
    %get3A_1847 = arith.constant 10 : index
    %get3A_1848 = vector.load %arg4[%get3A_1846, %get3A_1847] : memref<128x16xf32, #tpu.memory_space<vmem>>, vector<128x1xf32>
    %mul3A_1849 = vector.broadcast %get3A_1848 : vector<128x1xf32> to vector<128x8xf32>
    %mul3A_1850 = arith.mulf %mul3A_1849, %convert_element_type3A_1845 : vector<128x8xf32>
    %get3A_1851 = arith.constant 0 : index
    %get3A_1852 = arith.constant 10 : index
    %get3A_1853 = vector.load %arg5[%get3A_1851, %get3A_1852] : memref<128x16xf32, #tpu.memory_space<vmem>>, vector<128x1xf32>
    %mul3A_1854 = vector.broadcast %get3A_1853 : vector<128x1xf32> to vector<128x8xf32>
    %mul3A_1855 = arith.mulf %mul3A_1854, %convert_element_type3A_1845 : vector<128x8xf32>
    %get3A_1856 = arith.constant 0 : index
    %get3A_1857 = arith.constant 10 : index
    %get3A_1858 = vector.load %arg6[%get3A_1856, %get3A_1857] : memref<128x16xf32, #tpu.memory_space<vmem>>, vector<128x1xf32>
    %mul3A_1859 = vector.broadcast %get3A_1858 : vector<128x1xf32> to vector<128x8xf32>
    %mul3A_1860 = arith.mulf %mul3A_1859, %convert_element_type3A_1845 : vector<128x8xf32>
    %get3A_1861 = arith.constant 0 : index
    %get3A_1862 = arith.constant 10 : index
    %get3A_1863 = vector.load %arg7[%get3A_1861, %get3A_1862] : memref<128x16xf32, #tpu.memory_space<vmem>>, vector<128x1xf32>
    %mul3A_1864 = vector.broadcast %get3A_1863 : vector<128x1xf32> to vector<128x8xf32>
    %mul3A_1865 = arith.mulf %mul3A_1864, %convert_element_type3A_1845 : vector<128x8xf32>
    %get3A_1866 = arith.constant 0 : index
    %get3A_1867 = arith.constant 10 : index
    %get3A_1868 = vector.load %arg8[%get3A_1866, %get3A_1867] : memref<128x16xf32, #tpu.memory_space<vmem>>, vector<128x1xf32>
    %mul3A_1869 = vector.broadcast %get3A_1868 : vector<128x1xf32> to vector<128x8xf32>
    %mul3A_1870 = arith.mulf %mul3A_1869, %convert_element_type3A_1845 : vector<128x8xf32>
    %concatenate3A_1871 = tpu.concatenate %mul3A_1850, %mul3A_1855, %mul3A_1860, %mul3A_1865, %mul3A_1870 in 1 : vector<128x8xf32>, vector<128x8xf32>, vector<128x8xf32>, vector<128x8xf32>, vector<128x8xf32> -> vector<128x40xf32>
    %dot_general3A_1872 = arith.constant dense<0.000000e+00> : vector<128x40xf32>
    %dot_general3A_1873 = tpu.matmul %convert_element_type3A_1840, %concatenate3A_1871, %dot_general3A_1872 {dimension_numbers = #tpu.dot_dimension_numbers<[1], [0], [0], [1], [0, 0, 1, 1], [], []>, precision = #tpu.contract_precision<fp32>, transpose_lhs_hint = false} : vector<128x128xf32>, vector<128x40xf32>, vector<128x40xf32> -> vector<128x40xf32>
    %add3A_1874 = arith.addf %add3A_1832, %dot_general3A_1873 : vector<128x40xf32>
    %slice3A_1875 = vector.extract_strided_slice %and3A_1403 {offsets = [11, 0], sizes = [1, 128], strides = [1, 1]} : vector<16x128xi32> to vector<1x128xi32>
    %slice3A_1876 = vector.extract_strided_slice %lt3A_1406 {offsets = [11, 0], sizes = [1, 128], strides = [1, 1]} : vector<16x128xi1> to vector<1x128xi1>
    %eq3A_1877 = vector.broadcast %slice3A_1875 : vector<1x128xi32> to vector<128x128xi32>
    %eq3A_1878 = arith.cmpi eq, %iota3A_1410, %eq3A_1877 : vector<128x128xi32>
    %and3A_1879 = vector.broadcast %slice3A_1876 : vector<1x128xi1> to vector<128x128xi1>
    %and3A_1880 = arith.andi %eq3A_1878, %and3A_1879 : vector<128x128xi1>
    %convert_element_type3A_1881 = arith.extui %and3A_1880 : vector<128x128xi1> to vector<128x128xi32>
    %convert_element_type3A_1882 = arith.sitofp %convert_element_type3A_1881 : vector<128x128xi32> to vector<128x128xf32>
    %slice3A_1883 = vector.extract_strided_slice %shift_right_arithmetic3A_1409 {offsets = [0, 11], sizes = [128, 1], strides = [1, 1]} : vector<128x16xi32> to vector<128x1xi32>
    %eq3A_1884 = vector.broadcast %slice3A_1883 : vector<128x1xi32> to vector<128x8xi32>
    %eq3A_1885 = arith.cmpi eq, %eq3A_1884, %iota3A_1411 : vector<128x8xi32>
    %convert_element_type3A_1886 = arith.extui %eq3A_1885 : vector<128x8xi1> to vector<128x8xi32>
    %convert_element_type3A_1887 = arith.sitofp %convert_element_type3A_1886 : vector<128x8xi32> to vector<128x8xf32>
    %get3A_1888 = arith.constant 0 : index
    %get3A_1889 = arith.constant 11 : index
    %get3A_1890 = vector.load %arg4[%get3A_1888, %get3A_1889] : memref<128x16xf32, #tpu.memory_space<vmem>>, vector<128x1xf32>
    %mul3A_1891 = vector.broadcast %get3A_1890 : vector<128x1xf32> to vector<128x8xf32>
    %mul3A_1892 = arith.mulf %mul3A_1891, %convert_element_type3A_1887 : vector<128x8xf32>
    %get3A_1893 = arith.constant 0 : index
    %get3A_1894 = arith.constant 11 : index
    %get3A_1895 = vector.load %arg5[%get3A_1893, %get3A_1894] : memref<128x16xf32, #tpu.memory_space<vmem>>, vector<128x1xf32>
    %mul3A_1896 = vector.broadcast %get3A_1895 : vector<128x1xf32> to vector<128x8xf32>
    %mul3A_1897 = arith.mulf %mul3A_1896, %convert_element_type3A_1887 : vector<128x8xf32>
    %get3A_1898 = arith.constant 0 : index
    %get3A_1899 = arith.constant 11 : index
    %get3A_1900 = vector.load %arg6[%get3A_1898, %get3A_1899] : memref<128x16xf32, #tpu.memory_space<vmem>>, vector<128x1xf32>
    %mul3A_1901 = vector.broadcast %get3A_1900 : vector<128x1xf32> to vector<128x8xf32>
    %mul3A_1902 = arith.mulf %mul3A_1901, %convert_element_type3A_1887 : vector<128x8xf32>
    %get3A_1903 = arith.constant 0 : index
    %get3A_1904 = arith.constant 11 : index
    %get3A_1905 = vector.load %arg7[%get3A_1903, %get3A_1904] : memref<128x16xf32, #tpu.memory_space<vmem>>, vector<128x1xf32>
    %mul3A_1906 = vector.broadcast %get3A_1905 : vector<128x1xf32> to vector<128x8xf32>
    %mul3A_1907 = arith.mulf %mul3A_1906, %convert_element_type3A_1887 : vector<128x8xf32>
    %get3A_1908 = arith.constant 0 : index
    %get3A_1909 = arith.constant 11 : index
    %get3A_1910 = vector.load %arg8[%get3A_1908, %get3A_1909] : memref<128x16xf32, #tpu.memory_space<vmem>>, vector<128x1xf32>
    %mul3A_1911 = vector.broadcast %get3A_1910 : vector<128x1xf32> to vector<128x8xf32>
    %mul3A_1912 = arith.mulf %mul3A_1911, %convert_element_type3A_1887 : vector<128x8xf32>
    %concatenate3A_1913 = tpu.concatenate %mul3A_1892, %mul3A_1897, %mul3A_1902, %mul3A_1907, %mul3A_1912 in 1 : vector<128x8xf32>, vector<128x8xf32>, vector<128x8xf32>, vector<128x8xf32>, vector<128x8xf32> -> vector<128x40xf32>
    %dot_general3A_1914 = arith.constant dense<0.000000e+00> : vector<128x40xf32>
    %dot_general3A_1915 = tpu.matmul %convert_element_type3A_1882, %concatenate3A_1913, %dot_general3A_1914 {dimension_numbers = #tpu.dot_dimension_numbers<[1], [0], [0], [1], [0, 0, 1, 1], [], []>, precision = #tpu.contract_precision<fp32>, transpose_lhs_hint = false} : vector<128x128xf32>, vector<128x40xf32>, vector<128x40xf32> -> vector<128x40xf32>
    %add3A_1916 = arith.addf %add3A_1874, %dot_general3A_1915 : vector<128x40xf32>
    %slice3A_1917 = vector.extract_strided_slice %and3A_1403 {offsets = [12, 0], sizes = [1, 128], strides = [1, 1]} : vector<16x128xi32> to vector<1x128xi32>
    %slice3A_1918 = vector.extract_strided_slice %lt3A_1406 {offsets = [12, 0], sizes = [1, 128], strides = [1, 1]} : vector<16x128xi1> to vector<1x128xi1>
    %eq3A_1919 = vector.broadcast %slice3A_1917 : vector<1x128xi32> to vector<128x128xi32>
    %eq3A_1920 = arith.cmpi eq, %iota3A_1410, %eq3A_1919 : vector<128x128xi32>
    %and3A_1921 = vector.broadcast %slice3A_1918 : vector<1x128xi1> to vector<128x128xi1>
    %and3A_1922 = arith.andi %eq3A_1920, %and3A_1921 : vector<128x128xi1>
    %convert_element_type3A_1923 = arith.extui %and3A_1922 : vector<128x128xi1> to vector<128x128xi32>
    %convert_element_type3A_1924 = arith.sitofp %convert_element_type3A_1923 : vector<128x128xi32> to vector<128x128xf32>
    %slice3A_1925 = vector.extract_strided_slice %shift_right_arithmetic3A_1409 {offsets = [0, 12], sizes = [128, 1], strides = [1, 1]} : vector<128x16xi32> to vector<128x1xi32>
    %eq3A_1926 = vector.broadcast %slice3A_1925 : vector<128x1xi32> to vector<128x8xi32>
    %eq3A_1927 = arith.cmpi eq, %eq3A_1926, %iota3A_1411 : vector<128x8xi32>
    %convert_element_type3A_1928 = arith.extui %eq3A_1927 : vector<128x8xi1> to vector<128x8xi32>
    %convert_element_type3A_1929 = arith.sitofp %convert_element_type3A_1928 : vector<128x8xi32> to vector<128x8xf32>
    %get3A_1930 = arith.constant 0 : index
    %get3A_1931 = arith.constant 12 : index
    %get3A_1932 = vector.load %arg4[%get3A_1930, %get3A_1931] : memref<128x16xf32, #tpu.memory_space<vmem>>, vector<128x1xf32>
    %mul3A_1933 = vector.broadcast %get3A_1932 : vector<128x1xf32> to vector<128x8xf32>
    %mul3A_1934 = arith.mulf %mul3A_1933, %convert_element_type3A_1929 : vector<128x8xf32>
    %get3A_1935 = arith.constant 0 : index
    %get3A_1936 = arith.constant 12 : index
    %get3A_1937 = vector.load %arg5[%get3A_1935, %get3A_1936] : memref<128x16xf32, #tpu.memory_space<vmem>>, vector<128x1xf32>
    %mul3A_1938 = vector.broadcast %get3A_1937 : vector<128x1xf32> to vector<128x8xf32>
    %mul3A_1939 = arith.mulf %mul3A_1938, %convert_element_type3A_1929 : vector<128x8xf32>
    %get3A_1940 = arith.constant 0 : index
    %get3A_1941 = arith.constant 12 : index
    %get3A_1942 = vector.load %arg6[%get3A_1940, %get3A_1941] : memref<128x16xf32, #tpu.memory_space<vmem>>, vector<128x1xf32>
    %mul3A_1943 = vector.broadcast %get3A_1942 : vector<128x1xf32> to vector<128x8xf32>
    %mul3A_1944 = arith.mulf %mul3A_1943, %convert_element_type3A_1929 : vector<128x8xf32>
    %get3A_1945 = arith.constant 0 : index
    %get3A_1946 = arith.constant 12 : index
    %get3A_1947 = vector.load %arg7[%get3A_1945, %get3A_1946] : memref<128x16xf32, #tpu.memory_space<vmem>>, vector<128x1xf32>
    %mul3A_1948 = vector.broadcast %get3A_1947 : vector<128x1xf32> to vector<128x8xf32>
    %mul3A_1949 = arith.mulf %mul3A_1948, %convert_element_type3A_1929 : vector<128x8xf32>
    %get3A_1950 = arith.constant 0 : index
    %get3A_1951 = arith.constant 12 : index
    %get3A_1952 = vector.load %arg8[%get3A_1950, %get3A_1951] : memref<128x16xf32, #tpu.memory_space<vmem>>, vector<128x1xf32>
    %mul3A_1953 = vector.broadcast %get3A_1952 : vector<128x1xf32> to vector<128x8xf32>
    %mul3A_1954 = arith.mulf %mul3A_1953, %convert_element_type3A_1929 : vector<128x8xf32>
    %concatenate3A_1955 = tpu.concatenate %mul3A_1934, %mul3A_1939, %mul3A_1944, %mul3A_1949, %mul3A_1954 in 1 : vector<128x8xf32>, vector<128x8xf32>, vector<128x8xf32>, vector<128x8xf32>, vector<128x8xf32> -> vector<128x40xf32>
    %dot_general3A_1956 = arith.constant dense<0.000000e+00> : vector<128x40xf32>
    %dot_general3A_1957 = tpu.matmul %convert_element_type3A_1924, %concatenate3A_1955, %dot_general3A_1956 {dimension_numbers = #tpu.dot_dimension_numbers<[1], [0], [0], [1], [0, 0, 1, 1], [], []>, precision = #tpu.contract_precision<fp32>, transpose_lhs_hint = false} : vector<128x128xf32>, vector<128x40xf32>, vector<128x40xf32> -> vector<128x40xf32>
    %add3A_1958 = arith.addf %add3A_1916, %dot_general3A_1957 : vector<128x40xf32>
    %slice3A_1959 = vector.extract_strided_slice %and3A_1403 {offsets = [13, 0], sizes = [1, 128], strides = [1, 1]} : vector<16x128xi32> to vector<1x128xi32>
    %slice3A_1960 = vector.extract_strided_slice %lt3A_1406 {offsets = [13, 0], sizes = [1, 128], strides = [1, 1]} : vector<16x128xi1> to vector<1x128xi1>
    %eq3A_1961 = vector.broadcast %slice3A_1959 : vector<1x128xi32> to vector<128x128xi32>
    %eq3A_1962 = arith.cmpi eq, %iota3A_1410, %eq3A_1961 : vector<128x128xi32>
    %and3A_1963 = vector.broadcast %slice3A_1960 : vector<1x128xi1> to vector<128x128xi1>
    %and3A_1964 = arith.andi %eq3A_1962, %and3A_1963 : vector<128x128xi1>
    %convert_element_type3A_1965 = arith.extui %and3A_1964 : vector<128x128xi1> to vector<128x128xi32>
    %convert_element_type3A_1966 = arith.sitofp %convert_element_type3A_1965 : vector<128x128xi32> to vector<128x128xf32>
    %slice3A_1967 = vector.extract_strided_slice %shift_right_arithmetic3A_1409 {offsets = [0, 13], sizes = [128, 1], strides = [1, 1]} : vector<128x16xi32> to vector<128x1xi32>
    %eq3A_1968 = vector.broadcast %slice3A_1967 : vector<128x1xi32> to vector<128x8xi32>
    %eq3A_1969 = arith.cmpi eq, %eq3A_1968, %iota3A_1411 : vector<128x8xi32>
    %convert_element_type3A_1970 = arith.extui %eq3A_1969 : vector<128x8xi1> to vector<128x8xi32>
    %convert_element_type3A_1971 = arith.sitofp %convert_element_type3A_1970 : vector<128x8xi32> to vector<128x8xf32>
    %get3A_1972 = arith.constant 0 : index
    %get3A_1973 = arith.constant 13 : index
    %get3A_1974 = vector.load %arg4[%get3A_1972, %get3A_1973] : memref<128x16xf32, #tpu.memory_space<vmem>>, vector<128x1xf32>
    %mul3A_1975 = vector.broadcast %get3A_1974 : vector<128x1xf32> to vector<128x8xf32>
    %mul3A_1976 = arith.mulf %mul3A_1975, %convert_element_type3A_1971 : vector<128x8xf32>
    %get3A_1977 = arith.constant 0 : index
    %get3A_1978 = arith.constant 13 : index
    %get3A_1979 = vector.load %arg5[%get3A_1977, %get3A_1978] : memref<128x16xf32, #tpu.memory_space<vmem>>, vector<128x1xf32>
    %mul3A_1980 = vector.broadcast %get3A_1979 : vector<128x1xf32> to vector<128x8xf32>
    %mul3A_1981 = arith.mulf %mul3A_1980, %convert_element_type3A_1971 : vector<128x8xf32>
    %get3A_1982 = arith.constant 0 : index
    %get3A_1983 = arith.constant 13 : index
    %get3A_1984 = vector.load %arg6[%get3A_1982, %get3A_1983] : memref<128x16xf32, #tpu.memory_space<vmem>>, vector<128x1xf32>
    %mul3A_1985 = vector.broadcast %get3A_1984 : vector<128x1xf32> to vector<128x8xf32>
    %mul3A_1986 = arith.mulf %mul3A_1985, %convert_element_type3A_1971 : vector<128x8xf32>
    %get3A_1987 = arith.constant 0 : index
    %get3A_1988 = arith.constant 13 : index
    %get3A_1989 = vector.load %arg7[%get3A_1987, %get3A_1988] : memref<128x16xf32, #tpu.memory_space<vmem>>, vector<128x1xf32>
    %mul3A_1990 = vector.broadcast %get3A_1989 : vector<128x1xf32> to vector<128x8xf32>
    %mul3A_1991 = arith.mulf %mul3A_1990, %convert_element_type3A_1971 : vector<128x8xf32>
    %get3A_1992 = arith.constant 0 : index
    %get3A_1993 = arith.constant 13 : index
    %get3A_1994 = vector.load %arg8[%get3A_1992, %get3A_1993] : memref<128x16xf32, #tpu.memory_space<vmem>>, vector<128x1xf32>
    %mul3A_1995 = vector.broadcast %get3A_1994 : vector<128x1xf32> to vector<128x8xf32>
    %mul3A_1996 = arith.mulf %mul3A_1995, %convert_element_type3A_1971 : vector<128x8xf32>
    %concatenate3A_1997 = tpu.concatenate %mul3A_1976, %mul3A_1981, %mul3A_1986, %mul3A_1991, %mul3A_1996 in 1 : vector<128x8xf32>, vector<128x8xf32>, vector<128x8xf32>, vector<128x8xf32>, vector<128x8xf32> -> vector<128x40xf32>
    %dot_general3A_1998 = arith.constant dense<0.000000e+00> : vector<128x40xf32>
    %dot_general3A_1999 = tpu.matmul %convert_element_type3A_1966, %concatenate3A_1997, %dot_general3A_1998 {dimension_numbers = #tpu.dot_dimension_numbers<[1], [0], [0], [1], [0, 0, 1, 1], [], []>, precision = #tpu.contract_precision<fp32>, transpose_lhs_hint = false} : vector<128x128xf32>, vector<128x40xf32>, vector<128x40xf32> -> vector<128x40xf32>
    %add3A_2000 = arith.addf %add3A_1958, %dot_general3A_1999 : vector<128x40xf32>
    %slice3A_2001 = vector.extract_strided_slice %and3A_1403 {offsets = [14, 0], sizes = [1, 128], strides = [1, 1]} : vector<16x128xi32> to vector<1x128xi32>
    %slice3A_2002 = vector.extract_strided_slice %lt3A_1406 {offsets = [14, 0], sizes = [1, 128], strides = [1, 1]} : vector<16x128xi1> to vector<1x128xi1>
    %eq3A_2003 = vector.broadcast %slice3A_2001 : vector<1x128xi32> to vector<128x128xi32>
    %eq3A_2004 = arith.cmpi eq, %iota3A_1410, %eq3A_2003 : vector<128x128xi32>
    %and3A_2005 = vector.broadcast %slice3A_2002 : vector<1x128xi1> to vector<128x128xi1>
    %and3A_2006 = arith.andi %eq3A_2004, %and3A_2005 : vector<128x128xi1>
    %convert_element_type3A_2007 = arith.extui %and3A_2006 : vector<128x128xi1> to vector<128x128xi32>
    %convert_element_type3A_2008 = arith.sitofp %convert_element_type3A_2007 : vector<128x128xi32> to vector<128x128xf32>
    %slice3A_2009 = vector.extract_strided_slice %shift_right_arithmetic3A_1409 {offsets = [0, 14], sizes = [128, 1], strides = [1, 1]} : vector<128x16xi32> to vector<128x1xi32>
    %eq3A_2010 = vector.broadcast %slice3A_2009 : vector<128x1xi32> to vector<128x8xi32>
    %eq3A_2011 = arith.cmpi eq, %eq3A_2010, %iota3A_1411 : vector<128x8xi32>
    %convert_element_type3A_2012 = arith.extui %eq3A_2011 : vector<128x8xi1> to vector<128x8xi32>
    %convert_element_type3A_2013 = arith.sitofp %convert_element_type3A_2012 : vector<128x8xi32> to vector<128x8xf32>
    %get3A_2014 = arith.constant 0 : index
    %get3A_2015 = arith.constant 14 : index
    %get3A_2016 = vector.load %arg4[%get3A_2014, %get3A_2015] : memref<128x16xf32, #tpu.memory_space<vmem>>, vector<128x1xf32>
    %mul3A_2017 = vector.broadcast %get3A_2016 : vector<128x1xf32> to vector<128x8xf32>
    %mul3A_2018 = arith.mulf %mul3A_2017, %convert_element_type3A_2013 : vector<128x8xf32>
    %get3A_2019 = arith.constant 0 : index
    %get3A_2020 = arith.constant 14 : index
    %get3A_2021 = vector.load %arg5[%get3A_2019, %get3A_2020] : memref<128x16xf32, #tpu.memory_space<vmem>>, vector<128x1xf32>
    %mul3A_2022 = vector.broadcast %get3A_2021 : vector<128x1xf32> to vector<128x8xf32>
    %mul3A_2023 = arith.mulf %mul3A_2022, %convert_element_type3A_2013 : vector<128x8xf32>
    %get3A_2024 = arith.constant 0 : index
    %get3A_2025 = arith.constant 14 : index
    %get3A_2026 = vector.load %arg6[%get3A_2024, %get3A_2025] : memref<128x16xf32, #tpu.memory_space<vmem>>, vector<128x1xf32>
    %mul3A_2027 = vector.broadcast %get3A_2026 : vector<128x1xf32> to vector<128x8xf32>
    %mul3A_2028 = arith.mulf %mul3A_2027, %convert_element_type3A_2013 : vector<128x8xf32>
    %get3A_2029 = arith.constant 0 : index
    %get3A_2030 = arith.constant 14 : index
    %get3A_2031 = vector.load %arg7[%get3A_2029, %get3A_2030] : memref<128x16xf32, #tpu.memory_space<vmem>>, vector<128x1xf32>
    %mul3A_2032 = vector.broadcast %get3A_2031 : vector<128x1xf32> to vector<128x8xf32>
    %mul3A_2033 = arith.mulf %mul3A_2032, %convert_element_type3A_2013 : vector<128x8xf32>
    %get3A_2034 = arith.constant 0 : index
    %get3A_2035 = arith.constant 14 : index
    %get3A_2036 = vector.load %arg8[%get3A_2034, %get3A_2035] : memref<128x16xf32, #tpu.memory_space<vmem>>, vector<128x1xf32>
    %mul3A_2037 = vector.broadcast %get3A_2036 : vector<128x1xf32> to vector<128x8xf32>
    %mul3A_2038 = arith.mulf %mul3A_2037, %convert_element_type3A_2013 : vector<128x8xf32>
    %concatenate3A_2039 = tpu.concatenate %mul3A_2018, %mul3A_2023, %mul3A_2028, %mul3A_2033, %mul3A_2038 in 1 : vector<128x8xf32>, vector<128x8xf32>, vector<128x8xf32>, vector<128x8xf32>, vector<128x8xf32> -> vector<128x40xf32>
    %dot_general3A_2040 = arith.constant dense<0.000000e+00> : vector<128x40xf32>
    %dot_general3A_2041 = tpu.matmul %convert_element_type3A_2008, %concatenate3A_2039, %dot_general3A_2040 {dimension_numbers = #tpu.dot_dimension_numbers<[1], [0], [0], [1], [0, 0, 1, 1], [], []>, precision = #tpu.contract_precision<fp32>, transpose_lhs_hint = false} : vector<128x128xf32>, vector<128x40xf32>, vector<128x40xf32> -> vector<128x40xf32>
    %add3A_2042 = arith.addf %add3A_2000, %dot_general3A_2041 : vector<128x40xf32>
    %slice3A_2043 = vector.extract_strided_slice %and3A_1403 {offsets = [15, 0], sizes = [1, 128], strides = [1, 1]} : vector<16x128xi32> to vector<1x128xi32>
    %slice3A_2044 = vector.extract_strided_slice %lt3A_1406 {offsets = [15, 0], sizes = [1, 128], strides = [1, 1]} : vector<16x128xi1> to vector<1x128xi1>
    %eq3A_2045 = vector.broadcast %slice3A_2043 : vector<1x128xi32> to vector<128x128xi32>
    %eq3A_2046 = arith.cmpi eq, %iota3A_1410, %eq3A_2045 : vector<128x128xi32>
    %and3A_2047 = vector.broadcast %slice3A_2044 : vector<1x128xi1> to vector<128x128xi1>
    %and3A_2048 = arith.andi %eq3A_2046, %and3A_2047 : vector<128x128xi1>
    %convert_element_type3A_2049 = arith.extui %and3A_2048 : vector<128x128xi1> to vector<128x128xi32>
    %convert_element_type3A_2050 = arith.sitofp %convert_element_type3A_2049 : vector<128x128xi32> to vector<128x128xf32>
    %slice3A_2051 = vector.extract_strided_slice %shift_right_arithmetic3A_1409 {offsets = [0, 15], sizes = [128, 1], strides = [1, 1]} : vector<128x16xi32> to vector<128x1xi32>
    %eq3A_2052 = vector.broadcast %slice3A_2051 : vector<128x1xi32> to vector<128x8xi32>
    %eq3A_2053 = arith.cmpi eq, %eq3A_2052, %iota3A_1411 : vector<128x8xi32>
    %convert_element_type3A_2054 = arith.extui %eq3A_2053 : vector<128x8xi1> to vector<128x8xi32>
    %convert_element_type3A_2055 = arith.sitofp %convert_element_type3A_2054 : vector<128x8xi32> to vector<128x8xf32>
    %get3A_2056 = arith.constant 0 : index
    %get3A_2057 = arith.constant 15 : index
    %get3A_2058 = vector.load %arg4[%get3A_2056, %get3A_2057] : memref<128x16xf32, #tpu.memory_space<vmem>>, vector<128x1xf32>
    %mul3A_2059 = vector.broadcast %get3A_2058 : vector<128x1xf32> to vector<128x8xf32>
    %mul3A_2060 = arith.mulf %mul3A_2059, %convert_element_type3A_2055 : vector<128x8xf32>
    %get3A_2061 = arith.constant 0 : index
    %get3A_2062 = arith.constant 15 : index
    %get3A_2063 = vector.load %arg5[%get3A_2061, %get3A_2062] : memref<128x16xf32, #tpu.memory_space<vmem>>, vector<128x1xf32>
    %mul3A_2064 = vector.broadcast %get3A_2063 : vector<128x1xf32> to vector<128x8xf32>
    %mul3A_2065 = arith.mulf %mul3A_2064, %convert_element_type3A_2055 : vector<128x8xf32>
    %get3A_2066 = arith.constant 0 : index
    %get3A_2067 = arith.constant 15 : index
    %get3A_2068 = vector.load %arg6[%get3A_2066, %get3A_2067] : memref<128x16xf32, #tpu.memory_space<vmem>>, vector<128x1xf32>
    %mul3A_2069 = vector.broadcast %get3A_2068 : vector<128x1xf32> to vector<128x8xf32>
    %mul3A_2070 = arith.mulf %mul3A_2069, %convert_element_type3A_2055 : vector<128x8xf32>
    %get3A_2071 = arith.constant 0 : index
    %get3A_2072 = arith.constant 15 : index
    %get3A_2073 = vector.load %arg7[%get3A_2071, %get3A_2072] : memref<128x16xf32, #tpu.memory_space<vmem>>, vector<128x1xf32>
    %mul3A_2074 = vector.broadcast %get3A_2073 : vector<128x1xf32> to vector<128x8xf32>
    %mul3A_2075 = arith.mulf %mul3A_2074, %convert_element_type3A_2055 : vector<128x8xf32>
    %get3A_2076 = arith.constant 0 : index
    %get3A_2077 = arith.constant 15 : index
    %get3A_2078 = vector.load %arg8[%get3A_2076, %get3A_2077] : memref<128x16xf32, #tpu.memory_space<vmem>>, vector<128x1xf32>
    %mul3A_2079 = vector.broadcast %get3A_2078 : vector<128x1xf32> to vector<128x8xf32>
    %mul3A_2080 = arith.mulf %mul3A_2079, %convert_element_type3A_2055 : vector<128x8xf32>
    %concatenate3A_2081 = tpu.concatenate %mul3A_2060, %mul3A_2065, %mul3A_2070, %mul3A_2075, %mul3A_2080 in 1 : vector<128x8xf32>, vector<128x8xf32>, vector<128x8xf32>, vector<128x8xf32>, vector<128x8xf32> -> vector<128x40xf32>
    %dot_general3A_2082 = arith.constant dense<0.000000e+00> : vector<128x40xf32>
    %dot_general3A_2083 = tpu.matmul %convert_element_type3A_2050, %concatenate3A_2081, %dot_general3A_2082 {dimension_numbers = #tpu.dot_dimension_numbers<[1], [0], [0], [1], [0, 0, 1, 1], [], []>, precision = #tpu.contract_precision<fp32>, transpose_lhs_hint = false} : vector<128x128xf32>, vector<128x40xf32>, vector<128x40xf32> -> vector<128x40xf32>
    %add3A_2084 = arith.addf %add3A_2042, %dot_general3A_2083 : vector<128x40xf32>
    %swap3A = arith.constant 0 : index
    %swap3A_2085 = arith.constant 0 : index
    %swap3A_2086 = vector.load %arg9[%swap3A, %swap3A_2085] : memref<128x40xf32, #tpu.memory_space<vmem>>, vector<128x40xf32>
    tpu.vector_store %arg9[%swap3A, %swap3A_2085], %add3A_2084 {strides = array<i32>} : memref<128x40xf32, #tpu.memory_space<vmem>>, vector<128x40xf32>,
    return
  }
}

</mosaic_0001>

<sc_bundles>
// kernel: gather_offload_async_start.1
scs
__scs_entry_jumppad:
0x0: {  	(pc) =	sbr.rel $0x88, $3  }
0x1: {  	(tag) =	ssettag $0x0;
	lr =	simm.s32 $0x1  }
0x2: {  	[smem:$0x3F9E] =	sst lr;
	_ =	strace $0xD0000000  }
0x3: {  	_ = 	snop  }
0x4: {  	_ = 	snop  }
0x5: {  	_ = 	snop  }
0x6: {  	_ = 	snop  }
0x7: {  	_ = 	snop  }
__scs_overlays_trampoline_lowered:
0x8: {  	[smem:$0x3FAD] =	sst s0  }
0x9: {  	[smem:$0x3FAE] =	sst s1  }
0xa: {  	[smem:$0x3FAF] =	sst s2  }
0xb: {  	[smem:$0x3FB0] =	sst s3  }
0xc: {  	[smem:$0x3FB1] =	sst s4  }
0xd: {  	[smem:$0x3FB2] =	sst s5  }
0xe: {  	[smem:$0x3FB3] =	sst s6  }
0xf: {  	[smem:$0x3FB4] =	sst s7  }
0x10: {  	[smem:$0x3FB5] =	sst s8  }
0x11: {  	[smem:$0x3FB6] =	sst s9;
	s0 =	simm.s32 @!p0 $0x0  }
0x12: {  	s1 =	sld [smem:$0x3F9C];
	s0 =	simm.s32 @p0 $0x1  }
0x13: {  	[smem:$0x3FB7] =	sst s0;
	s0 =	simm.s32 @!p1 $0x0  }
0x14: {  	s2 =	sld [smem:$0x3F9B];
	s0 =	simm.s32 @p1 $0x1  }
0x15: {  	[smem:$0x3FB8] =	sst s0;
	s0 =	simm.s32 @!p2 $0x0  }
0x16: {  	s3 =	sld [smem:$0x3FDB];
	s0 =	simm.s32 @p2 $0x1  }
0x17: {  	s4 =	simm.s32 $0x1BF5;
	[smem:$0x3FBA] =	sst s0  }
0x18: {  	s0 =	sld [smem:$0x3F9D];
	_ =	swait.ge [sflag:s4], $0x0  }
0x19: {  	s7 =	sld [smem:$0x3F9E]  }
0x1a: {  	s8 =	sadd.s32 $0xFFFFE003, lr  }
0x1b: {  	s9 =	sadd.s32 $0xFFFFFEF7, lr;
	s5 =	simm.s32 $0xFFFFFFFF;
	p2 =	slt.u32 s8, $0xFFFFF086  }
0x1c: {  	p1 =	slt.u32 s9, $0xF7A;
	s5 =	simm.s32 @!p2 $0x0  }
0x1d: {  	s5 =	simm.s32 @p1 $0x1;
	p0 =	seq.s32 s7, s2  }
0x1e: {  	s7 =	smul.u32 @!p0 $0xF7A, s2;
	p2 =	seq.s32 @!p0 s5, $0x0  }
0x1f: {  	s9 =	smul.u32 $0xF7A, s1;
	s8 =	simm.s32 @!p0 $0x1BF5;
	p2 =	por !p2, p0  }
0x20: {  	[sflag:s8] =	ssyncset.s32 @!p0 $0xFFFFF086;
	s6 =	sadd.s32 @!p0 s3, s7;
	s7 =	simm.s32 @!p0 $0x108  }
0x21: {  	s3 =	sadd.s32 s3, s9;
	s6 =	sadd.s32 @!p0 $0x88, s6;
	s7 =	simm.s32 @p2 $0x1082  }
0x22: {  	[simem:s7], [sflag:s8] =	dma.local @!p0 [hbm:s6], $0xF7A  }
0x23: {  	s9 =	sor.u32 $0xD0000000, s2;
	s6 =	simm.s32 $0x108;
	_ =	swait.ge @!p0 [sflag:s8], $0x0  }
0x24: {  	s3 =	sadd.s32 $0x88, s3;
	s6 =	simm.s32 @!p1 $0x1082;
	[sflag:s4] =	ssyncset.s32 $0xFFFFF086  }
0x25: {  	[simem:s6], [sflag:s4] =	dma.local [hbm:s3], $0xF7A  }
0x26: {  	[smem:$0x3F9E] =	sst s1;
	(tag) =	ssettag s2;
	_ =	strace s9  }
0x27: {  	s1 =	sld [smem:$0x3FAE]  }
0x28: {  	s2 =	sld [smem:$0x3FAF]  }
0x29: {  	s4 =	sld [smem:$0x3FB1]  }
0x2a: {  	p0 =	seq.s32 s5, $0x0;
	s5 =	sld [smem:$0x3FB2]  }
0x2b: {  	s6 =	sld [smem:$0x3FB3]  }
0x2c: {  	s7 =	sld [smem:$0x3FB4]  }
0x2d: {  	s3 =	simm.s32 $0x108;
	s8 =	sld [smem:$0x3FB5]  }
0x2e: {  	s3 =	simm.s32 @!p0 $0x1082;
	s9 =	sld [smem:$0x3FB6]  }
0x2f: {  	lr =	sadd.s32 s0, s3;
	s0 =	sld [smem:$0x3FAD]  }
0x30: {  	s3 =	sld [smem:$0x3FB0]  }
0x31: {  	[smem:$0x3FB9] =	sst s10  }
0x32: {  	s10 =	sld [smem:$0x3FB7];
	_ =	sdelay $0x3  }
0x33: {  	p0 =	seq.s32 s10, $0x1;
	s10 =	sld [smem:$0x3FB9];
	_ =	sdelay $0x3  }
0x34: {  	[smem:$0x3FB9] =	sst s10  }
0x35: {  	s10 =	sld [smem:$0x3FB8];
	_ =	sdelay $0x3  }
0x36: {  	p1 =	seq.s32 s10, $0x1;
	s10 =	sld [smem:$0x3FB9];
	_ =	sdelay $0x3  }
0x37: {  	[smem:$0x3FB9] =	sst s10  }
0x38: {  	s10 =	sld [smem:$0x3FBA]  }
0x39: {  	_ = 	snop;
	(pc) =	sbr.ind lr, $3  }
0x3a: {  	_ = 	snop  }
0x3b: {  	_ = 	snop  }
0x3c: {  	p2 =	seq.s32 s10, $0x1;
	s10 =	sld [smem:$0x3FB9]  }
0x3d: {  	_ =	shalt  }
0x3e: {  	_ =	shalt  }
0x3f: {  	_ =	shalt  }
0x40: {  	_ =	shalt  }
0x41: {  	_ =	shalt  }
0x42: {  	_ =	shalt  }
0x43: {  	_ =	shalt  }
0x44: {  	_ =	shalt  }
0x45: {  	_ =	shalt  }
0x46: {  	_ =	shalt  }
0x47: {  	_ =	shalt  }
0x48: {  	_ =	shalt  }
0x49: {  	_ =	shalt  }
0x4a: {  	_ =	shalt  }
0x4b: {  	_ =	shalt  }
0x4c: {  	_ =	shalt  }
0x4d: {  	_ =	shalt  }
0x4e: {  	_ =	shalt  }
0x4f: {  	_ =	shalt  }
0x50: {  	_ =	shalt  }
0x51: {  	_ =	shalt  }
0x52: {  	_ =	shalt  }
0x53: {  	_ =	shalt  }
0x54: {  	_ =	shalt  }
0x55: {  	_ =	shalt  }
0x56: {  	_ =	shalt  }
0x57: {  	_ =	shalt  }
0x58: {  	_ =	shalt  }
0x59: {  	_ =	shalt  }
0x5a: {  	_ =	shalt  }
0x5b: {  	_ =	shalt  }
0x5c: {  	_ =	shalt  }
0x5d: {  	_ =	shalt  }
0x5e: {  	_ =	shalt  }
0x5f: {  	_ =	shalt  }
0x60: {  	_ =	shalt  }
0x61: {  	_ =	shalt  }
0x62: {  	_ =	shalt  }
0x63: {  	_ =	shalt  }
0x64: {  	_ =	shalt  }
0x65: {  	_ =	shalt  }
0x66: {  	_ =	shalt  }
0x67: {  	_ =	shalt  }
0x68: {  	_ =	shalt  }
0x69: {  	_ =	shalt  }
0x6a: {  	_ =	shalt  }
0x6b: {  	_ =	shalt  }
0x6c: {  	_ =	shalt  }
0x6d: {  	_ =	shalt  }
0x6e: {  	_ =	shalt  }
0x6f: {  	_ =	shalt  }
0x70: {  	_ =	shalt  }
0x71: {  	_ =	shalt  }
0x72: {  	_ =	shalt  }
0x73: {  	_ =	shalt  }
0x74: {  	_ =	shalt  }
0x75: {  	_ =	shalt  }
0x76: {  	_ =	shalt  }
0x77: {  	_ =	shalt  }
0x78: {  	_ =	shalt  }
0x79: {  	_ =	shalt  }
0x7a: {  	_ =	shalt  }
0x7b: {  	_ =	shalt  }
0x7c: {  	_ =	shalt  }
0x7d: {  	_ =	shalt  }
0x7e: {  	_ =	shalt  }
0x7f: {  	_ =	shalt  }
0x80: {  	_ =	shalt  }
0x81: {  	_ =	shalt  }
0x82: {  	_ =	shalt  }
0x83: {  	_ =	shalt  }
0x84: {  	_ =	shalt  }
0x85: {  	_ =	shalt  }
0x86: {  	_ =	shalt  }
0x87: {  	_ =	shalt  }
.Lfunc_end0:
.L_simem_size_0:
called_computation.1_lowered:
.L_overlay_start_0:
0x88: {  	s0 =	sld [smem:$0x3FD9]  }
0x89: {  	s1 =	sld [smem:$0x3FFE];
	_ =	sdelay $0x3  }
0x8a: {  	s0 =	sadd.s32 s1, s0  }
0x8b: {  	[smem:$0x3FC5] =	sst s0  }
0x8c: {  	_ = 	snop  }
0x8d: {  	s0 =	sld [smem:$0x3FD0];
	(tm) =	ssettm $0x1  }
0x8e: {  	s16 =	sld [smem:$0x3FFB];
	_ =	sdelay $0x3  }
0x8f: {  	_ =	strace s16  }
0x90: {  	s1 =	sld [smem:$0x3FFC];
	_ =	sdelay $0x3  }
0x91: {  	_ =	strace s1  }
0x92: {  	s1 =	sld [smem:$0x3FFD];
	_ =	sdelay $0x3  }
0x93: {  	_ =	strace s1  }
0x94: {  	_ =	strace $0x8FFFFFFF  }
0x95: {  	s17 =	sld [smem:$0x3FDB];
	_ =	sdelay $0x1  }
0x96: {  	s2 =	simm.s32 $_scs_section_size  }
0x97: {  	s3 =	simm.s32 $_size__tile_overlayer_lowered;
	s4 =	simm.s32 $_tile_overlayer_lowered  }
0x98: {  	s20 =	simm.s32 $0x1BFF;
	s19 =	sshll.u32 s4, $0x1;
	s1 =	sadd.s32 s2, s17  }
0x99: {  	s5 =	simm.s32 $0x0;
	s18 =	sshll.u32 s3, $0x1;
	s3 =	sadd.s32 s19, s1  }
0x9a: {  	[timem:s5], [sflag:s20] =	dma.local [hbm:s3], s18  }
0x9b: {  	_ =	swait.ge [sflag:s20], s18  }
0x9c: {  	s2 =	ssub.s32 $0x0, s18;
	[sflag:s20] =	ssyncset.done $0x0  }
0x9d: {  	[sflag:s20] =	ssyncadd.s32 s2;
	_ =	sdelay $0x1  }
0x9e: {  	s21 =	simm.s32 $0x1B8B  }
0x9f: {  	_ =	swait.ge [sflag:s21], $0x1  }
0xa0: {  	[sflag:s21] =	ssyncset.done $0x0  }
0xa1: {  	s23 =	simm.s32 $0x1B8E;
	s22 =	sld [smem:$0x3FFE];
	[sflag:s21] =	ssyncadd.s32 $0xFFFFFFFF  }
0xa2: {  	s24 =	simm.s32 $execute0_lowered;
	[smem:$0x3FD2] =	sst s23  }
0xa3: {  	s3 =	sshll.u32 s24, $0x1;
	_ =	strace $0x8000004F;
	[dreg:$0x1] =	wrdreg $0xFFFFFFFF  }
0xa4: {  	s25 =	simm.s32 $_size_execute0_lowered;
	s1 =	sadd.s32 s1, s3;
	[dreg:$0x0] =	wrdreg $0x0  }
0xa5: {  	s3 =	sshll.u32 s25, $0x1;
	[dreg:$0x2] =	wrdreg s1  }
0xa6: {  	[dreg:$0x3] =	wrdreg s3  }
0xa7: {  	[dreg:$0x4] =	wrdreg $0xC0  }
0xa8: {  	_ =	task [dreg:s5], $0x5FFFF  }
0xa9: {  	[dreg:$0x1] =	wrdreg $0xFFFFFFFF  }
0xaa: {  	[dreg:$0x0] =	wrdreg $0x60  }
0xab: {  	[dreg:$0x2] =	wrdreg s22  }
0xac: {  	[dreg:$0x3] =	wrdreg s0  }
0xad: {  	[dreg:$0x4] =	wrdreg $0xA  }
0xae: {  	_ =	task.clear_ibuf [dreg:s5], $0x5FFFF;
	_ =	strace $0x9000004F  }
0xaf: {  	s26 =	simm.s32 $0xA;
	_ =	strace $0x80000051  }
0xb0: {  	_ =	swait.ge [sflag:s26], $0x1  }
0xb1: {  	[sflag:s26] =	ssyncadd.s32 $0xFFFFFFFF  }
0xb2: {  	_ =	strace $0x90000051  }
0xb3: {  	_ =	sfence  }
0xb4: {  	s28 =	sld [smem:$0x0];
	_ =	sdelay $0x1  }
0xb5: {  	s29 =	srdreg.scid  }
0xb6: {  	s30 =	sshll.u32 s29, $0xD;
	s31 =	sshrl.u32 s29, $0x2  }
0xb7: {  	s2 =	sand.u32 $0x4000, s30;
	s1 =	sand.u32 $0x1, s29;
	s0 =	sadd.s32 s31, s28  }
0xb8: {  	s1 =	sor.u32 s2, s1;
	s0 =	sshll.u32 s0, $0x11  }
0xb9: {  	s0 =	sor.u32 s0, s1  }
0xba: {  	s0 =	sadd.s32 $0x8F2B, s0  }
0xbb: {  	[sflag:s0] =	ssyncadd.remote.s32 $0x1  }
0xbc: {  	_ =	sfence.sel $0xFFFF  }
0xbd: {  	[dreg:$0x0] =	wrdreg $0xFFFFFFFF;
	(pc) =	sbr.abs _section_cstart, $3  }
0xbe: {  	[dreg:$0x1] =	wrdreg $0xFFFFFFFF  }
0xbf: {  	_ =	task.clear_ibuf [dreg:s5], $0x2FFFF;
	_ =	strace $0x9FFFFFFF  }
0xc0: {  	(tm) =	ssettm $0x7FFFFFFF  }
0xc1: {  	_ =	shalt  }
tec
execute0_lowered:
.L_overlay_start_1:
0x0: {  	(tag) =	ssettag $0x1  }
0x1: {  	s8 =	rddreg [dreg:$0x0]  }
0x2: {  	s2 =	rddreg [dreg:$0x1]  }
0x3: {  	s0 =	rddreg [dreg:$0x2]  }
0x4: {  	s1 =	stileid.u32;
	_ =	strace $0x80000050;
	s5 =	simm.s32 $0x1  }
0x5: {  	s6 =	simm.s32 $0x500;
	s9 =	simm.s32 $0x1;
	s10 =	simm.s32 $0x3  }
0x6: {  	s13 =	simm.s32 $0x0;
	s12 =	simm.s32 $0x0;
	s4 =	smul.u32 $0x50, s1  }
0x7: {  	s3 =	sadd.s32 $0x1200, s8;
	p0 =	slt.u32 s1, $0xA;
	[sflag:s5] =	ssyncpa.u1 $0x0  }
.Ltmp0:
0x8: {  	s6 =	simm.s32 @!p0 $0x0;
	s7 =	ssub.s32 $0x7D0, s4;
	(pc) =	sbr.rel .LBB2_1-.Ltmp0, $4  }
0x9: {  	s9 =	simm.s32 @!p0 $0x0;
	p0 =	sne.s32 s7, s6;
	s7 =	simm.s32 $0x1  }
0xa: {  	s8 =	sadd.s32 $0xA00, s8;
	s6 =	simm.s32 $0x2;
	s7 =	simm.s32 @!p0 $0x0  }
0xb: {  	s11 =	smov.u32 s4;
	[sflag:s6] =	ssyncpa.u1 $0x0;
	s7 =	sadd.s32 s9, s7  }
0xc: {  	vm0 =	vmmov $0xffff;
	[sflag:s10] =	ssyncpa.u1 $0x0;
	s10 =	simm.s32 $0x0;
	s9 =	sadd.s32 $0x1, s7  }
.LBB2_4:
0xd: {  	v2 =	vnsel vm1, $0x0, v2  }
0xe: {  	vm1 =	vgt.s32 v0, $0x0;
	v2 =	vmin.u32 v2, $0x4FFF  }
0xf: {  	v0 =	vnsel vm1, $0x0, v0  }
0x10: {  	v0 =	vmin.u32 v0, $0x4FFF  }
0x11: {  	[tilespmem:s18], [sflag:$0x1] =	stream.indirect_vreg.gather [hbm4b:s3+s10], $0x1, v1, vm0, $0x4038;
	[tilespmem:$0x140] =	vst v63  }
0x12: {  	(ifvalue) =	ssetifvalue $0x7FFFFFFF  }
0x13: {  	[tilespmem:s15], [sflag:$0x1] =	stream.indirect_vreg.gather [hbm4b:s3+s10], $0x1, v2, vm0, $0x4038;
	[tilespmem:$0x140] =	vst v63  }
0x14: {  	s29 =	sadd.s32 $0x10, s15;
	(ifvalue) =	ssetifvalue $0x7FFFFFFF  }
0x15: {  	[tilespmem:s29], [sflag:$0x1] =	stream.indirect_vreg.gather [hbm4b:s3+s10], $0x1, v0, vm0, $0x4038;
	[tilespmem:$0x140] =	vst v63  }
0x16: {  	_ =	swait.ge [sflag:s5], $0x50  }
0x17: {  	s30 =	sshrl.u32 s13, $0x3;
	[sflag:s5] =	ssyncset.done $0x0  }
0x18: {  	s31 =	sand.u32 $0x7, s13;
	s15 =	sadd.s32 s8, s30;
	[sflag:s5] =	ssyncadd.s32 $0xFFFFFFB0  }
0x19: {  	[hbm4b:s15+s31] =	stream.linear.scatter [tilespmem:s14], [sflag:$0x3], $0x50, $0x38;
	[tilespmem:$0x140] =	vst v63  }
.LBB2_5:
0x1a: {  	s15 =	sadd.s32 $0x500, s11  }
0x1b: {  	p1 =	sgt.s32 s15, $0x7CF  }
0x1c: {  	s15 =	smov.u32 @p1 s4;
	p1 =	sne.s32 s12, s9  }
.Ltmp1:
0x1d: {  	p0 =	slt.u32 s12, $0x2;
	(pc) =	sbr.rel @!p1 .LBB2_6-.Ltmp1, $4  }
0x1e: {  	s14 =	simm.s32 @!p0 $0x3  }
0x1f: {  	_ =	swait.ge @!p0 [sflag:s14], $0x50  }
0x20: {  	s16 =	sadd.s32 $0x1, s12;
	s13 =	smov.u32 s11;
	[sflag:s14] =	ssyncset.done @!p0 $0x0  }
0x21: {  	s12 =	smov.u32 s16;
	s11 =	smov.u32 s15;
	[sflag:s14] =	ssyncadd.s32 @!p0 $0xFFFFFFB0  }
.LBB2_1:
0x22: {  	p0 =	sge.u32 s12, s7  }
0x23: {  	s14 =	sxor.u32 @!p0 $0x1, s12  }
0x24: {  	s14 =	smul.u32 @!p0 $0x140, s14  }
0x25: {  	s31 =	sadd.s32 $0xFFFFFFFF, s12;
	s15 =	sshrl.u32 @!p0 s11, $0x3  }
0x26: {  	s16 =	sand.u32 @!p0 $0x7, s11;
	s15 =	sadd.s32 @!p0 s2, s15;
	s14 =	sshra.s32 @!p0 s14, $0x2  }
0x27: {  	[tilespmem:s14], [sflag:$0x2] =	stream.linear.gather @!p0 [hbm4b:s15+s16], $0x50, $0x38;
	[tilespmem:$0x140] =	vst v63  }
0x28: {  	p0 =	sge.u32 s31, s7  }
.Ltmp2:
0x29: {  	_ = 	snop;
	(pc) =	sbr.rel @p0 .LBB2_5-.Ltmp2, $1  }
0x2a: {  	_ =	sdelay $0x3  }
0x2b: {  	s14 =	sand.u32 $0x1, s12  }
0x2c: {  	_ =	swait.ge [sflag:s6], $0x50;
	p0 =	seq.s32 s14, $0x1;
	s14 =	simm.s32 $0x50  }
0x2d: {  	[sflag:s6] =	ssyncset.done $0x0;
	s14 =	simm.s32 @!p0 $0x0  }
0x2e: {  	[sflag:s6] =	ssyncadd.s32 $0xFFFFFFB0;
	(ifvalue) =	ssetifvalue $0x7FFFFFFF;
	v0 =	vld.msk [tilespmem:s14+$0x0 ss:$0x1], $0xffff;
	_ =	sdelay $0x4  }
0x2f: {  	s15 =	sadd.s32 $0x10, s14;
	vm1 =	vgt.s32 v0, $0x0  }
0x30: {  	v2 =	vld.msk [tilespmem:s15+$0x0 ss:$0x1], $0xffff;
	v1 =	vnsel vm1, $0x0, v0  }
0x31: {  	v1 =	vmin.u32 v1, $0x4FFF;
	_ =	sdelay $0x2  }
0x32: {  	s17 =	simm.s32 $0x20;
	s14 =	sor.u32 $0xA0, s14;
	s16 =	sadd.s32 $0x10, s15  }
0x33: {  	s15 =	sadd.s32 $0x10, s14;
	s18 =	smov.u32 s14;
	v0 =	vld.msk [tilespmem:s16+$0x0 ss:$0x1], $0xffff;
	vm1 =	vgt.s32 v2, $0x0;
	(ifvalue) =	ssetifvalue $0x7FFFFFFF  }
.LBB2_3:
0x34: {  	[tilespmem:s18], [sflag:$0x1] =	stream.indirect_vreg.gather [hbm4b:s3+s10], $0x1, v1, vm0, $0x4038;
	[tilespmem:$0x140] =	vst v63  }
0x35: {  	s17 =	sadd.s32 $0x10, s17  }
0x36: {  	v2 =	vnsel vm1, $0x0, v2;
	p0 =	slt.u32 s17, $0x40  }
.Ltmp3:
0x37: {  	s18 =	smov.u32 s15;
	v1 =	vmin.u32 v2, $0x4FFF;
	(pc) =	sbr.rel @p0 .LBB2_3-.Ltmp3, $3  }
0x38: {  	_ =	sdelay $0x1  }
0x39: {  	s16 =	sadd.s32 $0x10, s16  }
0x3a: {  	vm1 =	vgt.s32 v0, $0x0;
	s15 =	sadd.s32 $0x10, s15;
	v2 =	vmov v0;
	(ifvalue) =	ssetifvalue $0x7FFFFFFF;
	v0 =	vld.msk [tilespmem:s16+$0x0 ss:$0x1], $0xffff  }
.Ltmp4:
0x3b: {  	_ = 	snop;
	(pc) =	sbr.rel .LBB2_4-.Ltmp4, $1  }
0x3c: {  	_ =	sdelay $0x3  }
.LBB2_6:
0x3d: {  	_ =	sfence.sel $0x180000  }
0x3e: {  	s2 =	simm.s32 $0x2;
	[bflag:$0x0] =	sbarrier.arrive $0xFFFF  }
0x3f: {  	s30 =	simm.s32 $0x3;
	[sflag:s2] =	ssyncpa.u1 $0x1  }
0x40: {  	s31 =	simm.s32 $0x1;
	[sflag:s30] =	ssyncpa.u1 $0x1  }
0x41: {  	[sflag:s31] =	ssyncpa.u1 $0x1  }
0x42: {  	p0 =	sne.s32 s1, $0x0;
	_ =	strace $0x90000050  }
0x43: {  	s0 =	sadd.s32 @!p0 $0x100000, s0;
	[bflag:$0x2] =	sbarrier.arrive $0xFFFF  }
0x44: {  	[sflag:s0] =	ssyncadd.tile.s32 @!p0 $0x1;
	_ =	shalt  }
.Lfunc_end2:
_tile_overlayer_lowered:
.L_overlay_start_2:
0x45: {  	(tag) =	ssettag $0x2  }
0x46: {  	s0 =	rddreg [dreg:$0x0];
	s2 =	stileid.u32  }
0x47: {  	s1 =	rddreg [dreg:$0x1];
	p0 =	sne.s32 s2, $0x0  }
0x48: {  	s3 =	rddreg [dreg:$0x2];
	[bflag:$0x3] =	sbarrier.arrive $0xFFFF;
	s2 =	simm.s32 @!p0 $0x1C01  }
0x49: {  	[timem:s3], [sflag:s2] =	dma.local @!p0 [hbm:s0], s1  }
0x4a: {  	s0 =	simm.s32 @!p0 $0x1  }
0x4b: {  	_ =	swait.ge @!p0 [sflag:s0], s1  }
0x4c: {  	s1 =	ssub.s32 @!p0 $0x0, s1;
	[sflag:s0] =	ssyncset.done @!p0 $0x0  }
0x4d: {  	[sflag:s0] =	ssyncadd.s32 @!p0 s1  }
0x4e: {  	[bflag:$0x3] =	sbarrier.arrive $0xFFFF  }
0x4f: {  	_ =	shalt  }

// kernel: gather_offload_async_start.2
scs
__scs_entry_jumppad:
0x0: {  	(pc) =	sbr.rel $0x88, $3  }
0x1: {  	(tag) =	ssettag $0x0;
	lr =	simm.s32 $0x1  }
0x2: {  	[smem:$0x3F9E] =	sst lr;
	_ =	strace $0xD0000000  }
0x3: {  	_ = 	snop  }
0x4: {  	_ = 	snop  }
0x5: {  	_ = 	snop  }
0x6: {  	_ = 	snop  }
0x7: {  	_ = 	snop  }
__scs_overlays_trampoline_lowered:
0x8: {  	[smem:$0x3FAD] =	sst s0  }
0x9: {  	[smem:$0x3FAE] =	sst s1  }
0xa: {  	[smem:$0x3FAF] =	sst s2  }
0xb: {  	[smem:$0x3FB0] =	sst s3  }
0xc: {  	[smem:$0x3FB1] =	sst s4  }
0xd: {  	[smem:$0x3FB2] =	sst s5  }
0xe: {  	[smem:$0x3FB3] =	sst s6  }
0xf: {  	[smem:$0x3FB4] =	sst s7  }
0x10: {  	[smem:$0x3FB5] =	sst s8  }
0x11: {  	[smem:$0x3FB6] =	sst s9;
	s0 =	simm.s32 @!p0 $0x0  }
0x12: {  	s1 =	sld [smem:$0x3F9C];
	s0 =	simm.s32 @p0 $0x1  }
0x13: {  	[smem:$0x3FB7] =	sst s0;
	s0 =	simm.s32 @!p1 $0x0  }
0x14: {  	s2 =	sld [smem:$0x3F9B];
	s0 =	simm.s32 @p1 $0x1  }
0x15: {  	[smem:$0x3FB8] =	sst s0;
	s0 =	simm.s32 @!p2 $0x0  }
0x16: {  	s3 =	sld [smem:$0x3FDB];
	s0 =	simm.s32 @p2 $0x1  }
0x17: {  	s4 =	simm.s32 $0x1BF5;
	[smem:$0x3FBA] =	sst s0  }
0x18: {  	s0 =	sld [smem:$0x3F9D];
	_ =	swait.ge [sflag:s4], $0x0  }
0x19: {  	s7 =	sld [smem:$0x3F9E]  }
0x1a: {  	s8 =	sadd.s32 $0xFFFFE003, lr  }
0x1b: {  	s9 =	sadd.s32 $0xFFFFFEF7, lr;
	s5 =	simm.s32 $0xFFFFFFFF;
	p2 =	slt.u32 s8, $0xFFFFF086  }
0x1c: {  	p1 =	slt.u32 s9, $0xF7A;
	s5 =	simm.s32 @!p2 $0x0  }
0x1d: {  	s5 =	simm.s32 @p1 $0x1;
	p0 =	seq.s32 s7, s2  }
0x1e: {  	s7 =	smul.u32 @!p0 $0xF7A, s2;
	p2 =	seq.s32 @!p0 s5, $0x0  }
0x1f: {  	s9 =	smul.u32 $0xF7A, s1;
	s8 =	simm.s32 @!p0 $0x1BF5;
	p2 =	por !p2, p0  }
0x20: {  	[sflag:s8] =	ssyncset.s32 @!p0 $0xFFFFF086;
	s6 =	sadd.s32 @!p0 s3, s7;
	s7 =	simm.s32 @!p0 $0x108  }
0x21: {  	s3 =	sadd.s32 s3, s9;
	s6 =	sadd.s32 @!p0 $0x88, s6;
	s7 =	simm.s32 @p2 $0x1082  }
0x22: {  	[simem:s7], [sflag:s8] =	dma.local @!p0 [hbm:s6], $0xF7A  }
0x23: {  	s9 =	sor.u32 $0xD0000000, s2;
	s6 =	simm.s32 $0x108;
	_ =	swait.ge @!p0 [sflag:s8], $0x0  }
0x24: {  	s3 =	sadd.s32 $0x88, s3;
	s6 =	simm.s32 @!p1 $0x1082;
	[sflag:s4] =	ssyncset.s32 $0xFFFFF086  }
0x25: {  	[simem:s6], [sflag:s4] =	dma.local [hbm:s3], $0xF7A  }
0x26: {  	[smem:$0x3F9E] =	sst s1;
	(tag) =	ssettag s2;
	_ =	strace s9  }
0x27: {  	s1 =	sld [smem:$0x3FAE]  }
0x28: {  	s2 =	sld [smem:$0x3FAF]  }
0x29: {  	s4 =	sld [smem:$0x3FB1]  }
0x2a: {  	p0 =	seq.s32 s5, $0x0;
	s5 =	sld [smem:$0x3FB2]  }
0x2b: {  	s6 =	sld [smem:$0x3FB3]  }
0x2c: {  	s7 =	sld [smem:$0x3FB4]  }
0x2d: {  	s3 =	simm.s32 $0x108;
	s8 =	sld [smem:$0x3FB5]  }
0x2e: {  	s3 =	simm.s32 @!p0 $0x1082;
	s9 =	sld [smem:$0x3FB6]  }
0x2f: {  	lr =	sadd.s32 s0, s3;
	s0 =	sld [smem:$0x3FAD]  }
0x30: {  	s3 =	sld [smem:$0x3FB0]  }
0x31: {  	[smem:$0x3FB9] =	sst s10  }
0x32: {  	s10 =	sld [smem:$0x3FB7];
	_ =	sdelay $0x3  }
0x33: {  	p0 =	seq.s32 s10, $0x1;
	s10 =	sld [smem:$0x3FB9];
	_ =	sdelay $0x3  }
0x34: {  	[smem:$0x3FB9] =	sst s10  }
0x35: {  	s10 =	sld [smem:$0x3FB8];
	_ =	sdelay $0x3  }
0x36: {  	p1 =	seq.s32 s10, $0x1;
	s10 =	sld [smem:$0x3FB9];
	_ =	sdelay $0x3  }
0x37: {  	[smem:$0x3FB9] =	sst s10  }
0x38: {  	s10 =	sld [smem:$0x3FBA]  }
0x39: {  	_ = 	snop;
	(pc) =	sbr.ind lr, $3  }
0x3a: {  	_ = 	snop  }
0x3b: {  	_ = 	snop  }
0x3c: {  	p2 =	seq.s32 s10, $0x1;
	s10 =	sld [smem:$0x3FB9]  }
0x3d: {  	_ =	shalt  }
0x3e: {  	_ =	shalt  }
0x3f: {  	_ =	shalt  }
0x40: {  	_ =	shalt  }
0x41: {  	_ =	shalt  }
0x42: {  	_ =	shalt  }
0x43: {  	_ =	shalt  }
0x44: {  	_ =	shalt  }
0x45: {  	_ =	shalt  }
0x46: {  	_ =	shalt  }
0x47: {  	_ =	shalt  }
0x48: {  	_ =	shalt  }
0x49: {  	_ =	shalt  }
0x4a: {  	_ =	shalt  }
0x4b: {  	_ =	shalt  }
0x4c: {  	_ =	shalt  }
0x4d: {  	_ =	shalt  }
0x4e: {  	_ =	shalt  }
0x4f: {  	_ =	shalt  }
0x50: {  	_ =	shalt  }
0x51: {  	_ =	shalt  }
0x52: {  	_ =	shalt  }
0x53: {  	_ =	shalt  }
0x54: {  	_ =	shalt  }
0x55: {  	_ =	shalt  }
0x56: {  	_ =	shalt  }
0x57: {  	_ =	shalt  }
0x58: {  	_ =	shalt  }
0x59: {  	_ =	shalt  }
0x5a: {  	_ =	shalt  }
0x5b: {  	_ =	shalt  }
0x5c: {  	_ =	shalt  }
0x5d: {  	_ =	shalt  }
0x5e: {  	_ =	shalt  }
0x5f: {  	_ =	shalt  }
0x60: {  	_ =	shalt  }
0x61: {  	_ =	shalt  }
0x62: {  	_ =	shalt  }
0x63: {  	_ =	shalt  }
0x64: {  	_ =	shalt  }
0x65: {  	_ =	shalt  }
0x66: {  	_ =	shalt  }
0x67: {  	_ =	shalt  }
0x68: {  	_ =	shalt  }
0x69: {  	_ =	shalt  }
0x6a: {  	_ =	shalt  }
0x6b: {  	_ =	shalt  }
0x6c: {  	_ =	shalt  }
0x6d: {  	_ =	shalt  }
0x6e: {  	_ =	shalt  }
0x6f: {  	_ =	shalt  }
0x70: {  	_ =	shalt  }
0x71: {  	_ =	shalt  }
0x72: {  	_ =	shalt  }
0x73: {  	_ =	shalt  }
0x74: {  	_ =	shalt  }
0x75: {  	_ =	shalt  }
0x76: {  	_ =	shalt  }
0x77: {  	_ =	shalt  }
0x78: {  	_ =	shalt  }
0x79: {  	_ =	shalt  }
0x7a: {  	_ =	shalt  }
0x7b: {  	_ =	shalt  }
0x7c: {  	_ =	shalt  }
0x7d: {  	_ =	shalt  }
0x7e: {  	_ =	shalt  }
0x7f: {  	_ =	shalt  }
0x80: {  	_ =	shalt  }
0x81: {  	_ =	shalt  }
0x82: {  	_ =	shalt  }
0x83: {  	_ =	shalt  }
0x84: {  	_ =	shalt  }
0x85: {  	_ =	shalt  }
0x86: {  	_ =	shalt  }
0x87: {  	_ =	shalt  }
.Lfunc_end0:
.L_simem_size_0:
called_computation.2_lowered:
.L_overlay_start_0:
0x88: {  	s0 =	sld [smem:$0x3FD9]  }
0x89: {  	s1 =	sld [smem:$0x3FFE];
	_ =	sdelay $0x3  }
0x8a: {  	s0 =	sadd.s32 s1, s0  }
0x8b: {  	[smem:$0x3FC5] =	sst s0  }
0x8c: {  	_ = 	snop  }
0x8d: {  	s0 =	sld [smem:$0x3FD0];
	(tm) =	ssettm $0x1  }
0x8e: {  	s16 =	sld [smem:$0x3FFB];
	_ =	sdelay $0x3  }
0x8f: {  	_ =	strace s16  }
0x90: {  	s1 =	sld [smem:$0x3FFC];
	_ =	sdelay $0x3  }
0x91: {  	_ =	strace s1  }
0x92: {  	s1 =	sld [smem:$0x3FFD];
	_ =	sdelay $0x3  }
0x93: {  	_ =	strace s1  }
0x94: {  	_ =	strace $0x8FFFFFFF  }
0x95: {  	s17 =	sld [smem:$0x3FDB];
	_ =	sdelay $0x1  }
0x96: {  	s2 =	simm.s32 $_scs_section_size  }
0x97: {  	s3 =	simm.s32 $_size__tile_overlayer_lowered;
	s4 =	simm.s32 $_tile_overlayer_lowered  }
0x98: {  	s20 =	simm.s32 $0x1BFF;
	s19 =	sshll.u32 s4, $0x1;
	s1 =	sadd.s32 s2, s17  }
0x99: {  	s5 =	simm.s32 $0x0;
	s18 =	sshll.u32 s3, $0x1;
	s3 =	sadd.s32 s19, s1  }
0x9a: {  	[timem:s5], [sflag:s20] =	dma.local [hbm:s3], s18  }
0x9b: {  	_ =	swait.ge [sflag:s20], s18  }
0x9c: {  	s2 =	ssub.s32 $0x0, s18;
	[sflag:s20] =	ssyncset.done $0x0  }
0x9d: {  	[sflag:s20] =	ssyncadd.s32 s2;
	_ =	sdelay $0x1  }
0x9e: {  	s21 =	simm.s32 $0x1B8B  }
0x9f: {  	_ =	swait.ge [sflag:s21], $0x1  }
0xa0: {  	[sflag:s21] =	ssyncset.done $0x0  }
0xa1: {  	s23 =	simm.s32 $0x1B8E;
	s22 =	sld [smem:$0x3FFE];
	[sflag:s21] =	ssyncadd.s32 $0xFFFFFFFF  }
0xa2: {  	s24 =	simm.s32 $execute0_lowered;
	[smem:$0x3FD2] =	sst s23  }
0xa3: {  	s3 =	sshll.u32 s24, $0x1;
	_ =	strace $0x80000046;
	[dreg:$0x1] =	wrdreg $0xFFFFFFFF  }
0xa4: {  	s25 =	simm.s32 $_size_execute0_lowered;
	s1 =	sadd.s32 s1, s3;
	[dreg:$0x0] =	wrdreg $0x0  }
0xa5: {  	s3 =	sshll.u32 s25, $0x1;
	[dreg:$0x2] =	wrdreg s1  }
0xa6: {  	[dreg:$0x3] =	wrdreg s3  }
0xa7: {  	[dreg:$0x4] =	wrdreg $0xC0  }
0xa8: {  	_ =	task [dreg:s5], $0x5FFFF  }
0xa9: {  	[dreg:$0x1] =	wrdreg $0xFFFFFFFF  }
0xaa: {  	[dreg:$0x0] =	wrdreg $0x60  }
0xab: {  	[dreg:$0x2] =	wrdreg s22  }
0xac: {  	[dreg:$0x3] =	wrdreg s0  }
0xad: {  	[dreg:$0x4] =	wrdreg $0x9  }
0xae: {  	_ =	task.clear_ibuf [dreg:s5], $0x5FFFF;
	_ =	strace $0x90000046  }
0xaf: {  	s26 =	simm.s32 $0x9;
	_ =	strace $0x80000048  }
0xb0: {  	_ =	swait.ge [sflag:s26], $0x1  }
0xb1: {  	[sflag:s26] =	ssyncadd.s32 $0xFFFFFFFF  }
0xb2: {  	_ =	strace $0x90000048  }
0xb3: {  	_ =	sfence  }
0xb4: {  	s28 =	sld [smem:$0x0];
	_ =	sdelay $0x1  }
0xb5: {  	s29 =	srdreg.scid  }
0xb6: {  	s30 =	sshll.u32 s29, $0xD;
	s31 =	sshrl.u32 s29, $0x2  }
0xb7: {  	s2 =	sand.u32 $0x4000, s30;
	s1 =	sand.u32 $0x1, s29;
	s0 =	sadd.s32 s31, s28  }
0xb8: {  	s1 =	sor.u32 s2, s1;
	s0 =	sshll.u32 s0, $0x11  }
0xb9: {  	s0 =	sor.u32 s0, s1  }
0xba: {  	s0 =	sadd.s32 $0x8F2B, s0  }
0xbb: {  	[sflag:s0] =	ssyncadd.remote.s32 $0x1  }
0xbc: {  	_ =	sfence.sel $0xFFFF  }
0xbd: {  	[dreg:$0x0] =	wrdreg $0xFFFFFFFF;
	(pc) =	sbr.abs _section_cstart, $3  }
0xbe: {  	[dreg:$0x1] =	wrdreg $0xFFFFFFFF  }
0xbf: {  	_ =	task.clear_ibuf [dreg:s5], $0x2FFFF;
	_ =	strace $0x9FFFFFFF  }
0xc0: {  	(tm) =	ssettm $0x7FFFFFFF  }
0xc1: {  	_ =	shalt  }
tec
execute0_lowered:
.L_overlay_start_1:
0x0: {  	(tag) =	ssettag $0x1  }
0x1: {  	s8 =	rddreg [dreg:$0x0]  }
0x2: {  	s2 =	rddreg [dreg:$0x1]  }
0x3: {  	s0 =	rddreg [dreg:$0x2]  }
0x4: {  	s1 =	stileid.u32;
	_ =	strace $0x80000047;
	s5 =	simm.s32 $0x1  }
0x5: {  	s6 =	simm.s32 $0x500;
	s9 =	simm.s32 $0x1;
	s10 =	simm.s32 $0x3  }
0x6: {  	s13 =	simm.s32 $0x0;
	s12 =	simm.s32 $0x0;
	s4 =	smul.u32 $0x50, s1  }
0x7: {  	s3 =	sadd.s32 $0x800, s8;
	p0 =	slt.u32 s1, $0xA;
	[sflag:s5] =	ssyncpa.u1 $0x0  }
.Ltmp0:
0x8: {  	s6 =	simm.s32 @!p0 $0x0;
	s7 =	ssub.s32 $0x7D0, s4;
	(pc) =	sbr.rel .LBB2_1-.Ltmp0, $4  }
0x9: {  	s9 =	simm.s32 @!p0 $0x0;
	p0 =	sne.s32 s7, s6;
	s7 =	simm.s32 $0x1  }
0xa: {  	s8 =	sadd.s32 $0x3000, s8;
	s6 =	simm.s32 $0x2;
	s7 =	simm.s32 @!p0 $0x0  }
0xb: {  	s11 =	smov.u32 s4;
	[sflag:s6] =	ssyncpa.u1 $0x0;
	s7 =	sadd.s32 s9, s7  }
0xc: {  	vm0 =	vmmov $0xffff;
	[sflag:s10] =	ssyncpa.u1 $0x0;
	s10 =	simm.s32 $0x0;
	s9 =	sadd.s32 $0x1, s7  }
.LBB2_4:
0xd: {  	v2 =	vnsel vm1, $0x0, v2  }
0xe: {  	vm1 =	vgt.s32 v0, $0x0;
	v2 =	vmin.u32 v2, $0x4FFF  }
0xf: {  	v0 =	vnsel vm1, $0x0, v0  }
0x10: {  	v0 =	vmin.u32 v0, $0x4FFF  }
0x11: {  	[tilespmem:s18], [sflag:$0x1] =	stream.indirect_vreg.gather [hbm4b:s3+s10], $0x1, v1, vm0, $0x4038;
	[tilespmem:$0x140] =	vst v63  }
0x12: {  	(ifvalue) =	ssetifvalue $0x7FFFFFFF  }
0x13: {  	[tilespmem:s15], [sflag:$0x1] =	stream.indirect_vreg.gather [hbm4b:s3+s10], $0x1, v2, vm0, $0x4038;
	[tilespmem:$0x140] =	vst v63  }
0x14: {  	s29 =	sadd.s32 $0x10, s15;
	(ifvalue) =	ssetifvalue $0x7FFFFFFF  }
0x15: {  	[tilespmem:s29], [sflag:$0x1] =	stream.indirect_vreg.gather [hbm4b:s3+s10], $0x1, v0, vm0, $0x4038;
	[tilespmem:$0x140] =	vst v63  }
0x16: {  	_ =	swait.ge [sflag:s5], $0x50  }
0x17: {  	s30 =	sshrl.u32 s13, $0x3;
	[sflag:s5] =	ssyncset.done $0x0  }
0x18: {  	s31 =	sand.u32 $0x7, s13;
	s15 =	sadd.s32 s8, s30;
	[sflag:s5] =	ssyncadd.s32 $0xFFFFFFB0  }
0x19: {  	[hbm4b:s15+s31] =	stream.linear.scatter [tilespmem:s14], [sflag:$0x3], $0x50, $0x38;
	[tilespmem:$0x140] =	vst v63  }
.LBB2_5:
0x1a: {  	s15 =	sadd.s32 $0x500, s11  }
0x1b: {  	p1 =	sgt.s32 s15, $0x7CF  }
0x1c: {  	s15 =	smov.u32 @p1 s4;
	p1 =	sne.s32 s12, s9  }
.Ltmp1:
0x1d: {  	p0 =	slt.u32 s12, $0x2;
	(pc) =	sbr.rel @!p1 .LBB2_6-.Ltmp1, $4  }
0x1e: {  	s14 =	simm.s32 @!p0 $0x3  }
0x1f: {  	_ =	swait.ge @!p0 [sflag:s14], $0x50  }
0x20: {  	s16 =	sadd.s32 $0x1, s12;
	s13 =	smov.u32 s11;
	[sflag:s14] =	ssyncset.done @!p0 $0x0  }
0x21: {  	s12 =	smov.u32 s16;
	s11 =	smov.u32 s15;
	[sflag:s14] =	ssyncadd.s32 @!p0 $0xFFFFFFB0  }
.LBB2_1:
0x22: {  	p0 =	sge.u32 s12, s7  }
0x23: {  	s14 =	sxor.u32 @!p0 $0x1, s12  }
0x24: {  	s14 =	smul.u32 @!p0 $0x140, s14  }
0x25: {  	s31 =	sadd.s32 $0xFFFFFFFF, s12;
	s15 =	sshrl.u32 @!p0 s11, $0x3  }
0x26: {  	s16 =	sand.u32 @!p0 $0x7, s11;
	s15 =	sadd.s32 @!p0 s2, s15;
	s14 =	sshra.s32 @!p0 s14, $0x2  }
0x27: {  	[tilespmem:s14], [sflag:$0x2] =	stream.linear.gather @!p0 [hbm4b:s15+s16], $0x50, $0x38;
	[tilespmem:$0x140] =	vst v63  }
0x28: {  	p0 =	sge.u32 s31, s7  }
.Ltmp2:
0x29: {  	_ = 	snop;
	(pc) =	sbr.rel @p0 .LBB2_5-.Ltmp2, $1  }
0x2a: {  	_ =	sdelay $0x3  }
0x2b: {  	s14 =	sand.u32 $0x1, s12  }
0x2c: {  	_ =	swait.ge [sflag:s6], $0x50;
	p0 =	seq.s32 s14, $0x1;
	s14 =	simm.s32 $0x50  }
0x2d: {  	[sflag:s6] =	ssyncset.done $0x0;
	s14 =	simm.s32 @!p0 $0x0  }
0x2e: {  	[sflag:s6] =	ssyncadd.s32 $0xFFFFFFB0;
	(ifvalue) =	ssetifvalue $0x7FFFFFFF;
	v0 =	vld.msk [tilespmem:s14+$0x0 ss:$0x1], $0xffff;
	_ =	sdelay $0x4  }
0x2f: {  	s15 =	sadd.s32 $0x10, s14;
	vm1 =	vgt.s32 v0, $0x0  }
0x30: {  	v2 =	vld.msk [tilespmem:s15+$0x0 ss:$0x1], $0xffff;
	v1 =	vnsel vm1, $0x0, v0  }
0x31: {  	v1 =	vmin.u32 v1, $0x4FFF;
	_ =	sdelay $0x2  }
0x32: {  	s17 =	simm.s32 $0x20;
	s14 =	sor.u32 $0xA0, s14;
	s16 =	sadd.s32 $0x10, s15  }
0x33: {  	s15 =	sadd.s32 $0x10, s14;
	s18 =	smov.u32 s14;
	v0 =	vld.msk [tilespmem:s16+$0x0 ss:$0x1], $0xffff;
	vm1 =	vgt.s32 v2, $0x0;
	(ifvalue) =	ssetifvalue $0x7FFFFFFF  }
.LBB2_3:
0x34: {  	[tilespmem:s18], [sflag:$0x1] =	stream.indirect_vreg.gather [hbm4b:s3+s10], $0x1, v1, vm0, $0x4038;
	[tilespmem:$0x140] =	vst v63  }
0x35: {  	s17 =	sadd.s32 $0x10, s17  }
0x36: {  	v2 =	vnsel vm1, $0x0, v2;
	p0 =	slt.u32 s17, $0x40  }
.Ltmp3:
0x37: {  	s18 =	smov.u32 s15;
	v1 =	vmin.u32 v2, $0x4FFF;
	(pc) =	sbr.rel @p0 .LBB2_3-.Ltmp3, $3  }
0x38: {  	_ =	sdelay $0x1  }
0x39: {  	s16 =	sadd.s32 $0x10, s16  }
0x3a: {  	vm1 =	vgt.s32 v0, $0x0;
	s15 =	sadd.s32 $0x10, s15;
	v2 =	vmov v0;
	(ifvalue) =	ssetifvalue $0x7FFFFFFF;
	v0 =	vld.msk [tilespmem:s16+$0x0 ss:$0x1], $0xffff  }
.Ltmp4:
0x3b: {  	_ = 	snop;
	(pc) =	sbr.rel .LBB2_4-.Ltmp4, $1  }
0x3c: {  	_ =	sdelay $0x3  }
.LBB2_6:
0x3d: {  	_ =	sfence.sel $0x180000  }
0x3e: {  	s2 =	simm.s32 $0x2;
	[bflag:$0x0] =	sbarrier.arrive $0xFFFF  }
0x3f: {  	s30 =	simm.s32 $0x3;
	[sflag:s2] =	ssyncpa.u1 $0x1  }
0x40: {  	s31 =	simm.s32 $0x1;
	[sflag:s30] =	ssyncpa.u1 $0x1  }
0x41: {  	[sflag:s31] =	ssyncpa.u1 $0x1  }
0x42: {  	p0 =	sne.s32 s1, $0x0;
	_ =	strace $0x90000047  }
0x43: {  	s0 =	sadd.s32 @!p0 $0x100000, s0;
	[bflag:$0x2] =	sbarrier.arrive $0xFFFF  }
0x44: {  	[sflag:s0] =	ssyncadd.tile.s32 @!p0 $0x1;
	_ =	shalt  }
.Lfunc_end2:
_tile_overlayer_lowered:
.L_overlay_start_2:
0x45: {  	(tag) =	ssettag $0x2  }
0x46: {  	s0 =	rddreg [dreg:$0x0];
	s2 =	stileid.u32  }
0x47: {  	s1 =	rddreg [dreg:$0x1];
	p0 =	sne.s32 s2, $0x0  }
0x48: {  	s3 =	rddreg [dreg:$0x2];
	[bflag:$0x3] =	sbarrier.arrive $0xFFFF;
	s2 =	simm.s32 @!p0 $0x1C01  }
0x49: {  	[timem:s3], [sflag:s2] =	dma.local @!p0 [hbm:s0], s1  }
0x4a: {  	s0 =	simm.s32 @!p0 $0x1  }
0x4b: {  	_ =	swait.ge @!p0 [sflag:s0], s1  }
0x4c: {  	s1 =	ssub.s32 @!p0 $0x0, s1;
	[sflag:s0] =	ssyncset.done @!p0 $0x0  }
0x4d: {  	[sflag:s0] =	ssyncadd.s32 @!p0 s1  }
0x4e: {  	[bflag:$0x3] =	sbarrier.arrive $0xFFFF  }
0x4f: {  	_ =	shalt  }

// kernel: gather_offload_async_start.3
scs
__scs_entry_jumppad:
0x0: {  	(pc) =	sbr.rel $0x88, $3  }
0x1: {  	(tag) =	ssettag $0x0;
	lr =	simm.s32 $0x1  }
0x2: {  	[smem:$0x3F9E] =	sst lr;
	_ =	strace $0xD0000000  }
0x3: {  	_ = 	snop  }
0x4: {  	_ = 	snop  }
0x5: {  	_ = 	snop  }
0x6: {  	_ = 	snop  }
0x7: {  	_ = 	snop  }
__scs_overlays_trampoline_lowered:
0x8: {  	[smem:$0x3FAD] =	sst s0  }
0x9: {  	[smem:$0x3FAE] =	sst s1  }
0xa: {  	[smem:$0x3FAF] =	sst s2  }
0xb: {  	[smem:$0x3FB0] =	sst s3  }
0xc: {  	[smem:$0x3FB1] =	sst s4  }
0xd: {  	[smem:$0x3FB2] =	sst s5  }
0xe: {  	[smem:$0x3FB3] =	sst s6  }
0xf: {  	[smem:$0x3FB4] =	sst s7  }
0x10: {  	[smem:$0x3FB5] =	sst s8  }
0x11: {  	[smem:$0x3FB6] =	sst s9;
	s0 =	simm.s32 @!p0 $0x0  }
0x12: {  	s1 =	sld [smem:$0x3F9C];
	s0 =	simm.s32 @p0 $0x1  }
0x13: {  	[smem:$0x3FB7] =	sst s0;
	s0 =	simm.s32 @!p1 $0x0  }
0x14: {  	s2 =	sld [smem:$0x3F9B];
	s0 =	simm.s32 @p1 $0x1  }
0x15: {  	[smem:$0x3FB8] =	sst s0;
	s0 =	simm.s32 @!p2 $0x0  }
0x16: {  	s3 =	sld [smem:$0x3FDB];
	s0 =	simm.s32 @p2 $0x1  }
0x17: {  	s4 =	simm.s32 $0x1BF5;
	[smem:$0x3FBA] =	sst s0  }
0x18: {  	s0 =	sld [smem:$0x3F9D];
	_ =	swait.ge [sflag:s4], $0x0  }
0x19: {  	s7 =	sld [smem:$0x3F9E]  }
0x1a: {  	s8 =	sadd.s32 $0xFFFFE003, lr  }
0x1b: {  	s9 =	sadd.s32 $0xFFFFFEF7, lr;
	s5 =	simm.s32 $0xFFFFFFFF;
	p2 =	slt.u32 s8, $0xFFFFF086  }
0x1c: {  	p1 =	slt.u32 s9, $0xF7A;
	s5 =	simm.s32 @!p2 $0x0  }
0x1d: {  	s5 =	simm.s32 @p1 $0x1;
	p0 =	seq.s32 s7, s2  }
0x1e: {  	s7 =	smul.u32 @!p0 $0xF7A, s2;
	p2 =	seq.s32 @!p0 s5, $0x0  }
0x1f: {  	s9 =	smul.u32 $0xF7A, s1;
	s8 =	simm.s32 @!p0 $0x1BF5;
	p2 =	por !p2, p0  }
0x20: {  	[sflag:s8] =	ssyncset.s32 @!p0 $0xFFFFF086;
	s6 =	sadd.s32 @!p0 s3, s7;
	s7 =	simm.s32 @!p0 $0x108  }
0x21: {  	s3 =	sadd.s32 s3, s9;
	s6 =	sadd.s32 @!p0 $0x88, s6;
	s7 =	simm.s32 @p2 $0x1082  }
0x22: {  	[simem:s7], [sflag:s8] =	dma.local @!p0 [hbm:s6], $0xF7A  }
0x23: {  	s9 =	sor.u32 $0xD0000000, s2;
	s6 =	simm.s32 $0x108;
	_ =	swait.ge @!p0 [sflag:s8], $0x0  }
0x24: {  	s3 =	sadd.s32 $0x88, s3;
	s6 =	simm.s32 @!p1 $0x1082;
	[sflag:s4] =	ssyncset.s32 $0xFFFFF086  }
0x25: {  	[simem:s6], [sflag:s4] =	dma.local [hbm:s3], $0xF7A  }
0x26: {  	[smem:$0x3F9E] =	sst s1;
	(tag) =	ssettag s2;
	_ =	strace s9  }
0x27: {  	s1 =	sld [smem:$0x3FAE]  }
0x28: {  	s2 =	sld [smem:$0x3FAF]  }
0x29: {  	s4 =	sld [smem:$0x3FB1]  }
0x2a: {  	p0 =	seq.s32 s5, $0x0;
	s5 =	sld [smem:$0x3FB2]  }
0x2b: {  	s6 =	sld [smem:$0x3FB3]  }
0x2c: {  	s7 =	sld [smem:$0x3FB4]  }
0x2d: {  	s3 =	simm.s32 $0x108;
	s8 =	sld [smem:$0x3FB5]  }
0x2e: {  	s3 =	simm.s32 @!p0 $0x1082;
	s9 =	sld [smem:$0x3FB6]  }
0x2f: {  	lr =	sadd.s32 s0, s3;
	s0 =	sld [smem:$0x3FAD]  }
0x30: {  	s3 =	sld [smem:$0x3FB0]  }
0x31: {  	[smem:$0x3FB9] =	sst s10  }
0x32: {  	s10 =	sld [smem:$0x3FB7];
	_ =	sdelay $0x3  }
0x33: {  	p0 =	seq.s32 s10, $0x1;
	s10 =	sld [smem:$0x3FB9];
	_ =	sdelay $0x3  }
0x34: {  	[smem:$0x3FB9] =	sst s10  }
0x35: {  	s10 =	sld [smem:$0x3FB8];
	_ =	sdelay $0x3  }
0x36: {  	p1 =	seq.s32 s10, $0x1;
	s10 =	sld [smem:$0x3FB9];
	_ =	sdelay $0x3  }
0x37: {  	[smem:$0x3FB9] =	sst s10  }
0x38: {  	s10 =	sld [smem:$0x3FBA]  }
0x39: {  	_ = 	snop;
	(pc) =	sbr.ind lr, $3  }
0x3a: {  	_ = 	snop  }
0x3b: {  	_ = 	snop  }
0x3c: {  	p2 =	seq.s32 s10, $0x1;
	s10 =	sld [smem:$0x3FB9]  }
0x3d: {  	_ =	shalt  }
0x3e: {  	_ =	shalt  }
0x3f: {  	_ =	shalt  }
0x40: {  	_ =	shalt  }
0x41: {  	_ =	shalt  }
0x42: {  	_ =	shalt  }
0x43: {  	_ =	shalt  }
0x44: {  	_ =	shalt  }
0x45: {  	_ =	shalt  }
0x46: {  	_ =	shalt  }
0x47: {  	_ =	shalt  }
0x48: {  	_ =	shalt  }
0x49: {  	_ =	shalt  }
0x4a: {  	_ =	shalt  }
0x4b: {  	_ =	shalt  }
0x4c: {  	_ =	shalt  }
0x4d: {  	_ =	shalt  }
0x4e: {  	_ =	shalt  }
0x4f: {  	_ =	shalt  }
0x50: {  	_ =	shalt  }
0x51: {  	_ =	shalt  }
0x52: {  	_ =	shalt  }
0x53: {  	_ =	shalt  }
0x54: {  	_ =	shalt  }
0x55: {  	_ =	shalt  }
0x56: {  	_ =	shalt  }
0x57: {  	_ =	shalt  }
0x58: {  	_ =	shalt  }
0x59: {  	_ =	shalt  }
0x5a: {  	_ =	shalt  }
0x5b: {  	_ =	shalt  }
0x5c: {  	_ =	shalt  }
0x5d: {  	_ =	shalt  }
0x5e: {  	_ =	shalt  }
0x5f: {  	_ =	shalt  }
0x60: {  	_ =	shalt  }
0x61: {  	_ =	shalt  }
0x62: {  	_ =	shalt  }
0x63: {  	_ =	shalt  }
0x64: {  	_ =	shalt  }
0x65: {  	_ =	shalt  }
0x66: {  	_ =	shalt  }
0x67: {  	_ =	shalt  }
0x68: {  	_ =	shalt  }
0x69: {  	_ =	shalt  }
0x6a: {  	_ =	shalt  }
0x6b: {  	_ =	shalt  }
0x6c: {  	_ =	shalt  }
0x6d: {  	_ =	shalt  }
0x6e: {  	_ =	shalt  }
0x6f: {  	_ =	shalt  }
0x70: {  	_ =	shalt  }
0x71: {  	_ =	shalt  }
0x72: {  	_ =	shalt  }
0x73: {  	_ =	shalt  }
0x74: {  	_ =	shalt  }
0x75: {  	_ =	shalt  }
0x76: {  	_ =	shalt  }
0x77: {  	_ =	shalt  }
0x78: {  	_ =	shalt  }
0x79: {  	_ =	shalt  }
0x7a: {  	_ =	shalt  }
0x7b: {  	_ =	shalt  }
0x7c: {  	_ =	shalt  }
0x7d: {  	_ =	shalt  }
0x7e: {  	_ =	shalt  }
0x7f: {  	_ =	shalt  }
0x80: {  	_ =	shalt  }
0x81: {  	_ =	shalt  }
0x82: {  	_ =	shalt  }
0x83: {  	_ =	shalt  }
0x84: {  	_ =	shalt  }
0x85: {  	_ =	shalt  }
0x86: {  	_ =	shalt  }
0x87: {  	_ =	shalt  }
.Lfunc_end0:
.L_simem_size_0:
called_computation.3_lowered:
.L_overlay_start_0:
0x88: {  	s0 =	sld [smem:$0x3FD9]  }
0x89: {  	s1 =	sld [smem:$0x3FFE];
	_ =	sdelay $0x3  }
0x8a: {  	s0 =	sadd.s32 s1, s0  }
0x8b: {  	[smem:$0x3FC5] =	sst s0  }
0x8c: {  	_ = 	snop  }
0x8d: {  	s0 =	sld [smem:$0x3FD0];
	(tm) =	ssettm $0x1  }
0x8e: {  	s16 =	sld [smem:$0x3FFB];
	_ =	sdelay $0x3  }
0x8f: {  	_ =	strace s16  }
0x90: {  	s1 =	sld [smem:$0x3FFC];
	_ =	sdelay $0x3  }
0x91: {  	_ =	strace s1  }
0x92: {  	s1 =	sld [smem:$0x3FFD];
	_ =	sdelay $0x3  }
0x93: {  	_ =	strace s1  }
0x94: {  	_ =	strace $0x8FFFFFFF  }
0x95: {  	s17 =	sld [smem:$0x3FDB];
	_ =	sdelay $0x1  }
0x96: {  	s2 =	simm.s32 $_scs_section_size  }
0x97: {  	s3 =	simm.s32 $_size__tile_overlayer_lowered;
	s4 =	simm.s32 $_tile_overlayer_lowered  }
0x98: {  	s20 =	simm.s32 $0x1BFF;
	s19 =	sshll.u32 s4, $0x1;
	s1 =	sadd.s32 s2, s17  }
0x99: {  	s5 =	simm.s32 $0x0;
	s18 =	sshll.u32 s3, $0x1;
	s3 =	sadd.s32 s19, s1  }
0x9a: {  	[timem:s5], [sflag:s20] =	dma.local [hbm:s3], s18  }
0x9b: {  	_ =	swait.ge [sflag:s20], s18  }
0x9c: {  	s2 =	ssub.s32 $0x0, s18;
	[sflag:s20] =	ssyncset.done $0x0  }
0x9d: {  	[sflag:s20] =	ssyncadd.s32 s2;
	_ =	sdelay $0x1  }
0x9e: {  	s21 =	simm.s32 $0x1B8B  }
0x9f: {  	_ =	swait.ge [sflag:s21], $0x1  }
0xa0: {  	[sflag:s21] =	ssyncset.done $0x0  }
0xa1: {  	s23 =	simm.s32 $0x1B8E;
	s22 =	sld [smem:$0x3FFE];
	[sflag:s21] =	ssyncadd.s32 $0xFFFFFFFF  }
0xa2: {  	s24 =	simm.s32 $execute0_lowered;
	[smem:$0x3FD2] =	sst s23  }
0xa3: {  	s3 =	sshll.u32 s24, $0x1;
	_ =	strace $0x80000049;
	[dreg:$0x1] =	wrdreg $0xFFFFFFFF  }
0xa4: {  	s25 =	simm.s32 $_size_execute0_lowered;
	s1 =	sadd.s32 s1, s3;
	[dreg:$0x0] =	wrdreg $0x0  }
0xa5: {  	s3 =	sshll.u32 s25, $0x1;
	[dreg:$0x2] =	wrdreg s1  }
0xa6: {  	[dreg:$0x3] =	wrdreg s3  }
0xa7: {  	[dreg:$0x4] =	wrdreg $0xC0  }
0xa8: {  	_ =	task [dreg:s5], $0x5FFFF  }
0xa9: {  	[dreg:$0x1] =	wrdreg $0xFFFFFFFF  }
0xaa: {  	[dreg:$0x0] =	wrdreg $0x60  }
0xab: {  	[dreg:$0x2] =	wrdreg s22  }
0xac: {  	[dreg:$0x3] =	wrdreg s0  }
0xad: {  	[dreg:$0x4] =	wrdreg $0xA  }
0xae: {  	_ =	task.clear_ibuf [dreg:s5], $0x5FFFF;
	_ =	strace $0x90000049  }
0xaf: {  	s26 =	simm.s32 $0xA;
	_ =	strace $0x8000004B  }
0xb0: {  	_ =	swait.ge [sflag:s26], $0x1  }
0xb1: {  	[sflag:s26] =	ssyncadd.s32 $0xFFFFFFFF  }
0xb2: {  	_ =	strace $0x9000004B  }
0xb3: {  	_ =	sfence  }
0xb4: {  	s28 =	sld [smem:$0x0];
	_ =	sdelay $0x1  }
0xb5: {  	s29 =	srdreg.scid  }
0xb6: {  	s30 =	sshll.u32 s29, $0xD;
	s31 =	sshrl.u32 s29, $0x2  }
0xb7: {  	s2 =	sand.u32 $0x4000, s30;
	s1 =	sand.u32 $0x1, s29;
	s0 =	sadd.s32 s31, s28  }
0xb8: {  	s1 =	sor.u32 s2, s1;
	s0 =	sshll.u32 s0, $0x11  }
0xb9: {  	s0 =	sor.u32 s0, s1  }
0xba: {  	s0 =	sadd.s32 $0x8F2B, s0  }
0xbb: {  	[sflag:s0] =	ssyncadd.remote.s32 $0x1  }
0xbc: {  	_ =	sfence.sel $0xFFFF  }
0xbd: {  	[dreg:$0x0] =	wrdreg $0xFFFFFFFF;
	(pc) =	sbr.abs _section_cstart, $3  }
0xbe: {  	[dreg:$0x1] =	wrdreg $0xFFFFFFFF  }
0xbf: {  	_ =	task.clear_ibuf [dreg:s5], $0x2FFFF;
	_ =	strace $0x9FFFFFFF  }
0xc0: {  	(tm) =	ssettm $0x7FFFFFFF  }
0xc1: {  	_ =	shalt  }
tec
execute0_lowered:
.L_overlay_start_1:
0x0: {  	(tag) =	ssettag $0x1  }
0x1: {  	s8 =	rddreg [dreg:$0x0]  }
0x2: {  	s2 =	rddreg [dreg:$0x1]  }
0x3: {  	s0 =	rddreg [dreg:$0x2]  }
0x4: {  	s1 =	stileid.u32;
	_ =	strace $0x8000004A;
	s5 =	simm.s32 $0x1  }
0x5: {  	s6 =	simm.s32 $0x500;
	s9 =	simm.s32 $0x1;
	s10 =	simm.s32 $0x3  }
0x6: {  	s13 =	simm.s32 $0x0;
	s12 =	simm.s32 $0x0;
	s4 =	smul.u32 $0x50, s1  }
0x7: {  	s3 =	sadd.s32 $0x2600, s8;
	p0 =	slt.u32 s1, $0xA;
	[sflag:s5] =	ssyncpa.u1 $0x0  }
.Ltmp0:
0x8: {  	s6 =	simm.s32 @!p0 $0x0;
	s7 =	ssub.s32 $0x7D0, s4;
	(pc) =	sbr.rel .LBB2_1-.Ltmp0, $4  }
0x9: {  	s9 =	simm.s32 @!p0 $0x0;
	p0 =	sne.s32 s7, s6;
	s7 =	simm.s32 $0x1  }
0xa: {  	s8 =	sadd.s32 $0x3200, s8;
	s6 =	simm.s32 $0x2;
	s7 =	simm.s32 @!p0 $0x0  }
0xb: {  	s11 =	smov.u32 s4;
	[sflag:s6] =	ssyncpa.u1 $0x0;
	s7 =	sadd.s32 s9, s7  }
0xc: {  	vm0 =	vmmov $0xffff;
	[sflag:s10] =	ssyncpa.u1 $0x0;
	s10 =	simm.s32 $0x0;
	s9 =	sadd.s32 $0x1, s7  }
.LBB2_4:
0xd: {  	v2 =	vnsel vm1, $0x0, v2  }
0xe: {  	vm1 =	vgt.s32 v0, $0x0;
	v2 =	vmin.u32 v2, $0x4FFF  }
0xf: {  	v0 =	vnsel vm1, $0x0, v0  }
0x10: {  	v0 =	vmin.u32 v0, $0x4FFF  }
0x11: {  	[tilespmem:s18], [sflag:$0x1] =	stream.indirect_vreg.gather [hbm4b:s3+s10], $0x1, v1, vm0, $0x4038;
	[tilespmem:$0x140] =	vst v63  }
0x12: {  	(ifvalue) =	ssetifvalue $0x7FFFFFFF  }
0x13: {  	[tilespmem:s15], [sflag:$0x1] =	stream.indirect_vreg.gather [hbm4b:s3+s10], $0x1, v2, vm0, $0x4038;
	[tilespmem:$0x140] =	vst v63  }
0x14: {  	s29 =	sadd.s32 $0x10, s15;
	(ifvalue) =	ssetifvalue $0x7FFFFFFF  }
0x15: {  	[tilespmem:s29], [sflag:$0x1] =	stream.indirect_vreg.gather [hbm4b:s3+s10], $0x1, v0, vm0, $0x4038;
	[tilespmem:$0x140] =	vst v63  }
0x16: {  	_ =	swait.ge [sflag:s5], $0x50  }
0x17: {  	s30 =	sshrl.u32 s13, $0x3;
	[sflag:s5] =	ssyncset.done $0x0  }
0x18: {  	s31 =	sand.u32 $0x7, s13;
	s15 =	sadd.s32 s8, s30;
	[sflag:s5] =	ssyncadd.s32 $0xFFFFFFB0  }
0x19: {  	[hbm4b:s15+s31] =	stream.linear.scatter [tilespmem:s14], [sflag:$0x3], $0x50, $0x38;
	[tilespmem:$0x140] =	vst v63  }
.LBB2_5:
0x1a: {  	s15 =	sadd.s32 $0x500, s11  }
0x1b: {  	p1 =	sgt.s32 s15, $0x7CF  }
0x1c: {  	s15 =	smov.u32 @p1 s4;
	p1 =	sne.s32 s12, s9  }
.Ltmp1:
0x1d: {  	p0 =	slt.u32 s12, $0x2;
	(pc) =	sbr.rel @!p1 .LBB2_6-.Ltmp1, $4  }
0x1e: {  	s14 =	simm.s32 @!p0 $0x3  }
0x1f: {  	_ =	swait.ge @!p0 [sflag:s14], $0x50  }
0x20: {  	s16 =	sadd.s32 $0x1, s12;
	s13 =	smov.u32 s11;
	[sflag:s14] =	ssyncset.done @!p0 $0x0  }
0x21: {  	s12 =	smov.u32 s16;
	s11 =	smov.u32 s15;
	[sflag:s14] =	ssyncadd.s32 @!p0 $0xFFFFFFB0  }
.LBB2_1:
0x22: {  	p0 =	sge.u32 s12, s7  }
0x23: {  	s14 =	sxor.u32 @!p0 $0x1, s12  }
0x24: {  	s14 =	smul.u32 @!p0 $0x140, s14  }
0x25: {  	s31 =	sadd.s32 $0xFFFFFFFF, s12;
	s15 =	sshrl.u32 @!p0 s11, $0x3  }
0x26: {  	s16 =	sand.u32 @!p0 $0x7, s11;
	s15 =	sadd.s32 @!p0 s2, s15;
	s14 =	sshra.s32 @!p0 s14, $0x2  }
0x27: {  	[tilespmem:s14], [sflag:$0x2] =	stream.linear.gather @!p0 [hbm4b:s15+s16], $0x50, $0x38;
	[tilespmem:$0x140] =	vst v63  }
0x28: {  	p0 =	sge.u32 s31, s7  }
.Ltmp2:
0x29: {  	_ = 	snop;
	(pc) =	sbr.rel @p0 .LBB2_5-.Ltmp2, $1  }
0x2a: {  	_ =	sdelay $0x3  }
0x2b: {  	s14 =	sand.u32 $0x1, s12  }
0x2c: {  	_ =	swait.ge [sflag:s6], $0x50;
	p0 =	seq.s32 s14, $0x1;
	s14 =	simm.s32 $0x50  }
0x2d: {  	[sflag:s6] =	ssyncset.done $0x0;
	s14 =	simm.s32 @!p0 $0x0  }
0x2e: {  	[sflag:s6] =	ssyncadd.s32 $0xFFFFFFB0;
	(ifvalue) =	ssetifvalue $0x7FFFFFFF;
	v0 =	vld.msk [tilespmem:s14+$0x0 ss:$0x1], $0xffff;
	_ =	sdelay $0x4  }
0x2f: {  	s15 =	sadd.s32 $0x10, s14;
	vm1 =	vgt.s32 v0, $0x0  }
0x30: {  	v2 =	vld.msk [tilespmem:s15+$0x0 ss:$0x1], $0xffff;
	v1 =	vnsel vm1, $0x0, v0  }
0x31: {  	v1 =	vmin.u32 v1, $0x4FFF;
	_ =	sdelay $0x2  }
0x32: {  	s17 =	simm.s32 $0x20;
	s14 =	sor.u32 $0xA0, s14;
	s16 =	sadd.s32 $0x10, s15  }
0x33: {  	s15 =	sadd.s32 $0x10, s14;
	s18 =	smov.u32 s14;
	v0 =	vld.msk [tilespmem:s16+$0x0 ss:$0x1], $0xffff;
	vm1 =	vgt.s32 v2, $0x0;
	(ifvalue) =	ssetifvalue $0x7FFFFFFF  }
.LBB2_3:
0x34: {  	[tilespmem:s18], [sflag:$0x1] =	stream.indirect_vreg.gather [hbm4b:s3+s10], $0x1, v1, vm0, $0x4038;
	[tilespmem:$0x140] =	vst v63  }
0x35: {  	s17 =	sadd.s32 $0x10, s17  }
0x36: {  	v2 =	vnsel vm1, $0x0, v2;
	p0 =	slt.u32 s17, $0x40  }
.Ltmp3:
0x37: {  	s18 =	smov.u32 s15;
	v1 =	vmin.u32 v2, $0x4FFF;
	(pc) =	sbr.rel @p0 .LBB2_3-.Ltmp3, $3  }
0x38: {  	_ =	sdelay $0x1  }
0x39: {  	s16 =	sadd.s32 $0x10, s16  }
0x3a: {  	vm1 =	vgt.s32 v0, $0x0;
	s15 =	sadd.s32 $0x10, s15;
	v2 =	vmov v0;
	(ifvalue) =	ssetifvalue $0x7FFFFFFF;
	v0 =	vld.msk [tilespmem:s16+$0x0 ss:$0x1], $0xffff  }
.Ltmp4:
0x3b: {  	_ = 	snop;
	(pc) =	sbr.rel .LBB2_4-.Ltmp4, $1  }
0x3c: {  	_ =	sdelay $0x3  }
.LBB2_6:
0x3d: {  	_ =	sfence.sel $0x180000  }
0x3e: {  	s2 =	simm.s32 $0x2;
	[bflag:$0x0] =	sbarrier.arrive $0xFFFF  }
0x3f: {  	s30 =	simm.s32 $0x3;
	[sflag:s2] =	ssyncpa.u1 $0x1  }
0x40: {  	s31 =	simm.s32 $0x1;
	[sflag:s30] =	ssyncpa.u1 $0x1  }
0x41: {  	[sflag:s31] =	ssyncpa.u1 $0x1  }
0x42: {  	p0 =	sne.s32 s1, $0x0;
	_ =	strace $0x9000004A  }
0x43: {  	s0 =	sadd.s32 @!p0 $0x100000, s0;
	[bflag:$0x2] =	sbarrier.arrive $0xFFFF  }
0x44: {  	[sflag:s0] =	ssyncadd.tile.s32 @!p0 $0x1;
	_ =	shalt  }
.Lfunc_end2:
_tile_overlayer_lowered:
.L_overlay_start_2:
0x45: {  	(tag) =	ssettag $0x2  }
0x46: {  	s0 =	rddreg [dreg:$0x0];
	s2 =	stileid.u32  }
0x47: {  	s1 =	rddreg [dreg:$0x1];
	p0 =	sne.s32 s2, $0x0  }
0x48: {  	s3 =	rddreg [dreg:$0x2];
	[bflag:$0x3] =	sbarrier.arrive $0xFFFF;
	s2 =	simm.s32 @!p0 $0x1C01  }
0x49: {  	[timem:s3], [sflag:s2] =	dma.local @!p0 [hbm:s0], s1  }
0x4a: {  	s0 =	simm.s32 @!p0 $0x1  }
0x4b: {  	_ =	swait.ge @!p0 [sflag:s0], s1  }
0x4c: {  	s1 =	ssub.s32 @!p0 $0x0, s1;
	[sflag:s0] =	ssyncset.done @!p0 $0x0  }
0x4d: {  	[sflag:s0] =	ssyncadd.s32 @!p0 s1  }
0x4e: {  	[bflag:$0x3] =	sbarrier.arrive $0xFFFF  }
0x4f: {  	_ =	shalt  }

// kernel: gather_offload_async_start
scs
__scs_entry_jumppad:
0x0: {  	(pc) =	sbr.rel $0x88, $3  }
0x1: {  	(tag) =	ssettag $0x0;
	lr =	simm.s32 $0x1  }
0x2: {  	[smem:$0x3F9E] =	sst lr;
	_ =	strace $0xD0000000  }
0x3: {  	_ = 	snop  }
0x4: {  	_ = 	snop  }
0x5: {  	_ = 	snop  }
0x6: {  	_ = 	snop  }
0x7: {  	_ = 	snop  }
__scs_overlays_trampoline_lowered:
0x8: {  	[smem:$0x3FAD] =	sst s0  }
0x9: {  	[smem:$0x3FAE] =	sst s1  }
0xa: {  	[smem:$0x3FAF] =	sst s2  }
0xb: {  	[smem:$0x3FB0] =	sst s3  }
0xc: {  	[smem:$0x3FB1] =	sst s4  }
0xd: {  	[smem:$0x3FB2] =	sst s5  }
0xe: {  	[smem:$0x3FB3] =	sst s6  }
0xf: {  	[smem:$0x3FB4] =	sst s7  }
0x10: {  	[smem:$0x3FB5] =	sst s8  }
0x11: {  	[smem:$0x3FB6] =	sst s9;
	s0 =	simm.s32 @!p0 $0x0  }
0x12: {  	s1 =	sld [smem:$0x3F9C];
	s0 =	simm.s32 @p0 $0x1  }
0x13: {  	[smem:$0x3FB7] =	sst s0;
	s0 =	simm.s32 @!p1 $0x0  }
0x14: {  	s2 =	sld [smem:$0x3F9B];
	s0 =	simm.s32 @p1 $0x1  }
0x15: {  	[smem:$0x3FB8] =	sst s0;
	s0 =	simm.s32 @!p2 $0x0  }
0x16: {  	s3 =	sld [smem:$0x3FDB];
	s0 =	simm.s32 @p2 $0x1  }
0x17: {  	s4 =	simm.s32 $0x1BF5;
	[smem:$0x3FBA] =	sst s0  }
0x18: {  	s0 =	sld [smem:$0x3F9D];
	_ =	swait.ge [sflag:s4], $0x0  }
0x19: {  	s7 =	sld [smem:$0x3F9E]  }
0x1a: {  	s8 =	sadd.s32 $0xFFFFE003, lr  }
0x1b: {  	s9 =	sadd.s32 $0xFFFFFEF7, lr;
	s5 =	simm.s32 $0xFFFFFFFF;
	p2 =	slt.u32 s8, $0xFFFFF086  }
0x1c: {  	p1 =	slt.u32 s9, $0xF7A;
	s5 =	simm.s32 @!p2 $0x0  }
0x1d: {  	s5 =	simm.s32 @p1 $0x1;
	p0 =	seq.s32 s7, s2  }
0x1e: {  	s7 =	smul.u32 @!p0 $0xF7A, s2;
	p2 =	seq.s32 @!p0 s5, $0x0  }
0x1f: {  	s9 =	smul.u32 $0xF7A, s1;
	s8 =	simm.s32 @!p0 $0x1BF5;
	p2 =	por !p2, p0  }
0x20: {  	[sflag:s8] =	ssyncset.s32 @!p0 $0xFFFFF086;
	s6 =	sadd.s32 @!p0 s3, s7;
	s7 =	simm.s32 @!p0 $0x108  }
0x21: {  	s3 =	sadd.s32 s3, s9;
	s6 =	sadd.s32 @!p0 $0x88, s6;
	s7 =	simm.s32 @p2 $0x1082  }
0x22: {  	[simem:s7], [sflag:s8] =	dma.local @!p0 [hbm:s6], $0xF7A  }
0x23: {  	s9 =	sor.u32 $0xD0000000, s2;
	s6 =	simm.s32 $0x108;
	_ =	swait.ge @!p0 [sflag:s8], $0x0  }
0x24: {  	s3 =	sadd.s32 $0x88, s3;
	s6 =	simm.s32 @!p1 $0x1082;
	[sflag:s4] =	ssyncset.s32 $0xFFFFF086  }
0x25: {  	[simem:s6], [sflag:s4] =	dma.local [hbm:s3], $0xF7A  }
0x26: {  	[smem:$0x3F9E] =	sst s1;
	(tag) =	ssettag s2;
	_ =	strace s9  }
0x27: {  	s1 =	sld [smem:$0x3FAE]  }
0x28: {  	s2 =	sld [smem:$0x3FAF]  }
0x29: {  	s4 =	sld [smem:$0x3FB1]  }
0x2a: {  	p0 =	seq.s32 s5, $0x0;
	s5 =	sld [smem:$0x3FB2]  }
0x2b: {  	s6 =	sld [smem:$0x3FB3]  }
0x2c: {  	s7 =	sld [smem:$0x3FB4]  }
0x2d: {  	s3 =	simm.s32 $0x108;
	s8 =	sld [smem:$0x3FB5]  }
0x2e: {  	s3 =	simm.s32 @!p0 $0x1082;
	s9 =	sld [smem:$0x3FB6]  }
0x2f: {  	lr =	sadd.s32 s0, s3;
	s0 =	sld [smem:$0x3FAD]  }
0x30: {  	s3 =	sld [smem:$0x3FB0]  }
0x31: {  	[smem:$0x3FB9] =	sst s10  }
0x32: {  	s10 =	sld [smem:$0x3FB7];
	_ =	sdelay $0x3  }
0x33: {  	p0 =	seq.s32 s10, $0x1;
	s10 =	sld [smem:$0x3FB9];
	_ =	sdelay $0x3  }
0x34: {  	[smem:$0x3FB9] =	sst s10  }
0x35: {  	s10 =	sld [smem:$0x3FB8];
	_ =	sdelay $0x3  }
0x36: {  	p1 =	seq.s32 s10, $0x1;
	s10 =	sld [smem:$0x3FB9];
	_ =	sdelay $0x3  }
0x37: {  	[smem:$0x3FB9] =	sst s10  }
0x38: {  	s10 =	sld [smem:$0x3FBA]  }
0x39: {  	_ = 	snop;
	(pc) =	sbr.ind lr, $3  }
0x3a: {  	_ = 	snop  }
0x3b: {  	_ = 	snop  }
0x3c: {  	p2 =	seq.s32 s10, $0x1;
	s10 =	sld [smem:$0x3FB9]  }
0x3d: {  	_ =	shalt  }
0x3e: {  	_ =	shalt  }
0x3f: {  	_ =	shalt  }
0x40: {  	_ =	shalt  }
0x41: {  	_ =	shalt  }
0x42: {  	_ =	shalt  }
0x43: {  	_ =	shalt  }
0x44: {  	_ =	shalt  }
0x45: {  	_ =	shalt  }
0x46: {  	_ =	shalt  }
0x47: {  	_ =	shalt  }
0x48: {  	_ =	shalt  }
0x49: {  	_ =	shalt  }
0x4a: {  	_ =	shalt  }
0x4b: {  	_ =	shalt  }
0x4c: {  	_ =	shalt  }
0x4d: {  	_ =	shalt  }
0x4e: {  	_ =	shalt  }
0x4f: {  	_ =	shalt  }
0x50: {  	_ =	shalt  }
0x51: {  	_ =	shalt  }
0x52: {  	_ =	shalt  }
0x53: {  	_ =	shalt  }
0x54: {  	_ =	shalt  }
0x55: {  	_ =	shalt  }
0x56: {  	_ =	shalt  }
0x57: {  	_ =	shalt  }
0x58: {  	_ =	shalt  }
0x59: {  	_ =	shalt  }
0x5a: {  	_ =	shalt  }
0x5b: {  	_ =	shalt  }
0x5c: {  	_ =	shalt  }
0x5d: {  	_ =	shalt  }
0x5e: {  	_ =	shalt  }
0x5f: {  	_ =	shalt  }
0x60: {  	_ =	shalt  }
0x61: {  	_ =	shalt  }
0x62: {  	_ =	shalt  }
0x63: {  	_ =	shalt  }
0x64: {  	_ =	shalt  }
0x65: {  	_ =	shalt  }
0x66: {  	_ =	shalt  }
0x67: {  	_ =	shalt  }
0x68: {  	_ =	shalt  }
0x69: {  	_ =	shalt  }
0x6a: {  	_ =	shalt  }
0x6b: {  	_ =	shalt  }
0x6c: {  	_ =	shalt  }
0x6d: {  	_ =	shalt  }
0x6e: {  	_ =	shalt  }
0x6f: {  	_ =	shalt  }
0x70: {  	_ =	shalt  }
0x71: {  	_ =	shalt  }
0x72: {  	_ =	shalt  }
0x73: {  	_ =	shalt  }
0x74: {  	_ =	shalt  }
0x75: {  	_ =	shalt  }
0x76: {  	_ =	shalt  }
0x77: {  	_ =	shalt  }
0x78: {  	_ =	shalt  }
0x79: {  	_ =	shalt  }
0x7a: {  	_ =	shalt  }
0x7b: {  	_ =	shalt  }
0x7c: {  	_ =	shalt  }
0x7d: {  	_ =	shalt  }
0x7e: {  	_ =	shalt  }
0x7f: {  	_ =	shalt  }
0x80: {  	_ =	shalt  }
0x81: {  	_ =	shalt  }
0x82: {  	_ =	shalt  }
0x83: {  	_ =	shalt  }
0x84: {  	_ =	shalt  }
0x85: {  	_ =	shalt  }
0x86: {  	_ =	shalt  }
0x87: {  	_ =	shalt  }
.Lfunc_end0:
.L_simem_size_0:
called_computation_lowered:
.L_overlay_start_0:
0x88: {  	s0 =	sld [smem:$0x3FD9]  }
0x89: {  	s1 =	sld [smem:$0x3FFE];
	_ =	sdelay $0x3  }
0x8a: {  	s0 =	sadd.s32 s1, s0  }
0x8b: {  	[smem:$0x3FC5] =	sst s0  }
0x8c: {  	_ = 	snop  }
0x8d: {  	s0 =	sld [smem:$0x3FD0];
	(tm) =	ssettm $0x1  }
0x8e: {  	s16 =	sld [smem:$0x3FFB];
	_ =	sdelay $0x3  }
0x8f: {  	_ =	strace s16  }
0x90: {  	s1 =	sld [smem:$0x3FFC];
	_ =	sdelay $0x3  }
0x91: {  	_ =	strace s1  }
0x92: {  	s1 =	sld [smem:$0x3FFD];
	_ =	sdelay $0x3  }
0x93: {  	_ =	strace s1  }
0x94: {  	_ =	strace $0x8FFFFFFF  }
0x95: {  	s17 =	sld [smem:$0x3FDB];
	_ =	sdelay $0x1  }
0x96: {  	s2 =	simm.s32 $_scs_section_size  }
0x97: {  	s3 =	simm.s32 $_size__tile_overlayer_lowered;
	s4 =	simm.s32 $_tile_overlayer_lowered  }
0x98: {  	s20 =	simm.s32 $0x1BFF;
	s19 =	sshll.u32 s4, $0x1;
	s1 =	sadd.s32 s2, s17  }
0x99: {  	s5 =	simm.s32 $0x0;
	s18 =	sshll.u32 s3, $0x1;
	s3 =	sadd.s32 s19, s1  }
0x9a: {  	[timem:s5], [sflag:s20] =	dma.local [hbm:s3], s18  }
0x9b: {  	_ =	swait.ge [sflag:s20], s18  }
0x9c: {  	s2 =	ssub.s32 $0x0, s18;
	[sflag:s20] =	ssyncset.done $0x0  }
0x9d: {  	[sflag:s20] =	ssyncadd.s32 s2;
	_ =	sdelay $0x1  }
0x9e: {  	s21 =	simm.s32 $0x1B8B  }
0x9f: {  	_ =	swait.ge [sflag:s21], $0x1  }
0xa0: {  	[sflag:s21] =	ssyncset.done $0x0  }
0xa1: {  	s23 =	simm.s32 $0x1B8E;
	s22 =	sld [smem:$0x3FFE];
	[sflag:s21] =	ssyncadd.s32 $0xFFFFFFFF  }
0xa2: {  	s24 =	simm.s32 $execute0_lowered;
	[smem:$0x3FD2] =	sst s23  }
0xa3: {  	s3 =	sshll.u32 s24, $0x1;
	_ =	strace $0x8000004C;
	[dreg:$0x1] =	wrdreg $0xFFFFFFFF  }
0xa4: {  	s25 =	simm.s32 $_size_execute0_lowered;
	s1 =	sadd.s32 s1, s3;
	[dreg:$0x0] =	wrdreg $0x0  }
0xa5: {  	s3 =	sshll.u32 s25, $0x1;
	[dreg:$0x2] =	wrdreg s1  }
0xa6: {  	[dreg:$0x3] =	wrdreg s3  }
0xa7: {  	[dreg:$0x4] =	wrdreg $0xC0  }
0xa8: {  	_ =	task [dreg:s5], $0x5FFFF  }
0xa9: {  	[dreg:$0x1] =	wrdreg $0xFFFFFFFF  }
0xaa: {  	[dreg:$0x0] =	wrdreg $0x60  }
0xab: {  	[dreg:$0x2] =	wrdreg s22  }
0xac: {  	[dreg:$0x3] =	wrdreg s0  }
0xad: {  	[dreg:$0x4] =	wrdreg $0x9  }
0xae: {  	_ =	task.clear_ibuf [dreg:s5], $0x5FFFF;
	_ =	strace $0x9000004C  }
0xaf: {  	s26 =	simm.s32 $0x9;
	_ =	strace $0x8000004E  }
0xb0: {  	_ =	swait.ge [sflag:s26], $0x1  }
0xb1: {  	[sflag:s26] =	ssyncadd.s32 $0xFFFFFFFF  }
0xb2: {  	_ =	strace $0x9000004E  }
0xb3: {  	_ =	sfence  }
0xb4: {  	s28 =	sld [smem:$0x0];
	_ =	sdelay $0x1  }
0xb5: {  	s29 =	srdreg.scid  }
0xb6: {  	s30 =	sshll.u32 s29, $0xD;
	s31 =	sshrl.u32 s29, $0x2  }
0xb7: {  	s2 =	sand.u32 $0x4000, s30;
	s1 =	sand.u32 $0x1, s29;
	s0 =	sadd.s32 s31, s28  }
0xb8: {  	s1 =	sor.u32 s2, s1;
	s0 =	sshll.u32 s0, $0x11  }
0xb9: {  	s0 =	sor.u32 s0, s1  }
0xba: {  	s0 =	sadd.s32 $0x8F2B, s0  }
0xbb: {  	[sflag:s0] =	ssyncadd.remote.s32 $0x1  }
0xbc: {  	_ =	sfence.sel $0xFFFF  }
0xbd: {  	[dreg:$0x0] =	wrdreg $0xFFFFFFFF;
	(pc) =	sbr.abs _section_cstart, $3  }
0xbe: {  	[dreg:$0x1] =	wrdreg $0xFFFFFFFF  }
0xbf: {  	_ =	task.clear_ibuf [dreg:s5], $0x2FFFF;
	_ =	strace $0x9FFFFFFF  }
0xc0: {  	(tm) =	ssettm $0x7FFFFFFF  }
0xc1: {  	_ =	shalt  }
tec
execute0_lowered:
.L_overlay_start_1:
0x0: {  	(tag) =	ssettag $0x1  }
0x1: {  	s8 =	rddreg [dreg:$0x0]  }
0x2: {  	s2 =	rddreg [dreg:$0x1]  }
0x3: {  	s0 =	rddreg [dreg:$0x2]  }
0x4: {  	s1 =	stileid.u32;
	_ =	strace $0x8000004D;
	s5 =	simm.s32 $0x1  }
0x5: {  	s6 =	simm.s32 $0x500;
	s9 =	simm.s32 $0x1;
	s10 =	simm.s32 $0x3  }
0x6: {  	s13 =	simm.s32 $0x0;
	s12 =	simm.s32 $0x0;
	s4 =	smul.u32 $0x50, s1  }
0x7: {  	s3 =	sadd.s32 $0x1C00, s8;
	p0 =	slt.u32 s1, $0xA;
	[sflag:s5] =	ssyncpa.u1 $0x0  }
.Ltmp0:
0x8: {  	s6 =	simm.s32 @!p0 $0x0;
	s7 =	ssub.s32 $0x7D0, s4;
	(pc) =	sbr.rel .LBB2_1-.Ltmp0, $4  }
0x9: {  	s9 =	simm.s32 @!p0 $0x0;
	p0 =	sne.s32 s7, s6;
	s7 =	simm.s32 $0x1  }
0xa: {  	s8 =	sadd.s32 $0x800, s8;
	s6 =	simm.s32 $0x2;
	s7 =	simm.s32 @!p0 $0x0  }
0xb: {  	s11 =	smov.u32 s4;
	[sflag:s6] =	ssyncpa.u1 $0x0;
	s7 =	sadd.s32 s9, s7  }
0xc: {  	vm0 =	vmmov $0xffff;
	[sflag:s10] =	ssyncpa.u1 $0x0;
	s10 =	simm.s32 $0x0;
	s9 =	sadd.s32 $0x1, s7  }
.LBB2_4:
0xd: {  	v2 =	vnsel vm1, $0x0, v2  }
0xe: {  	vm1 =	vgt.s32 v0, $0x0;
	v2 =	vmin.u32 v2, $0x4FFF  }
0xf: {  	v0 =	vnsel vm1, $0x0, v0  }
0x10: {  	v0 =	vmin.u32 v0, $0x4FFF  }
0x11: {  	[tilespmem:s18], [sflag:$0x1] =	stream.indirect_vreg.gather [hbm4b:s3+s10], $0x1, v1, vm0, $0x4038;
	[tilespmem:$0x140] =	vst v63  }
0x12: {  	(ifvalue) =	ssetifvalue $0x7FFFFFFF  }
0x13: {  	[tilespmem:s15], [sflag:$0x1] =	stream.indirect_vreg.gather [hbm4b:s3+s10], $0x1, v2, vm0, $0x4038;
	[tilespmem:$0x140] =	vst v63  }
0x14: {  	s29 =	sadd.s32 $0x10, s15;
	(ifvalue) =	ssetifvalue $0x7FFFFFFF  }
0x15: {  	[tilespmem:s29], [sflag:$0x1] =	stream.indirect_vreg.gather [hbm4b:s3+s10], $0x1, v0, vm0, $0x4038;
	[tilespmem:$0x140] =	vst v63  }
0x16: {  	_ =	swait.ge [sflag:s5], $0x50  }
0x17: {  	s30 =	sshrl.u32 s13, $0x3;
	[sflag:s5] =	ssyncset.done $0x0  }
0x18: {  	s31 =	sand.u32 $0x7, s13;
	s15 =	sadd.s32 s8, s30;
	[sflag:s5] =	ssyncadd.s32 $0xFFFFFFB0  }
0x19: {  	[hbm4b:s15+s31] =	stream.linear.scatter [tilespmem:s14], [sflag:$0x3], $0x50, $0x38;
	[tilespmem:$0x140] =	vst v63  }
.LBB2_5:
0x1a: {  	s15 =	sadd.s32 $0x500, s11  }
0x1b: {  	p1 =	sgt.s32 s15, $0x7CF  }
0x1c: {  	s15 =	smov.u32 @p1 s4;
	p1 =	sne.s32 s12, s9  }
.Ltmp1:
0x1d: {  	p0 =	slt.u32 s12, $0x2;
	(pc) =	sbr.rel @!p1 .LBB2_6-.Ltmp1, $4  }
0x1e: {  	s14 =	simm.s32 @!p0 $0x3  }
0x1f: {  	_ =	swait.ge @!p0 [sflag:s14], $0x50  }
0x20: {  	s16 =	sadd.s32 $0x1, s12;
	s13 =	smov.u32 s11;
	[sflag:s14] =	ssyncset.done @!p0 $0x0  }
0x21: {  	s12 =	smov.u32 s16;
	s11 =	smov.u32 s15;
	[sflag:s14] =	ssyncadd.s32 @!p0 $0xFFFFFFB0  }
.LBB2_1:
0x22: {  	p0 =	sge.u32 s12, s7  }
0x23: {  	s14 =	sxor.u32 @!p0 $0x1, s12  }
0x24: {  	s14 =	smul.u32 @!p0 $0x140, s14  }
0x25: {  	s31 =	sadd.s32 $0xFFFFFFFF, s12;
	s15 =	sshrl.u32 @!p0 s11, $0x3  }
0x26: {  	s16 =	sand.u32 @!p0 $0x7, s11;
	s15 =	sadd.s32 @!p0 s2, s15;
	s14 =	sshra.s32 @!p0 s14, $0x2  }
0x27: {  	[tilespmem:s14], [sflag:$0x2] =	stream.linear.gather @!p0 [hbm4b:s15+s16], $0x50, $0x38;
	[tilespmem:$0x140] =	vst v63  }
0x28: {  	p0 =	sge.u32 s31, s7  }
.Ltmp2:
0x29: {  	_ = 	snop;
	(pc) =	sbr.rel @p0 .LBB2_5-.Ltmp2, $1  }
0x2a: {  	_ =	sdelay $0x3  }
0x2b: {  	s14 =	sand.u32 $0x1, s12  }
0x2c: {  	_ =	swait.ge [sflag:s6], $0x50;
	p0 =	seq.s32 s14, $0x1;
	s14 =	simm.s32 $0x50  }
0x2d: {  	[sflag:s6] =	ssyncset.done $0x0;
	s14 =	simm.s32 @!p0 $0x0  }
0x2e: {  	[sflag:s6] =	ssyncadd.s32 $0xFFFFFFB0;
	(ifvalue) =	ssetifvalue $0x7FFFFFFF;
	v0 =	vld.msk [tilespmem:s14+$0x0 ss:$0x1], $0xffff;
	_ =	sdelay $0x4  }
0x2f: {  	s15 =	sadd.s32 $0x10, s14;
	vm1 =	vgt.s32 v0, $0x0  }
0x30: {  	v2 =	vld.msk [tilespmem:s15+$0x0 ss:$0x1], $0xffff;
	v1 =	vnsel vm1, $0x0, v0  }
0x31: {  	v1 =	vmin.u32 v1, $0x4FFF;
	_ =	sdelay $0x2  }
0x32: {  	s17 =	simm.s32 $0x20;
	s14 =	sor.u32 $0xA0, s14;
	s16 =	sadd.s32 $0x10, s15  }
0x33: {  	s15 =	sadd.s32 $0x10, s14;
	s18 =	smov.u32 s14;
	v0 =	vld.msk [tilespmem:s16+$0x0 ss:$0x1], $0xffff;
	vm1 =	vgt.s32 v2, $0x0;
	(ifvalue) =	ssetifvalue $0x7FFFFFFF  }
.LBB2_3:
0x34: {  	[tilespmem:s18], [sflag:$0x1] =	stream.indirect_vreg.gather [hbm4b:s3+s10], $0x1, v1, vm0, $0x4038;
	[tilespmem:$0x140] =	vst v63  }
0x35: {  	s17 =	sadd.s32 $0x10, s17  }
0x36: {  	v2 =	vnsel vm1, $0x0, v2;
	p0 =	slt.u32 s17, $0x40  }
.Ltmp3:
0x37: {  	s18 =	smov.u32 s15;
	v1 =	vmin.u32 v2, $0x4FFF;
	(pc) =	sbr.rel @p0 .LBB2_3-.Ltmp3, $3  }
0x38: {  	_ =	sdelay $0x1  }
0x39: {  	s16 =	sadd.s32 $0x10, s16  }
0x3a: {  	vm1 =	vgt.s32 v0, $0x0;
	s15 =	sadd.s32 $0x10, s15;
	v2 =	vmov v0;
	(ifvalue) =	ssetifvalue $0x7FFFFFFF;
	v0 =	vld.msk [tilespmem:s16+$0x0 ss:$0x1], $0xffff  }
.Ltmp4:
0x3b: {  	_ = 	snop;
	(pc) =	sbr.rel .LBB2_4-.Ltmp4, $1  }
0x3c: {  	_ =	sdelay $0x3  }
.LBB2_6:
0x3d: {  	_ =	sfence.sel $0x180000  }
0x3e: {  	s2 =	simm.s32 $0x2;
	[bflag:$0x0] =	sbarrier.arrive $0xFFFF  }
0x3f: {  	s30 =	simm.s32 $0x3;
	[sflag:s2] =	ssyncpa.u1 $0x1  }
0x40: {  	s31 =	simm.s32 $0x1;
	[sflag:s30] =	ssyncpa.u1 $0x1  }
0x41: {  	[sflag:s31] =	ssyncpa.u1 $0x1  }
0x42: {  	p0 =	sne.s32 s1, $0x0;
	_ =	strace $0x9000004D  }
0x43: {  	s0 =	sadd.s32 @!p0 $0x100000, s0;
	[bflag:$0x2] =	sbarrier.arrive $0xFFFF  }
0x44: {  	[sflag:s0] =	ssyncadd.tile.s32 @!p0 $0x1;
	_ =	shalt  }
.Lfunc_end2:
_tile_overlayer_lowered:
.L_overlay_start_2:
0x45: {  	(tag) =	ssettag $0x2  }
0x46: {  	s0 =	rddreg [dreg:$0x0];
	s2 =	stileid.u32  }
0x47: {  	s1 =	rddreg [dreg:$0x1];
	p0 =	sne.s32 s2, $0x0  }
0x48: {  	s3 =	rddreg [dreg:$0x2];
	[bflag:$0x3] =	sbarrier.arrive $0xFFFF;
	s2 =	simm.s32 @!p0 $0x1C01  }
0x49: {  	[timem:s3], [sflag:s2] =	dma.local @!p0 [hbm:s0], s1  }
0x4a: {  	s0 =	simm.s32 @!p0 $0x1  }
0x4b: {  	_ =	swait.ge @!p0 [sflag:s0], s1  }
0x4c: {  	s1 =	ssub.s32 @!p0 $0x0, s1;
	[sflag:s0] =	ssyncset.done @!p0 $0x0  }
0x4d: {  	[sflag:s0] =	ssyncadd.s32 @!p0 s1  }
0x4e: {  	[bflag:$0x3] =	sbarrier.arrive $0xFFFF  }
0x4f: {  	_ =	shalt  }

</sc_bundles>
